<compile_context>
chip_gen: v7x
topology: tpu7x:2x2x1
jax: 0.10.2.dev20260603
libtpu: 0.0.44.dev20260713+nightly
codegen_flags: <defaults>
</compile_context>

<pallas_src>
import functools

import jax
import jax.numpy as jnp
from jax import lax
from jax.experimental import pallas as pl
from jax.experimental.pallas import tpu as pltpu
from jax.experimental.pallas import tpu_sc as plsc

NC = 2
NS = 16
LANES = 16

CH = 128


def _build_sc_gather(bz, V, C, J):
  nch = J // CH
  mesh = plsc.VectorSubcoreMesh(
      core_axis_name="c", subcore_axis_name="s", num_cores=NC, num_subcores=NS)

  @functools.partial(
      pl.kernel,
      mesh=mesh,
      compiler_params=pltpu.CompilerParams(needs_layout_passes=False),
      out_type=jax.ShapeDtypeStruct((bz, C, J), jnp.float32),
      scratch_types=[
          pltpu.VMEM((nch, CH), jnp.int32),
          pltpu.VMEM((CH, C), jnp.float32),
          pltpu.VMEM((CH, C), jnp.float32),
          pltpu.VMEM((CH, C), jnp.float32),
          pltpu.VMEM((CH, C), jnp.float32),
          pltpu.VMEM((C, CH), jnp.float32),
          pltpu.VMEM((C, CH), jnp.float32),
          pltpu.SemaphoreType.DMA,
          pltpu.SemaphoreType.DMA,
          pltpu.SemaphoreType.DMA,
          pltpu.SemaphoreType.DMA,
          pltpu.SemaphoreType.DMA,
          pltpu.SemaphoreType.DMA,
      ],
  )
  def sc_gather(kg_hbm, idx_hbm, out_hbm, idx_v, rows0, rows1, rows2, rows3,
                tbuf0, tbuf1, semg0, semg1, semg2, semg3, semo0, semo1):
    rows = (rows0, rows1, rows2, rows3)
    tbuf = (tbuf0, tbuf1)
    semg = (semg0, semg1, semg2, semg3)
    semo = (semo0, semo1)

    b = lax.axis_index("s") * NC + lax.axis_index("c")
    pltpu.sync_copy(idx_hbm.at[b], idx_v)

    iota = lax.iota(jnp.int32, LANES)
    rots = [(iota + s) % LANES for s in range(LANES)]

    NR = len(rows)

    def gather_desc(ci, k):
      return pltpu.make_async_copy(kg_hbm.at[idx_v.at[ci]], rows[k], semg[k])

    def out_desc(ci, k):
      return pltpu.make_async_copy(
          tbuf[k], out_hbm.at[b, :, pl.ds(ci * CH, CH)], semo[k])

    for k in range(NR):
      gather_desc(k, k).start()

    def outer(t, carry):
      for k in range(NR):
        ci = NR * t + k
        ko = k % 2
        gather_desc(ci, k).wait()

        if k < 2:
          @pl.when(t > 0)
          def _():
            out_desc(ci - 2, ko).wait()
        else:
          out_desc(ci - 2, ko).wait()

        @plsc.parallel_loop(0, (CH // LANES) * (C // LANES), unroll=4)
        def blk_body(bi):
          j0 = (bi >> 3) << 4
          c0 = (bi & 7) << 4
          jvec = j0 + iota
          for s in range(LANES):
            cvec = c0 + rots[s]
            v = plsc.load_gather(rows[k], [jvec, cvec])
            plsc.store_scatter(tbuf[ko], [cvec, jvec], v)

        out_desc(ci, ko).start()

        @pl.when(ci + NR < nch)
        def _():
          gather_desc(ci + NR, k).start()
      return carry

    lax.fori_loop(0, nch // NR, outer, 0)

    out_desc(nch - 2, (nch - 2) % 2).wait()
    out_desc(nch - 1, (nch - 1) % 2).wait()

  return sc_gather


def kernel(kg_node_feats, obs):
  bz, V, C = kg_node_feats.shape
  _, H, W = obs.shape
  J = H * W

  kg_flat = kg_node_feats.reshape(bz * V, C)
  idx = (obs.reshape(bz, J).astype(jnp.int32)
         + jnp.arange(bz, dtype=jnp.int32)[:, None] * V)
  idx = idx.reshape(bz, J // CH, CH)

  out = _build_sc_gather(bz, V, C, J)(kg_flat, idx)
  return out.reshape(bz, C, H, W)

# --- scband reference (transcript-rebuilt; emitter-appended) ---
"""Pipeline reference for scband-kginto-sgpool-61873298866651 (READ-ONLY COPY).

The authoritative reference and input builder live on the scoring server;
editing this copy changes nothing except your own understanding.
"""

import jax, jax.numpy as jnp
import numpy as np

def setup_inputs(seed: int = 0) -> dict:
    key = jax.random.key(seed)
    k1, k2 = jax.random.split(key)
    kg_node_feats = jax.random.normal(k1, (32, 10000, 128), dtype=jnp.float32)
    obs = jax.random.randint(k2, (32, 64, 64), 0, 10000, dtype=jnp.int64)
    return {"kg_node_feats": kg_node_feats, "obs": obs}

def reference(kg_node_feats, obs):
    bz, height, width = obs.shape
    channels = kg_node_feats.shape[2]
    # permute to [bz, channels, num_nodes]
    kg = jnp.transpose(kg_node_feats, (0, 2, 1))
    # gather along node axis: index [bz, 1, H*W] broadcast over channels
    idx = obs.reshape(bz, 1, height * width)
    idx = jnp.broadcast_to(idx, (bz, channels, height * width))
    sg = jnp.take_along_axis(kg, idx, axis=2)
    sg_node_feats = sg.reshape(bz, channels, height, width)
    return sg_node_feats

if __name__ == "__main__":
    import jax
    _d = setup_inputs()
    print(jax.jit(kernel)(*tuple(_d.values())))

</pallas_src>

<mosaic_0001>
#map = affine_map<(d0, d1) -> (0, 0)>
#map1 = affine_map<(d0, d1) -> (0, 0, 0)>
module attributes {stable_mosaic.version = 14 : i64} {
  func.func @sc_gather(%arg0: i32, %arg1: i32, %arg2: memref<320000x128xf32, #tpu.memory_space<hbm>>, %arg3: memref<32x32x128xi32, #tpu.memory_space<hbm>>, %arg4: memref<32x128x4096xf32, #tpu.memory_space<hbm>>, %arg5: memref<32x128xi32, #tpu.memory_space<vmem>>, %arg6: memref<128x128xf32, #tpu.memory_space<vmem>>, %arg7: memref<128x128xf32, #tpu.memory_space<vmem>>, %arg8: memref<128x128xf32, #tpu.memory_space<vmem>>, %arg9: memref<128x128xf32, #tpu.memory_space<vmem>>, %arg10: memref<128x128xf32, #tpu.memory_space<vmem>>, %arg11: memref<128x128xf32, #tpu.memory_space<vmem>>, %arg12: memref<!tpu.dma_semaphore, #tpu.memory_space<semaphore_mem>>, %arg13: memref<!tpu.dma_semaphore, #tpu.memory_space<semaphore_mem>>, %arg14: memref<!tpu.dma_semaphore, #tpu.memory_space<semaphore_mem>>, %arg15: memref<!tpu.dma_semaphore, #tpu.memory_space<semaphore_mem>>, %arg16: memref<!tpu.dma_semaphore, #tpu.memory_space<semaphore_mem>>, %arg17: memref<!tpu.dma_semaphore, #tpu.memory_space<semaphore_mem>>) attributes {dimension_semantics = [#tpu.dimension_semantics<core_parallel>, #tpu.dimension_semantics<subcore_parallel>], iteration_bounds = array<i64: 2, 16>, scalar_prefetch = 0 : i64, scratch_operands = 13 : i64, tpu.core_type = #tpu.core_type<sc_vector_subcore>, window_params = [{transform_indices = #map}, {transform_indices = #map1}, {transform_indices = #map1}]} {
    %mul3A = arith.constant 2 : i32
    %mul3A_0 = arith.muli %arg1, %mul3A : i32
    %add3A = arith.addi %mul3A_0, %arg0 : i32
    "tpu.region"() ({
      %run_scoped3A = tpu.sem_alloc : memref<!tpu.dma_semaphore, #tpu.memory_space<semaphore_mem>>
      %dma_start3A_441 = arith.constant 0 : i32
      %dma_start3A_442 = arith.constant 0 : i32
      %dma_start3A_443 = tpu.memref_slice %arg3[%add3A, %dma_start3A_441, %dma_start3A_442] : memref<32x32x128xi32, #tpu.memory_space<hbm>> -> memref<1x32x128xi32, #tpu.memory_space<hbm>>
      %dma_start3A_444 = tpu.memref_squeeze %dma_start3A_443 : memref<1x32x128xi32, #tpu.memory_space<hbm>> -> memref<32x128xi32, #tpu.memory_space<hbm>>
      %dma_start3A_445 = arith.constant 0 : i32
      %dma_start3A_446 = arith.constant 0 : i32
      %dma_start3A_447 = tpu.memref_slice %arg3[%add3A, %dma_start3A_445, %dma_start3A_446] : memref<32x32x128xi32, #tpu.memory_space<hbm>> -> memref<1x32x128xi32, #tpu.memory_space<hbm>>
      %dma_start3A_448 = tpu.memref_squeeze %dma_start3A_447 : memref<1x32x128xi32, #tpu.memory_space<hbm>> -> memref<32x128xi32, #tpu.memory_space<hbm>>
      tpu.enqueue_dma source(%dma_start3A_448 : memref<32x128xi32, #tpu.memory_space<hbm>>) target(%arg5 : memref<32x128xi32, #tpu.memory_space<vmem>>) target_semaphore(%run_scoped3A : memref<!tpu.dma_semaphore, #tpu.memory_space<semaphore_mem>>)
      %dma_wait3A_449 = arith.constant 0 : i32
      %dma_wait3A_450 = arith.constant 0 : i32
      %dma_wait3A_451 = tpu.memref_slice %arg3[%add3A, %dma_wait3A_449, %dma_wait3A_450] : memref<32x32x128xi32, #tpu.memory_space<hbm>> -> memref<1x32x128xi32, #tpu.memory_space<hbm>>
      %dma_wait3A_452 = tpu.memref_squeeze %dma_wait3A_451 : memref<1x32x128xi32, #tpu.memory_space<hbm>> -> memref<32x128xi32, #tpu.memory_space<hbm>>
      %dma_wait3A_453 = arith.constant 0 : i32
      %dma_wait3A_454 = arith.constant 0 : i32
      %dma_wait3A_455 = tpu.memref_slice %arg3[%add3A, %dma_wait3A_453, %dma_wait3A_454] : memref<32x32x128xi32, #tpu.memory_space<hbm>> -> memref<1x32x128xi32, #tpu.memory_space<hbm>>
      %dma_wait3A_456 = tpu.memref_squeeze %dma_wait3A_455 : memref<1x32x128xi32, #tpu.memory_space<hbm>> -> memref<32x128xi32, #tpu.memory_space<hbm>>
      tpu.wait_dma2 semaphore(%run_scoped3A : memref<!tpu.dma_semaphore, #tpu.memory_space<semaphore_mem>>) src(%dma_wait3A_456 : memref<32x128xi32, #tpu.memory_space<hbm>>) dst(%arg5 : memref<32x128xi32, #tpu.memory_space<vmem>>)
      tpu.yield
    }) : () -> ()
    %iota3A = tpu.iota {dimensions = array<i32: 0>} : vector<16xi32>
    %add3A_1 = arith.constant 0 : i32
    %add3A_2 = vector.broadcast %add3A_1 : i32 to vector<16xi32>
    %add3A_3 = arith.addi %iota3A, %add3A_2 : vector<16xi32>
    %jit3A = arith.constant 16 : i32
    %eq3A = arith.constant 0 : i32
    %eq3A_4 = arith.cmpi eq, %jit3A, %eq3A : i32
    %jit3A_5 = arith.constant 1 : i32
    %select_n3A = arith.select %eq3A_4, %jit3A_5, %jit3A : i32
    %rem3A = vector.broadcast %select_n3A : i32 to vector<16xi32>
    %rem3A_6 = arith.remsi %add3A_3, %rem3A : vector<16xi32>
    %ne3A = arith.constant 0 : i32
    %ne3A_7 = vector.broadcast %ne3A : i32 to vector<16xi32>
    %ne3A_8 = arith.cmpi ne, %rem3A_6, %ne3A_7 : vector<16xi32>
    %lt3A = arith.constant 0 : i32
    %lt3A_9 = vector.broadcast %lt3A : i32 to vector<16xi32>
    %lt3A_10 = arith.cmpi slt, %rem3A_6, %lt3A_9 : vector<16xi32>
    %lt3A_11 = arith.constant 0 : i32
    %lt3A_12 = arith.cmpi slt, %select_n3A, %lt3A_11 : i32
    %ne3A_13 = vector.broadcast %lt3A_12 : i1 to vector<16xi1>
    %ne3A_14 = vector.broadcast %ne3A_13 : vector<16xi1> to vector<16xi1>
    %ne3A_15 = arith.xori %lt3A_10, %ne3A_14 : vector<16xi1>
    %and3A = arith.andi %ne3A_15, %ne3A_8 : vector<16xi1>
    %add3A_16 = vector.broadcast %select_n3A : i32 to vector<16xi32>
    %add3A_17 = arith.addi %rem3A_6, %add3A_16 : vector<16xi32>
    %select_n3A_18 = arith.select %and3A, %add3A_17, %rem3A_6 : vector<16xi1>, vector<16xi32>
    %add3A_19 = arith.constant 1 : i32
    %add3A_20 = vector.broadcast %add3A_19 : i32 to vector<16xi32>
    %add3A_21 = arith.addi %iota3A, %add3A_20 : vector<16xi32>
    %jit3A_22 = arith.constant 16 : i32
    %eq3A_23 = arith.constant 0 : i32
    %eq3A_24 = arith.cmpi eq, %jit3A_22, %eq3A_23 : i32
    %jit3A_25 = arith.constant 1 : i32
    %select_n3A_26 = arith.select %eq3A_24, %jit3A_25, %jit3A_22 : i32
    %rem3A_27 = vector.broadcast %select_n3A_26 : i32 to vector<16xi32>
    %rem3A_28 = arith.remsi %add3A_21, %rem3A_27 : vector<16xi32>
    %ne3A_29 = arith.constant 0 : i32
    %ne3A_30 = vector.broadcast %ne3A_29 : i32 to vector<16xi32>
    %ne3A_31 = arith.cmpi ne, %rem3A_28, %ne3A_30 : vector<16xi32>
    %lt3A_32 = arith.constant 0 : i32
    %lt3A_33 = vector.broadcast %lt3A_32 : i32 to vector<16xi32>
    %lt3A_34 = arith.cmpi slt, %rem3A_28, %lt3A_33 : vector<16xi32>
    %lt3A_35 = arith.constant 0 : i32
    %lt3A_36 = arith.cmpi slt, %select_n3A_26, %lt3A_35 : i32
    %ne3A_37 = vector.broadcast %lt3A_36 : i1 to vector<16xi1>
    %ne3A_38 = vector.broadcast %ne3A_37 : vector<16xi1> to vector<16xi1>
    %ne3A_39 = arith.xori %lt3A_34, %ne3A_38 : vector<16xi1>
    %and3A_40 = arith.andi %ne3A_39, %ne3A_31 : vector<16xi1>
    %add3A_41 = vector.broadcast %select_n3A_26 : i32 to vector<16xi32>
    %add3A_42 = arith.addi %rem3A_28, %add3A_41 : vector<16xi32>
    %select_n3A_43 = arith.select %and3A_40, %add3A_42, %rem3A_28 : vector<16xi1>, vector<16xi32>
    %add3A_44 = arith.constant 2 : i32
    %add3A_45 = vector.broadcast %add3A_44 : i32 to vector<16xi32>
    %add3A_46 = arith.addi %iota3A, %add3A_45 : vector<16xi32>
    %jit3A_47 = arith.constant 16 : i32
    %eq3A_48 = arith.constant 0 : i32
    %eq3A_49 = arith.cmpi eq, %jit3A_47, %eq3A_48 : i32
    %jit3A_50 = arith.constant 1 : i32
    %select_n3A_51 = arith.select %eq3A_49, %jit3A_50, %jit3A_47 : i32
    %rem3A_52 = vector.broadcast %select_n3A_51 : i32 to vector<16xi32>
    %rem3A_53 = arith.remsi %add3A_46, %rem3A_52 : vector<16xi32>
    %ne3A_54 = arith.constant 0 : i32
    %ne3A_55 = vector.broadcast %ne3A_54 : i32 to vector<16xi32>
    %ne3A_56 = arith.cmpi ne, %rem3A_53, %ne3A_55 : vector<16xi32>
    %lt3A_57 = arith.constant 0 : i32
    %lt3A_58 = vector.broadcast %lt3A_57 : i32 to vector<16xi32>
    %lt3A_59 = arith.cmpi slt, %rem3A_53, %lt3A_58 : vector<16xi32>
    %lt3A_60 = arith.constant 0 : i32
    %lt3A_61 = arith.cmpi slt, %select_n3A_51, %lt3A_60 : i32
    %ne3A_62 = vector.broadcast %lt3A_61 : i1 to vector<16xi1>
    %ne3A_63 = vector.broadcast %ne3A_62 : vector<16xi1> to vector<16xi1>
    %ne3A_64 = arith.xori %lt3A_59, %ne3A_63 : vector<16xi1>
    %and3A_65 = arith.andi %ne3A_64, %ne3A_56 : vector<16xi1>
    %add3A_66 = vector.broadcast %select_n3A_51 : i32 to vector<16xi32>
    %add3A_67 = arith.addi %rem3A_53, %add3A_66 : vector<16xi32>
    %select_n3A_68 = arith.select %and3A_65, %add3A_67, %rem3A_53 : vector<16xi1>, vector<16xi32>
    %add3A_69 = arith.constant 3 : i32
    %add3A_70 = vector.broadcast %add3A_69 : i32 to vector<16xi32>
    %add3A_71 = arith.addi %iota3A, %add3A_70 : vector<16xi32>
    %jit3A_72 = arith.constant 16 : i32
    %eq3A_73 = arith.constant 0 : i32
    %eq3A_74 = arith.cmpi eq, %jit3A_72, %eq3A_73 : i32
    %jit3A_75 = arith.constant 1 : i32
    %select_n3A_76 = arith.select %eq3A_74, %jit3A_75, %jit3A_72 : i32
    %rem3A_77 = vector.broadcast %select_n3A_76 : i32 to vector<16xi32>
    %rem3A_78 = arith.remsi %add3A_71, %rem3A_77 : vector<16xi32>
    %ne3A_79 = arith.constant 0 : i32
    %ne3A_80 = vector.broadcast %ne3A_79 : i32 to vector<16xi32>
    %ne3A_81 = arith.cmpi ne, %rem3A_78, %ne3A_80 : vector<16xi32>
    %lt3A_82 = arith.constant 0 : i32
    %lt3A_83 = vector.broadcast %lt3A_82 : i32 to vector<16xi32>
    %lt3A_84 = arith.cmpi slt, %rem3A_78, %lt3A_83 : vector<16xi32>
    %lt3A_85 = arith.constant 0 : i32
    %lt3A_86 = arith.cmpi slt, %select_n3A_76, %lt3A_85 : i32
    %ne3A_87 = vector.broadcast %lt3A_86 : i1 to vector<16xi1>
    %ne3A_88 = vector.broadcast %ne3A_87 : vector<16xi1> to vector<16xi1>
    %ne3A_89 = arith.xori %lt3A_84, %ne3A_88 : vector<16xi1>
    %and3A_90 = arith.andi %ne3A_89, %ne3A_81 : vector<16xi1>
    %add3A_91 = vector.broadcast %select_n3A_76 : i32 to vector<16xi32>
    %add3A_92 = arith.addi %rem3A_78, %add3A_91 : vector<16xi32>
    %select_n3A_93 = arith.select %and3A_90, %add3A_92, %rem3A_78 : vector<16xi1>, vector<16xi32>
    %add3A_94 = arith.constant 4 : i32
    %add3A_95 = vector.broadcast %add3A_94 : i32 to vector<16xi32>
    %add3A_96 = arith.addi %iota3A, %add3A_95 : vector<16xi32>
    %jit3A_97 = arith.constant 16 : i32
    %eq3A_98 = arith.constant 0 : i32
    %eq3A_99 = arith.cmpi eq, %jit3A_97, %eq3A_98 : i32
    %jit3A_100 = arith.constant 1 : i32
    %select_n3A_101 = arith.select %eq3A_99, %jit3A_100, %jit3A_97 : i32
    %rem3A_102 = vector.broadcast %select_n3A_101 : i32 to vector<16xi32>
    %rem3A_103 = arith.remsi %add3A_96, %rem3A_102 : vector<16xi32>
    %ne3A_104 = arith.constant 0 : i32
    %ne3A_105 = vector.broadcast %ne3A_104 : i32 to vector<16xi32>
    %ne3A_106 = arith.cmpi ne, %rem3A_103, %ne3A_105 : vector<16xi32>
    %lt3A_107 = arith.constant 0 : i32
    %lt3A_108 = vector.broadcast %lt3A_107 : i32 to vector<16xi32>
    %lt3A_109 = arith.cmpi slt, %rem3A_103, %lt3A_108 : vector<16xi32>
    %lt3A_110 = arith.constant 0 : i32
    %lt3A_111 = arith.cmpi slt, %select_n3A_101, %lt3A_110 : i32
    %ne3A_112 = vector.broadcast %lt3A_111 : i1 to vector<16xi1>
    %ne3A_113 = vector.broadcast %ne3A_112 : vector<16xi1> to vector<16xi1>
    %ne3A_114 = arith.xori %lt3A_109, %ne3A_113 : vector<16xi1>
    %and3A_115 = arith.andi %ne3A_114, %ne3A_106 : vector<16xi1>
    %add3A_116 = vector.broadcast %select_n3A_101 : i32 to vector<16xi32>
    %add3A_117 = arith.addi %rem3A_103, %add3A_116 : vector<16xi32>
    %select_n3A_118 = arith.select %and3A_115, %add3A_117, %rem3A_103 : vector<16xi1>, vector<16xi32>
    %add3A_119 = arith.constant 5 : i32
    %add3A_120 = vector.broadcast %add3A_119 : i32 to vector<16xi32>
    %add3A_121 = arith.addi %iota3A, %add3A_120 : vector<16xi32>
    %jit3A_122 = arith.constant 16 : i32
    %eq3A_123 = arith.constant 0 : i32
    %eq3A_124 = arith.cmpi eq, %jit3A_122, %eq3A_123 : i32
    %jit3A_125 = arith.constant 1 : i32
    %select_n3A_126 = arith.select %eq3A_124, %jit3A_125, %jit3A_122 : i32
    %rem3A_127 = vector.broadcast %select_n3A_126 : i32 to vector<16xi32>
    %rem3A_128 = arith.remsi %add3A_121, %rem3A_127 : vector<16xi32>
    %ne3A_129 = arith.constant 0 : i32
    %ne3A_130 = vector.broadcast %ne3A_129 : i32 to vector<16xi32>
    %ne3A_131 = arith.cmpi ne, %rem3A_128, %ne3A_130 : vector<16xi32>
    %lt3A_132 = arith.constant 0 : i32
    %lt3A_133 = vector.broadcast %lt3A_132 : i32 to vector<16xi32>
    %lt3A_134 = arith.cmpi slt, %rem3A_128, %lt3A_133 : vector<16xi32>
    %lt3A_135 = arith.constant 0 : i32
    %lt3A_136 = arith.cmpi slt, %select_n3A_126, %lt3A_135 : i32
    %ne3A_137 = vector.broadcast %lt3A_136 : i1 to vector<16xi1>
    %ne3A_138 = vector.broadcast %ne3A_137 : vector<16xi1> to vector<16xi1>
    %ne3A_139 = arith.xori %lt3A_134, %ne3A_138 : vector<16xi1>
    %and3A_140 = arith.andi %ne3A_139, %ne3A_131 : vector<16xi1>
    %add3A_141 = vector.broadcast %select_n3A_126 : i32 to vector<16xi32>
    %add3A_142 = arith.addi %rem3A_128, %add3A_141 : vector<16xi32>
    %select_n3A_143 = arith.select %and3A_140, %add3A_142, %rem3A_128 : vector<16xi1>, vector<16xi32>
    %add3A_144 = arith.constant 6 : i32
    %add3A_145 = vector.broadcast %add3A_144 : i32 to vector<16xi32>
    %add3A_146 = arith.addi %iota3A, %add3A_145 : vector<16xi32>
    %jit3A_147 = arith.constant 16 : i32
    %eq3A_148 = arith.constant 0 : i32
    %eq3A_149 = arith.cmpi eq, %jit3A_147, %eq3A_148 : i32
    %jit3A_150 = arith.constant 1 : i32
    %select_n3A_151 = arith.select %eq3A_149, %jit3A_150, %jit3A_147 : i32
    %rem3A_152 = vector.broadcast %select_n3A_151 : i32 to vector<16xi32>
    %rem3A_153 = arith.remsi %add3A_146, %rem3A_152 : vector<16xi32>
    %ne3A_154 = arith.constant 0 : i32
    %ne3A_155 = vector.broadcast %ne3A_154 : i32 to vector<16xi32>
    %ne3A_156 = arith.cmpi ne, %rem3A_153, %ne3A_155 : vector<16xi32>
    %lt3A_157 = arith.constant 0 : i32
    %lt3A_158 = vector.broadcast %lt3A_157 : i32 to vector<16xi32>
    %lt3A_159 = arith.cmpi slt, %rem3A_153, %lt3A_158 : vector<16xi32>
    %lt3A_160 = arith.constant 0 : i32
    %lt3A_161 = arith.cmpi slt, %select_n3A_151, %lt3A_160 : i32
    %ne3A_162 = vector.broadcast %lt3A_161 : i1 to vector<16xi1>
    %ne3A_163 = vector.broadcast %ne3A_162 : vector<16xi1> to vector<16xi1>
    %ne3A_164 = arith.xori %lt3A_159, %ne3A_163 : vector<16xi1>
    %and3A_165 = arith.andi %ne3A_164, %ne3A_156 : vector<16xi1>
    %add3A_166 = vector.broadcast %select_n3A_151 : i32 to vector<16xi32>
    %add3A_167 = arith.addi %rem3A_153, %add3A_166 : vector<16xi32>
    %select_n3A_168 = arith.select %and3A_165, %add3A_167, %rem3A_153 : vector<16xi1>, vector<16xi32>
    %add3A_169 = arith.constant 7 : i32
    %add3A_170 = vector.broadcast %add3A_169 : i32 to vector<16xi32>
    %add3A_171 = arith.addi %iota3A, %add3A_170 : vector<16xi32>
    %jit3A_172 = arith.constant 16 : i32
    %eq3A_173 = arith.constant 0 : i32
    %eq3A_174 = arith.cmpi eq, %jit3A_172, %eq3A_173 : i32
    %jit3A_175 = arith.constant 1 : i32
    %select_n3A_176 = arith.select %eq3A_174, %jit3A_175, %jit3A_172 : i32
    %rem3A_177 = vector.broadcast %select_n3A_176 : i32 to vector<16xi32>
    %rem3A_178 = arith.remsi %add3A_171, %rem3A_177 : vector<16xi32>
    %ne3A_179 = arith.constant 0 : i32
    %ne3A_180 = vector.broadcast %ne3A_179 : i32 to vector<16xi32>
    %ne3A_181 = arith.cmpi ne, %rem3A_178, %ne3A_180 : vector<16xi32>
    %lt3A_182 = arith.constant 0 : i32
    %lt3A_183 = vector.broadcast %lt3A_182 : i32 to vector<16xi32>
    %lt3A_184 = arith.cmpi slt, %rem3A_178, %lt3A_183 : vector<16xi32>
    %lt3A_185 = arith.constant 0 : i32
    %lt3A_186 = arith.cmpi slt, %select_n3A_176, %lt3A_185 : i32
    %ne3A_187 = vector.broadcast %lt3A_186 : i1 to vector<16xi1>
    %ne3A_188 = vector.broadcast %ne3A_187 : vector<16xi1> to vector<16xi1>
    %ne3A_189 = arith.xori %lt3A_184, %ne3A_188 : vector<16xi1>
    %and3A_190 = arith.andi %ne3A_189, %ne3A_181 : vector<16xi1>
    %add3A_191 = vector.broadcast %select_n3A_176 : i32 to vector<16xi32>
    %add3A_192 = arith.addi %rem3A_178, %add3A_191 : vector<16xi32>
    %select_n3A_193 = arith.select %and3A_190, %add3A_192, %rem3A_178 : vector<16xi1>, vector<16xi32>
    %add3A_194 = arith.constant 8 : i32
    %add3A_195 = vector.broadcast %add3A_194 : i32 to vector<16xi32>
    %add3A_196 = arith.addi %iota3A, %add3A_195 : vector<16xi32>
    %jit3A_197 = arith.constant 16 : i32
    %eq3A_198 = arith.constant 0 : i32
    %eq3A_199 = arith.cmpi eq, %jit3A_197, %eq3A_198 : i32
    %jit3A_200 = arith.constant 1 : i32
    %select_n3A_201 = arith.select %eq3A_199, %jit3A_200, %jit3A_197 : i32
    %rem3A_202 = vector.broadcast %select_n3A_201 : i32 to vector<16xi32>
    %rem3A_203 = arith.remsi %add3A_196, %rem3A_202 : vector<16xi32>
    %ne3A_204 = arith.constant 0 : i32
    %ne3A_205 = vector.broadcast %ne3A_204 : i32 to vector<16xi32>
    %ne3A_206 = arith.cmpi ne, %rem3A_203, %ne3A_205 : vector<16xi32>
    %lt3A_207 = arith.constant 0 : i32
    %lt3A_208 = vector.broadcast %lt3A_207 : i32 to vector<16xi32>
    %lt3A_209 = arith.cmpi slt, %rem3A_203, %lt3A_208 : vector<16xi32>
    %lt3A_210 = arith.constant 0 : i32
    %lt3A_211 = arith.cmpi slt, %select_n3A_201, %lt3A_210 : i32
    %ne3A_212 = vector.broadcast %lt3A_211 : i1 to vector<16xi1>
    %ne3A_213 = vector.broadcast %ne3A_212 : vector<16xi1> to vector<16xi1>
    %ne3A_214 = arith.xori %lt3A_209, %ne3A_213 : vector<16xi1>
    %and3A_215 = arith.andi %ne3A_214, %ne3A_206 : vector<16xi1>
    %add3A_216 = vector.broadcast %select_n3A_201 : i32 to vector<16xi32>
    %add3A_217 = arith.addi %rem3A_203, %add3A_216 : vector<16xi32>
    %select_n3A_218 = arith.select %and3A_215, %add3A_217, %rem3A_203 : vector<16xi1>, vector<16xi32>
    %add3A_219 = arith.constant 9 : i32
    %add3A_220 = vector.broadcast %add3A_219 : i32 to vector<16xi32>
    %add3A_221 = arith.addi %iota3A, %add3A_220 : vector<16xi32>
    %jit3A_222 = arith.constant 16 : i32
    %eq3A_223 = arith.constant 0 : i32
    %eq3A_224 = arith.cmpi eq, %jit3A_222, %eq3A_223 : i32
    %jit3A_225 = arith.constant 1 : i32
    %select_n3A_226 = arith.select %eq3A_224, %jit3A_225, %jit3A_222 : i32
    %rem3A_227 = vector.broadcast %select_n3A_226 : i32 to vector<16xi32>
    %rem3A_228 = arith.remsi %add3A_221, %rem3A_227 : vector<16xi32>
    %ne3A_229 = arith.constant 0 : i32
    %ne3A_230 = vector.broadcast %ne3A_229 : i32 to vector<16xi32>
    %ne3A_231 = arith.cmpi ne, %rem3A_228, %ne3A_230 : vector<16xi32>
    %lt3A_232 = arith.constant 0 : i32
    %lt3A_233 = vector.broadcast %lt3A_232 : i32 to vector<16xi32>
    %lt3A_234 = arith.cmpi slt, %rem3A_228, %lt3A_233 : vector<16xi32>
    %lt3A_235 = arith.constant 0 : i32
    %lt3A_236 = arith.cmpi slt, %select_n3A_226, %lt3A_235 : i32
    %ne3A_237 = vector.broadcast %lt3A_236 : i1 to vector<16xi1>
    %ne3A_238 = vector.broadcast %ne3A_237 : vector<16xi1> to vector<16xi1>
    %ne3A_239 = arith.xori %lt3A_234, %ne3A_238 : vector<16xi1>
    %and3A_240 = arith.andi %ne3A_239, %ne3A_231 : vector<16xi1>
    %add3A_241 = vector.broadcast %select_n3A_226 : i32 to vector<16xi32>
    %add3A_242 = arith.addi %rem3A_228, %add3A_241 : vector<16xi32>
    %select_n3A_243 = arith.select %and3A_240, %add3A_242, %rem3A_228 : vector<16xi1>, vector<16xi32>
    %add3A_244 = arith.constant 10 : i32
    %add3A_245 = vector.broadcast %add3A_244 : i32 to vector<16xi32>
    %add3A_246 = arith.addi %iota3A, %add3A_245 : vector<16xi32>
    %jit3A_247 = arith.constant 16 : i32
    %eq3A_248 = arith.constant 0 : i32
    %eq3A_249 = arith.cmpi eq, %jit3A_247, %eq3A_248 : i32
    %jit3A_250 = arith.constant 1 : i32
    %select_n3A_251 = arith.select %eq3A_249, %jit3A_250, %jit3A_247 : i32
    %rem3A_252 = vector.broadcast %select_n3A_251 : i32 to vector<16xi32>
    %rem3A_253 = arith.remsi %add3A_246, %rem3A_252 : vector<16xi32>
    %ne3A_254 = arith.constant 0 : i32
    %ne3A_255 = vector.broadcast %ne3A_254 : i32 to vector<16xi32>
    %ne3A_256 = arith.cmpi ne, %rem3A_253, %ne3A_255 : vector<16xi32>
    %lt3A_257 = arith.constant 0 : i32
    %lt3A_258 = vector.broadcast %lt3A_257 : i32 to vector<16xi32>
    %lt3A_259 = arith.cmpi slt, %rem3A_253, %lt3A_258 : vector<16xi32>
    %lt3A_260 = arith.constant 0 : i32
    %lt3A_261 = arith.cmpi slt, %select_n3A_251, %lt3A_260 : i32
    %ne3A_262 = vector.broadcast %lt3A_261 : i1 to vector<16xi1>
    %ne3A_263 = vector.broadcast %ne3A_262 : vector<16xi1> to vector<16xi1>
    %ne3A_264 = arith.xori %lt3A_259, %ne3A_263 : vector<16xi1>
    %and3A_265 = arith.andi %ne3A_264, %ne3A_256 : vector<16xi1>
    %add3A_266 = vector.broadcast %select_n3A_251 : i32 to vector<16xi32>
    %add3A_267 = arith.addi %rem3A_253, %add3A_266 : vector<16xi32>
    %select_n3A_268 = arith.select %and3A_265, %add3A_267, %rem3A_253 : vector<16xi1>, vector<16xi32>
    %add3A_269 = arith.constant 11 : i32
    %add3A_270 = vector.broadcast %add3A_269 : i32 to vector<16xi32>
    %add3A_271 = arith.addi %iota3A, %add3A_270 : vector<16xi32>
    %jit3A_272 = arith.constant 16 : i32
    %eq3A_273 = arith.constant 0 : i32
    %eq3A_274 = arith.cmpi eq, %jit3A_272, %eq3A_273 : i32
    %jit3A_275 = arith.constant 1 : i32
    %select_n3A_276 = arith.select %eq3A_274, %jit3A_275, %jit3A_272 : i32
    %rem3A_277 = vector.broadcast %select_n3A_276 : i32 to vector<16xi32>
    %rem3A_278 = arith.remsi %add3A_271, %rem3A_277 : vector<16xi32>
    %ne3A_279 = arith.constant 0 : i32
    %ne3A_280 = vector.broadcast %ne3A_279 : i32 to vector<16xi32>
    %ne3A_281 = arith.cmpi ne, %rem3A_278, %ne3A_280 : vector<16xi32>
    %lt3A_282 = arith.constant 0 : i32
    %lt3A_283 = vector.broadcast %lt3A_282 : i32 to vector<16xi32>
    %lt3A_284 = arith.cmpi slt, %rem3A_278, %lt3A_283 : vector<16xi32>
    %lt3A_285 = arith.constant 0 : i32
    %lt3A_286 = arith.cmpi slt, %select_n3A_276, %lt3A_285 : i32
    %ne3A_287 = vector.broadcast %lt3A_286 : i1 to vector<16xi1>
    %ne3A_288 = vector.broadcast %ne3A_287 : vector<16xi1> to vector<16xi1>
    %ne3A_289 = arith.xori %lt3A_284, %ne3A_288 : vector<16xi1>
    %and3A_290 = arith.andi %ne3A_289, %ne3A_281 : vector<16xi1>
    %add3A_291 = vector.broadcast %select_n3A_276 : i32 to vector<16xi32>
    %add3A_292 = arith.addi %rem3A_278, %add3A_291 : vector<16xi32>
    %select_n3A_293 = arith.select %and3A_290, %add3A_292, %rem3A_278 : vector<16xi1>, vector<16xi32>
    %add3A_294 = arith.constant 12 : i32
    %add3A_295 = vector.broadcast %add3A_294 : i32 to vector<16xi32>
    %add3A_296 = arith.addi %iota3A, %add3A_295 : vector<16xi32>
    %jit3A_297 = arith.constant 16 : i32
    %eq3A_298 = arith.constant 0 : i32
    %eq3A_299 = arith.cmpi eq, %jit3A_297, %eq3A_298 : i32
    %jit3A_300 = arith.constant 1 : i32
    %select_n3A_301 = arith.select %eq3A_299, %jit3A_300, %jit3A_297 : i32
    %rem3A_302 = vector.broadcast %select_n3A_301 : i32 to vector<16xi32>
    %rem3A_303 = arith.remsi %add3A_296, %rem3A_302 : vector<16xi32>
    %ne3A_304 = arith.constant 0 : i32
    %ne3A_305 = vector.broadcast %ne3A_304 : i32 to vector<16xi32>
    %ne3A_306 = arith.cmpi ne, %rem3A_303, %ne3A_305 : vector<16xi32>
    %lt3A_307 = arith.constant 0 : i32
    %lt3A_308 = vector.broadcast %lt3A_307 : i32 to vector<16xi32>
    %lt3A_309 = arith.cmpi slt, %rem3A_303, %lt3A_308 : vector<16xi32>
    %lt3A_310 = arith.constant 0 : i32
    %lt3A_311 = arith.cmpi slt, %select_n3A_301, %lt3A_310 : i32
    %ne3A_312 = vector.broadcast %lt3A_311 : i1 to vector<16xi1>
    %ne3A_313 = vector.broadcast %ne3A_312 : vector<16xi1> to vector<16xi1>
    %ne3A_314 = arith.xori %lt3A_309, %ne3A_313 : vector<16xi1>
    %and3A_315 = arith.andi %ne3A_314, %ne3A_306 : vector<16xi1>
    %add3A_316 = vector.broadcast %select_n3A_301 : i32 to vector<16xi32>
    %add3A_317 = arith.addi %rem3A_303, %add3A_316 : vector<16xi32>
    %select_n3A_318 = arith.select %and3A_315, %add3A_317, %rem3A_303 : vector<16xi1>, vector<16xi32>
    %add3A_319 = arith.constant 13 : i32
    %add3A_320 = vector.broadcast %add3A_319 : i32 to vector<16xi32>
    %add3A_321 = arith.addi %iota3A, %add3A_320 : vector<16xi32>
    %jit3A_322 = arith.constant 16 : i32
    %eq3A_323 = arith.constant 0 : i32
    %eq3A_324 = arith.cmpi eq, %jit3A_322, %eq3A_323 : i32
    %jit3A_325 = arith.constant 1 : i32
    %select_n3A_326 = arith.select %eq3A_324, %jit3A_325, %jit3A_322 : i32
    %rem3A_327 = vector.broadcast %select_n3A_326 : i32 to vector<16xi32>
    %rem3A_328 = arith.remsi %add3A_321, %rem3A_327 : vector<16xi32>
    %ne3A_329 = arith.constant 0 : i32
    %ne3A_330 = vector.broadcast %ne3A_329 : i32 to vector<16xi32>
    %ne3A_331 = arith.cmpi ne, %rem3A_328, %ne3A_330 : vector<16xi32>
    %lt3A_332 = arith.constant 0 : i32
    %lt3A_333 = vector.broadcast %lt3A_332 : i32 to vector<16xi32>
    %lt3A_334 = arith.cmpi slt, %rem3A_328, %lt3A_333 : vector<16xi32>
    %lt3A_335 = arith.constant 0 : i32
    %lt3A_336 = arith.cmpi slt, %select_n3A_326, %lt3A_335 : i32
    %ne3A_337 = vector.broadcast %lt3A_336 : i1 to vector<16xi1>
    %ne3A_338 = vector.broadcast %ne3A_337 : vector<16xi1> to vector<16xi1>
    %ne3A_339 = arith.xori %lt3A_334, %ne3A_338 : vector<16xi1>
    %and3A_340 = arith.andi %ne3A_339, %ne3A_331 : vector<16xi1>
    %add3A_341 = vector.broadcast %select_n3A_326 : i32 to vector<16xi32>
    %add3A_342 = arith.addi %rem3A_328, %add3A_341 : vector<16xi32>
    %select_n3A_343 = arith.select %and3A_340, %add3A_342, %rem3A_328 : vector<16xi1>, vector<16xi32>
    %add3A_344 = arith.constant 14 : i32
    %add3A_345 = vector.broadcast %add3A_344 : i32 to vector<16xi32>
    %add3A_346 = arith.addi %iota3A, %add3A_345 : vector<16xi32>
    %jit3A_347 = arith.constant 16 : i32
    %eq3A_348 = arith.constant 0 : i32
    %eq3A_349 = arith.cmpi eq, %jit3A_347, %eq3A_348 : i32
    %jit3A_350 = arith.constant 1 : i32
    %select_n3A_351 = arith.select %eq3A_349, %jit3A_350, %jit3A_347 : i32
    %rem3A_352 = vector.broadcast %select_n3A_351 : i32 to vector<16xi32>
    %rem3A_353 = arith.remsi %add3A_346, %rem3A_352 : vector<16xi32>
    %ne3A_354 = arith.constant 0 : i32
    %ne3A_355 = vector.broadcast %ne3A_354 : i32 to vector<16xi32>
    %ne3A_356 = arith.cmpi ne, %rem3A_353, %ne3A_355 : vector<16xi32>
    %lt3A_357 = arith.constant 0 : i32
    %lt3A_358 = vector.broadcast %lt3A_357 : i32 to vector<16xi32>
    %lt3A_359 = arith.cmpi slt, %rem3A_353, %lt3A_358 : vector<16xi32>
    %lt3A_360 = arith.constant 0 : i32
    %lt3A_361 = arith.cmpi slt, %select_n3A_351, %lt3A_360 : i32
    %ne3A_362 = vector.broadcast %lt3A_361 : i1 to vector<16xi1>
    %ne3A_363 = vector.broadcast %ne3A_362 : vector<16xi1> to vector<16xi1>
    %ne3A_364 = arith.xori %lt3A_359, %ne3A_363 : vector<16xi1>
    %and3A_365 = arith.andi %ne3A_364, %ne3A_356 : vector<16xi1>
    %add3A_366 = vector.broadcast %select_n3A_351 : i32 to vector<16xi32>
    %add3A_367 = arith.addi %rem3A_353, %add3A_366 : vector<16xi32>
    %select_n3A_368 = arith.select %and3A_365, %add3A_367, %rem3A_353 : vector<16xi1>, vector<16xi32>
    %add3A_369 = arith.constant 15 : i32
    %add3A_370 = vector.broadcast %add3A_369 : i32 to vector<16xi32>
    %add3A_371 = arith.addi %iota3A, %add3A_370 : vector<16xi32>
    %jit3A_372 = arith.constant 16 : i32
    %eq3A_373 = arith.constant 0 : i32
    %eq3A_374 = arith.cmpi eq, %jit3A_372, %eq3A_373 : i32
    %jit3A_375 = arith.constant 1 : i32
    %select_n3A_376 = arith.select %eq3A_374, %jit3A_375, %jit3A_372 : i32
    %rem3A_377 = vector.broadcast %select_n3A_376 : i32 to vector<16xi32>
    %rem3A_378 = arith.remsi %add3A_371, %rem3A_377 : vector<16xi32>
    %ne3A_379 = arith.constant 0 : i32
    %ne3A_380 = vector.broadcast %ne3A_379 : i32 to vector<16xi32>
    %ne3A_381 = arith.cmpi ne, %rem3A_378, %ne3A_380 : vector<16xi32>
    %lt3A_382 = arith.constant 0 : i32
    %lt3A_383 = vector.broadcast %lt3A_382 : i32 to vector<16xi32>
    %lt3A_384 = arith.cmpi slt, %rem3A_378, %lt3A_383 : vector<16xi32>
    %lt3A_385 = arith.constant 0 : i32
    %lt3A_386 = arith.cmpi slt, %select_n3A_376, %lt3A_385 : i32
    %ne3A_387 = vector.broadcast %lt3A_386 : i1 to vector<16xi1>
    %ne3A_388 = vector.broadcast %ne3A_387 : vector<16xi1> to vector<16xi1>
    %ne3A_389 = arith.xori %lt3A_384, %ne3A_388 : vector<16xi1>
    %and3A_390 = arith.andi %ne3A_389, %ne3A_381 : vector<16xi1>
    %add3A_391 = vector.broadcast %select_n3A_376 : i32 to vector<16xi32>
    %add3A_392 = arith.addi %rem3A_378, %add3A_391 : vector<16xi32>
    %select_n3A_393 = arith.select %and3A_390, %add3A_392, %rem3A_378 : vector<16xi1>, vector<16xi32>
    %dma_start3A = arith.constant 0 : i32
    %dma_start3A_394 = arith.constant 0 : i32
    %dma_start3A_395 = tpu.memref_slice %arg5[%dma_start3A, %dma_start3A_394] : memref<32x128xi32, #tpu.memory_space<vmem>> -> memref<1x128xi32, #tpu.memory_space<vmem>>
    %dma_start3A_396 = tpu.memref_squeeze %dma_start3A_395 : memref<1x128xi32, #tpu.memory_space<vmem>> -> memref<128xi32, #tpu.memory_space<vmem>>
    %dma_start3A_397 = arith.constant 0 : i32
    %dma_start3A_398 = arith.constant 0 : i32
    %dma_start3A_399 = tpu.memref_slice %arg2[%dma_start3A_397, %dma_start3A_398] : memref<320000x128xf32, #tpu.memory_space<hbm>> -> memref<320000x128xf32, #tpu.memory_space<hbm>>
    tpu.enqueue_indirect_dma source(%dma_start3A_399 : memref<320000x128xf32, #tpu.memory_space<hbm>>) target(%arg6 : memref<128x128xf32, #tpu.memory_space<vmem>>) offsets(%dma_start3A_396 : memref<128xi32, #tpu.memory_space<vmem>>) semaphore(%arg12 : memref<!tpu.dma_semaphore, #tpu.memory_space<semaphore_mem>>)
    %dma_start3A_400 = arith.constant 1 : i32
    %dma_start3A_401 = arith.constant 0 : i32
    %dma_start3A_402 = tpu.memref_slice %arg5[%dma_start3A_400, %dma_start3A_401] : memref<32x128xi32, #tpu.memory_space<vmem>> -> memref<1x128xi32, #tpu.memory_space<vmem>>
    %dma_start3A_403 = tpu.memref_squeeze %dma_start3A_402 : memref<1x128xi32, #tpu.memory_space<vmem>> -> memref<128xi32, #tpu.memory_space<vmem>>
    %dma_start3A_404 = arith.constant 0 : i32
    %dma_start3A_405 = arith.constant 0 : i32
    %dma_start3A_406 = tpu.memref_slice %arg2[%dma_start3A_404, %dma_start3A_405] : memref<320000x128xf32, #tpu.memory_space<hbm>> -> memref<320000x128xf32, #tpu.memory_space<hbm>>
    tpu.enqueue_indirect_dma source(%dma_start3A_406 : memref<320000x128xf32, #tpu.memory_space<hbm>>) target(%arg7 : memref<128x128xf32, #tpu.memory_space<vmem>>) offsets(%dma_start3A_403 : memref<128xi32, #tpu.memory_space<vmem>>) semaphore(%arg13 : memref<!tpu.dma_semaphore, #tpu.memory_space<semaphore_mem>>)
    %dma_start3A_407 = arith.constant 2 : i32
    %dma_start3A_408 = arith.constant 0 : i32
    %dma_start3A_409 = tpu.memref_slice %arg5[%dma_start3A_407, %dma_start3A_408] : memref<32x128xi32, #tpu.memory_space<vmem>> -> memref<1x128xi32, #tpu.memory_space<vmem>>
    %dma_start3A_410 = tpu.memref_squeeze %dma_start3A_409 : memref<1x128xi32, #tpu.memory_space<vmem>> -> memref<128xi32, #tpu.memory_space<vmem>>
    %dma_start3A_411 = arith.constant 0 : i32
    %dma_start3A_412 = arith.constant 0 : i32
    %dma_start3A_413 = tpu.memref_slice %arg2[%dma_start3A_411, %dma_start3A_412] : memref<320000x128xf32, #tpu.memory_space<hbm>> -> memref<320000x128xf32, #tpu.memory_space<hbm>>
    tpu.enqueue_indirect_dma source(%dma_start3A_413 : memref<320000x128xf32, #tpu.memory_space<hbm>>) target(%arg8 : memref<128x128xf32, #tpu.memory_space<vmem>>) offsets(%dma_start3A_410 : memref<128xi32, #tpu.memory_space<vmem>>) semaphore(%arg14 : memref<!tpu.dma_semaphore, #tpu.memory_space<semaphore_mem>>)
    %dma_start3A_414 = arith.constant 3 : i32
    %dma_start3A_415 = arith.constant 0 : i32
    %dma_start3A_416 = tpu.memref_slice %arg5[%dma_start3A_414, %dma_start3A_415] : memref<32x128xi32, #tpu.memory_space<vmem>> -> memref<1x128xi32, #tpu.memory_space<vmem>>
    %dma_start3A_417 = tpu.memref_squeeze %dma_start3A_416 : memref<1x128xi32, #tpu.memory_space<vmem>> -> memref<128xi32, #tpu.memory_space<vmem>>
    %dma_start3A_418 = arith.constant 0 : i32
    %dma_start3A_419 = arith.constant 0 : i32
    %dma_start3A_420 = tpu.memref_slice %arg2[%dma_start3A_418, %dma_start3A_419] : memref<320000x128xf32, #tpu.memory_space<hbm>> -> memref<320000x128xf32, #tpu.memory_space<hbm>>
    tpu.enqueue_indirect_dma source(%dma_start3A_420 : memref<320000x128xf32, #tpu.memory_space<hbm>>) target(%arg9 : memref<128x128xf32, #tpu.memory_space<vmem>>) offsets(%dma_start3A_417 : memref<128xi32, #tpu.memory_space<vmem>>) semaphore(%arg15 : memref<!tpu.dma_semaphore, #tpu.memory_space<semaphore_mem>>)
    %scan3A = arith.constant 0 : i32
    %scan3A_421 = arith.constant 0 : i32
    %scan3A_422 = arith.constant 8 : i32
    %scan3A_423 = arith.addi %scan3A_421, %scan3A_422 : i32
    %scan3A_424 = arith.constant 1 : i32
    scf.for %scan3A_441 = %scan3A_421 to %scan3A_423 step %scan3A_424  : i32 {
      %mul3A_442 = arith.constant 4 : i32
      %mul3A_443 = arith.muli %mul3A_442, %scan3A_441 : i32
      %add3A_444 = arith.constant 0 : i32
      %add3A_445 = arith.addi %mul3A_443, %add3A_444 : i32
      %dma_wait3A_446 = arith.constant 0 : i32
      %dma_wait3A_447 = tpu.memref_slice %arg5[%add3A_445, %dma_wait3A_446] : memref<32x128xi32, #tpu.memory_space<vmem>> -> memref<1x128xi32, #tpu.memory_space<vmem>>
      %dma_wait3A_448 = tpu.memref_squeeze %dma_wait3A_447 : memref<1x128xi32, #tpu.memory_space<vmem>> -> memref<128xi32, #tpu.memory_space<vmem>>
      %dma_wait3A_449 = arith.constant 0 : i32
      %dma_wait3A_450 = arith.constant 0 : i32
      %dma_wait3A_451 = tpu.memref_slice %arg2[%dma_wait3A_449, %dma_wait3A_450] : memref<320000x128xf32, #tpu.memory_space<hbm>> -> memref<320000x128xf32, #tpu.memory_space<hbm>>
      tpu.wait_indirect_dma semaphore(%arg12 : memref<!tpu.dma_semaphore, #tpu.memory_space<semaphore_mem>>) src(%dma_wait3A_451 : memref<320000x128xf32, #tpu.memory_space<hbm>>) dst(%arg6 : memref<128x128xf32, #tpu.memory_space<vmem>>)
      %gt3A = arith.constant 0 : i32
      %gt3A_452 = arith.cmpi sgt, %scan3A_441, %gt3A : i32
      %convert_element_type3A = arith.extui %gt3A_452 : i1 to i32
      %cond3A = arith.constant 0 : i32
      %cond3A_453 = arith.cmpi ne, %convert_element_type3A, %cond3A : i32
      scf.if %cond3A_453 {
        %sub3A_579 = arith.constant 2 : i32
        %sub3A_580 = arith.subi %add3A_445, %sub3A_579 : i32
        %mul3A_581 = arith.constant 128 : i32
        %mul3A_582 = arith.muli %sub3A_580, %mul3A_581 : i32
        %dma_wait3A_583 = arith.constant 0 : i32
        %dma_wait3A_584 = tpu.memref_slice %arg4[%add3A, %dma_wait3A_583, %mul3A_582] : memref<32x128x4096xf32, #tpu.memory_space<hbm>> -> memref<1x128x128xf32, #tpu.memory_space<hbm>>
        %dma_wait3A_585 = tpu.memref_squeeze %dma_wait3A_584 : memref<1x128x128xf32, #tpu.memory_space<hbm>> -> memref<128x128xf32, #tpu.memory_space<hbm>>
        %dma_wait3A_586 = arith.constant 0 : i32
        %dma_wait3A_587 = tpu.memref_slice %arg4[%add3A, %dma_wait3A_586, %mul3A_582] : memref<32x128x4096xf32, #tpu.memory_space<hbm>> -> memref<1x128x128xf32, #tpu.memory_space<hbm>>
        %dma_wait3A_588 = tpu.memref_squeeze %dma_wait3A_587 : memref<1x128x128xf32, #tpu.memory_space<hbm>> -> memref<128x128xf32, #tpu.memory_space<hbm>>
        tpu.wait_dma2 semaphore(%arg16 : memref<!tpu.dma_semaphore, #tpu.memory_space<semaphore_mem>>) src(%arg10 : memref<128x128xf32, #tpu.memory_space<vmem>>) dst(%dma_wait3A_588 : memref<128x128xf32, #tpu.memory_space<hbm>>)
      } else {
      }
      %parallel_loop3A = arith.constant 0 : i32
      %parallel_loop3A_454 = arith.constant 64 : i32
      %parallel_loop3A_455 = arith.constant 1 : i32
      scf.for %parallel_loop3A_579 = %parallel_loop3A to %parallel_loop3A_454 step %parallel_loop3A_455  : i32 {
        %parallel_loop3A_580 = arith.constant 3 : i32
        %parallel_loop3A_581 = arith.shrsi %parallel_loop3A_579, %parallel_loop3A_580 : i32
        %parallel_loop3A_582 = arith.constant 4 : i32
        %parallel_loop3A_583 = arith.shli %parallel_loop3A_581, %parallel_loop3A_582 : i32
        %parallel_loop3A_584 = arith.constant 7 : i32
        %parallel_loop3A_585 = arith.andi %parallel_loop3A_579, %parallel_loop3A_584 : i32
        %parallel_loop3A_586 = arith.constant 4 : i32
        %parallel_loop3A_587 = arith.shli %parallel_loop3A_585, %parallel_loop3A_586 : i32
        %parallel_loop3A_588 = vector.broadcast %parallel_loop3A_583 : i32 to vector<16xi32>
        %parallel_loop3A_589 = arith.addi %parallel_loop3A_588, %iota3A : vector<16xi32>
        %parallel_loop3A_590 = vector.broadcast %parallel_loop3A_587 : i32 to vector<16xi32>
        %parallel_loop3A_591 = arith.addi %parallel_loop3A_590, %select_n3A_18 : vector<16xi32>
        %parallel_loop3A_592 = tpu.vector_load_idx %arg6[%parallel_loop3A_589, %parallel_loop3A_591] : memref<128x128xf32, #tpu.memory_space<vmem>>[vector<16xi32>, vector<16xi32>], vector<16xf32>,
        tpu.vector_store_idx %arg10[%parallel_loop3A_591, %parallel_loop3A_589], %parallel_loop3A_592 : memref<128x128xf32, #tpu.memory_space<vmem>>[vector<16xi32>, vector<16xi32>], vector<16xf32>,
        %parallel_loop3A_593 = vector.broadcast %parallel_loop3A_587 : i32 to vector<16xi32>
        %parallel_loop3A_594 = arith.addi %parallel_loop3A_593, %select_n3A_43 : vector<16xi32>
        %parallel_loop3A_595 = tpu.vector_load_idx %arg6[%parallel_loop3A_589, %parallel_loop3A_594] : memref<128x128xf32, #tpu.memory_space<vmem>>[vector<16xi32>, vector<16xi32>], vector<16xf32>,
        tpu.vector_store_idx %arg10[%parallel_loop3A_594, %parallel_loop3A_589], %parallel_loop3A_595 : memref<128x128xf32, #tpu.memory_space<vmem>>[vector<16xi32>, vector<16xi32>], vector<16xf32>,
        %parallel_loop3A_596 = vector.broadcast %parallel_loop3A_587 : i32 to vector<16xi32>
        %parallel_loop3A_597 = arith.addi %parallel_loop3A_596, %select_n3A_68 : vector<16xi32>
        %parallel_loop3A_598 = tpu.vector_load_idx %arg6[%parallel_loop3A_589, %parallel_loop3A_597] : memref<128x128xf32, #tpu.memory_space<vmem>>[vector<16xi32>, vector<16xi32>], vector<16xf32>,
        tpu.vector_store_idx %arg10[%parallel_loop3A_597, %parallel_loop3A_589], %parallel_loop3A_598 : memref<128x128xf32, #tpu.memory_space<vmem>>[vector<16xi32>, vector<16xi32>], vector<16xf32>,
        %parallel_loop3A_599 = vector.broadcast %parallel_loop3A_587 : i32 to vector<16xi32>
        %parallel_loop3A_600 = arith.addi %parallel_loop3A_599, %select_n3A_93 : vector<16xi32>
        %parallel_loop3A_601 = tpu.vector_load_idx %arg6[%parallel_loop3A_589, %parallel_loop3A_600] : memref<128x128xf32, #tpu.memory_space<vmem>>[vector<16xi32>, vector<16xi32>], vector<16xf32>,
        tpu.vector_store_idx %arg10[%parallel_loop3A_600, %parallel_loop3A_589], %parallel_loop3A_601 : memref<128x128xf32, #tpu.memory_space<vmem>>[vector<16xi32>, vector<16xi32>], vector<16xf32>,
        %parallel_loop3A_602 = vector.broadcast %parallel_loop3A_587 : i32 to vector<16xi32>
        %parallel_loop3A_603 = arith.addi %parallel_loop3A_602, %select_n3A_118 : vector<16xi32>
        %parallel_loop3A_604 = tpu.vector_load_idx %arg6[%parallel_loop3A_589, %parallel_loop3A_603] : memref<128x128xf32, #tpu.memory_space<vmem>>[vector<16xi32>, vector<16xi32>], vector<16xf32>,
        tpu.vector_store_idx %arg10[%parallel_loop3A_603, %parallel_loop3A_589], %parallel_loop3A_604 : memref<128x128xf32, #tpu.memory_space<vmem>>[vector<16xi32>, vector<16xi32>], vector<16xf32>,
        %parallel_loop3A_605 = vector.broadcast %parallel_loop3A_587 : i32 to vector<16xi32>
        %parallel_loop3A_606 = arith.addi %parallel_loop3A_605, %select_n3A_143 : vector<16xi32>
        %parallel_loop3A_607 = tpu.vector_load_idx %arg6[%parallel_loop3A_589, %parallel_loop3A_606] : memref<128x128xf32, #tpu.memory_space<vmem>>[vector<16xi32>, vector<16xi32>], vector<16xf32>,
        tpu.vector_store_idx %arg10[%parallel_loop3A_606, %parallel_loop3A_589], %parallel_loop3A_607 : memref<128x128xf32, #tpu.memory_space<vmem>>[vector<16xi32>, vector<16xi32>], vector<16xf32>,
        %parallel_loop3A_608 = vector.broadcast %parallel_loop3A_587 : i32 to vector<16xi32>
        %parallel_loop3A_609 = arith.addi %parallel_loop3A_608, %select_n3A_168 : vector<16xi32>
        %parallel_loop3A_610 = tpu.vector_load_idx %arg6[%parallel_loop3A_589, %parallel_loop3A_609] : memref<128x128xf32, #tpu.memory_space<vmem>>[vector<16xi32>, vector<16xi32>], vector<16xf32>,
        tpu.vector_store_idx %arg10[%parallel_loop3A_609, %parallel_loop3A_589], %parallel_loop3A_610 : memref<128x128xf32, #tpu.memory_space<vmem>>[vector<16xi32>, vector<16xi32>], vector<16xf32>,
        %parallel_loop3A_611 = vector.broadcast %parallel_loop3A_587 : i32 to vector<16xi32>
        %parallel_loop3A_612 = arith.addi %parallel_loop3A_611, %select_n3A_193 : vector<16xi32>
        %parallel_loop3A_613 = tpu.vector_load_idx %arg6[%parallel_loop3A_589, %parallel_loop3A_612] : memref<128x128xf32, #tpu.memory_space<vmem>>[vector<16xi32>, vector<16xi32>], vector<16xf32>,
        tpu.vector_store_idx %arg10[%parallel_loop3A_612, %parallel_loop3A_589], %parallel_loop3A_613 : memref<128x128xf32, #tpu.memory_space<vmem>>[vector<16xi32>, vector<16xi32>], vector<16xf32>,
        %parallel_loop3A_614 = vector.broadcast %parallel_loop3A_587 : i32 to vector<16xi32>
        %parallel_loop3A_615 = arith.addi %parallel_loop3A_614, %select_n3A_218 : vector<16xi32>
        %parallel_loop3A_616 = tpu.vector_load_idx %arg6[%parallel_loop3A_589, %parallel_loop3A_615] : memref<128x128xf32, #tpu.memory_space<vmem>>[vector<16xi32>, vector<16xi32>], vector<16xf32>,
        tpu.vector_store_idx %arg10[%parallel_loop3A_615, %parallel_loop3A_589], %parallel_loop3A_616 : memref<128x128xf32, #tpu.memory_space<vmem>>[vector<16xi32>, vector<16xi32>], vector<16xf32>,
        %parallel_loop3A_617 = vector.broadcast %parallel_loop3A_587 : i32 to vector<16xi32>
        %parallel_loop3A_618 = arith.addi %parallel_loop3A_617, %select_n3A_243 : vector<16xi32>
        %parallel_loop3A_619 = tpu.vector_load_idx %arg6[%parallel_loop3A_589, %parallel_loop3A_618] : memref<128x128xf32, #tpu.memory_space<vmem>>[vector<16xi32>, vector<16xi32>], vector<16xf32>,
        tpu.vector_store_idx %arg10[%parallel_loop3A_618, %parallel_loop3A_589], %parallel_loop3A_619 : memref<128x128xf32, #tpu.memory_space<vmem>>[vector<16xi32>, vector<16xi32>], vector<16xf32>,
        %parallel_loop3A_620 = vector.broadcast %parallel_loop3A_587 : i32 to vector<16xi32>
        %parallel_loop3A_621 = arith.addi %parallel_loop3A_620, %select_n3A_268 : vector<16xi32>
        %parallel_loop3A_622 = tpu.vector_load_idx %arg6[%parallel_loop3A_589, %parallel_loop3A_621] : memref<128x128xf32, #tpu.memory_space<vmem>>[vector<16xi32>, vector<16xi32>], vector<16xf32>,
        tpu.vector_store_idx %arg10[%parallel_loop3A_621, %parallel_loop3A_589], %parallel_loop3A_622 : memref<128x128xf32, #tpu.memory_space<vmem>>[vector<16xi32>, vector<16xi32>], vector<16xf32>,
        %parallel_loop3A_623 = vector.broadcast %parallel_loop3A_587 : i32 to vector<16xi32>
        %parallel_loop3A_624 = arith.addi %parallel_loop3A_623, %select_n3A_293 : vector<16xi32>
        %parallel_loop3A_625 = tpu.vector_load_idx %arg6[%parallel_loop3A_589, %parallel_loop3A_624] : memref<128x128xf32, #tpu.memory_space<vmem>>[vector<16xi32>, vector<16xi32>], vector<16xf32>,
        tpu.vector_store_idx %arg10[%parallel_loop3A_624, %parallel_loop3A_589], %parallel_loop3A_625 : memref<128x128xf32, #tpu.memory_space<vmem>>[vector<16xi32>, vector<16xi32>], vector<16xf32>,
        %parallel_loop3A_626 = vector.broadcast %parallel_loop3A_587 : i32 to vector<16xi32>
        %parallel_loop3A_627 = arith.addi %parallel_loop3A_626, %select_n3A_318 : vector<16xi32>
        %parallel_loop3A_628 = tpu.vector_load_idx %arg6[%parallel_loop3A_589, %parallel_loop3A_627] : memref<128x128xf32, #tpu.memory_space<vmem>>[vector<16xi32>, vector<16xi32>], vector<16xf32>,
        tpu.vector_store_idx %arg10[%parallel_loop3A_627, %parallel_loop3A_589], %parallel_loop3A_628 : memref<128x128xf32, #tpu.memory_space<vmem>>[vector<16xi32>, vector<16xi32>], vector<16xf32>,
        %parallel_loop3A_629 = vector.broadcast %parallel_loop3A_587 : i32 to vector<16xi32>
        %parallel_loop3A_630 = arith.addi %parallel_loop3A_629, %select_n3A_343 : vector<16xi32>
        %parallel_loop3A_631 = tpu.vector_load_idx %arg6[%parallel_loop3A_589, %parallel_loop3A_630] : memref<128x128xf32, #tpu.memory_space<vmem>>[vector<16xi32>, vector<16xi32>], vector<16xf32>,
        tpu.vector_store_idx %arg10[%parallel_loop3A_630, %parallel_loop3A_589], %parallel_loop3A_631 : memref<128x128xf32, #tpu.memory_space<vmem>>[vector<16xi32>, vector<16xi32>], vector<16xf32>,
        %parallel_loop3A_632 = vector.broadcast %parallel_loop3A_587 : i32 to vector<16xi32>
        %parallel_loop3A_633 = arith.addi %parallel_loop3A_632, %select_n3A_368 : vector<16xi32>
        %parallel_loop3A_634 = tpu.vector_load_idx %arg6[%parallel_loop3A_589, %parallel_loop3A_633] : memref<128x128xf32, #tpu.memory_space<vmem>>[vector<16xi32>, vector<16xi32>], vector<16xf32>,
        tpu.vector_store_idx %arg10[%parallel_loop3A_633, %parallel_loop3A_589], %parallel_loop3A_634 : memref<128x128xf32, #tpu.memory_space<vmem>>[vector<16xi32>, vector<16xi32>], vector<16xf32>,
        %parallel_loop3A_635 = vector.broadcast %parallel_loop3A_587 : i32 to vector<16xi32>
        %parallel_loop3A_636 = arith.addi %parallel_loop3A_635, %select_n3A_393 : vector<16xi32>
        %parallel_loop3A_637 = tpu.vector_load_idx %arg6[%parallel_loop3A_589, %parallel_loop3A_636] : memref<128x128xf32, #tpu.memory_space<vmem>>[vector<16xi32>, vector<16xi32>], vector<16xf32>,
        tpu.vector_store_idx %arg10[%parallel_loop3A_636, %parallel_loop3A_589], %parallel_loop3A_637 : memref<128x128xf32, #tpu.memory_space<vmem>>[vector<16xi32>, vector<16xi32>], vector<16xf32>,
      } {sc.loop_unroll_factor = 4 : i64, sc.parallel_access}
      %mul3A_456 = arith.constant 128 : i32
      %mul3A_457 = arith.muli %add3A_445, %mul3A_456 : i32
      %dma_start3A_458 = arith.constant 0 : i32
      %dma_start3A_459 = tpu.memref_slice %arg4[%add3A, %dma_start3A_458, %mul3A_457] : memref<32x128x4096xf32, #tpu.memory_space<hbm>> -> memref<1x128x128xf32, #tpu.memory_space<hbm>>
      %dma_start3A_460 = tpu.memref_squeeze %dma_start3A_459 : memref<1x128x128xf32, #tpu.memory_space<hbm>> -> memref<128x128xf32, #tpu.memory_space<hbm>>
      %dma_start3A_461 = arith.constant 0 : i32
      %dma_start3A_462 = tpu.memref_slice %arg4[%add3A, %dma_start3A_461, %mul3A_457] : memref<32x128x4096xf32, #tpu.memory_space<hbm>> -> memref<1x128x128xf32, #tpu.memory_space<hbm>>
      %dma_start3A_463 = tpu.memref_squeeze %dma_start3A_462 : memref<1x128x128xf32, #tpu.memory_space<hbm>> -> memref<128x128xf32, #tpu.memory_space<hbm>>
      tpu.enqueue_dma source(%arg10 : memref<128x128xf32, #tpu.memory_space<vmem>>) target(%dma_start3A_463 : memref<128x128xf32, #tpu.memory_space<hbm>>) target_semaphore(%arg16 : memref<!tpu.dma_semaphore, #tpu.memory_space<semaphore_mem>>)
      %add3A_464 = arith.constant 4 : i32
      %add3A_465 = arith.addi %add3A_445, %add3A_464 : i32
      %lt3A_466 = arith.constant 32 : i32
      %lt3A_467 = arith.cmpi slt, %add3A_465, %lt3A_466 : i32
      %convert_element_type3A_468 = arith.extui %lt3A_467 : i1 to i32
      %cond3A_469 = arith.constant 0 : i32
      %cond3A_470 = arith.cmpi ne, %convert_element_type3A_468, %cond3A_469 : i32
      scf.if %cond3A_470 {
        %add3A_579 = arith.constant 4 : i32
        %add3A_580 = arith.addi %add3A_445, %add3A_579 : i32
        %dma_start3A_581 = arith.constant 0 : i32
        %dma_start3A_582 = tpu.memref_slice %arg5[%add3A_580, %dma_start3A_581] : memref<32x128xi32, #tpu.memory_space<vmem>> -> memref<1x128xi32, #tpu.memory_space<vmem>>
        %dma_start3A_583 = tpu.memref_squeeze %dma_start3A_582 : memref<1x128xi32, #tpu.memory_space<vmem>> -> memref<128xi32, #tpu.memory_space<vmem>>
        %dma_start3A_584 = arith.constant 0 : i32
        %dma_start3A_585 = arith.constant 0 : i32
        %dma_start3A_586 = tpu.memref_slice %arg2[%dma_start3A_584, %dma_start3A_585] : memref<320000x128xf32, #tpu.memory_space<hbm>> -> memref<320000x128xf32, #tpu.memory_space<hbm>>
        tpu.enqueue_indirect_dma source(%dma_start3A_586 : memref<320000x128xf32, #tpu.memory_space<hbm>>) target(%arg6 : memref<128x128xf32, #tpu.memory_space<vmem>>) offsets(%dma_start3A_583 : memref<128xi32, #tpu.memory_space<vmem>>) semaphore(%arg12 : memref<!tpu.dma_semaphore, #tpu.memory_space<semaphore_mem>>)
      } else {
      }
      %mul3A_471 = arith.constant 4 : i32
      %mul3A_472 = arith.muli %mul3A_471, %scan3A_441 : i32
      %add3A_473 = arith.constant 1 : i32
      %add3A_474 = arith.addi %mul3A_472, %add3A_473 : i32
      %dma_wait3A_475 = arith.constant 0 : i32
      %dma_wait3A_476 = tpu.memref_slice %arg5[%add3A_474, %dma_wait3A_475] : memref<32x128xi32, #tpu.memory_space<vmem>> -> memref<1x128xi32, #tpu.memory_space<vmem>>
      %dma_wait3A_477 = tpu.memref_squeeze %dma_wait3A_476 : memref<1x128xi32, #tpu.memory_space<vmem>> -> memref<128xi32, #tpu.memory_space<vmem>>
      %dma_wait3A_478 = arith.constant 0 : i32
      %dma_wait3A_479 = arith.constant 0 : i32
      %dma_wait3A_480 = tpu.memref_slice %arg2[%dma_wait3A_478, %dma_wait3A_479] : memref<320000x128xf32, #tpu.memory_space<hbm>> -> memref<320000x128xf32, #tpu.memory_space<hbm>>
      tpu.wait_indirect_dma semaphore(%arg13 : memref<!tpu.dma_semaphore, #tpu.memory_space<semaphore_mem>>) src(%dma_wait3A_480 : memref<320000x128xf32, #tpu.memory_space<hbm>>) dst(%arg7 : memref<128x128xf32, #tpu.memory_space<vmem>>)
      %gt3A_481 = arith.constant 0 : i32
      %gt3A_482 = arith.cmpi sgt, %scan3A_441, %gt3A_481 : i32
      %convert_element_type3A_483 = arith.extui %gt3A_482 : i1 to i32
      %cond3A_484 = arith.constant 0 : i32
      %cond3A_485 = arith.cmpi ne, %convert_element_type3A_483, %cond3A_484 : i32
      scf.if %cond3A_485 {
        %sub3A_579 = arith.constant 2 : i32
        %sub3A_580 = arith.subi %add3A_474, %sub3A_579 : i32
        %mul3A_581 = arith.constant 128 : i32
        %mul3A_582 = arith.muli %sub3A_580, %mul3A_581 : i32
        %dma_wait3A_583 = arith.constant 0 : i32
        %dma_wait3A_584 = tpu.memref_slice %arg4[%add3A, %dma_wait3A_583, %mul3A_582] : memref<32x128x4096xf32, #tpu.memory_space<hbm>> -> memref<1x128x128xf32, #tpu.memory_space<hbm>>
        %dma_wait3A_585 = tpu.memref_squeeze %dma_wait3A_584 : memref<1x128x128xf32, #tpu.memory_space<hbm>> -> memref<128x128xf32, #tpu.memory_space<hbm>>
        %dma_wait3A_586 = arith.constant 0 : i32
        %dma_wait3A_587 = tpu.memref_slice %arg4[%add3A, %dma_wait3A_586, %mul3A_582] : memref<32x128x4096xf32, #tpu.memory_space<hbm>> -> memref<1x128x128xf32, #tpu.memory_space<hbm>>
        %dma_wait3A_588 = tpu.memref_squeeze %dma_wait3A_587 : memref<1x128x128xf32, #tpu.memory_space<hbm>> -> memref<128x128xf32, #tpu.memory_space<hbm>>
        tpu.wait_dma2 semaphore(%arg17 : memref<!tpu.dma_semaphore, #tpu.memory_space<semaphore_mem>>) src(%arg11 : memref<128x128xf32, #tpu.memory_space<vmem>>) dst(%dma_wait3A_588 : memref<128x128xf32, #tpu.memory_space<hbm>>)
      } else {
      }
      %parallel_loop3A_486 = arith.constant 0 : i32
      %parallel_loop3A_487 = arith.constant 64 : i32
      %parallel_loop3A_488 = arith.constant 1 : i32
      scf.for %parallel_loop3A_579 = %parallel_loop3A_486 to %parallel_loop3A_487 step %parallel_loop3A_488  : i32 {
        %parallel_loop3A_580 = arith.constant 3 : i32
        %parallel_loop3A_581 = arith.shrsi %parallel_loop3A_579, %parallel_loop3A_580 : i32
        %parallel_loop3A_582 = arith.constant 4 : i32
        %parallel_loop3A_583 = arith.shli %parallel_loop3A_581, %parallel_loop3A_582 : i32
        %parallel_loop3A_584 = arith.constant 7 : i32
        %parallel_loop3A_585 = arith.andi %parallel_loop3A_579, %parallel_loop3A_584 : i32
        %parallel_loop3A_586 = arith.constant 4 : i32
        %parallel_loop3A_587 = arith.shli %parallel_loop3A_585, %parallel_loop3A_586 : i32
        %parallel_loop3A_588 = vector.broadcast %parallel_loop3A_583 : i32 to vector<16xi32>
        %parallel_loop3A_589 = arith.addi %parallel_loop3A_588, %iota3A : vector<16xi32>
        %parallel_loop3A_590 = vector.broadcast %parallel_loop3A_587 : i32 to vector<16xi32>
        %parallel_loop3A_591 = arith.addi %parallel_loop3A_590, %select_n3A_18 : vector<16xi32>
        %parallel_loop3A_592 = tpu.vector_load_idx %arg7[%parallel_loop3A_589, %parallel_loop3A_591] : memref<128x128xf32, #tpu.memory_space<vmem>>[vector<16xi32>, vector<16xi32>], vector<16xf32>,
        tpu.vector_store_idx %arg11[%parallel_loop3A_591, %parallel_loop3A_589], %parallel_loop3A_592 : memref<128x128xf32, #tpu.memory_space<vmem>>[vector<16xi32>, vector<16xi32>], vector<16xf32>,
        %parallel_loop3A_593 = vector.broadcast %parallel_loop3A_587 : i32 to vector<16xi32>
        %parallel_loop3A_594 = arith.addi %parallel_loop3A_593, %select_n3A_43 : vector<16xi32>
        %parallel_loop3A_595 = tpu.vector_load_idx %arg7[%parallel_loop3A_589, %parallel_loop3A_594] : memref<128x128xf32, #tpu.memory_space<vmem>>[vector<16xi32>, vector<16xi32>], vector<16xf32>,
        tpu.vector_store_idx %arg11[%parallel_loop3A_594, %parallel_loop3A_589], %parallel_loop3A_595 : memref<128x128xf32, #tpu.memory_space<vmem>>[vector<16xi32>, vector<16xi32>], vector<16xf32>,
        %parallel_loop3A_596 = vector.broadcast %parallel_loop3A_587 : i32 to vector<16xi32>
        %parallel_loop3A_597 = arith.addi %parallel_loop3A_596, %select_n3A_68 : vector<16xi32>
        %parallel_loop3A_598 = tpu.vector_load_idx %arg7[%parallel_loop3A_589, %parallel_loop3A_597] : memref<128x128xf32, #tpu.memory_space<vmem>>[vector<16xi32>, vector<16xi32>], vector<16xf32>,
        tpu.vector_store_idx %arg11[%parallel_loop3A_597, %parallel_loop3A_589], %parallel_loop3A_598 : memref<128x128xf32, #tpu.memory_space<vmem>>[vector<16xi32>, vector<16xi32>], vector<16xf32>,
        %parallel_loop3A_599 = vector.broadcast %parallel_loop3A_587 : i32 to vector<16xi32>
        %parallel_loop3A_600 = arith.addi %parallel_loop3A_599, %select_n3A_93 : vector<16xi32>
        %parallel_loop3A_601 = tpu.vector_load_idx %arg7[%parallel_loop3A_589, %parallel_loop3A_600] : memref<128x128xf32, #tpu.memory_space<vmem>>[vector<16xi32>, vector<16xi32>], vector<16xf32>,
        tpu.vector_store_idx %arg11[%parallel_loop3A_600, %parallel_loop3A_589], %parallel_loop3A_601 : memref<128x128xf32, #tpu.memory_space<vmem>>[vector<16xi32>, vector<16xi32>], vector<16xf32>,
        %parallel_loop3A_602 = vector.broadcast %parallel_loop3A_587 : i32 to vector<16xi32>
        %parallel_loop3A_603 = arith.addi %parallel_loop3A_602, %select_n3A_118 : vector<16xi32>
        %parallel_loop3A_604 = tpu.vector_load_idx %arg7[%parallel_loop3A_589, %parallel_loop3A_603] : memref<128x128xf32, #tpu.memory_space<vmem>>[vector<16xi32>, vector<16xi32>], vector<16xf32>,
        tpu.vector_store_idx %arg11[%parallel_loop3A_603, %parallel_loop3A_589], %parallel_loop3A_604 : memref<128x128xf32, #tpu.memory_space<vmem>>[vector<16xi32>, vector<16xi32>], vector<16xf32>,
        %parallel_loop3A_605 = vector.broadcast %parallel_loop3A_587 : i32 to vector<16xi32>
        %parallel_loop3A_606 = arith.addi %parallel_loop3A_605, %select_n3A_143 : vector<16xi32>
        %parallel_loop3A_607 = tpu.vector_load_idx %arg7[%parallel_loop3A_589, %parallel_loop3A_606] : memref<128x128xf32, #tpu.memory_space<vmem>>[vector<16xi32>, vector<16xi32>], vector<16xf32>,
        tpu.vector_store_idx %arg11[%parallel_loop3A_606, %parallel_loop3A_589], %parallel_loop3A_607 : memref<128x128xf32, #tpu.memory_space<vmem>>[vector<16xi32>, vector<16xi32>], vector<16xf32>,
        %parallel_loop3A_608 = vector.broadcast %parallel_loop3A_587 : i32 to vector<16xi32>
        %parallel_loop3A_609 = arith.addi %parallel_loop3A_608, %select_n3A_168 : vector<16xi32>
        %parallel_loop3A_610 = tpu.vector_load_idx %arg7[%parallel_loop3A_589, %parallel_loop3A_609] : memref<128x128xf32, #tpu.memory_space<vmem>>[vector<16xi32>, vector<16xi32>], vector<16xf32>,
        tpu.vector_store_idx %arg11[%parallel_loop3A_609, %parallel_loop3A_589], %parallel_loop3A_610 : memref<128x128xf32, #tpu.memory_space<vmem>>[vector<16xi32>, vector<16xi32>], vector<16xf32>,
        %parallel_loop3A_611 = vector.broadcast %parallel_loop3A_587 : i32 to vector<16xi32>
        %parallel_loop3A_612 = arith.addi %parallel_loop3A_611, %select_n3A_193 : vector<16xi32>
        %parallel_loop3A_613 = tpu.vector_load_idx %arg7[%parallel_loop3A_589, %parallel_loop3A_612] : memref<128x128xf32, #tpu.memory_space<vmem>>[vector<16xi32>, vector<16xi32>], vector<16xf32>,
        tpu.vector_store_idx %arg11[%parallel_loop3A_612, %parallel_loop3A_589], %parallel_loop3A_613 : memref<128x128xf32, #tpu.memory_space<vmem>>[vector<16xi32>, vector<16xi32>], vector<16xf32>,
        %parallel_loop3A_614 = vector.broadcast %parallel_loop3A_587 : i32 to vector<16xi32>
        %parallel_loop3A_615 = arith.addi %parallel_loop3A_614, %select_n3A_218 : vector<16xi32>
        %parallel_loop3A_616 = tpu.vector_load_idx %arg7[%parallel_loop3A_589, %parallel_loop3A_615] : memref<128x128xf32, #tpu.memory_space<vmem>>[vector<16xi32>, vector<16xi32>], vector<16xf32>,
        tpu.vector_store_idx %arg11[%parallel_loop3A_615, %parallel_loop3A_589], %parallel_loop3A_616 : memref<128x128xf32, #tpu.memory_space<vmem>>[vector<16xi32>, vector<16xi32>], vector<16xf32>,
        %parallel_loop3A_617 = vector.broadcast %parallel_loop3A_587 : i32 to vector<16xi32>
        %parallel_loop3A_618 = arith.addi %parallel_loop3A_617, %select_n3A_243 : vector<16xi32>
        %parallel_loop3A_619 = tpu.vector_load_idx %arg7[%parallel_loop3A_589, %parallel_loop3A_618] : memref<128x128xf32, #tpu.memory_space<vmem>>[vector<16xi32>, vector<16xi32>], vector<16xf32>,
        tpu.vector_store_idx %arg11[%parallel_loop3A_618, %parallel_loop3A_589], %parallel_loop3A_619 : memref<128x128xf32, #tpu.memory_space<vmem>>[vector<16xi32>, vector<16xi32>], vector<16xf32>,
        %parallel_loop3A_620 = vector.broadcast %parallel_loop3A_587 : i32 to vector<16xi32>
        %parallel_loop3A_621 = arith.addi %parallel_loop3A_620, %select_n3A_268 : vector<16xi32>
        %parallel_loop3A_622 = tpu.vector_load_idx %arg7[%parallel_loop3A_589, %parallel_loop3A_621] : memref<128x128xf32, #tpu.memory_space<vmem>>[vector<16xi32>, vector<16xi32>], vector<16xf32>,
        tpu.vector_store_idx %arg11[%parallel_loop3A_621, %parallel_loop3A_589], %parallel_loop3A_622 : memref<128x128xf32, #tpu.memory_space<vmem>>[vector<16xi32>, vector<16xi32>], vector<16xf32>,
        %parallel_loop3A_623 = vector.broadcast %parallel_loop3A_587 : i32 to vector<16xi32>
        %parallel_loop3A_624 = arith.addi %parallel_loop3A_623, %select_n3A_293 : vector<16xi32>
        %parallel_loop3A_625 = tpu.vector_load_idx %arg7[%parallel_loop3A_589, %parallel_loop3A_624] : memref<128x128xf32, #tpu.memory_space<vmem>>[vector<16xi32>, vector<16xi32>], vector<16xf32>,
        tpu.vector_store_idx %arg11[%parallel_loop3A_624, %parallel_loop3A_589], %parallel_loop3A_625 : memref<128x128xf32, #tpu.memory_space<vmem>>[vector<16xi32>, vector<16xi32>], vector<16xf32>,
        %parallel_loop3A_626 = vector.broadcast %parallel_loop3A_587 : i32 to vector<16xi32>
        %parallel_loop3A_627 = arith.addi %parallel_loop3A_626, %select_n3A_318 : vector<16xi32>
        %parallel_loop3A_628 = tpu.vector_load_idx %arg7[%parallel_loop3A_589, %parallel_loop3A_627] : memref<128x128xf32, #tpu.memory_space<vmem>>[vector<16xi32>, vector<16xi32>], vector<16xf32>,
        tpu.vector_store_idx %arg11[%parallel_loop3A_627, %parallel_loop3A_589], %parallel_loop3A_628 : memref<128x128xf32, #tpu.memory_space<vmem>>[vector<16xi32>, vector<16xi32>], vector<16xf32>,
        %parallel_loop3A_629 = vector.broadcast %parallel_loop3A_587 : i32 to vector<16xi32>
        %parallel_loop3A_630 = arith.addi %parallel_loop3A_629, %select_n3A_343 : vector<16xi32>
        %parallel_loop3A_631 = tpu.vector_load_idx %arg7[%parallel_loop3A_589, %parallel_loop3A_630] : memref<128x128xf32, #tpu.memory_space<vmem>>[vector<16xi32>, vector<16xi32>], vector<16xf32>,
        tpu.vector_store_idx %arg11[%parallel_loop3A_630, %parallel_loop3A_589], %parallel_loop3A_631 : memref<128x128xf32, #tpu.memory_space<vmem>>[vector<16xi32>, vector<16xi32>], vector<16xf32>,
        %parallel_loop3A_632 = vector.broadcast %parallel_loop3A_587 : i32 to vector<16xi32>
        %parallel_loop3A_633 = arith.addi %parallel_loop3A_632, %select_n3A_368 : vector<16xi32>
        %parallel_loop3A_634 = tpu.vector_load_idx %arg7[%parallel_loop3A_589, %parallel_loop3A_633] : memref<128x128xf32, #tpu.memory_space<vmem>>[vector<16xi32>, vector<16xi32>], vector<16xf32>,
        tpu.vector_store_idx %arg11[%parallel_loop3A_633, %parallel_loop3A_589], %parallel_loop3A_634 : memref<128x128xf32, #tpu.memory_space<vmem>>[vector<16xi32>, vector<16xi32>], vector<16xf32>,
        %parallel_loop3A_635 = vector.broadcast %parallel_loop3A_587 : i32 to vector<16xi32>
        %parallel_loop3A_636 = arith.addi %parallel_loop3A_635, %select_n3A_393 : vector<16xi32>
        %parallel_loop3A_637 = tpu.vector_load_idx %arg7[%parallel_loop3A_589, %parallel_loop3A_636] : memref<128x128xf32, #tpu.memory_space<vmem>>[vector<16xi32>, vector<16xi32>], vector<16xf32>,
        tpu.vector_store_idx %arg11[%parallel_loop3A_636, %parallel_loop3A_589], %parallel_loop3A_637 : memref<128x128xf32, #tpu.memory_space<vmem>>[vector<16xi32>, vector<16xi32>], vector<16xf32>,
      } {sc.loop_unroll_factor = 4 : i64, sc.parallel_access}
      %mul3A_489 = arith.constant 128 : i32
      %mul3A_490 = arith.muli %add3A_474, %mul3A_489 : i32
      %dma_start3A_491 = arith.constant 0 : i32
      %dma_start3A_492 = tpu.memref_slice %arg4[%add3A, %dma_start3A_491, %mul3A_490] : memref<32x128x4096xf32, #tpu.memory_space<hbm>> -> memref<1x128x128xf32, #tpu.memory_space<hbm>>
      %dma_start3A_493 = tpu.memref_squeeze %dma_start3A_492 : memref<1x128x128xf32, #tpu.memory_space<hbm>> -> memref<128x128xf32, #tpu.memory_space<hbm>>
      %dma_start3A_494 = arith.constant 0 : i32
      %dma_start3A_495 = tpu.memref_slice %arg4[%add3A, %dma_start3A_494, %mul3A_490] : memref<32x128x4096xf32, #tpu.memory_space<hbm>> -> memref<1x128x128xf32, #tpu.memory_space<hbm>>
      %dma_start3A_496 = tpu.memref_squeeze %dma_start3A_495 : memref<1x128x128xf32, #tpu.memory_space<hbm>> -> memref<128x128xf32, #tpu.memory_space<hbm>>
      tpu.enqueue_dma source(%arg11 : memref<128x128xf32, #tpu.memory_space<vmem>>) target(%dma_start3A_496 : memref<128x128xf32, #tpu.memory_space<hbm>>) target_semaphore(%arg17 : memref<!tpu.dma_semaphore, #tpu.memory_space<semaphore_mem>>)
      %add3A_497 = arith.constant 4 : i32
      %add3A_498 = arith.addi %add3A_474, %add3A_497 : i32
      %lt3A_499 = arith.constant 32 : i32
      %lt3A_500 = arith.cmpi slt, %add3A_498, %lt3A_499 : i32
      %convert_element_type3A_501 = arith.extui %lt3A_500 : i1 to i32
      %cond3A_502 = arith.constant 0 : i32
      %cond3A_503 = arith.cmpi ne, %convert_element_type3A_501, %cond3A_502 : i32
      scf.if %cond3A_503 {
        %add3A_579 = arith.constant 4 : i32
        %add3A_580 = arith.addi %add3A_474, %add3A_579 : i32
        %dma_start3A_581 = arith.constant 0 : i32
        %dma_start3A_582 = tpu.memref_slice %arg5[%add3A_580, %dma_start3A_581] : memref<32x128xi32, #tpu.memory_space<vmem>> -> memref<1x128xi32, #tpu.memory_space<vmem>>
        %dma_start3A_583 = tpu.memref_squeeze %dma_start3A_582 : memref<1x128xi32, #tpu.memory_space<vmem>> -> memref<128xi32, #tpu.memory_space<vmem>>
        %dma_start3A_584 = arith.constant 0 : i32
        %dma_start3A_585 = arith.constant 0 : i32
        %dma_start3A_586 = tpu.memref_slice %arg2[%dma_start3A_584, %dma_start3A_585] : memref<320000x128xf32, #tpu.memory_space<hbm>> -> memref<320000x128xf32, #tpu.memory_space<hbm>>
        tpu.enqueue_indirect_dma source(%dma_start3A_586 : memref<320000x128xf32, #tpu.memory_space<hbm>>) target(%arg7 : memref<128x128xf32, #tpu.memory_space<vmem>>) offsets(%dma_start3A_583 : memref<128xi32, #tpu.memory_space<vmem>>) semaphore(%arg13 : memref<!tpu.dma_semaphore, #tpu.memory_space<semaphore_mem>>)
      } else {
      }
      %mul3A_504 = arith.constant 4 : i32
      %mul3A_505 = arith.muli %mul3A_504, %scan3A_441 : i32
      %add3A_506 = arith.constant 2 : i32
      %add3A_507 = arith.addi %mul3A_505, %add3A_506 : i32
      %dma_wait3A_508 = arith.constant 0 : i32
      %dma_wait3A_509 = tpu.memref_slice %arg5[%add3A_507, %dma_wait3A_508] : memref<32x128xi32, #tpu.memory_space<vmem>> -> memref<1x128xi32, #tpu.memory_space<vmem>>
      %dma_wait3A_510 = tpu.memref_squeeze %dma_wait3A_509 : memref<1x128xi32, #tpu.memory_space<vmem>> -> memref<128xi32, #tpu.memory_space<vmem>>
      %dma_wait3A_511 = arith.constant 0 : i32
      %dma_wait3A_512 = arith.constant 0 : i32
      %dma_wait3A_513 = tpu.memref_slice %arg2[%dma_wait3A_511, %dma_wait3A_512] : memref<320000x128xf32, #tpu.memory_space<hbm>> -> memref<320000x128xf32, #tpu.memory_space<hbm>>
      tpu.wait_indirect_dma semaphore(%arg14 : memref<!tpu.dma_semaphore, #tpu.memory_space<semaphore_mem>>) src(%dma_wait3A_513 : memref<320000x128xf32, #tpu.memory_space<hbm>>) dst(%arg8 : memref<128x128xf32, #tpu.memory_space<vmem>>)
      %sub3A = arith.constant 2 : i32
      %sub3A_514 = arith.subi %add3A_507, %sub3A : i32
      %mul3A_515 = arith.constant 128 : i32
      %mul3A_516 = arith.muli %sub3A_514, %mul3A_515 : i32
      %dma_wait3A_517 = arith.constant 0 : i32
      %dma_wait3A_518 = tpu.memref_slice %arg4[%add3A, %dma_wait3A_517, %mul3A_516] : memref<32x128x4096xf32, #tpu.memory_space<hbm>> -> memref<1x128x128xf32, #tpu.memory_space<hbm>>
      %dma_wait3A_519 = tpu.memref_squeeze %dma_wait3A_518 : memref<1x128x128xf32, #tpu.memory_space<hbm>> -> memref<128x128xf32, #tpu.memory_space<hbm>>
      %dma_wait3A_520 = arith.constant 0 : i32
      %dma_wait3A_521 = tpu.memref_slice %arg4[%add3A, %dma_wait3A_520, %mul3A_516] : memref<32x128x4096xf32, #tpu.memory_space<hbm>> -> memref<1x128x128xf32, #tpu.memory_space<hbm>>
      %dma_wait3A_522 = tpu.memref_squeeze %dma_wait3A_521 : memref<1x128x128xf32, #tpu.memory_space<hbm>> -> memref<128x128xf32, #tpu.memory_space<hbm>>
      tpu.wait_dma2 semaphore(%arg16 : memref<!tpu.dma_semaphore, #tpu.memory_space<semaphore_mem>>) src(%arg10 : memref<128x128xf32, #tpu.memory_space<vmem>>) dst(%dma_wait3A_522 : memref<128x128xf32, #tpu.memory_space<hbm>>)
      %parallel_loop3A_523 = arith.constant 0 : i32
      %parallel_loop3A_524 = arith.constant 64 : i32
      %parallel_loop3A_525 = arith.constant 1 : i32
      scf.for %parallel_loop3A_579 = %parallel_loop3A_523 to %parallel_loop3A_524 step %parallel_loop3A_525  : i32 {
        %parallel_loop3A_580 = arith.constant 3 : i32
        %parallel_loop3A_581 = arith.shrsi %parallel_loop3A_579, %parallel_loop3A_580 : i32
        %parallel_loop3A_582 = arith.constant 4 : i32
        %parallel_loop3A_583 = arith.shli %parallel_loop3A_581, %parallel_loop3A_582 : i32
        %parallel_loop3A_584 = arith.constant 7 : i32
        %parallel_loop3A_585 = arith.andi %parallel_loop3A_579, %parallel_loop3A_584 : i32
        %parallel_loop3A_586 = arith.constant 4 : i32
        %parallel_loop3A_587 = arith.shli %parallel_loop3A_585, %parallel_loop3A_586 : i32
        %parallel_loop3A_588 = vector.broadcast %parallel_loop3A_583 : i32 to vector<16xi32>
        %parallel_loop3A_589 = arith.addi %parallel_loop3A_588, %iota3A : vector<16xi32>
        %parallel_loop3A_590 = vector.broadcast %parallel_loop3A_587 : i32 to vector<16xi32>
        %parallel_loop3A_591 = arith.addi %parallel_loop3A_590, %select_n3A_18 : vector<16xi32>
        %parallel_loop3A_592 = tpu.vector_load_idx %arg8[%parallel_loop3A_589, %parallel_loop3A_591] : memref<128x128xf32, #tpu.memory_space<vmem>>[vector<16xi32>, vector<16xi32>], vector<16xf32>,
        tpu.vector_store_idx %arg10[%parallel_loop3A_591, %parallel_loop3A_589], %parallel_loop3A_592 : memref<128x128xf32, #tpu.memory_space<vmem>>[vector<16xi32>, vector<16xi32>], vector<16xf32>,
        %parallel_loop3A_593 = vector.broadcast %parallel_loop3A_587 : i32 to vector<16xi32>
        %parallel_loop3A_594 = arith.addi %parallel_loop3A_593, %select_n3A_43 : vector<16xi32>
        %parallel_loop3A_595 = tpu.vector_load_idx %arg8[%parallel_loop3A_589, %parallel_loop3A_594] : memref<128x128xf32, #tpu.memory_space<vmem>>[vector<16xi32>, vector<16xi32>], vector<16xf32>,
        tpu.vector_store_idx %arg10[%parallel_loop3A_594, %parallel_loop3A_589], %parallel_loop3A_595 : memref<128x128xf32, #tpu.memory_space<vmem>>[vector<16xi32>, vector<16xi32>], vector<16xf32>,
        %parallel_loop3A_596 = vector.broadcast %parallel_loop3A_587 : i32 to vector<16xi32>
        %parallel_loop3A_597 = arith.addi %parallel_loop3A_596, %select_n3A_68 : vector<16xi32>
        %parallel_loop3A_598 = tpu.vector_load_idx %arg8[%parallel_loop3A_589, %parallel_loop3A_597] : memref<128x128xf32, #tpu.memory_space<vmem>>[vector<16xi32>, vector<16xi32>], vector<16xf32>,
        tpu.vector_store_idx %arg10[%parallel_loop3A_597, %parallel_loop3A_589], %parallel_loop3A_598 : memref<128x128xf32, #tpu.memory_space<vmem>>[vector<16xi32>, vector<16xi32>], vector<16xf32>,
        %parallel_loop3A_599 = vector.broadcast %parallel_loop3A_587 : i32 to vector<16xi32>
        %parallel_loop3A_600 = arith.addi %parallel_loop3A_599, %select_n3A_93 : vector<16xi32>
        %parallel_loop3A_601 = tpu.vector_load_idx %arg8[%parallel_loop3A_589, %parallel_loop3A_600] : memref<128x128xf32, #tpu.memory_space<vmem>>[vector<16xi32>, vector<16xi32>], vector<16xf32>,
        tpu.vector_store_idx %arg10[%parallel_loop3A_600, %parallel_loop3A_589], %parallel_loop3A_601 : memref<128x128xf32, #tpu.memory_space<vmem>>[vector<16xi32>, vector<16xi32>], vector<16xf32>,
        %parallel_loop3A_602 = vector.broadcast %parallel_loop3A_587 : i32 to vector<16xi32>
        %parallel_loop3A_603 = arith.addi %parallel_loop3A_602, %select_n3A_118 : vector<16xi32>
        %parallel_loop3A_604 = tpu.vector_load_idx %arg8[%parallel_loop3A_589, %parallel_loop3A_603] : memref<128x128xf32, #tpu.memory_space<vmem>>[vector<16xi32>, vector<16xi32>], vector<16xf32>,
        tpu.vector_store_idx %arg10[%parallel_loop3A_603, %parallel_loop3A_589], %parallel_loop3A_604 : memref<128x128xf32, #tpu.memory_space<vmem>>[vector<16xi32>, vector<16xi32>], vector<16xf32>,
        %parallel_loop3A_605 = vector.broadcast %parallel_loop3A_587 : i32 to vector<16xi32>
        %parallel_loop3A_606 = arith.addi %parallel_loop3A_605, %select_n3A_143 : vector<16xi32>
        %parallel_loop3A_607 = tpu.vector_load_idx %arg8[%parallel_loop3A_589, %parallel_loop3A_606] : memref<128x128xf32, #tpu.memory_space<vmem>>[vector<16xi32>, vector<16xi32>], vector<16xf32>,
        tpu.vector_store_idx %arg10[%parallel_loop3A_606, %parallel_loop3A_589], %parallel_loop3A_607 : memref<128x128xf32, #tpu.memory_space<vmem>>[vector<16xi32>, vector<16xi32>], vector<16xf32>,
        %parallel_loop3A_608 = vector.broadcast %parallel_loop3A_587 : i32 to vector<16xi32>
        %parallel_loop3A_609 = arith.addi %parallel_loop3A_608, %select_n3A_168 : vector<16xi32>
        %parallel_loop3A_610 = tpu.vector_load_idx %arg8[%parallel_loop3A_589, %parallel_loop3A_609] : memref<128x128xf32, #tpu.memory_space<vmem>>[vector<16xi32>, vector<16xi32>], vector<16xf32>,
        tpu.vector_store_idx %arg10[%parallel_loop3A_609, %parallel_loop3A_589], %parallel_loop3A_610 : memref<128x128xf32, #tpu.memory_space<vmem>>[vector<16xi32>, vector<16xi32>], vector<16xf32>,
        %parallel_loop3A_611 = vector.broadcast %parallel_loop3A_587 : i32 to vector<16xi32>
        %parallel_loop3A_612 = arith.addi %parallel_loop3A_611, %select_n3A_193 : vector<16xi32>
        %parallel_loop3A_613 = tpu.vector_load_idx %arg8[%parallel_loop3A_589, %parallel_loop3A_612] : memref<128x128xf32, #tpu.memory_space<vmem>>[vector<16xi32>, vector<16xi32>], vector<16xf32>,
        tpu.vector_store_idx %arg10[%parallel_loop3A_612, %parallel_loop3A_589], %parallel_loop3A_613 : memref<128x128xf32, #tpu.memory_space<vmem>>[vector<16xi32>, vector<16xi32>], vector<16xf32>,
        %parallel_loop3A_614 = vector.broadcast %parallel_loop3A_587 : i32 to vector<16xi32>
        %parallel_loop3A_615 = arith.addi %parallel_loop3A_614, %select_n3A_218 : vector<16xi32>
        %parallel_loop3A_616 = tpu.vector_load_idx %arg8[%parallel_loop3A_589, %parallel_loop3A_615] : memref<128x128xf32, #tpu.memory_space<vmem>>[vector<16xi32>, vector<16xi32>], vector<16xf32>,
        tpu.vector_store_idx %arg10[%parallel_loop3A_615, %parallel_loop3A_589], %parallel_loop3A_616 : memref<128x128xf32, #tpu.memory_space<vmem>>[vector<16xi32>, vector<16xi32>], vector<16xf32>,
        %parallel_loop3A_617 = vector.broadcast %parallel_loop3A_587 : i32 to vector<16xi32>
        %parallel_loop3A_618 = arith.addi %parallel_loop3A_617, %select_n3A_243 : vector<16xi32>
        %parallel_loop3A_619 = tpu.vector_load_idx %arg8[%parallel_loop3A_589, %parallel_loop3A_618] : memref<128x128xf32, #tpu.memory_space<vmem>>[vector<16xi32>, vector<16xi32>], vector<16xf32>,
        tpu.vector_store_idx %arg10[%parallel_loop3A_618, %parallel_loop3A_589], %parallel_loop3A_619 : memref<128x128xf32, #tpu.memory_space<vmem>>[vector<16xi32>, vector<16xi32>], vector<16xf32>,
        %parallel_loop3A_620 = vector.broadcast %parallel_loop3A_587 : i32 to vector<16xi32>
        %parallel_loop3A_621 = arith.addi %parallel_loop3A_620, %select_n3A_268 : vector<16xi32>
        %parallel_loop3A_622 = tpu.vector_load_idx %arg8[%parallel_loop3A_589, %parallel_loop3A_621] : memref<128x128xf32, #tpu.memory_space<vmem>>[vector<16xi32>, vector<16xi32>], vector<16xf32>,
        tpu.vector_store_idx %arg10[%parallel_loop3A_621, %parallel_loop3A_589], %parallel_loop3A_622 : memref<128x128xf32, #tpu.memory_space<vmem>>[vector<16xi32>, vector<16xi32>], vector<16xf32>,
        %parallel_loop3A_623 = vector.broadcast %parallel_loop3A_587 : i32 to vector<16xi32>
        %parallel_loop3A_624 = arith.addi %parallel_loop3A_623, %select_n3A_293 : vector<16xi32>
        %parallel_loop3A_625 = tpu.vector_load_idx %arg8[%parallel_loop3A_589, %parallel_loop3A_624] : memref<128x128xf32, #tpu.memory_space<vmem>>[vector<16xi32>, vector<16xi32>], vector<16xf32>,
        tpu.vector_store_idx %arg10[%parallel_loop3A_624, %parallel_loop3A_589], %parallel_loop3A_625 : memref<128x128xf32, #tpu.memory_space<vmem>>[vector<16xi32>, vector<16xi32>], vector<16xf32>,
        %parallel_loop3A_626 = vector.broadcast %parallel_loop3A_587 : i32 to vector<16xi32>
        %parallel_loop3A_627 = arith.addi %parallel_loop3A_626, %select_n3A_318 : vector<16xi32>
        %parallel_loop3A_628 = tpu.vector_load_idx %arg8[%parallel_loop3A_589, %parallel_loop3A_627] : memref<128x128xf32, #tpu.memory_space<vmem>>[vector<16xi32>, vector<16xi32>], vector<16xf32>,
        tpu.vector_store_idx %arg10[%parallel_loop3A_627, %parallel_loop3A_589], %parallel_loop3A_628 : memref<128x128xf32, #tpu.memory_space<vmem>>[vector<16xi32>, vector<16xi32>], vector<16xf32>,
        %parallel_loop3A_629 = vector.broadcast %parallel_loop3A_587 : i32 to vector<16xi32>
        %parallel_loop3A_630 = arith.addi %parallel_loop3A_629, %select_n3A_343 : vector<16xi32>
        %parallel_loop3A_631 = tpu.vector_load_idx %arg8[%parallel_loop3A_589, %parallel_loop3A_630] : memref<128x128xf32, #tpu.memory_space<vmem>>[vector<16xi32>, vector<16xi32>], vector<16xf32>,
        tpu.vector_store_idx %arg10[%parallel_loop3A_630, %parallel_loop3A_589], %parallel_loop3A_631 : memref<128x128xf32, #tpu.memory_space<vmem>>[vector<16xi32>, vector<16xi32>], vector<16xf32>,
        %parallel_loop3A_632 = vector.broadcast %parallel_loop3A_587 : i32 to vector<16xi32>
        %parallel_loop3A_633 = arith.addi %parallel_loop3A_632, %select_n3A_368 : vector<16xi32>
        %parallel_loop3A_634 = tpu.vector_load_idx %arg8[%parallel_loop3A_589, %parallel_loop3A_633] : memref<128x128xf32, #tpu.memory_space<vmem>>[vector<16xi32>, vector<16xi32>], vector<16xf32>,
        tpu.vector_store_idx %arg10[%parallel_loop3A_633, %parallel_loop3A_589], %parallel_loop3A_634 : memref<128x128xf32, #tpu.memory_space<vmem>>[vector<16xi32>, vector<16xi32>], vector<16xf32>,
        %parallel_loop3A_635 = vector.broadcast %parallel_loop3A_587 : i32 to vector<16xi32>
        %parallel_loop3A_636 = arith.addi %parallel_loop3A_635, %select_n3A_393 : vector<16xi32>
        %parallel_loop3A_637 = tpu.vector_load_idx %arg8[%parallel_loop3A_589, %parallel_loop3A_636] : memref<128x128xf32, #tpu.memory_space<vmem>>[vector<16xi32>, vector<16xi32>], vector<16xf32>,
        tpu.vector_store_idx %arg10[%parallel_loop3A_636, %parallel_loop3A_589], %parallel_loop3A_637 : memref<128x128xf32, #tpu.memory_space<vmem>>[vector<16xi32>, vector<16xi32>], vector<16xf32>,
      } {sc.loop_unroll_factor = 4 : i64, sc.parallel_access}
      %mul3A_526 = arith.constant 128 : i32
      %mul3A_527 = arith.muli %add3A_507, %mul3A_526 : i32
      %dma_start3A_528 = arith.constant 0 : i32
      %dma_start3A_529 = tpu.memref_slice %arg4[%add3A, %dma_start3A_528, %mul3A_527] : memref<32x128x4096xf32, #tpu.memory_space<hbm>> -> memref<1x128x128xf32, #tpu.memory_space<hbm>>
      %dma_start3A_530 = tpu.memref_squeeze %dma_start3A_529 : memref<1x128x128xf32, #tpu.memory_space<hbm>> -> memref<128x128xf32, #tpu.memory_space<hbm>>
      %dma_start3A_531 = arith.constant 0 : i32
      %dma_start3A_532 = tpu.memref_slice %arg4[%add3A, %dma_start3A_531, %mul3A_527] : memref<32x128x4096xf32, #tpu.memory_space<hbm>> -> memref<1x128x128xf32, #tpu.memory_space<hbm>>
      %dma_start3A_533 = tpu.memref_squeeze %dma_start3A_532 : memref<1x128x128xf32, #tpu.memory_space<hbm>> -> memref<128x128xf32, #tpu.memory_space<hbm>>
      tpu.enqueue_dma source(%arg10 : memref<128x128xf32, #tpu.memory_space<vmem>>) target(%dma_start3A_533 : memref<128x128xf32, #tpu.memory_space<hbm>>) target_semaphore(%arg16 : memref<!tpu.dma_semaphore, #tpu.memory_space<semaphore_mem>>)
      %add3A_534 = arith.constant 4 : i32
      %add3A_535 = arith.addi %add3A_507, %add3A_534 : i32
      %lt3A_536 = arith.constant 32 : i32
      %lt3A_537 = arith.cmpi slt, %add3A_535, %lt3A_536 : i32
      %convert_element_type3A_538 = arith.extui %lt3A_537 : i1 to i32
      %cond3A_539 = arith.constant 0 : i32
      %cond3A_540 = arith.cmpi ne, %convert_element_type3A_538, %cond3A_539 : i32
      scf.if %cond3A_540 {
        %add3A_579 = arith.constant 4 : i32
        %add3A_580 = arith.addi %add3A_507, %add3A_579 : i32
        %dma_start3A_581 = arith.constant 0 : i32
        %dma_start3A_582 = tpu.memref_slice %arg5[%add3A_580, %dma_start3A_581] : memref<32x128xi32, #tpu.memory_space<vmem>> -> memref<1x128xi32, #tpu.memory_space<vmem>>
        %dma_start3A_583 = tpu.memref_squeeze %dma_start3A_582 : memref<1x128xi32, #tpu.memory_space<vmem>> -> memref<128xi32, #tpu.memory_space<vmem>>
        %dma_start3A_584 = arith.constant 0 : i32
        %dma_start3A_585 = arith.constant 0 : i32
        %dma_start3A_586 = tpu.memref_slice %arg2[%dma_start3A_584, %dma_start3A_585] : memref<320000x128xf32, #tpu.memory_space<hbm>> -> memref<320000x128xf32, #tpu.memory_space<hbm>>
        tpu.enqueue_indirect_dma source(%dma_start3A_586 : memref<320000x128xf32, #tpu.memory_space<hbm>>) target(%arg8 : memref<128x128xf32, #tpu.memory_space<vmem>>) offsets(%dma_start3A_583 : memref<128xi32, #tpu.memory_space<vmem>>) semaphore(%arg14 : memref<!tpu.dma_semaphore, #tpu.memory_space<semaphore_mem>>)
      } else {
      }
      %mul3A_541 = arith.constant 4 : i32
      %mul3A_542 = arith.muli %mul3A_541, %scan3A_441 : i32
      %add3A_543 = arith.constant 3 : i32
      %add3A_544 = arith.addi %mul3A_542, %add3A_543 : i32
      %dma_wait3A_545 = arith.constant 0 : i32
      %dma_wait3A_546 = tpu.memref_slice %arg5[%add3A_544, %dma_wait3A_545] : memref<32x128xi32, #tpu.memory_space<vmem>> -> memref<1x128xi32, #tpu.memory_space<vmem>>
      %dma_wait3A_547 = tpu.memref_squeeze %dma_wait3A_546 : memref<1x128xi32, #tpu.memory_space<vmem>> -> memref<128xi32, #tpu.memory_space<vmem>>
      %dma_wait3A_548 = arith.constant 0 : i32
      %dma_wait3A_549 = arith.constant 0 : i32
      %dma_wait3A_550 = tpu.memref_slice %arg2[%dma_wait3A_548, %dma_wait3A_549] : memref<320000x128xf32, #tpu.memory_space<hbm>> -> memref<320000x128xf32, #tpu.memory_space<hbm>>
      tpu.wait_indirect_dma semaphore(%arg15 : memref<!tpu.dma_semaphore, #tpu.memory_space<semaphore_mem>>) src(%dma_wait3A_550 : memref<320000x128xf32, #tpu.memory_space<hbm>>) dst(%arg9 : memref<128x128xf32, #tpu.memory_space<vmem>>)
      %sub3A_551 = arith.constant 2 : i32
      %sub3A_552 = arith.subi %add3A_544, %sub3A_551 : i32
      %mul3A_553 = arith.constant 128 : i32
      %mul3A_554 = arith.muli %sub3A_552, %mul3A_553 : i32
      %dma_wait3A_555 = arith.constant 0 : i32
      %dma_wait3A_556 = tpu.memref_slice %arg4[%add3A, %dma_wait3A_555, %mul3A_554] : memref<32x128x4096xf32, #tpu.memory_space<hbm>> -> memref<1x128x128xf32, #tpu.memory_space<hbm>>
      %dma_wait3A_557 = tpu.memref_squeeze %dma_wait3A_556 : memref<1x128x128xf32, #tpu.memory_space<hbm>> -> memref<128x128xf32, #tpu.memory_space<hbm>>
      %dma_wait3A_558 = arith.constant 0 : i32
      %dma_wait3A_559 = tpu.memref_slice %arg4[%add3A, %dma_wait3A_558, %mul3A_554] : memref<32x128x4096xf32, #tpu.memory_space<hbm>> -> memref<1x128x128xf32, #tpu.memory_space<hbm>>
      %dma_wait3A_560 = tpu.memref_squeeze %dma_wait3A_559 : memref<1x128x128xf32, #tpu.memory_space<hbm>> -> memref<128x128xf32, #tpu.memory_space<hbm>>
      tpu.wait_dma2 semaphore(%arg17 : memref<!tpu.dma_semaphore, #tpu.memory_space<semaphore_mem>>) src(%arg11 : memref<128x128xf32, #tpu.memory_space<vmem>>) dst(%dma_wait3A_560 : memref<128x128xf32, #tpu.memory_space<hbm>>)
      %parallel_loop3A_561 = arith.constant 0 : i32
      %parallel_loop3A_562 = arith.constant 64 : i32
      %parallel_loop3A_563 = arith.constant 1 : i32
      scf.for %parallel_loop3A_579 = %parallel_loop3A_561 to %parallel_loop3A_562 step %parallel_loop3A_563  : i32 {
        %parallel_loop3A_580 = arith.constant 3 : i32
        %parallel_loop3A_581 = arith.shrsi %parallel_loop3A_579, %parallel_loop3A_580 : i32
        %parallel_loop3A_582 = arith.constant 4 : i32
        %parallel_loop3A_583 = arith.shli %parallel_loop3A_581, %parallel_loop3A_582 : i32
        %parallel_loop3A_584 = arith.constant 7 : i32
        %parallel_loop3A_585 = arith.andi %parallel_loop3A_579, %parallel_loop3A_584 : i32
        %parallel_loop3A_586 = arith.constant 4 : i32
        %parallel_loop3A_587 = arith.shli %parallel_loop3A_585, %parallel_loop3A_586 : i32
        %parallel_loop3A_588 = vector.broadcast %parallel_loop3A_583 : i32 to vector<16xi32>
        %parallel_loop3A_589 = arith.addi %parallel_loop3A_588, %iota3A : vector<16xi32>
        %parallel_loop3A_590 = vector.broadcast %parallel_loop3A_587 : i32 to vector<16xi32>
        %parallel_loop3A_591 = arith.addi %parallel_loop3A_590, %select_n3A_18 : vector<16xi32>
        %parallel_loop3A_592 = tpu.vector_load_idx %arg9[%parallel_loop3A_589, %parallel_loop3A_591] : memref<128x128xf32, #tpu.memory_space<vmem>>[vector<16xi32>, vector<16xi32>], vector<16xf32>,
        tpu.vector_store_idx %arg11[%parallel_loop3A_591, %parallel_loop3A_589], %parallel_loop3A_592 : memref<128x128xf32, #tpu.memory_space<vmem>>[vector<16xi32>, vector<16xi32>], vector<16xf32>,
        %parallel_loop3A_593 = vector.broadcast %parallel_loop3A_587 : i32 to vector<16xi32>
        %parallel_loop3A_594 = arith.addi %parallel_loop3A_593, %select_n3A_43 : vector<16xi32>
        %parallel_loop3A_595 = tpu.vector_load_idx %arg9[%parallel_loop3A_589, %parallel_loop3A_594] : memref<128x128xf32, #tpu.memory_space<vmem>>[vector<16xi32>, vector<16xi32>], vector<16xf32>,
        tpu.vector_store_idx %arg11[%parallel_loop3A_594, %parallel_loop3A_589], %parallel_loop3A_595 : memref<128x128xf32, #tpu.memory_space<vmem>>[vector<16xi32>, vector<16xi32>], vector<16xf32>,
        %parallel_loop3A_596 = vector.broadcast %parallel_loop3A_587 : i32 to vector<16xi32>
        %parallel_loop3A_597 = arith.addi %parallel_loop3A_596, %select_n3A_68 : vector<16xi32>
        %parallel_loop3A_598 = tpu.vector_load_idx %arg9[%parallel_loop3A_589, %parallel_loop3A_597] : memref<128x128xf32, #tpu.memory_space<vmem>>[vector<16xi32>, vector<16xi32>], vector<16xf32>,
        tpu.vector_store_idx %arg11[%parallel_loop3A_597, %parallel_loop3A_589], %parallel_loop3A_598 : memref<128x128xf32, #tpu.memory_space<vmem>>[vector<16xi32>, vector<16xi32>], vector<16xf32>,
        %parallel_loop3A_599 = vector.broadcast %parallel_loop3A_587 : i32 to vector<16xi32>
        %parallel_loop3A_600 = arith.addi %parallel_loop3A_599, %select_n3A_93 : vector<16xi32>
        %parallel_loop3A_601 = tpu.vector_load_idx %arg9[%parallel_loop3A_589, %parallel_loop3A_600] : memref<128x128xf32, #tpu.memory_space<vmem>>[vector<16xi32>, vector<16xi32>], vector<16xf32>,
        tpu.vector_store_idx %arg11[%parallel_loop3A_600, %parallel_loop3A_589], %parallel_loop3A_601 : memref<128x128xf32, #tpu.memory_space<vmem>>[vector<16xi32>, vector<16xi32>], vector<16xf32>,
        %parallel_loop3A_602 = vector.broadcast %parallel_loop3A_587 : i32 to vector<16xi32>
        %parallel_loop3A_603 = arith.addi %parallel_loop3A_602, %select_n3A_118 : vector<16xi32>
        %parallel_loop3A_604 = tpu.vector_load_idx %arg9[%parallel_loop3A_589, %parallel_loop3A_603] : memref<128x128xf32, #tpu.memory_space<vmem>>[vector<16xi32>, vector<16xi32>], vector<16xf32>,
        tpu.vector_store_idx %arg11[%parallel_loop3A_603, %parallel_loop3A_589], %parallel_loop3A_604 : memref<128x128xf32, #tpu.memory_space<vmem>>[vector<16xi32>, vector<16xi32>], vector<16xf32>,
        %parallel_loop3A_605 = vector.broadcast %parallel_loop3A_587 : i32 to vector<16xi32>
        %parallel_loop3A_606 = arith.addi %parallel_loop3A_605, %select_n3A_143 : vector<16xi32>
        %parallel_loop3A_607 = tpu.vector_load_idx %arg9[%parallel_loop3A_589, %parallel_loop3A_606] : memref<128x128xf32, #tpu.memory_space<vmem>>[vector<16xi32>, vector<16xi32>], vector<16xf32>,
        tpu.vector_store_idx %arg11[%parallel_loop3A_606, %parallel_loop3A_589], %parallel_loop3A_607 : memref<128x128xf32, #tpu.memory_space<vmem>>[vector<16xi32>, vector<16xi32>], vector<16xf32>,
        %parallel_loop3A_608 = vector.broadcast %parallel_loop3A_587 : i32 to vector<16xi32>
        %parallel_loop3A_609 = arith.addi %parallel_loop3A_608, %select_n3A_168 : vector<16xi32>
        %parallel_loop3A_610 = tpu.vector_load_idx %arg9[%parallel_loop3A_589, %parallel_loop3A_609] : memref<128x128xf32, #tpu.memory_space<vmem>>[vector<16xi32>, vector<16xi32>], vector<16xf32>,
        tpu.vector_store_idx %arg11[%parallel_loop3A_609, %parallel_loop3A_589], %parallel_loop3A_610 : memref<128x128xf32, #tpu.memory_space<vmem>>[vector<16xi32>, vector<16xi32>], vector<16xf32>,
        %parallel_loop3A_611 = vector.broadcast %parallel_loop3A_587 : i32 to vector<16xi32>
        %parallel_loop3A_612 = arith.addi %parallel_loop3A_611, %select_n3A_193 : vector<16xi32>
        %parallel_loop3A_613 = tpu.vector_load_idx %arg9[%parallel_loop3A_589, %parallel_loop3A_612] : memref<128x128xf32, #tpu.memory_space<vmem>>[vector<16xi32>, vector<16xi32>], vector<16xf32>,
        tpu.vector_store_idx %arg11[%parallel_loop3A_612, %parallel_loop3A_589], %parallel_loop3A_613 : memref<128x128xf32, #tpu.memory_space<vmem>>[vector<16xi32>, vector<16xi32>], vector<16xf32>,
        %parallel_loop3A_614 = vector.broadcast %parallel_loop3A_587 : i32 to vector<16xi32>
        %parallel_loop3A_615 = arith.addi %parallel_loop3A_614, %select_n3A_218 : vector<16xi32>
        %parallel_loop3A_616 = tpu.vector_load_idx %arg9[%parallel_loop3A_589, %parallel_loop3A_615] : memref<128x128xf32, #tpu.memory_space<vmem>>[vector<16xi32>, vector<16xi32>], vector<16xf32>,
        tpu.vector_store_idx %arg11[%parallel_loop3A_615, %parallel_loop3A_589], %parallel_loop3A_616 : memref<128x128xf32, #tpu.memory_space<vmem>>[vector<16xi32>, vector<16xi32>], vector<16xf32>,
        %parallel_loop3A_617 = vector.broadcast %parallel_loop3A_587 : i32 to vector<16xi32>
        %parallel_loop3A_618 = arith.addi %parallel_loop3A_617, %select_n3A_243 : vector<16xi32>
        %parallel_loop3A_619 = tpu.vector_load_idx %arg9[%parallel_loop3A_589, %parallel_loop3A_618] : memref<128x128xf32, #tpu.memory_space<vmem>>[vector<16xi32>, vector<16xi32>], vector<16xf32>,
        tpu.vector_store_idx %arg11[%parallel_loop3A_618, %parallel_loop3A_589], %parallel_loop3A_619 : memref<128x128xf32, #tpu.memory_space<vmem>>[vector<16xi32>, vector<16xi32>], vector<16xf32>,
        %parallel_loop3A_620 = vector.broadcast %parallel_loop3A_587 : i32 to vector<16xi32>
        %parallel_loop3A_621 = arith.addi %parallel_loop3A_620, %select_n3A_268 : vector<16xi32>
        %parallel_loop3A_622 = tpu.vector_load_idx %arg9[%parallel_loop3A_589, %parallel_loop3A_621] : memref<128x128xf32, #tpu.memory_space<vmem>>[vector<16xi32>, vector<16xi32>], vector<16xf32>,
        tpu.vector_store_idx %arg11[%parallel_loop3A_621, %parallel_loop3A_589], %parallel_loop3A_622 : memref<128x128xf32, #tpu.memory_space<vmem>>[vector<16xi32>, vector<16xi32>], vector<16xf32>,
        %parallel_loop3A_623 = vector.broadcast %parallel_loop3A_587 : i32 to vector<16xi32>
        %parallel_loop3A_624 = arith.addi %parallel_loop3A_623, %select_n3A_293 : vector<16xi32>
        %parallel_loop3A_625 = tpu.vector_load_idx %arg9[%parallel_loop3A_589, %parallel_loop3A_624] : memref<128x128xf32, #tpu.memory_space<vmem>>[vector<16xi32>, vector<16xi32>], vector<16xf32>,
        tpu.vector_store_idx %arg11[%parallel_loop3A_624, %parallel_loop3A_589], %parallel_loop3A_625 : memref<128x128xf32, #tpu.memory_space<vmem>>[vector<16xi32>, vector<16xi32>], vector<16xf32>,
        %parallel_loop3A_626 = vector.broadcast %parallel_loop3A_587 : i32 to vector<16xi32>
        %parallel_loop3A_627 = arith.addi %parallel_loop3A_626, %select_n3A_318 : vector<16xi32>
        %parallel_loop3A_628 = tpu.vector_load_idx %arg9[%parallel_loop3A_589, %parallel_loop3A_627] : memref<128x128xf32, #tpu.memory_space<vmem>>[vector<16xi32>, vector<16xi32>], vector<16xf32>,
        tpu.vector_store_idx %arg11[%parallel_loop3A_627, %parallel_loop3A_589], %parallel_loop3A_628 : memref<128x128xf32, #tpu.memory_space<vmem>>[vector<16xi32>, vector<16xi32>], vector<16xf32>,
        %parallel_loop3A_629 = vector.broadcast %parallel_loop3A_587 : i32 to vector<16xi32>
        %parallel_loop3A_630 = arith.addi %parallel_loop3A_629, %select_n3A_343 : vector<16xi32>
        %parallel_loop3A_631 = tpu.vector_load_idx %arg9[%parallel_loop3A_589, %parallel_loop3A_630] : memref<128x128xf32, #tpu.memory_space<vmem>>[vector<16xi32>, vector<16xi32>], vector<16xf32>,
        tpu.vector_store_idx %arg11[%parallel_loop3A_630, %parallel_loop3A_589], %parallel_loop3A_631 : memref<128x128xf32, #tpu.memory_space<vmem>>[vector<16xi32>, vector<16xi32>], vector<16xf32>,
        %parallel_loop3A_632 = vector.broadcast %parallel_loop3A_587 : i32 to vector<16xi32>
        %parallel_loop3A_633 = arith.addi %parallel_loop3A_632, %select_n3A_368 : vector<16xi32>
        %parallel_loop3A_634 = tpu.vector_load_idx %arg9[%parallel_loop3A_589, %parallel_loop3A_633] : memref<128x128xf32, #tpu.memory_space<vmem>>[vector<16xi32>, vector<16xi32>], vector<16xf32>,
        tpu.vector_store_idx %arg11[%parallel_loop3A_633, %parallel_loop3A_589], %parallel_loop3A_634 : memref<128x128xf32, #tpu.memory_space<vmem>>[vector<16xi32>, vector<16xi32>], vector<16xf32>,
        %parallel_loop3A_635 = vector.broadcast %parallel_loop3A_587 : i32 to vector<16xi32>
        %parallel_loop3A_636 = arith.addi %parallel_loop3A_635, %select_n3A_393 : vector<16xi32>
        %parallel_loop3A_637 = tpu.vector_load_idx %arg9[%parallel_loop3A_589, %parallel_loop3A_636] : memref<128x128xf32, #tpu.memory_space<vmem>>[vector<16xi32>, vector<16xi32>], vector<16xf32>,
        tpu.vector_store_idx %arg11[%parallel_loop3A_636, %parallel_loop3A_589], %parallel_loop3A_637 : memref<128x128xf32, #tpu.memory_space<vmem>>[vector<16xi32>, vector<16xi32>], vector<16xf32>,
      } {sc.loop_unroll_factor = 4 : i64, sc.parallel_access}
      %mul3A_564 = arith.constant 128 : i32
      %mul3A_565 = arith.muli %add3A_544, %mul3A_564 : i32
      %dma_start3A_566 = arith.constant 0 : i32
      %dma_start3A_567 = tpu.memref_slice %arg4[%add3A, %dma_start3A_566, %mul3A_565] : memref<32x128x4096xf32, #tpu.memory_space<hbm>> -> memref<1x128x128xf32, #tpu.memory_space<hbm>>
      %dma_start3A_568 = tpu.memref_squeeze %dma_start3A_567 : memref<1x128x128xf32, #tpu.memory_space<hbm>> -> memref<128x128xf32, #tpu.memory_space<hbm>>
      %dma_start3A_569 = arith.constant 0 : i32
      %dma_start3A_570 = tpu.memref_slice %arg4[%add3A, %dma_start3A_569, %mul3A_565] : memref<32x128x4096xf32, #tpu.memory_space<hbm>> -> memref<1x128x128xf32, #tpu.memory_space<hbm>>
      %dma_start3A_571 = tpu.memref_squeeze %dma_start3A_570 : memref<1x128x128xf32, #tpu.memory_space<hbm>> -> memref<128x128xf32, #tpu.memory_space<hbm>>
      tpu.enqueue_dma source(%arg11 : memref<128x128xf32, #tpu.memory_space<vmem>>) target(%dma_start3A_571 : memref<128x128xf32, #tpu.memory_space<hbm>>) target_semaphore(%arg17 : memref<!tpu.dma_semaphore, #tpu.memory_space<semaphore_mem>>)
      %add3A_572 = arith.constant 4 : i32
      %add3A_573 = arith.addi %add3A_544, %add3A_572 : i32
      %lt3A_574 = arith.constant 32 : i32
      %lt3A_575 = arith.cmpi slt, %add3A_573, %lt3A_574 : i32
      %convert_element_type3A_576 = arith.extui %lt3A_575 : i1 to i32
      %cond3A_577 = arith.constant 0 : i32
      %cond3A_578 = arith.cmpi ne, %convert_element_type3A_576, %cond3A_577 : i32
      scf.if %cond3A_578 {
        %add3A_579 = arith.constant 4 : i32
        %add3A_580 = arith.addi %add3A_544, %add3A_579 : i32
        %dma_start3A_581 = arith.constant 0 : i32
        %dma_start3A_582 = tpu.memref_slice %arg5[%add3A_580, %dma_start3A_581] : memref<32x128xi32, #tpu.memory_space<vmem>> -> memref<1x128xi32, #tpu.memory_space<vmem>>
        %dma_start3A_583 = tpu.memref_squeeze %dma_start3A_582 : memref<1x128xi32, #tpu.memory_space<vmem>> -> memref<128xi32, #tpu.memory_space<vmem>>
        %dma_start3A_584 = arith.constant 0 : i32
        %dma_start3A_585 = arith.constant 0 : i32
        %dma_start3A_586 = tpu.memref_slice %arg2[%dma_start3A_584, %dma_start3A_585] : memref<320000x128xf32, #tpu.memory_space<hbm>> -> memref<320000x128xf32, #tpu.memory_space<hbm>>
        tpu.enqueue_indirect_dma source(%dma_start3A_586 : memref<320000x128xf32, #tpu.memory_space<hbm>>) target(%arg9 : memref<128x128xf32, #tpu.memory_space<vmem>>) offsets(%dma_start3A_583 : memref<128xi32, #tpu.memory_space<vmem>>) semaphore(%arg15 : memref<!tpu.dma_semaphore, #tpu.memory_space<semaphore_mem>>)
      } else {
      }
    }
    %scan3A_425 = arith.constant 8 : i32
    %dma_wait3A = arith.constant 0 : i32
    %dma_wait3A_426 = arith.constant 3840 : i32
    %dma_wait3A_427 = tpu.memref_slice %arg4[%add3A, %dma_wait3A, %dma_wait3A_426] : memref<32x128x4096xf32, #tpu.memory_space<hbm>> -> memref<1x128x128xf32, #tpu.memory_space<hbm>>
    %dma_wait3A_428 = tpu.memref_squeeze %dma_wait3A_427 : memref<1x128x128xf32, #tpu.memory_space<hbm>> -> memref<128x128xf32, #tpu.memory_space<hbm>>
    %dma_wait3A_429 = arith.constant 0 : i32
    %dma_wait3A_430 = arith.constant 3840 : i32
    %dma_wait3A_431 = tpu.memref_slice %arg4[%add3A, %dma_wait3A_429, %dma_wait3A_430] : memref<32x128x4096xf32, #tpu.memory_space<hbm>> -> memref<1x128x128xf32, #tpu.memory_space<hbm>>
    %dma_wait3A_432 = tpu.memref_squeeze %dma_wait3A_431 : memref<1x128x128xf32, #tpu.memory_space<hbm>> -> memref<128x128xf32, #tpu.memory_space<hbm>>
    tpu.wait_dma2 semaphore(%arg16 : memref<!tpu.dma_semaphore, #tpu.memory_space<semaphore_mem>>) src(%arg10 : memref<128x128xf32, #tpu.memory_space<vmem>>) dst(%dma_wait3A_432 : memref<128x128xf32, #tpu.memory_space<hbm>>)
    %dma_wait3A_433 = arith.constant 0 : i32
    %dma_wait3A_434 = arith.constant 3968 : i32
    %dma_wait3A_435 = tpu.memref_slice %arg4[%add3A, %dma_wait3A_433, %dma_wait3A_434] : memref<32x128x4096xf32, #tpu.memory_space<hbm>> -> memref<1x128x128xf32, #tpu.memory_space<hbm>>
    %dma_wait3A_436 = tpu.memref_squeeze %dma_wait3A_435 : memref<1x128x128xf32, #tpu.memory_space<hbm>> -> memref<128x128xf32, #tpu.memory_space<hbm>>
    %dma_wait3A_437 = arith.constant 0 : i32
    %dma_wait3A_438 = arith.constant 3968 : i32
    %dma_wait3A_439 = tpu.memref_slice %arg4[%add3A, %dma_wait3A_437, %dma_wait3A_438] : memref<32x128x4096xf32, #tpu.memory_space<hbm>> -> memref<1x128x128xf32, #tpu.memory_space<hbm>>
    %dma_wait3A_440 = tpu.memref_squeeze %dma_wait3A_439 : memref<1x128x128xf32, #tpu.memory_space<hbm>> -> memref<128x128xf32, #tpu.memory_space<hbm>>
    tpu.wait_dma2 semaphore(%arg17 : memref<!tpu.dma_semaphore, #tpu.memory_space<semaphore_mem>>) src(%arg11 : memref<128x128xf32, #tpu.memory_space<vmem>>) dst(%dma_wait3A_440 : memref<128x128xf32, #tpu.memory_space<hbm>>)
    return
  }
}

</mosaic_0001>

<sc_bundles>
// kernel: kernel.3.cloned.1.call-start
scs
__scs_entry_jumppad:
0x0: {  	(pc) =	sbr.rel $0x88, $3  }
0x1: {  	(tag) =	ssettag $0x0;
	lr =	simm.s32 $0x1  }
0x2: {  	[smem:$0x3F9F] =	sst lr;
	_ =	strace $0xD0000000  }
0x3: {  	_ = 	snop  }
0x4: {  	_ = 	snop  }
0x5: {  	_ = 	snop  }
0x6: {  	_ = 	snop  }
0x7: {  	_ = 	snop  }
__scs_overlays_trampoline_lowered:
0x8: {  	[smem:$0x3FAE] =	sst s0  }
0x9: {  	[smem:$0x3FAF] =	sst s1  }
0xa: {  	[smem:$0x3FB0] =	sst s2  }
0xb: {  	[smem:$0x3FB1] =	sst s3  }
0xc: {  	[smem:$0x3FB2] =	sst s4  }
0xd: {  	[smem:$0x3FB3] =	sst s5  }
0xe: {  	[smem:$0x3FB4] =	sst s6  }
0xf: {  	[smem:$0x3FB5] =	sst s7  }
0x10: {  	[smem:$0x3FB6] =	sst s8  }
0x11: {  	[smem:$0x3FB7] =	sst s9;
	s0 =	simm.s32 @!p0 $0x0  }
0x12: {  	s1 =	sld [smem:$0x3F9D];
	s0 =	simm.s32 @p0 $0x1  }
0x13: {  	[smem:$0x3FB8] =	sst s0;
	s0 =	simm.s32 @!p1 $0x0  }
0x14: {  	s2 =	sld [smem:$0x3F9C];
	s0 =	simm.s32 @p1 $0x1  }
0x15: {  	[smem:$0x3FB9] =	sst s0;
	s0 =	simm.s32 @!p2 $0x0  }
0x16: {  	s3 =	sld [smem:$0x3FDB];
	s0 =	simm.s32 @p2 $0x1  }
0x17: {  	s4 =	simm.s32 $0x1BF5;
	[smem:$0x3FBB] =	sst s0  }
0x18: {  	s0 =	sld [smem:$0x3F9E];
	_ =	swait.ge [sflag:s4], $0x0  }
0x19: {  	s7 =	sld [smem:$0x3F9F]  }
0x1a: {  	s8 =	sadd.s32 $0xFFFFE003, lr  }
0x1b: {  	s9 =	sadd.s32 $0xFFFFFEF7, lr;
	s5 =	simm.s32 $0xFFFFFFFF;
	p2 =	slt.u32 s8, $0xFFFFF086  }
0x1c: {  	p1 =	slt.u32 s9, $0xF7A;
	s5 =	simm.s32 @!p2 $0x0  }
0x1d: {  	s5 =	simm.s32 @p1 $0x1;
	p0 =	seq.s32 s7, s2  }
0x1e: {  	s7 =	smul.u32 @!p0 $0xF7A, s2;
	p2 =	seq.s32 @!p0 s5, $0x0  }
0x1f: {  	s9 =	smul.u32 $0xF7A, s1;
	s8 =	simm.s32 @!p0 $0x1BF5;
	p2 =	por !p2, p0  }
0x20: {  	[sflag:s8] =	ssyncset.s32 @!p0 $0xFFFFF086;
	s6 =	sadd.s32 @!p0 s3, s7;
	s7 =	simm.s32 @!p0 $0x108  }
0x21: {  	s3 =	sadd.s32 s3, s9;
	s6 =	sadd.s32 @!p0 $0x88, s6;
	s7 =	simm.s32 @p2 $0x1082  }
0x22: {  	[simem:s7], [sflag:s8] =	dma.local @!p0 [hbm:s6], $0xF7A  }
0x23: {  	s9 =	sor.u32 $0xD0000000, s2;
	s6 =	simm.s32 $0x108;
	_ =	swait.ge @!p0 [sflag:s8], $0x0  }
0x24: {  	s3 =	sadd.s32 $0x88, s3;
	s6 =	simm.s32 @!p1 $0x1082;
	[sflag:s4] =	ssyncset.s32 $0xFFFFF086  }
0x25: {  	[simem:s6], [sflag:s4] =	dma.local [hbm:s3], $0xF7A  }
0x26: {  	[smem:$0x3F9F] =	sst s1;
	(tag) =	ssettag s2;
	_ =	strace s9  }
0x27: {  	s1 =	sld [smem:$0x3FAF]  }
0x28: {  	s2 =	sld [smem:$0x3FB0]  }
0x29: {  	s4 =	sld [smem:$0x3FB2]  }
0x2a: {  	p0 =	seq.s32 s5, $0x0;
	s5 =	sld [smem:$0x3FB3]  }
0x2b: {  	s6 =	sld [smem:$0x3FB4]  }
0x2c: {  	s7 =	sld [smem:$0x3FB5]  }
0x2d: {  	s3 =	simm.s32 $0x108;
	s8 =	sld [smem:$0x3FB6]  }
0x2e: {  	s3 =	simm.s32 @!p0 $0x1082;
	s9 =	sld [smem:$0x3FB7]  }
0x2f: {  	lr =	sadd.s32 s0, s3;
	s0 =	sld [smem:$0x3FAE]  }
0x30: {  	s3 =	sld [smem:$0x3FB1]  }
0x31: {  	[smem:$0x3FBA] =	sst s10  }
0x32: {  	s10 =	sld [smem:$0x3FB8];
	_ =	sdelay $0x3  }
0x33: {  	p0 =	seq.s32 s10, $0x1;
	s10 =	sld [smem:$0x3FBA];
	_ =	sdelay $0x3  }
0x34: {  	[smem:$0x3FBA] =	sst s10  }
0x35: {  	s10 =	sld [smem:$0x3FB9];
	_ =	sdelay $0x3  }
0x36: {  	p1 =	seq.s32 s10, $0x1;
	s10 =	sld [smem:$0x3FBA];
	_ =	sdelay $0x3  }
0x37: {  	[smem:$0x3FBA] =	sst s10  }
0x38: {  	s10 =	sld [smem:$0x3FBB]  }
0x39: {  	_ = 	snop;
	(pc) =	sbr.ind lr, $3  }
0x3a: {  	_ = 	snop  }
0x3b: {  	_ = 	snop  }
0x3c: {  	p2 =	seq.s32 s10, $0x1;
	s10 =	sld [smem:$0x3FBA]  }
0x3d: {  	_ =	shalt  }
0x3e: {  	_ =	shalt  }
0x3f: {  	_ =	shalt  }
0x40: {  	_ =	shalt  }
0x41: {  	_ =	shalt  }
0x42: {  	_ =	shalt  }
0x43: {  	_ =	shalt  }
0x44: {  	_ =	shalt  }
0x45: {  	_ =	shalt  }
0x46: {  	_ =	shalt  }
0x47: {  	_ =	shalt  }
0x48: {  	_ =	shalt  }
0x49: {  	_ =	shalt  }
0x4a: {  	_ =	shalt  }
0x4b: {  	_ =	shalt  }
0x4c: {  	_ =	shalt  }
0x4d: {  	_ =	shalt  }
0x4e: {  	_ =	shalt  }
0x4f: {  	_ =	shalt  }
0x50: {  	_ =	shalt  }
0x51: {  	_ =	shalt  }
0x52: {  	_ =	shalt  }
0x53: {  	_ =	shalt  }
0x54: {  	_ =	shalt  }
0x55: {  	_ =	shalt  }
0x56: {  	_ =	shalt  }
0x57: {  	_ =	shalt  }
0x58: {  	_ =	shalt  }
0x59: {  	_ =	shalt  }
0x5a: {  	_ =	shalt  }
0x5b: {  	_ =	shalt  }
0x5c: {  	_ =	shalt  }
0x5d: {  	_ =	shalt  }
0x5e: {  	_ =	shalt  }
0x5f: {  	_ =	shalt  }
0x60: {  	_ =	shalt  }
0x61: {  	_ =	shalt  }
0x62: {  	_ =	shalt  }
0x63: {  	_ =	shalt  }
0x64: {  	_ =	shalt  }
0x65: {  	_ =	shalt  }
0x66: {  	_ =	shalt  }
0x67: {  	_ =	shalt  }
0x68: {  	_ =	shalt  }
0x69: {  	_ =	shalt  }
0x6a: {  	_ =	shalt  }
0x6b: {  	_ =	shalt  }
0x6c: {  	_ =	shalt  }
0x6d: {  	_ =	shalt  }
0x6e: {  	_ =	shalt  }
0x6f: {  	_ =	shalt  }
0x70: {  	_ =	shalt  }
0x71: {  	_ =	shalt  }
0x72: {  	_ =	shalt  }
0x73: {  	_ =	shalt  }
0x74: {  	_ =	shalt  }
0x75: {  	_ =	shalt  }
0x76: {  	_ =	shalt  }
0x77: {  	_ =	shalt  }
0x78: {  	_ =	shalt  }
0x79: {  	_ =	shalt  }
0x7a: {  	_ =	shalt  }
0x7b: {  	_ =	shalt  }
0x7c: {  	_ =	shalt  }
0x7d: {  	_ =	shalt  }
0x7e: {  	_ =	shalt  }
0x7f: {  	_ =	shalt  }
0x80: {  	_ =	shalt  }
0x81: {  	_ =	shalt  }
0x82: {  	_ =	shalt  }
0x83: {  	_ =	shalt  }
0x84: {  	_ =	shalt  }
0x85: {  	_ =	shalt  }
0x86: {  	_ =	shalt  }
0x87: {  	_ =	shalt  }
.Lfunc_end0:
.L_simem_size_0:
called_computation_lowered:
.L_overlay_start_0:
0x88: {  	s2 =	sld [smem:$0x3FD9]  }
0x89: {  	s3 =	sld [smem:$0x3FFE];
	_ =	sdelay $0x1  }
0x8a: {  	s1 =	srdreg.scid  }
0x8b: {  	s0 =	sand.u32 $0x1, s1  }
0x8c: {  	s17 =	sshll.u32 s0, $0xA;
	s2 =	sadd.s32 s3, s2  }
0x8d: {  	s2 =	sadd.s32 s2, s17  }
0x8e: {  	[smem:$0x3FC6] =	sst s2  }
0x8f: {  	_ = 	snop  }
0x90: {  	s2 =	sld [smem:$0x3FC9]  }
0x91: {  	s18 =	sld [smem:$0x3FD0];
	(tm) =	ssettm $0x1  }
0x92: {  	s4 =	sld [smem:$0x3FFB];
	_ =	sdelay $0x3  }
0x93: {  	_ =	strace s4  }
0x94: {  	s4 =	sld [smem:$0x3FFC];
	_ =	sdelay $0x3  }
0x95: {  	_ =	strace s4  }
0x96: {  	s4 =	sld [smem:$0x3FFD];
	_ =	sdelay $0x3  }
0x97: {  	_ =	strace s4  }
0x98: {  	_ =	strace $0x8FFFFFFF  }
0x99: {  	s19 =	sld [smem:$0x3FDB];
	_ =	sdelay $0x1  }
0x9a: {  	s5 =	simm.s32 $_scs_section_size  }
0x9b: {  	s6 =	simm.s32 $_size__tile_overlayer_lowered;
	s7 =	simm.s32 $_tile_overlayer_lowered  }
0x9c: {  	s22 =	simm.s32 $0x1BFF;
	s21 =	sshll.u32 s7, $0x1;
	s4 =	sadd.s32 s5, s19  }
0x9d: {  	s8 =	simm.s32 $0x0;
	s20 =	sshll.u32 s6, $0x1;
	s6 =	sadd.s32 s21, s4  }
0x9e: {  	[timem:s8], [sflag:s22] =	dma.local [hbm:s6], s20  }
0x9f: {  	_ =	swait.ge [sflag:s22], s20  }
0xa0: {  	s5 =	ssub.s32 $0x0, s20;
	[sflag:s22] =	ssyncset.done $0x0  }
0xa1: {  	[sflag:s22] =	ssyncadd.s32 s5;
	_ =	sdelay $0x1  }
0xa2: {  	s23 =	simm.s32 $0x1B8B  }
0xa3: {  	_ =	swait.ge [sflag:s23], $0x1  }
0xa4: {  	[sflag:s23] =	ssyncset.done $0x0  }
0xa5: {  	s25 =	simm.s32 $0x1B8E;
	s24 =	sld [smem:$0x3FFE];
	[sflag:s23] =	ssyncadd.s32 $0xFFFFFFFF  }
0xa6: {  	s26 =	simm.s32 $execute0_lowered;
	[smem:$0x3FD2] =	sst s25  }
0xa7: {  	s6 =	sshll.u32 s26, $0x1;
	_ =	strace $0x80000046;
	[dreg:$0x1] =	wrdreg $0xFFFFFFFF  }
0xa8: {  	s28 =	simm.s32 $_size_execute0_lowered;
	s4 =	sadd.s32 s4, s6;
	[dreg:$0x0] =	wrdreg $0x0  }
0xa9: {  	s6 =	sshll.u32 s28, $0x1;
	[dreg:$0x2] =	wrdreg s4  }
0xaa: {  	[dreg:$0x3] =	wrdreg s6  }
0xab: {  	[dreg:$0x4] =	wrdreg $0xC0  }
0xac: {  	_ =	task [dreg:s8], $0x5FFFF  }
0xad: {  	[dreg:$0x1] =	wrdreg $0xFFFFFFFF  }
0xae: {  	[dreg:$0x0] =	wrdreg $0x60  }
0xaf: {  	[dreg:$0x2] =	wrdreg s2  }
0xb0: {  	[dreg:$0x3] =	wrdreg s18  }
0xb1: {  	[dreg:$0x4] =	wrdreg s24  }
0xb2: {  	[dreg:$0x5] =	wrdreg $0x9  }
0xb3: {  	_ =	task.clear_ibuf [dreg:s8], $0x6FFFF;
	_ =	strace $0x90000046  }
0xb4: {  	s29 =	simm.s32 $0x9;
	_ =	strace $0x80000048  }
0xb5: {  	_ =	swait.ge [sflag:s29], $0x1  }
0xb6: {  	[sflag:s29] =	ssyncadd.s32 $0xFFFFFFFF  }
0xb7: {  	_ =	strace $0x90000048  }
0xb8: {  	_ =	sfence  }
0xb9: {  	s30 =	sld [smem:$0x0];
	_ =	sdelay $0x2  }
0xba: {  	s31 =	sshll.u32 s1, $0xD;
	s1 =	sshrl.u32 s1, $0x2  }
0xbb: {  	s3 =	sand.u32 $0x4000, s31;
	s1 =	sadd.s32 s1, s30  }
0xbc: {  	s0 =	sor.u32 s3, s0;
	s1 =	sshll.u32 s1, $0x11  }
0xbd: {  	s0 =	sor.u32 s1, s0  }
0xbe: {  	s0 =	sadd.s32 $0x8F2B, s0  }
0xbf: {  	[sflag:s0] =	ssyncadd.remote.s32 $0x1  }
0xc0: {  	_ =	sfence.sel $0xFFFF  }
0xc1: {  	[dreg:$0x0] =	wrdreg $0xFFFFFFFF;
	(pc) =	sbr.abs _section_cstart, $3  }
0xc2: {  	[dreg:$0x1] =	wrdreg $0xFFFFFFFF  }
0xc3: {  	_ =	task.clear_ibuf [dreg:s8], $0x2FFFF;
	_ =	strace $0x9FFFFFFF  }
0xc4: {  	(tm) =	ssettm $0x7FFFFFFF  }
0xc5: {  	_ =	shalt  }
tec
execute0_lowered:
.L_overlay_start_1:
0x0: {  	(tag) =	ssettag $0x1  }
0x1: {  	v0 =	vimm.s32 $0xFEDCBA9  }
0x2: {  	v2 =	vimm.s32 $0x87654321;
	v3 =	vimm.s32 $0x98765432;
	v4 =	vimm.s32 $0x210FEDCB  }
0x3: {  	v5 =	vimm.s32 $0xA9876543;
	v15 =	vimm.s32 $0xCBA98765;
	v17 =	vimm.s32 $0x6543210F  }
0x4: {  	v18 =	vimm.s32 $0xEDCBA987;
	v19 =	vimm.s32 $0xFEDCBA98;
	v20 =	vimm.s32 $0x76543210  }
0x5: {  	v1 =	vunpack.c.l.s4.s8 v0;
	v0 =	vlaneseq.u32;
	v3 =	vunpack.c.l.s4.s8 v3  }
0x6: {  	v4 =	vunpack.c.l.s4.s8 v4;
	v17 =	vunpack.c.l.s4.s8 v17;
	v18 =	vunpack.c.l.s4.s8 v18  }
0x7: {  	v19 =	vunpack.c.l.s4.s8 v19;
	v7 =	vunpack.c.0.s8.s32 v1;
	v1 =	vunpack.c.l.s4.s8 v2  }
0x8: {  	v2 =	vimm.s32 $0x10FEDCBA;
	v10 =	vunpack.c.0.s8.s32 v3;
	v11 =	vunpack.c.0.s8.s32 v4  }
0x9: {  	v17 =	vunpack.c.0.s8.s32 v17;
	v18 =	vunpack.c.0.s8.s32 v18;
	v2 =	vunpack.c.l.s4.s8 v2  }
0xa: {  	v19 =	vunpack.c.0.s8.s32 v19;
	v8 =	vunpack.c.0.s8.s32 v1;
	v1 =	vunpack.c.l.s4.s8 v5  }
0xb: {  	v23 =	vcombine.low v18, v17;
	v9 =	vunpack.c.0.s8.s32 v2;
	v2 =	vimm.s32 $0x3210FEDC  }
0xc: {  	v19 =	vand.u32 $0xF, v19;
	v12 =	vunpack.c.0.s8.s32 v1;
	v1 =	vunpack.c.l.s4.s8 v2  }
0xd: {  	s0 =	rddreg [dreg:$0x0];
	v2 =	vimm.s32 $0xBA987654;
	v3 =	vcombine.low v8, v7;
	v63 =	vcombine.low v7, v8  }
0xe: {  	s1 =	rddreg [dreg:$0x1];
	v8 =	vand.u32 $0xF, v23;
	v4 =	vcombine.low v10, v9;
	v2 =	vunpack.c.l.s4.s8 v2  }
0xf: {  	s2 =	rddreg [dreg:$0x2];
	s4 =	simm.s32 $0x0;
	s3 =	srdreg.scid;
	v10 =	vcombine.low v9, v10;
	v5 =	vcombine.low v12, v11;
	v13 =	vunpack.c.0.s8.s32 v1  }
0x10: {  	s25 =	stileid.u32;
	s13 =	simm.s32 $0x1000;
	s14 =	simm.s32 $0x5000;
	v1 =	vimm.s32 $0x43210FED;
	v11 =	vcombine.low v11, v12;
	v14 =	vunpack.c.0.s8.s32 v2  }
0x11: {  	s16 =	simm.s32 $0x9000;
	s18 =	simm.s32 $0xD000;
	s19 =	simm.s32 $0x1;
	v6 =	vunpack.c.l.s4.s8 v1;
	v2 =	vand.u32 $0xF, v4;
	v4 =	vunpack.c.l.s4.s8 v15  }
0x12: {  	s20 =	simm.s32 $0x11000;
	s21 =	simm.s32 $0x400;
	s22 =	simm.s32 $0x8000;
	v9 =	vand.u32 $0xF, v63;
	v1 =	vand.u32 $0xF, v3;
	v10 =	vand.u32 $0xF, v10  }
0x13: {  	s23 =	simm.s32 $0x2;
	s24 =	simm.s32 $0x6;
	s28 =	simm.s32 $0x5;
	v3 =	vand.u32 $0xF, v5;
	v15 =	vunpack.c.0.s8.s32 v6;
	v16 =	vunpack.c.0.s8.s32 v4  }
0x14: {  	s29 =	simm.s32 $0x4;
	[smem:$0x7FF] =	sst s4;
	s3 =	sand.u32 $0x1, s3;
	v4 =	vimm.s32 $0x543210FE;
	v6 =	vimm.s32 $0xDCBA9876;
	v12 =	vcombine.low v13, v14  }
0x15: {  	s6 =	sshll.u32 s25, $0x1;
	s4 =	sadd.s32 $0x400, s2;
	s25 =	simm.s32 $0x15000;
	v11 =	vand.u32 $0xF, v11;
	v4 =	vunpack.c.l.s4.s8 v4;
	v6 =	vunpack.c.l.s4.s8 v6  }
0x16: {  	_ =	strace $0x80000047;
	s5 =	ssub.s32 $0x2, s3;
	s3 =	sor.u32 s3, s6;
	v5 =	vcombine.low v14, v13;
	v13 =	vcombine.low v15, v16;
	v12 =	vand.u32 $0xF, v12  }
.Ltmp0:
0x17: {  	s26 =	sshrl.u32 s5, $0x1;
	s6 =	sshll.u32 s3, $0x9;
	v21 =	vunpack.c.0.s8.s32 v4;
	v22 =	vunpack.c.0.s8.s32 v6;
	v6 =	vunpack.c.l.s4.s8 v20;
	(pc) =	sbr.rel .LBB2_1-.Ltmp0, $4  }
0x18: {  	s2 =	ssub.s32 s5, s26;
	s5 =	sshll.u32 s3, $0x13;
	s1 =	sadd.s32 s1, s6;
	v4 =	vand.u32 $0xF, v5;
	v5 =	vcombine.low v16, v15;
	v15 =	vcombine.low v17, v18  }
0x19: {  	s26 =	simm.s32 $0x3;
	[dreg:$0x4] =	wrdreg s1;
	s30 =	sor.u32 $0x400, s5;
	v6 =	vunpack.c.0.s8.s32 v6;
	v62 =	vcombine.low v22, v21;
	v14 =	vcombine.low v21, v22  }
0x1a: {  	s8 =	sor.u32 $0x800, s5;
	s31 =	smax.u32 s2, $0x1;
	[dreg:$0x5] =	wrdreg s30;
	v13 =	vand.u32 $0xF, v13;
	v5 =	vand.u32 $0xF, v5;
	v15 =	vand.u32 $0xF, v15  }
0x1b: {  	s9 =	sor.u32 $0xC00, s5;
	s2 =	simm.s32 $0x0;
	[dreg:$0x6] =	wrdreg s31;
	v6 =	vcombine.low v19, v6;
	v7 =	vand.u32 $0xF, v62;
	v14 =	vand.u32 $0xF, v14  }
.LBB2_16:
0x1c: {  	_ =	swait.ge [sflag:s28], $0x4000  }
0x1d: {  	[sflag:s28] =	ssyncset.done $0x0  }
0x1e: {  	[sflag:s28] =	ssyncadd.s32 $0xFFFFC000  }
0x1f: {  	_ =	swait.ge [sflag:s24], $0x4000  }
0x20: {  	s2 =	rddreg [dreg:$0x7]  }
0x21: {  	s1 =	rddreg [dreg:$0x6];
	s2 =	sadd.s32 $0x1, s2  }
0x22: {  	p0 =	sne.s32 s2, s1  }
.Ltmp1:
0x23: {  	_ = 	snop;
	(pc) =	sbr.rel @!p0 .LBB2_17-.Ltmp1, $3  }
0x24: {  	_ =	sdelay $0x1  }
0x25: {  	[sflag:s24] =	ssyncset.done $0x0  }
0x26: {  	[sflag:s24] =	ssyncadd.s32 $0xFFFFC000  }
.LBB2_1:
0x27: {  	[dreg:$0x7] =	wrdreg s2  }
0x28: {  	s1 =	simm.s32 $0x0;
	s11 =	rddreg [dreg:$0x4];
	s12 =	simm.s32 $0x7  }
0x29: {  	[tilespmem:s1], [sflag:$0x7] =	stream.linear.gather [hbm4b:s11+s1], $0x1000, $0x38;
	[tilespmem:$0x19000] =	vst v63  }
0x2a: {  	_ =	swait.ge [sflag:s12], $0x1000  }
0x2b: {  	[sflag:s12] =	ssyncset.done $0x0  }
0x2c: {  	s15 =	simm.s32 $0x80;
	[sflag:s12] =	ssyncadd.s32 $0xFFFFF000  }
0x2d: {  	[tilespmem:s13], [sflag:$0x1] =	stream.indirect.gather [hbm4b:s0+s15], $0x80, s1, s15, $0xb8;
	[tilespmem:$0x19000] =	vst v63  }
0x2e: {  	_ = 	snop  }
0x2f: {  	[tilespmem:s14], [sflag:$0x2] =	stream.indirect.gather [hbm4b:s0+s15], $0x80, s15, s15, $0xb8;
	[tilespmem:$0x19000] =	vst v63  }
0x30: {  	s17 =	simm.s32 $0x100  }
0x31: {  	[tilespmem:s16], [sflag:$0x3] =	stream.indirect.gather [hbm4b:s0+s15], $0x80, s17, s15, $0xb8;
	[tilespmem:$0x19000] =	vst v63  }
0x32: {  	s30 =	simm.s32 $0x180;
	s31 =	simm.s32 $0x0  }
0x33: {  	[tilespmem:s18], [sflag:$0x4] =	stream.indirect.gather [hbm4b:s0+s15], $0x80, s30, s15, $0xb8;
	[tilespmem:$0x19000] =	vst v63  }
.LBB2_2:
0x34: {  	s1 =	simm.s32 $0x0  }
0x35: {  	s3 =	sand.u32 $0x70, s1;
	s2 =	sand.u32 $0x40, s1  }
0x36: {  	v19 =	vor.u32 s3, v0;
	v17 =	vor.u32 s2, v0  }
0x37: {  	s1 =	sor.u32 $0x30, s2;
	s12 =	sor.u32 $0x10, s2;
	v22 =	vor.u32 s2, v1;
	v55 =	vor.u32 s2, v7;
	v45 =	vor.u32 s2, v9  }
0x38: {  	s6 =	sor.u32 $0x20, s2;
	v20 =	vshll.u32 v19, $0x7;
	v16 =	vor.u32 s1, v0;
	v23 =	vor.u32 s12, v0  }
0x39: {  	v24 =	vor.u32 s6, v0;
	v27 =	vor.u32 s1, v1;
	v29 =	vor.u32 s12, v1  }
0x3a: {  	v30 =	vor.u32 s6, v1;
	v50 =	vor.u32 s6, v4;
	v38 =	vor.u32 s12, v5  }
0x3b: {  	_ =	swait.ge [sflag:s19], $0x4000;
	v39 =	vor.u32 s6, v5;
	v53 =	vor.u32 s1, v5;
	v40 =	vor.u32 s6, v7  }
0x3c: {  	p0 =	seq.s32 s31, $0x0;
	[sflag:s19] =	ssyncset.done $0x0;
	v58 =	vor.u32 s1, v7;
	v18 =	vor.u32 v16, v20;
	v21 =	vor.u32 v17, v20  }
0x3d: {  	s7 =	simm.s32 @!p0 $0x5;
	[sflag:s19] =	ssyncadd.s32 $0xFFFFC000;
	v25 =	vor.u32 v23, v20;
	v26 =	vor.u32 v24, v20;
	v23 =	vshll.u32 v23, $0x7  }
0x3e: {  	_ =	swait.ge @!p0 [sflag:s7], $0x4000;
	v17 =	vshll.u32 v17, $0x7;
	v24 =	vshll.u32 v24, $0x7;
	v16 =	vshll.u32 v16, $0x7  }
0x3f: {  	[sflag:s7] =	ssyncset.done @!p0 $0x0;
	v28 =	vor.u32 v27, v20;
	v31 =	vor.u32 v22, v20;
	v32 =	vor.u32 v29, v20  }
0x40: {  	v29 =	vshll.u32 v29, $0x7;
	v33 =	vor.u32 v30, v20;
	v30 =	vshll.u32 v30, $0x7;
	[sflag:s7] =	ssyncadd.s32 @!p0 $0xFFFFC000  }
0x41: {  	v22 =	vshll.u32 v22, $0x7;
	v51 =	vshll.u32 v38, $0x7;
	v16 =	vor.u32 v19, v16;
	v18 =	vld.idx.msk [tilespmem:v18+s13+$0x0], $0xffff  }
0x42: {  	v52 =	vor.u32 v39, v20;
	v54 =	vor.u32 v53, v20;
	v17 =	vor.u32 v19, v17;
	v21 =	vld.idx.msk [tilespmem:v21+s13+$0x0], $0xffff  }
0x43: {  	v41 =	vor.u32 v55, v20;
	v43 =	vor.u32 v40, v20;
	v24 =	vor.u32 v19, v24;
	v26 =	vld.idx.msk [tilespmem:v26+s13+$0x0], $0xffff  }
0x44: {  	v57 =	vshll.u32 v53, $0x7;
	v60 =	vor.u32 v58, v20;
	v23 =	vor.u32 v19, v23;
	v25 =	vld.idx.msk [tilespmem:v25+s13+$0x0], $0xffff  }
0x45: {  	v53 =	vor.u32 s12, v9;
	v29 =	vor.u32 v19, v29;
	v22 =	vor.u32 v19, v22  }
0x46: {  	v30 =	vor.u32 v19, v30;
	[tilespmem:v16+s20+$0x0] =	vst.idx.msk $0xffff, v18;
	v16 =	vshll.u32 v27, $0x7;
	v18 =	vor.u32 s12, v2  }
0x47: {  	[tilespmem:v17+s20+$0x0] =	vst.idx.msk $0xffff, v21;
	v21 =	vor.u32 s1, v2;
	v27 =	vor.u32 s2, v2;
	v17 =	vld.idx.msk [tilespmem:v28+s13+$0x0], $0xffff;
	v16 =	vor.u32 v19, v16  }
0x48: {  	[tilespmem:v24+s20+$0x0] =	vst.idx.msk $0xffff, v26;
	v26 =	vor.u32 s12, v3;
	v28 =	vor.u32 s6, v2;
	v31 =	vld.idx.msk [tilespmem:v31+s13+$0x0], $0xffff;
	v34 =	vor.u32 v21, v20  }
0x49: {  	[tilespmem:v23+s20+$0x0] =	vst.idx.msk $0xffff, v25;
	v23 =	vshll.u32 v18, $0x7;
	v25 =	vor.u32 v27, v20;
	v18 =	vor.u32 v18, v20  }
0x4a: {  	v32 =	vld.idx.msk [tilespmem:v32+s13+$0x0], $0xffff;
	v27 =	vshll.u32 v27, $0x7;
	v47 =	vshll.u32 v26, $0x7;
	v26 =	vor.u32 v26, v20  }
0x4b: {  	v35 =	vshll.u32 v28, $0x7;
	v28 =	vor.u32 v28, v20;
	v24 =	vor.u32 v19, v27;
	v27 =	vld.idx.msk [tilespmem:v33+s13+$0x0], $0xffff  }
0x4c: {  	v23 =	vor.u32 v19, v23;
	v49 =	vor.u32 v19, v47;
	[tilespmem:v16+s20+$0x0] =	vst.idx.msk $0xffff, v17;
	v17 =	vshll.u32 v21, $0x7  }
0x4d: {  	v33 =	vor.u32 v19, v51;
	[tilespmem:v22+s20+$0x0] =	vst.idx.msk $0xffff, v31;
	v22 =	vld.idx.msk [tilespmem:v34+s13+$0x0], $0xffff;
	v17 =	vor.u32 v19, v17  }
0x4e: {  	v47 =	vor.u32 s6, v9;
	v46 =	vor.u32 v19, v35;
	v31 =	vor.u32 s1, v3;
	v25 =	vld.idx.msk [tilespmem:v25+s13+$0x0], $0xffff  }
0x4f: {  	v16 =	vor.u32 s2, v3;
	v21 =	vor.u32 s6, v3;
	[tilespmem:v29+s20+$0x0] =	vst.idx.msk $0xffff, v32;
	v36 =	vor.u32 v31, v20  }
0x50: {  	v48 =	vor.u32 v16, v20;
	v29 =	vshll.u32 v21, $0x7;
	v16 =	vshll.u32 v16, $0x7;
	[tilespmem:v30+s20+$0x0] =	vst.idx.msk $0xffff, v27;
	v18 =	vld.idx.msk [tilespmem:v18+s13+$0x0], $0xffff  }
0x51: {  	v21 =	vor.u32 v21, v20;
	v30 =	vor.u32 s12, v4;
	v34 =	vor.u32 v50, v20;
	v28 =	vld.idx.msk [tilespmem:v28+s13+$0x0], $0xffff  }
0x52: {  	v16 =	vor.u32 v19, v16;
	v27 =	vor.u32 v19, v29;
	v29 =	vor.u32 s2, v4;
	[tilespmem:v17+s20+$0x0] =	vst.idx.msk $0xffff, v22  }
0x53: {  	v17 =	vor.u32 v29, v20;
	v22 =	vshll.u32 v30, $0x7;
	[tilespmem:v24+s20+$0x0] =	vst.idx.msk $0xffff, v25;
	v24 =	vshll.u32 v31, $0x7  }
0x54: {  	v25 =	vshll.u32 v50, $0x7;
	v31 =	vor.u32 s1, v4;
	v36 =	vld.idx.msk [tilespmem:v36+s13+$0x0], $0xffff;
	v24 =	vor.u32 v19, v24  }
0x55: {  	v30 =	vor.u32 v30, v20;
	[tilespmem:v23+s20+$0x0] =	vst.idx.msk $0xffff, v18;
	v37 =	vor.u32 v31, v20;
	v35 =	vld.idx.msk [tilespmem:v48+s13+$0x0], $0xffff  }
0x56: {  	v29 =	vshll.u32 v29, $0x7;
	v18 =	vor.u32 s2, v5;
	v23 =	vor.u32 v38, v20;
	[tilespmem:v46+s20+$0x0] =	vst.idx.msk $0xffff, v28;
	v26 =	vld.idx.msk [tilespmem:v26+s13+$0x0], $0xffff  }
0x57: {  	v22 =	vor.u32 v19, v22;
	v29 =	vor.u32 v19, v29;
	v25 =	vor.u32 v19, v25;
	v21 =	vld.idx.msk [tilespmem:v21+s13+$0x0], $0xffff  }
0x58: {  	v28 =	vor.u32 v18, v20;
	v31 =	vshll.u32 v31, $0x7;
	v46 =	vor.u32 v53, v20  }
0x59: {  	v18 =	vshll.u32 v18, $0x7;
	v48 =	vor.u32 v47, v20;
	v31 =	vor.u32 v19, v31;
	[tilespmem:v24+s20+$0x0] =	vst.idx.msk $0xffff, v36  }
0x5a: {  	v56 =	vshll.u32 v40, $0x7;
	v18 =	vor.u32 v19, v18;
	v24 =	vshll.u32 v39, $0x7;
	[tilespmem:v16+s20+$0x0] =	vst.idx.msk $0xffff, v35;
	v36 =	vld.idx.msk [tilespmem:v37+s13+$0x0], $0xffff  }
0x5b: {  	v16 =	vor.u32 s12, v7;
	[tilespmem:v49+s20+$0x0] =	vst.idx.msk $0xffff, v26;
	v26 =	vshll.u32 v55, $0x7;
	v24 =	vor.u32 v19, v24;
	v17 =	vld.idx.msk [tilespmem:v17+s13+$0x0], $0xffff  }
0x5c: {  	v42 =	vor.u32 v16, v20;
	v16 =	vshll.u32 v16, $0x7;
	[tilespmem:v27+s20+$0x0] =	vst.idx.msk $0xffff, v21;
	v21 =	vor.u32 s12, v8;
	v30 =	vld.idx.msk [tilespmem:v30+s13+$0x0], $0xffff  }
0x5d: {  	v27 =	vor.u32 v19, v56;
	v26 =	vor.u32 v19, v26;
	v56 =	vshll.u32 v47, $0x7  }
0x5e: {  	v16 =	vor.u32 v19, v16;
	v34 =	vld.idx.msk [tilespmem:v34+s13+$0x0], $0xffff;
	v37 =	vor.u32 v21, v20;
	v21 =	vshll.u32 v21, $0x7  }
0x5f: {  	v32 =	vshll.u32 v58, $0x7;
	v47 =	vor.u32 v19, v56;
	v21 =	vor.u32 v19, v21;
	[tilespmem:v31+s20+$0x0] =	vst.idx.msk $0xffff, v36  }
0x60: {  	v58 =	vor.u32 s1, v6;
	[tilespmem:v29+s20+$0x0] =	vst.idx.msk $0xffff, v17;
	v17 =	vor.u32 s2, v8;
	v29 =	vor.u32 v19, v57;
	v59 =	vld.idx.msk [tilespmem:v54+s13+$0x0], $0xffff  }
0x61: {  	v31 =	vor.u32 s6, v8;
	[tilespmem:v22+s20+$0x0] =	vst.idx.msk $0xffff, v30;
	v22 =	vor.u32 s12, v6;
	v30 =	vor.u32 s6, v6;
	v28 =	vld.idx.msk [tilespmem:v28+s13+$0x0], $0xffff  }
0x62: {  	v36 =	vor.u32 v17, v20;
	v40 =	vor.u32 v31, v20;
	v31 =	vshll.u32 v31, $0x7;
	v23 =	vld.idx.msk [tilespmem:v23+s13+$0x0], $0xffff  }
0x63: {  	v17 =	vshll.u32 v17, $0x7;
	[tilespmem:v25+s20+$0x0] =	vst.idx.msk $0xffff, v34;
	v25 =	vor.u32 s2, v6;
	v34 =	vor.u32 v22, v20  }
0x64: {  	v44 =	vor.u32 v30, v20;
	v22 =	vshll.u32 v22, $0x7;
	v31 =	vor.u32 v19, v31;
	v61 =	vld.idx.msk [tilespmem:v52+s13+$0x0], $0xffff  }
0x65: {  	v54 =	vshll.u32 v53, $0x7;
	v17 =	vor.u32 v19, v17;
	v22 =	vor.u32 v19, v22;
	[tilespmem:v29+s20+$0x0] =	vst.idx.msk $0xffff, v59  }
0x66: {  	v29 =	vor.u32 v25, v20;
	[tilespmem:v18+s20+$0x0] =	vst.idx.msk $0xffff, v28;
	v28 =	vor.u32 v19, v32;
	v62 =	vld.idx.msk [tilespmem:v60+s13+$0x0], $0xffff  }
0x67: {  	v18 =	vshll.u32 v30, $0x7;
	v30 =	vor.u32 s1, v8;
	v25 =	vshll.u32 v25, $0x7;
	[tilespmem:v33+s20+$0x0] =	vst.idx.msk $0xffff, v23;
	v52 =	vld.idx.msk [tilespmem:v41+s13+$0x0], $0xffff  }
0x68: {  	v23 =	vor.u32 v45, v20;
	v33 =	vshll.u32 v58, $0x7;
	v63 =	vor.u32 v30, v20;
	v55 =	vld.idx.msk [tilespmem:v42+s13+$0x0], $0xffff  }
0x69: {  	v25 =	vor.u32 v19, v25;
	v18 =	vor.u32 v19, v18;
	[tilespmem:v24+s20+$0x0] =	vst.idx.msk $0xffff, v61;
	v24 =	vshll.u32 v45, $0x7  }
0x6a: {  	v45 =	vor.u32 v19, v54;
	v30 =	vshll.u32 v30, $0x7;
	v61 =	vor.u32 v58, v20;
	v57 =	vld.idx.msk [tilespmem:v43+s13+$0x0], $0xffff  }
0x6b: {  	v60 =	vor.u32 s2, v10;
	v33 =	vor.u32 v19, v33;
	v30 =	vor.u32 v19, v30;
	[tilespmem:v28+s20+$0x0] =	vst.idx.msk $0xffff, v62  }
0x6c: {  	v24 =	vor.u32 v19, v24;
	v49 =	vor.u32 v60, v20;
	v28 =	vor.u32 s12, v10;
	[tilespmem:v26+s20+$0x0] =	vst.idx.msk $0xffff, v52  }
0x6d: {  	v26 =	vor.u32 s6, v10;
	[tilespmem:v16+s20+$0x0] =	vst.idx.msk $0xffff, v55;
	v16 =	vshll.u32 v60, $0x7;
	v60 =	vor.u32 s1, v9  }
0x6e: {  	v59 =	vld.idx.msk [tilespmem:v63+s13+$0x0], $0xffff;
	v50 =	vor.u32 v28, v20;
	v28 =	vshll.u32 v28, $0x7;
	v51 =	vor.u32 v26, v20  }
0x6f: {  	v36 =	vld.idx.msk [tilespmem:v36+s13+$0x0], $0xffff;
	v26 =	vshll.u32 v26, $0x7;
	v16 =	vor.u32 v19, v16;
	[tilespmem:v27+s20+$0x0] =	vst.idx.msk $0xffff, v57;
	v27 =	vor.u32 s12, v11  }
0x70: {  	v62 =	vld.idx.msk [tilespmem:v37+s13+$0x0], $0xffff;
	v52 =	vor.u32 v19, v28;
	v53 =	vor.u32 v19, v26;
	v26 =	vor.u32 s2, v11  }
0x71: {  	v28 =	vor.u32 s6, v11;
	v54 =	vor.u32 v26, v20;
	v26 =	vshll.u32 v26, $0x7  }
0x72: {  	v63 =	vld.idx.msk [tilespmem:v40+s13+$0x0], $0xffff;
	v55 =	vor.u32 v27, v20;
	v58 =	vor.u32 v19, v26;
	v26 =	vor.u32 s6, v12  }
0x73: {  	v56 =	vor.u32 v28, v20;
	v41 =	vor.u32 v26, v20;
	v26 =	vshll.u32 v26, $0x7;
	[tilespmem:v30+s20+$0x0] =	vst.idx.msk $0xffff, v59  }
0x74: {  	v30 =	vshll.u32 v27, $0x7;
	[tilespmem:v17+s20+$0x0] =	vst.idx.msk $0xffff, v36;
	v17 =	vshll.u32 v28, $0x7;
	v27 =	vor.u32 v60, v20;
	v61 =	vld.idx.msk [tilespmem:v61+s13+$0x0], $0xffff  }
0x75: {  	[tilespmem:v21+s20+$0x0] =	vst.idx.msk $0xffff, v62;
	v21 =	vor.u32 s2, v12;
	v35 =	vor.u32 v19, v26;
	v26 =	vor.u32 s2, v13;
	v28 =	vld.idx.msk [tilespmem:v29+s13+$0x0], $0xffff  }
0x76: {  	v62 =	vor.u32 s6, v13;
	v57 =	vor.u32 v19, v30;
	v43 =	vor.u32 v19, v17  }
0x77: {  	v17 =	vor.u32 s12, v12;
	v29 =	vld.idx.msk [tilespmem:v34+s13+$0x0], $0xffff;
	v59 =	vor.u32 v21, v20;
	v39 =	vor.u32 v26, v20  }
0x78: {  	[tilespmem:v31+s20+$0x0] =	vst.idx.msk $0xffff, v63;
	v36 =	vor.u32 v62, v20;
	v42 =	vor.u32 v17, v20;
	v17 =	vshll.u32 v17, $0x7  }
0x79: {  	v21 =	vshll.u32 v21, $0x7;
	v30 =	vld.idx.msk [tilespmem:v44+s13+$0x0], $0xffff;
	v38 =	vor.u32 v19, v17;
	v17 =	vshll.u32 v60, $0x7;
	[tilespmem:v33+s20+$0x0] =	vst.idx.msk $0xffff, v61  }
0x7a: {  	v26 =	vshll.u32 v26, $0x7;
	v17 =	vor.u32 v19, v17;
	[tilespmem:v25+s20+$0x0] =	vst.idx.msk $0xffff, v28;
	v28 =	vor.u32 s1, v10;
	v27 =	vld.idx.msk [tilespmem:v27+s13+$0x0], $0xffff  }
0x7b: {  	v63 =	vor.u32 s1, v11;
	v40 =	vor.u32 v19, v21;
	v21 =	vor.u32 v28, v20;
	v23 =	vld.idx.msk [tilespmem:v23+s13+$0x0], $0xffff  }
0x7c: {  	v34 =	vor.u32 v19, v26;
	v44 =	vshll.u32 v63, $0x7;
	v25 =	vor.u32 s12, v13  }
0x7d: {  	v44 =	vor.u32 v19, v44;
	[tilespmem:v22+s20+$0x0] =	vst.idx.msk $0xffff, v29;
	v37 =	vor.u32 v25, v20;
	v22 =	vshll.u32 v25, $0x7  }
0x7e: {  	v25 =	vld.idx.msk [tilespmem:v46+s13+$0x0], $0xffff;
	[tilespmem:v18+s20+$0x0] =	vst.idx.msk $0xffff, v30;
	v31 =	vor.u32 v19, v22;
	v22 =	vshll.u32 v62, $0x7  }
0x7f: {  	v26 =	vshll.u32 v28, $0x7;
	v32 =	vor.u32 v19, v22;
	[tilespmem:v17+s20+$0x0] =	vst.idx.msk $0xffff, v27;
	v27 =	vld.idx.msk [tilespmem:v48+s13+$0x0], $0xffff  }
0x80: {  	v61 =	vor.u32 s6, v15;
	v22 =	vor.u32 s6, v14;
	[tilespmem:v24+s20+$0x0] =	vst.idx.msk $0xffff, v23;
	v24 =	vor.u32 v19, v26;
	v21 =	vld.idx.msk [tilespmem:v21+s13+$0x0], $0xffff  }
0x81: {  	v18 =	vor.u32 s12, v14;
	v28 =	vor.u32 v22, v20;
	v22 =	vshll.u32 v22, $0x7  }
0x82: {  	v29 =	vor.u32 v18, v20;
	v22 =	vor.u32 v19, v22;
	v17 =	vor.u32 s2, v14  }
0x83: {  	v23 =	vshll.u32 v18, $0x7;
	v18 =	vor.u32 v63, v20;
	[tilespmem:v45+s20+$0x0] =	vst.idx.msk $0xffff, v25;
	v33 =	vor.u32 v17, v20  }
0x84: {  	v46 =	vor.u32 s1, v12;
	v60 =	vld.idx.msk [tilespmem:v49+s13+$0x0], $0xffff;
	v17 =	vshll.u32 v17, $0x7;
	v26 =	vor.u32 v19, v23;
	[tilespmem:v47+s20+$0x0] =	vst.idx.msk $0xffff, v27  }
0x85: {  	s15 =	simm.s32 $0x40;
	v23 =	vor.u32 s12, v15;
	v49 =	vor.u32 v46, v20;
	[tilespmem:v24+s20+$0x0] =	vst.idx.msk $0xffff, v21;
	v21 =	vor.u32 v61, v20  }
0x86: {  	v45 =	vld.idx.msk [tilespmem:v50+s13+$0x0], $0xffff;
	v46 =	vshll.u32 v46, $0x7;
	v30 =	vor.u32 v19, v17;
	v17 =	vor.u32 s2, v15;
	s2 =	sand.u32 $0x40, s15;
	[tilespmem:$0x1FFF0] =	vst v21  }
0x87: {  	v25 =	vor.u32 v23, v20;
	v23 =	vshll.u32 v23, $0x7;
	v46 =	vor.u32 v19, v46;
	s10 =	sor.u32 $0x20, s2;
	v47 =	vld.idx.msk [tilespmem:v51+s13+$0x0], $0xffff  }
0x88: {  	s17 =	simm.s32 $0x8;
	v23 =	vor.u32 v19, v23;
	v24 =	vshll.u32 v61, $0x7;
	v61 =	vor.u32 s10, v0;
	v48 =	vld.idx.msk [tilespmem:v18+s13+$0x0], $0xffff  }
0x89: {  	s3 =	sand.u32 $0x70, s17;
	v27 =	vor.u32 v17, v20;
	v17 =	vshll.u32 v17, $0x7;
	v63 =	vshll.u32 v61, $0x7;
	[tilespmem:v16+s20+$0x0] =	vst.idx.msk $0xffff, v60  }
0x8a: {  	s30 =	sor.u32 $0x10, s2;
	v16 =	vor.u32 v19, v24;
	v24 =	vor.u32 v19, v17;
	v17 =	vor.u32 s3, v0;
	v50 =	vld.idx.msk [tilespmem:v54+s13+$0x0], $0xffff  }
0x8b: {  	v51 =	vor.u32 s2, v0;
	[tilespmem:v52+s20+$0x0] =	vst.idx.msk $0xffff, v45;
	s3 =	sor.u32 $0x30, s2;
	v52 =	vor.u32 s30, v0;
	v18 =	vshll.u32 v17, $0x7  }
0x8c: {  	v54 =	vld.idx.msk [tilespmem:v55+s13+$0x0], $0xffff;
	v55 =	vor.u32 s3, v0;
	v60 =	vor.u32 v51, v18;
	v51 =	vshll.u32 v51, $0x7;
	[tilespmem:v53+s20+$0x0] =	vst.idx.msk $0xffff, v47  }
0x8d: {  	v62 =	vshll.u32 v52, $0x7;
	v51 =	vor.u32 v17, v51;
	v47 =	vor.u32 v55, v18;
	[tilespmem:v44+s20+$0x0] =	vst.idx.msk $0xffff, v48  }
0x8e: {  	v53 =	vor.u32 v52, v18;
	v44 =	vor.u32 v61, v18;
	v48 =	vor.u32 v17, v62;
	v49 =	vld.idx.msk [tilespmem:v49+s13+$0x0], $0xffff  }
0x8f: {  	v45 =	vor.u32 s2, v1;
	v52 =	vor.u32 v17, v63;
	v61 =	vor.u32 s30, v1;
	[tilespmem:v58+s20+$0x0] =	vst.idx.msk $0xffff, v50;
	v56 =	vld.idx.msk [tilespmem:v56+s13+$0x0], $0xffff  }
0x90: {  	v55 =	vshll.u32 v55, $0x7;
	v62 =	vor.u32 v45, v18;
	v50 =	vor.u32 s1, v13;
	v59 =	vld.idx.msk [tilespmem:v59+s13+$0x0], $0xffff  }
0x91: {  	v45 =	vshll.u32 v45, $0x7;
	[tilespmem:v57+s20+$0x0] =	vst.idx.msk $0xffff, v54;
	v54 =	vor.u32 s10, v1;
	v58 =	vor.u32 v50, v20;
	v60 =	vld.idx.msk [tilespmem:v60+s13+$0x0], $0xffff  }
0x92: {  	v55 =	vor.u32 v17, v55;
	v57 =	vor.u32 s3, v1;
	v63 =	vor.u32 v61, v18;
	v42 =	vld.idx.msk [tilespmem:v42+s13+$0x0], $0xffff  }
0x93: {  	v61 =	vshll.u32 v61, $0x7;
	v45 =	vor.u32 v17, v45;
	v50 =	vshll.u32 v50, $0x7;
	v47 =	vld.idx.msk [tilespmem:v47+s13+$0x0], $0xffff  }
0x94: {  	v21 =	vor.u32 v57, v18;
	v50 =	vor.u32 v19, v50;
	v53 =	vld.idx.msk [tilespmem:v53+s13+$0x0], $0xffff;
	[tilespmem:v46+s20+$0x0] =	vst.idx.msk $0xffff, v49  }
0x95: {  	v44 =	vld.idx.msk [tilespmem:v44+s13+$0x0], $0xffff;
	v49 =	vor.u32 v54, v18;
	[tilespmem:v43+s20+$0x0] =	vst.idx.msk $0xffff, v56;
	v54 =	vshll.u32 v54, $0x7;
	v56 =	vor.u32 s1, v14  }
0x96: {  	v46 =	vor.u32 v17, v61;
	v43 =	vld.idx.msk [tilespmem:v58+s13+$0x0], $0xffff;
	v58 =	vor.u32 v56, v20;
	[tilespmem:v51+s20+$0x0] =	vst.idx.msk $0xffff, v60  }
0x97: {  	v61 =	vor.u32 s30, v2;
	v54 =	vor.u32 v17, v54;
	v41 =	vld.idx.msk [tilespmem:v41+s13+$0x0], $0xffff;
	[tilespmem:v38+s20+$0x0] =	vst.idx.msk $0xffff, v42;
	v42 =	vor.u32 s2, v5  }
0x98: {  	v60 =	vshll.u32 v57, $0x7;
	[tilespmem:v40+s20+$0x0] =	vst.idx.msk $0xffff, v59;
	v57 =	vld.idx.msk [tilespmem:v62+s13+$0x0], $0xffff;
	v59 =	vor.u32 v42, v18;
	v42 =	vshll.u32 v42, $0x7  }
0x99: {  	v51 =	vor.u32 s10, v2;
	v56 =	vshll.u32 v56, $0x7;
	v39 =	vld.idx.msk [tilespmem:v39+s13+$0x0], $0xffff;
	v42 =	vor.u32 v17, v42;
	[tilespmem:v55+s20+$0x0] =	vst.idx.msk $0xffff, v47  }
0x9a: {  	v37 =	vld.idx.msk [tilespmem:v37+s13+$0x0], $0xffff;
	v47 =	vor.u32 s2, v2;
	[tilespmem:v48+s20+$0x0] =	vst.idx.msk $0xffff, v53;
	v48 =	vshll.u32 v61, $0x7;
	v53 =	vor.u32 v17, v60  }
0x9b: {  	v61 =	vor.u32 v61, v18;
	[tilespmem:v52+s20+$0x0] =	vst.idx.msk $0xffff, v44;
	v52 =	vor.u32 v19, v56;
	v21 =	vld.idx.msk [tilespmem:v21+s13+$0x0], $0xffff  }
0x9c: {  	v55 =	vor.u32 s3, v2;
	v56 =	vor.u32 s1, v15;
	v60 =	vor.u32 v47, v18;
	v49 =	vld.idx.msk [tilespmem:v49+s13+$0x0], $0xffff;
	[tilespmem:v50+s20+$0x0] =	vst.idx.msk $0xffff, v43  }
0x9d: {  	v62 =	vor.u32 v55, v18;
	v48 =	vor.u32 v17, v48;
	v43 =	vld.idx.msk [tilespmem:v63+s13+$0x0], $0xffff;
	[tilespmem:v35+s20+$0x0] =	vst.idx.msk $0xffff, v41  }
0x9e: {  	v47 =	vshll.u32 v47, $0x7;
	v20 =	vor.u32 v56, v20;
	v63 =	vshll.u32 v51, $0x7;
	v44 =	vld.idx.msk [tilespmem:v58+s13+$0x0], $0xffff;
	[tilespmem:v45+s20+$0x0] =	vst.idx.msk $0xffff, v57  }
0x9f: {  	v51 =	vor.u32 v51, v18;
	v47 =	vor.u32 v17, v47;
	v36 =	vld.idx.msk [tilespmem:v36+s13+$0x0], $0xffff;
	[tilespmem:v34+s20+$0x0] =	vst.idx.msk $0xffff, v39  }
0xa0: {  	v50 =	vor.u32 v17, v63;
	v58 =	vshll.u32 v55, $0x7;
	v57 =	vor.u32 s3, v3;
	[tilespmem:v31+s20+$0x0] =	vst.idx.msk $0xffff, v37;
	v33 =	vld.idx.msk [tilespmem:v33+s13+$0x0], $0xffff  }
0xa1: {  	v45 =	vor.u32 s2, v3;
	v63 =	vor.u32 s10, v4;
	v31 =	vor.u32 s2, v9;
	[tilespmem:v53+s20+$0x0] =	vst.idx.msk $0xffff, v21;
	v60 =	vld.idx.msk [tilespmem:v60+s13+$0x0], $0xffff  }
0xa2: {  	v21 =	vor.u32 s30, v3;
	v53 =	vor.u32 v17, v58;
	v58 =	vor.u32 s10, v3;
	[tilespmem:v54+s20+$0x0] =	vst.idx.msk $0xffff, v49;
	v55 =	vld.idx.msk [tilespmem:v62+s13+$0x0], $0xffff  }
0xa3: {  	[tilespmem:v46+s20+$0x0] =	vst.idx.msk $0xffff, v43;
	v43 =	vshll.u32 v21, $0x7;
	v46 =	vor.u32 v57, v18;
	v21 =	vor.u32 v21, v18  }
0xa4: {  	v62 =	vshll.u32 v56, $0x7;
	v54 =	vor.u32 v58, v18;
	v49 =	vld.idx.msk [tilespmem:v51+s13+$0x0], $0xffff;
	v56 =	vor.u32 s30, v4  }
0xa5: {  	[tilespmem:v52+s20+$0x0] =	vst.idx.msk $0xffff, v44;
	v44 =	vor.u32 v45, v18;
	v52 =	vshll.u32 v58, $0x7;
	v61 =	vld.idx.msk [tilespmem:v61+s13+$0x0], $0xffff;
	v45 =	vshll.u32 v45, $0x7  }
0xa6: {  	v19 =	vor.u32 v19, v62;
	v43 =	vor.u32 v17, v43;
	v58 =	vshll.u32 v57, $0x7;
	[tilespmem:v32+s20+$0x0] =	vst.idx.msk $0xffff, v36  }
0xa7: {  	v57 =	vor.u32 s3, v4;
	v62 =	vshll.u32 v63, $0x7;
	v32 =	vor.u32 v31, v18;
	[tilespmem:v30+s20+$0x0] =	vst.idx.msk $0xffff, v33  }
0xa8: {  	v45 =	vor.u32 v17, v45;
	v51 =	vor.u32 v17, v52;
	v52 =	vor.u32 s2, v4;
	[tilespmem:v53+s20+$0x0] =	vst.idx.msk $0xffff, v55  }
0xa9: {  	[tilespmem:v47+s20+$0x0] =	vst.idx.msk $0xffff, v60;
	v47 =	vor.u32 v52, v18;
	v55 =	vor.u32 v17, v58;
	v46 =	vld.idx.msk [tilespmem:v46+s13+$0x0], $0xffff  }
0xaa: {  	v31 =	vshll.u32 v31, $0x7;
	v60 =	vshll.u32 v56, $0x7;
	v56 =	vor.u32 v56, v18;
	v44 =	vld.idx.msk [tilespmem:v44+s13+$0x0], $0xffff;
	[tilespmem:v48+s20+$0x0] =	vst.idx.msk $0xffff, v61  }
0xab: {  	v33 =	vor.u32 s10, v11;
	v52 =	vshll.u32 v52, $0x7;
	v58 =	vor.u32 v57, v18;
	[tilespmem:v50+s20+$0x0] =	vst.idx.msk $0xffff, v49;
	v21 =	vld.idx.msk [tilespmem:v21+s13+$0x0], $0xffff  }
0xac: {  	v40 =	vor.u32 v17, v60;
	v53 =	vor.u32 v63, v18;
	v63 =	vor.u32 s30, v5;
	v38 =	vld.idx.msk [tilespmem:v54+s13+$0x0], $0xffff  }
0xad: {  	v49 =	vor.u32 v17, v52;
	v48 =	vor.u32 v17, v62;
	v52 =	vor.u32 v63, v18  }
0xae: {  	v20 =	vld.idx.msk [tilespmem:v20+s13+$0x0], $0xffff;
	v54 =	vor.u32 s10, v5;
	v50 =	vshll.u32 v63, $0x7;
	v61 =	vshll.u32 v57, $0x7;
	[tilespmem:v55+s20+$0x0] =	vst.idx.msk $0xffff, v46  }
0xaf: {  	v62 =	vor.u32 s2, v7;
	v60 =	vor.u32 v54, v18;
	v50 =	vor.u32 v17, v50;
	[tilespmem:v45+s20+$0x0] =	vst.idx.msk $0xffff, v44  }
0xb0: {  	v63 =	vor.u32 s10, v7;
	v55 =	vshll.u32 v54, $0x7;
	v46 =	vld.idx.msk [tilespmem:v58+s13+$0x0], $0xffff;
	[tilespmem:v43+s20+$0x0] =	vst.idx.msk $0xffff, v21;
	v43 =	vor.u32 v17, v61  }
0xb1: {  	v45 =	vor.u32 s3, v5;
	[tilespmem:v51+s20+$0x0] =	vst.idx.msk $0xffff, v38;
	v51 =	vor.u32 v62, v18;
	v38 =	vshll.u32 v63, $0x7;
	v47 =	vld.idx.msk [tilespmem:v47+s13+$0x0], $0xffff  }
0xb2: {  	v21 =	vor.u32 s30, v7;
	v44 =	vor.u32 v17, v55;
	v54 =	vor.u32 v45, v18;
	v55 =	vld.idx.msk [tilespmem:v56+s13+$0x0], $0xffff  }
0xb3: {  	v58 =	vor.u32 v63, v18;
	v35 =	vld.idx.msk [tilespmem:v53+s13+$0x0], $0xffff;
	v61 =	vshll.u32 v62, $0x7;
	v62 =	vor.u32 s30, v8  }
0xb4: {  	[tilespmem:v19+s20+$0x0] =	vst.idx.msk $0xffff, v20;
	v38 =	vor.u32 v17, v38;
	v63 =	vor.u32 s10, v8;
	v45 =	vshll.u32 v45, $0x7  }
0xb5: {  	v57 =	vor.u32 v21, v18;
	v21 =	vshll.u32 v21, $0x7;
	v41 =	vor.u32 v17, v61;
	[tilespmem:v43+s20+$0x0] =	vst.idx.msk $0xffff, v46  }
0xb6: {  	v61 =	vor.u32 s2, v8;
	v20 =	vshll.u32 v62, $0x7;
	v21 =	vor.u32 v17, v21;
	[tilespmem:v49+s20+$0x0] =	vst.idx.msk $0xffff, v47  }
0xb7: {  	v20 =	vor.u32 v17, v20;
	v46 =	vld.idx.msk [tilespmem:v54+s13+$0x0], $0xffff;
	[tilespmem:v40+s20+$0x0] =	vst.idx.msk $0xffff, v55;
	v40 =	vor.u32 v17, v45  }
0xb8: {  	v43 =	vshll.u32 v63, $0x7;
	[tilespmem:v48+s20+$0x0] =	vst.idx.msk $0xffff, v35;
	v47 =	vor.u32 s3, v8;
	v45 =	vor.u32 s3, v7;
	v49 =	vld.idx.msk [tilespmem:v59+s13+$0x0], $0xffff  }
0xb9: {  	v54 =	vor.u32 v61, v18;
	v55 =	vor.u32 v62, v18;
	v34 =	vld.idx.msk [tilespmem:v60+s13+$0x0], $0xffff;
	v56 =	vor.u32 v45, v18  }
0xba: {  	v62 =	vshll.u32 v61, $0x7;
	v43 =	vor.u32 v17, v43;
	v60 =	vor.u32 s10, v6;
	v19 =	vld.idx.msk [tilespmem:v52+s13+$0x0], $0xffff  }
0xbb: {  	v61 =	vor.u32 s2, v6;
	v52 =	vor.u32 v63, v18;
	v35 =	vor.u32 v17, v62  }
0xbc: {  	v63 =	vor.u32 s30, v6;
	v59 =	vor.u32 v60, v18;
	v45 =	vshll.u32 v45, $0x7;
	[tilespmem:v40+s20+$0x0] =	vst.idx.msk $0xffff, v46  }
0xbd: {  	v48 =	vshll.u32 v61, $0x7;
	v53 =	vor.u32 v63, v18;
	v39 =	vshll.u32 v63, $0x7;
	[tilespmem:v42+s20+$0x0] =	vst.idx.msk $0xffff, v49  }
0xbe: {  	v45 =	vor.u32 v17, v45;
	v48 =	vor.u32 v17, v48;
	[tilespmem:v44+s20+$0x0] =	vst.idx.msk $0xffff, v34;
	v40 =	vld.idx.msk [tilespmem:v56+s13+$0x0], $0xffff  }
0xbf: {  	v62 =	vld.idx.msk [tilespmem:v51+s13+$0x0], $0xffff;
	[tilespmem:v50+s20+$0x0] =	vst.idx.msk $0xffff, v19;
	v50 =	vor.u32 v17, v39;
	v39 =	vor.u32 v47, v18  }
0xc0: {  	v63 =	vor.u32 s30, v9;
	v42 =	vor.u32 v61, v18;
	v44 =	vor.u32 s10, v9;
	v34 =	vld.idx.msk [tilespmem:v58+s13+$0x0], $0xffff  }
0xc1: {  	v19 =	vshll.u32 v60, $0x7;
	v56 =	vor.u32 v63, v18;
	v60 =	vshll.u32 v63, $0x7;
	v49 =	vld.idx.msk [tilespmem:v57+s13+$0x0], $0xffff  }
0xc2: {  	v29 =	vld.idx.msk [tilespmem:v29+s13+$0x0], $0xffff;
	v51 =	vor.u32 v44, v18;
	v61 =	vshll.u32 v44, $0x7;
	v63 =	vshll.u32 v47, $0x7  }
0xc3: {  	v44 =	vor.u32 s3, v6;
	v19 =	vor.u32 v17, v19;
	v57 =	vor.u32 v17, v60;
	[tilespmem:v45+s20+$0x0] =	vst.idx.msk $0xffff, v40  }
0xc4: {  	v58 =	vor.u32 v17, v61;
	[tilespmem:v41+s20+$0x0] =	vst.idx.msk $0xffff, v62;
	v36 =	vld.idx.msk [tilespmem:v39+s13+$0x0], $0xffff;
	v39 =	vor.u32 v17, v63  }
0xc5: {  	v46 =	vor.u32 v44, v18;
	v47 =	vshll.u32 v44, $0x7;
	v44 =	vor.u32 s3, v9;
	[tilespmem:v38+s20+$0x0] =	vst.idx.msk $0xffff, v34;
	v41 =	vld.idx.msk [tilespmem:v54+s13+$0x0], $0xffff  }
0xc6: {  	v62 =	vor.u32 s30, v10;
	[tilespmem:v21+s20+$0x0] =	vst.idx.msk $0xffff, v49;
	v49 =	vor.u32 v17, v31;
	v31 =	vor.u32 s2, v10;
	v30 =	vld.idx.msk [tilespmem:v52+s13+$0x0], $0xffff  }
0xc7: {  	v21 =	vor.u32 s10, v10;
	v45 =	vld.idx.msk [tilespmem:v55+s13+$0x0], $0xffff;
	v54 =	vor.u32 v31, v18;
	v55 =	vor.u32 v62, v18  }
0xc8: {  	[tilespmem:v26+s20+$0x0] =	vst.idx.msk $0xffff, v29;
	v31 =	vshll.u32 v31, $0x7;
	v60 =	vor.u32 v21, v18;
	v21 =	vshll.u32 v21, $0x7  }
0xc9: {  	v37 =	vshll.u32 v62, $0x7;
	v52 =	vor.u32 v17, v31;
	v40 =	vor.u32 v17, v21;
	[tilespmem:v39+s20+$0x0] =	vst.idx.msk $0xffff, v36  }
0xca: {  	v21 =	vor.u32 s2, v11;
	v31 =	vor.u32 s30, v11;
	[tilespmem:v35+s20+$0x0] =	vst.idx.msk $0xffff, v41;
	v35 =	vor.u32 v17, v47;
	v36 =	vld.idx.msk [tilespmem:v46+s13+$0x0], $0xffff  }
0xcb: {  	v61 =	vor.u32 v17, v37;
	v62 =	vor.u32 v21, v18;
	v63 =	vor.u32 v31, v18;
	v37 =	vld.idx.msk [tilespmem:v42+s13+$0x0], $0xffff  }
0xcc: {  	v28 =	vld.idx.msk [tilespmem:v28+s13+$0x0], $0xffff;
	v21 =	vshll.u32 v21, $0x7;
	v41 =	vshll.u32 v31, $0x7;
	v31 =	vor.u32 v44, v18;
	[tilespmem:v43+s20+$0x0] =	vst.idx.msk $0xffff, v30  }
0xcd: {  	v26 =	vor.u32 s2, v12;
	v43 =	vor.u32 v17, v21;
	v21 =	vor.u32 s30, v12;
	v30 =	vld.idx.msk [tilespmem:v25+s13+$0x0], $0xffff;
	[tilespmem:v20+s20+$0x0] =	vst.idx.msk $0xffff, v45  }
0xce: {  	v20 =	vshll.u32 v33, $0x7;
	v42 =	vor.u32 v21, v18;
	v29 =	vld.idx.msk [tilespmem:v59+s13+$0x0], $0xffff;
	v46 =	vor.u32 v26, v18  }
0xcf: {  	v25 =	vshll.u32 v26, $0x7;
	v21 =	vshll.u32 v21, $0x7;
	v53 =	vld.idx.msk [tilespmem:v53+s13+$0x0], $0xffff;
	v39 =	vor.u32 v17, v20;
	[tilespmem:v35+s20+$0x0] =	vst.idx.msk $0xffff, v36  }
0xd0: {  	v20 =	vld.idx.msk [tilespmem:v27+s13+$0x0], $0xffff;
	v27 =	vor.u32 s10, v12;
	[tilespmem:v48+s20+$0x0] =	vst.idx.msk $0xffff, v37;
	v37 =	vor.u32 v17, v21;
	v21 =	vshll.u32 v44, $0x7  }
0xd1: {  	v38 =	vor.u32 v27, v18;
	v27 =	vshll.u32 v27, $0x7;
	v26 =	vld.idx.msk [tilespmem:v31+s13+$0x0], $0xffff;
	v21 =	vor.u32 v17, v21  }
0xd2: {  	[tilespmem:v22+s20+$0x0] =	vst.idx.msk $0xffff, v28;
	v59 =	vor.u32 s3, v10;
	v34 =	vor.u32 v17, v27;
	v27 =	vor.u32 s2, v13  }
0xd3: {  	v44 =	vor.u32 v17, v25;
	v25 =	vor.u32 v59, v18;
	[tilespmem:v19+s20+$0x0] =	vst.idx.msk $0xffff, v29;
	v32 =	vld.idx.msk [tilespmem:v32+s13+$0x0], $0xffff  }
0xd4: {  	v45 =	vor.u32 v33, v18;
	v36 =	vor.u32 v27, v18;
	[tilespmem:v50+s20+$0x0] =	vst.idx.msk $0xffff, v53;
	v31 =	vor.u32 s30, v13  }
0xd5: {  	v28 =	vor.u32 s10, v13;
	[tilespmem:v24+s20+$0x0] =	vst.idx.msk $0xffff, v20;
	v22 =	vld.idx.msk [tilespmem:v56+s13+$0x0], $0xffff;
	v35 =	vor.u32 v31, v18;
	v19 =	vshll.u32 v31, $0x7  }
0xd6: {  	v29 =	vld.idx.msk [tilespmem:v51+s13+$0x0], $0xffff;
	v31 =	vshll.u32 v27, $0x7;
	v27 =	vor.u32 v17, v19;
	v19 =	vshll.u32 v28, $0x7;
	[tilespmem:v21+s20+$0x0] =	vst.idx.msk $0xffff, v26  }
0xd7: {  	v41 =	vor.u32 v17, v41;
	v24 =	vor.u32 v17, v19;
	v26 =	vshll.u32 v59, $0x7;
	v19 =	vld [tilespmem:$0x1FFF0]  }
0xd8: {  	v51 =	vor.u32 s3, v11;
	[tilespmem:v49+s20+$0x0] =	vst.idx.msk $0xffff, v32;
	v48 =	vld.idx.msk [tilespmem:v25+s13+$0x0], $0xffff;
	v50 =	vor.u32 v17, v26  }
0xd9: {  	v33 =	vor.u32 v28, v18;
	v20 =	vor.u32 s30, v14;
	v53 =	vld.idx.msk [tilespmem:v54+s13+$0x0], $0xffff;
	v54 =	vor.u32 v51, v18  }
0xda: {  	v31 =	vor.u32 v17, v31;
	v28 =	vor.u32 v20, v18;
	v21 =	vor.u32 s10, v14;
	[tilespmem:v57+s20+$0x0] =	vst.idx.msk $0xffff, v22  }
0xdb: {  	v22 =	vshll.u32 v20, $0x7;
	[tilespmem:v58+s20+$0x0] =	vst.idx.msk $0xffff, v29;
	v29 =	vor.u32 v21, v18;
	v20 =	vshll.u32 v21, $0x7;
	v55 =	vld.idx.msk [tilespmem:v55+s13+$0x0], $0xffff  }
0xdc: {  	[tilespmem:v23+s20+$0x0] =	vst.idx.msk $0xffff, v30;
	v22 =	vor.u32 v17, v22;
	v21 =	vor.u32 v17, v20;
	v20 =	vor.u32 s30, v15  }
0xdd: {  	v49 =	vld.idx.msk [tilespmem:v60+s13+$0x0], $0xffff;
	v60 =	vor.u32 s10, v15;
	v51 =	vshll.u32 v51, $0x7;
	v23 =	vor.u32 v20, v18;
	[tilespmem:v50+s20+$0x0] =	vst.idx.msk $0xffff, v48  }
0xde: {  	v57 =	vshll.u32 v20, $0x7;
	v20 =	vor.u32 v60, v18;
	v60 =	vshll.u32 v60, $0x7;
	[tilespmem:v52+s20+$0x0] =	vst.idx.msk $0xffff, v53;
	v52 =	vld.idx.msk [tilespmem:v54+s13+$0x0], $0xffff  }
0xdf: {  	v48 =	vor.u32 v17, v60;
	v54 =	vor.u32 v17, v51;
	v47 =	vld.idx.msk [tilespmem:v19+s13+$0x0], $0xffff;
	v19 =	vor.u32 s2, v14  }
0xe0: {  	[tilespmem:v61+s20+$0x0] =	vst.idx.msk $0xffff, v55;
	v53 =	vor.u32 s3, v12;
	v32 =	vor.u32 v19, v18;
	v19 =	vshll.u32 v19, $0x7  }
0xe1: {  	s6 =	simm.s32 $0x10;
	v50 =	vld.idx.msk [tilespmem:v62+s13+$0x0], $0xffff;
	v55 =	vor.u32 v53, v18;
	v25 =	vor.u32 v17, v19;
	v19 =	vor.u32 s2, v15  }
0xe2: {  	s15 =	simm.s32 $0x4;
	s1 =	sshll.u32 s31, $0xB;
	v51 =	vld.idx.msk [tilespmem:v63+s13+$0x0], $0xffff;
	s2 =	simm.s32 $0x80;
	v26 =	vor.u32 v19, v18;
	v30 =	vshll.u32 v19, $0x7;
	v19 =	vor.u32 v17, v57  }
.LBB2_3:
0xe3: {  	s7 =	sand.u32 $0x70, s6;
	s10 =	sand.u32 $0x40, s2;
	s15 =	sadd.s32 $0x4, s15;
	v30 =	vor.u32 v17, v30;
	[tilespmem:v40+s20+$0x0] =	vst.idx.msk $0xffff, v49  }
0xe4: {  	v40 =	vor.u32 s7, v0;
	v49 =	vor.u32 s10, v0;
	v56 =	vor.u32 s10, v1;
	s11 =	sor.u32 $0x10, s10;
	s12 =	sor.u32 $0x30, s10;
	p1 =	slt.u32 s15, $0x3C;
	v45 =	vld.idx.msk [tilespmem:v45+s13+$0x0], $0xffff;
	[tilespmem:v16+s20+$0x0] =	vst.idx.msk $0xffff, v47;
	v16 =	vmovc v48  }
0xe5: {  	s17 =	sor.u32 $0x20, s10;
	v47 =	vshll.u32 v40, $0x7;
	v48 =	vor.u32 s11, v0;
	v57 =	vor.u32 s12, v0  }
0xe6: {  	v59 =	vor.u32 s17, v0;
	v58 =	vor.u32 v49, v47;
	v60 =	vor.u32 v57, v47;
	[tilespmem:v54+s20+$0x0] =	vst.idx.msk $0xffff, v52  }
0xe7: {  	v53 =	vshll.u32 v53, $0x7;
	v52 =	vor.u32 v48, v47;
	v54 =	vor.u32 v59, v47;
	v55 =	vld.idx.msk [tilespmem:v55+s13+$0x0], $0xffff  }
0xe8: {  	v48 =	vshll.u32 v48, $0x7;
	[tilespmem:v43+s20+$0x0] =	vst.idx.msk $0xffff, v50;
	v43 =	vor.u32 v17, v53;
	v50 =	vor.u32 s3, v13  }
0xe9: {  	v49 =	vshll.u32 v49, $0x7;
	v53 =	vshll.u32 v59, $0x7;
	v46 =	vld.idx.msk [tilespmem:v46+s13+$0x0], $0xffff;
	[tilespmem:v41+s20+$0x0] =	vst.idx.msk $0xffff, v51;
	v41 =	vor.u32 v50, v18  }
0xea: {  	v49 =	vor.u32 v40, v49;
	v48 =	vor.u32 v40, v48;
	v51 =	vor.u32 v40, v53;
	v42 =	vld.idx.msk [tilespmem:v42+s13+$0x0], $0xffff  }
0xeb: {  	v57 =	vshll.u32 v57, $0x7;
	v59 =	vor.u32 s17, v1;
	v53 =	vor.u32 s11, v1;
	v60 =	vld.idx.msk [tilespmem:v60+s13+$0x0], $0xffff;
	[tilespmem:v39+s20+$0x0] =	vst.idx.msk $0xffff, v45  }
0xec: {  	v57 =	vor.u32 v40, v57;
	v45 =	vor.u32 v56, v47;
	v39 =	vld.idx.msk [tilespmem:v58+s13+$0x0], $0xffff;
	v58 =	vor.u32 s12, v1  }
0xed: {  	v61 =	vor.u32 v53, v47;
	v52 =	vld.idx.msk [tilespmem:v52+s13+$0x0], $0xffff;
	v62 =	vor.u32 v58, v47;
	[tilespmem:v43+s20+$0x0] =	vst.idx.msk $0xffff, v55  }
0xee: {  	v50 =	vshll.u32 v50, $0x7;
	v43 =	vshll.u32 v53, $0x7;
	v53 =	vor.u32 v59, v47;
	v41 =	vld.idx.msk [tilespmem:v41+s13+$0x0], $0xffff  }
0xef: {  	v55 =	vshll.u32 v59, $0x7;
	v54 =	vld.idx.msk [tilespmem:v54+s13+$0x0], $0xffff;
	[tilespmem:v44+s20+$0x0] =	vst.idx.msk $0xffff, v46;
	v44 =	vor.u32 v17, v50;
	v46 =	vor.u32 s3, v14  }
0xf0: {  	v43 =	vor.u32 v40, v43;
	v50 =	vshll.u32 v56, $0x7;
	v38 =	vld.idx.msk [tilespmem:v38+s13+$0x0], $0xffff;
	v56 =	vor.u32 v46, v18  }
0xf1: {  	v59 =	vor.u32 s11, v2;
	v55 =	vor.u32 v40, v55;
	v50 =	vor.u32 v40, v50;
	[tilespmem:v57+s20+$0x0] =	vst.idx.msk $0xffff, v60  }
0xf2: {  	v58 =	vshll.u32 v58, $0x7;
	[tilespmem:v49+s20+$0x0] =	vst.idx.msk $0xffff, v39;
	v39 =	vor.u32 s10, v2;
	v49 =	vor.u32 s17, v2;
	v57 =	vld.idx.msk [tilespmem:v62+s13+$0x0], $0xffff  }
0xf3: {  	v45 =	vld.idx.msk [tilespmem:v45+s13+$0x0], $0xffff;
	[tilespmem:v48+s20+$0x0] =	vst.idx.msk $0xffff, v52;
	v48 =	vshll.u32 v59, $0x7;
	v52 =	vor.u32 v40, v58;
	v58 =	vor.u32 s12, v2  }
0xf4: {  	v60 =	vor.u32 v39, v47;
	v61 =	vld.idx.msk [tilespmem:v61+s13+$0x0], $0xffff;
	v62 =	vor.u32 v58, v47;
	[tilespmem:v44+s20+$0x0] =	vst.idx.msk $0xffff, v41  }
0xf5: {  	v46 =	vshll.u32 v46, $0x7;
	v41 =	vor.u32 v59, v47;
	v44 =	vshll.u32 v49, $0x7;
	[tilespmem:v51+s20+$0x0] =	vst.idx.msk $0xffff, v54;
	v51 =	vld.idx.msk [tilespmem:v56+s13+$0x0], $0xffff  }
0xf6: {  	v46 =	vor.u32 v17, v46;
	v49 =	vor.u32 v49, v47;
	v54 =	vor.u32 s3, v15;
	s3 =	smov.u32 s12;
	v53 =	vld.idx.msk [tilespmem:v53+s13+$0x0], $0xffff  }
0xf7: {  	v39 =	vshll.u32 v39, $0x7;
	v48 =	vor.u32 v40, v48;
	[tilespmem:v37+s20+$0x0] =	vst.idx.msk $0xffff, v42;
	v37 =	vor.u32 v54, v18  }
0xf8: {  	v39 =	vor.u32 v40, v39;
	v44 =	vor.u32 v40, v44;
	v42 =	vor.u32 s11, v3;
	[tilespmem:v52+s20+$0x0] =	vst.idx.msk $0xffff, v57  }
0xf9: {  	v56 =	vshll.u32 v58, $0x7;
	v18 =	vmovc v47;
	[tilespmem:v50+s20+$0x0] =	vst.idx.msk $0xffff, v45;
	v45 =	vor.u32 s10, v3;
	v50 =	vor.u32 s17, v3;
	v52 =	vld.idx.msk [tilespmem:v62+s13+$0x0], $0xffff  }
0xfa: {  	v56 =	vor.u32 v40, v56;
	v57 =	vor.u32 s3, v3;
	v47 =	vld.idx.msk [tilespmem:v60+s13+$0x0], $0xffff;
	[tilespmem:v43+s20+$0x0] =	vst.idx.msk $0xffff, v61;
	v43 =	vshll.u32 v42, $0x7  }
0xfb: {  	v59 =	vor.u32 v57, v18;
	v58 =	vor.u32 v45, v18;
	v41 =	vld.idx.msk [tilespmem:v41+s13+$0x0], $0xffff;
	[tilespmem:v46+s20+$0x0] =	vst.idx.msk $0xffff, v51  }
0xfc: {  	v42 =	vor.u32 v42, v18;
	v46 =	vshll.u32 v50, $0x7;
	v51 =	vshll.u32 v54, $0x7;
	[tilespmem:v55+s20+$0x0] =	vst.idx.msk $0xffff, v53;
	v37 =	vld.idx.msk [tilespmem:v37+s13+$0x0], $0xffff  }
0xfd: {  	v45 =	vshll.u32 v45, $0x7;
	v50 =	vor.u32 v50, v18;
	v51 =	vor.u32 v17, v51;
	v17 =	vmovc v40;
	v49 =	vld.idx.msk [tilespmem:v49+s13+$0x0], $0xffff  }
0xfe: {  	v40 =	vor.u32 v17, v45;
	v43 =	vor.u32 v17, v43;
	v45 =	vor.u32 v17, v46;
	v36 =	vld.idx.msk [tilespmem:v36+s13+$0x0], $0xffff  }
0xff: {  	v54 =	vor.u32 s17, v4;
	v53 =	vor.u32 s11, v4;
	v46 =	vor.u32 s10, v4;
	[tilespmem:v56+s20+$0x0] =	vst.idx.msk $0xffff, v52  }
0x100: {  	v55 =	vshll.u32 v57, $0x7;
	[tilespmem:v39+s20+$0x0] =	vst.idx.msk $0xffff, v47;
	v39 =	vor.u32 v46, v18;
	v47 =	vshll.u32 v53, $0x7;
	v52 =	vld.idx.msk [tilespmem:v59+s13+$0x0], $0xffff  }
0x101: {  	v56 =	vld.idx.msk [tilespmem:v58+s13+$0x0], $0xffff;
	[tilespmem:v48+s20+$0x0] =	vst.idx.msk $0xffff, v41;
	v41 =	vshll.u32 v54, $0x7;
	v48 =	vor.u32 v17, v55;
	v55 =	vor.u32 s3, v4  }
0x102: {  	v53 =	vor.u32 v53, v18;
	v42 =	vld.idx.msk [tilespmem:v42+s13+$0x0], $0xffff;
	v57 =	vor.u32 v55, v18;
	[tilespmem:v51+s20+$0x0] =	vst.idx.msk $0xffff, v37  }
0x103: {  	v37 =	vshll.u32 v46, $0x7;
	v46 =	vor.u32 v17, v47;
	[tilespmem:v44+s20+$0x0] =	vst.idx.msk $0xffff, v49;
	v44 =	vor.u32 v54, v18  }
0x104: {  	v47 =	vor.u32 s11, v5;
	v41 =	vor.u32 v17, v41;
	v37 =	vor.u32 v17, v37;
	v49 =	vld.idx.msk [tilespmem:v50+s13+$0x0], $0xffff  }
0x105: {  	v51 =	vor.u32 v47, v18;
	v54 =	vor.u32 s17, v5;
	v50 =	vor.u32 s10, v5;
	v35 =	vld.idx.msk [tilespmem:v35+s13+$0x0], $0xffff;
	[tilespmem:v34+s20+$0x0] =	vst.idx.msk $0xffff, v38  }
0x106: {  	v34 =	vor.u32 v50, v18;
	v38 =	vshll.u32 v47, $0x7;
	v47 =	vor.u32 v54, v18;
	[tilespmem:v48+s20+$0x0] =	vst.idx.msk $0xffff, v52  }
0x107: {  	v48 =	vshll.u32 v54, $0x7;
	v52 =	vshll.u32 v55, $0x7;
	[tilespmem:v40+s20+$0x0] =	vst.idx.msk $0xffff, v56;
	v40 =	vshll.u32 v50, $0x7;
	v50 =	vld.idx.msk [tilespmem:v57+s13+$0x0], $0xffff  }
0x108: {  	v39 =	vld.idx.msk [tilespmem:v39+s13+$0x0], $0xffff;
	[tilespmem:v43+s20+$0x0] =	vst.idx.msk $0xffff, v42;
	v42 =	vor.u32 s11, v7;
	v43 =	vor.u32 v17, v52;
	v52 =	vor.u32 s3, v5  }
0x109: {  	v38 =	vor.u32 v17, v38;
	v48 =	vor.u32 v17, v48;
	v53 =	vld.idx.msk [tilespmem:v53+s13+$0x0], $0xffff;
	v54 =	vor.u32 v52, v18  }
0x10a: {  	v55 =	vor.u32 s10, v7;
	v40 =	vor.u32 v17, v40;
	[tilespmem:v45+s20+$0x0] =	vst.idx.msk $0xffff, v49;
	v45 =	vor.u32 s17, v7;
	v33 =	vld.idx.msk [tilespmem:v33+s13+$0x0], $0xffff  }
0x10b: {  	v56 =	vor.u32 v42, v18;
	v49 =	vor.u32 v55, v18;
	v44 =	vld.idx.msk [tilespmem:v44+s13+$0x0], $0xffff;
	v57 =	vor.u32 v45, v18  }
0x10c: {  	v42 =	vshll.u32 v42, $0x7;
	v55 =	vshll.u32 v55, $0x7;
	v45 =	vshll.u32 v45, $0x7;
	[tilespmem:v31+s20+$0x0] =	vst.idx.msk $0xffff, v36  }
0x10d: {  	v31 =	vor.u32 v17, v42;
	v36 =	vor.u32 s11, v8;
	v42 =	vor.u32 v17, v45;
	[tilespmem:v43+s20+$0x0] =	vst.idx.msk $0xffff, v50  }
0x10e: {  	v45 =	vshll.u32 v52, $0x7;
	[tilespmem:v37+s20+$0x0] =	vst.idx.msk $0xffff, v39;
	v37 =	vor.u32 v17, v55;
	v39 =	vor.u32 s17, v8;
	v43 =	vld.idx.msk [tilespmem:v54+s13+$0x0], $0xffff  }
0x10f: {  	v50 =	vor.u32 s10, v8;
	v45 =	vor.u32 v17, v45;
	v34 =	vld.idx.msk [tilespmem:v34+s13+$0x0], $0xffff;
	[tilespmem:v46+s20+$0x0] =	vst.idx.msk $0xffff, v53;
	v46 =	vor.u32 s3, v7  }
0x110: {  	v52 =	vor.u32 v50, v18;
	v53 =	vor.u32 v36, v18;
	v51 =	vld.idx.msk [tilespmem:v51+s13+$0x0], $0xffff;
	v54 =	vor.u32 v46, v18  }
0x111: {  	v36 =	vshll.u32 v36, $0x7;
	[tilespmem:v41+s20+$0x0] =	vst.idx.msk $0xffff, v44;
	v41 =	vor.u32 v39, v18;
	v39 =	vshll.u32 v39, $0x7;
	v32 =	vld.idx.msk [tilespmem:v32+s13+$0x0], $0xffff  }
0x112: {  	v36 =	vor.u32 v17, v36;
	v44 =	vshll.u32 v50, $0x7;
	v47 =	vld.idx.msk [tilespmem:v47+s13+$0x0], $0xffff;
	v39 =	vor.u32 v17, v39  }
0x113: {  	v55 =	vor.u32 s17, v6;
	v50 =	vor.u32 s11, v6;
	v44 =	vor.u32 v17, v44;
	[tilespmem:v27+s20+$0x0] =	vst.idx.msk $0xffff, v35  }
0x114: {  	v58 =	vor.u32 v55, v18;
	v27 =	vor.u32 s10, v6;
	v35 =	vor.u32 v50, v18;
	[tilespmem:v45+s20+$0x0] =	vst.idx.msk $0xffff, v43  }
0x115: {  	v45 =	vshll.u32 v46, $0x7;
	[tilespmem:v40+s20+$0x0] =	vst.idx.msk $0xffff, v34;
	v34 =	vor.u32 v27, v18;
	v40 =	vshll.u32 v50, $0x7;
	v43 =	vld.idx.msk [tilespmem:v54+s13+$0x0], $0xffff  }
0x116: {  	v45 =	vor.u32 v17, v45;
	v46 =	vld.idx.msk [tilespmem:v49+s13+$0x0], $0xffff;
	[tilespmem:v38+s20+$0x0] =	vst.idx.msk $0xffff, v51;
	v38 =	vshll.u32 v55, $0x7;
	v49 =	vor.u32 s3, v8  }
0x117: {  	v27 =	vshll.u32 v27, $0x7;
	v51 =	vor.u32 v17, v40;
	v50 =	vld.idx.msk [tilespmem:v56+s13+$0x0], $0xffff;
	v40 =	vor.u32 v49, v18  }
0x118: {  	v54 =	vor.u32 s11, v9;
	v27 =	vor.u32 v17, v27;
	[tilespmem:v48+s20+$0x0] =	vst.idx.msk $0xffff, v47;
	v47 =	vor.u32 v17, v38  }
0x119: {  	v55 =	vor.u32 v54, v18;
	v56 =	vor.u32 s17, v9;
	v38 =	vor.u32 s10, v9;
	v48 =	vld.idx.msk [tilespmem:v57+s13+$0x0], $0xffff;
	[tilespmem:v24+s20+$0x0] =	vst.idx.msk $0xffff, v33  }
0x11a: {  	v24 =	vor.u32 v38, v18;
	v33 =	vshll.u32 v54, $0x7;
	v54 =	vor.u32 v56, v18;
	v28 =	vld.idx.msk [tilespmem:v28+s13+$0x0], $0xffff  }
0x11b: {  	v38 =	vshll.u32 v38, $0x7;
	v57 =	vor.u32 v17, v33;
	v33 =	vshll.u32 v56, $0x7;
	[tilespmem:v45+s20+$0x0] =	vst.idx.msk $0xffff, v43;
	v56 =	vld.idx.msk [tilespmem:v29+s13+$0x0], $0xffff  }
0x11c: {  	v29 =	vor.u32 v17, v33;
	[tilespmem:v37+s20+$0x0] =	vst.idx.msk $0xffff, v46;
	v37 =	vor.u32 s11, v10;
	v33 =	vld.idx.msk [tilespmem:v40+s13+$0x0], $0xffff;
	v40 =	vshll.u32 v49, $0x7  }
0x11d: {  	v46 =	vor.u32 s3, v6;
	v43 =	vld.idx.msk [tilespmem:v52+s13+$0x0], $0xffff;
	[tilespmem:v31+s20+$0x0] =	vst.idx.msk $0xffff, v50;
	v31 =	vor.u32 s17, v10;
	v45 =	vor.u32 v17, v40  }
0x11e: {  	v49 =	vor.u32 v17, v38;
	v38 =	vor.u32 s10, v10;
	v52 =	vor.u32 v46, v18;
	v50 =	vld.idx.msk [tilespmem:v53+s13+$0x0], $0xffff  }
0x11f: {  	v59 =	vor.u32 v37, v18;
	v37 =	vshll.u32 v37, $0x7;
	v53 =	vor.u32 v38, v18;
	[tilespmem:v42+s20+$0x0] =	vst.idx.msk $0xffff, v48  }
0x120: {  	v38 =	vshll.u32 v38, $0x7;
	v60 =	vor.u32 v31, v18;
	v31 =	vshll.u32 v31, $0x7;
	v42 =	vld.idx.msk [tilespmem:v41+s13+$0x0], $0xffff;
	[tilespmem:v25+s20+$0x0] =	vst.idx.msk $0xffff, v32  }
0x121: {  	v61 =	vor.u32 v17, v38;
	v48 =	vor.u32 v17, v37;
	v40 =	vor.u32 v17, v31;
	v25 =	vld.idx.msk [tilespmem:v26+s13+$0x0], $0xffff  }
0x122: {  	v31 =	vor.u32 s11, v11;
	v32 =	vor.u32 s17, v11;
	v26 =	vor.u32 s10, v11;
	[tilespmem:v45+s20+$0x0] =	vst.idx.msk $0xffff, v33  }
0x123: {  	v38 =	vshll.u32 v46, $0x7;
	v62 =	vor.u32 v26, v18;
	v33 =	vshll.u32 v31, $0x7;
	[tilespmem:v44+s20+$0x0] =	vst.idx.msk $0xffff, v43;
	v37 =	vld.idx.msk [tilespmem:v52+s13+$0x0], $0xffff  }
0x124: {  	v44 =	vor.u32 v17, v38;
	v34 =	vld.idx.msk [tilespmem:v34+s13+$0x0], $0xffff;
	[tilespmem:v36+s20+$0x0] =	vst.idx.msk $0xffff, v50;
	v36 =	vshll.u32 v32, $0x7;
	v50 =	vor.u32 s3, v9  }
0x125: {  	v63 =	vor.u32 v31, v18;
	v45 =	vor.u32 v32, v18;
	v35 =	vld.idx.msk [tilespmem:v35+s13+$0x0], $0xffff;
	v31 =	vor.u32 v50, v18  }
0x126: {  	v26 =	vshll.u32 v26, $0x7;
	v41 =	vor.u32 v17, v33;
	[tilespmem:v39+s20+$0x0] =	vst.idx.msk $0xffff, v42;
	v39 =	vor.u32 v17, v36  }
0x127: {  	v43 =	vor.u32 v17, v26;
	v26 =	vor.u32 s11, v12;
	v33 =	vor.u32 s17, v12;
	v32 =	vld.idx.msk [tilespmem:v58+s13+$0x0], $0xffff;
	[tilespmem:v22+s20+$0x0] =	vst.idx.msk $0xffff, v28  }
0x128: {  	v38 =	vor.u32 v33, v18;
	v42 =	vor.u32 v26, v18;
	v22 =	vor.u32 s10, v12;
	[tilespmem:v21+s20+$0x0] =	vst.idx.msk $0xffff, v56  }
0x129: {  	v46 =	vor.u32 v22, v18;
	v21 =	vshll.u32 v26, $0x7;
	v26 =	vshll.u32 v33, $0x7;
	[tilespmem:v44+s20+$0x0] =	vst.idx.msk $0xffff, v37;
	v23 =	vld.idx.msk [tilespmem:v23+s13+$0x0], $0xffff  }
0x12a: {  	v22 =	vshll.u32 v22, $0x7;
	v37 =	vor.u32 v17, v21;
	[tilespmem:v27+s20+$0x0] =	vst.idx.msk $0xffff, v34;
	v21 =	vld.idx.msk [tilespmem:v31+s13+$0x0], $0xffff;
	v27 =	vshll.u32 v50, $0x7  }
0x12b: {  	v28 =	vld.idx.msk [tilespmem:v24+s13+$0x0], $0xffff;
	[tilespmem:v51+s20+$0x0] =	vst.idx.msk $0xffff, v35;
	v24 =	vor.u32 s11, v13;
	v50 =	vor.u32 v17, v27;
	v51 =	vor.u32 s3, v10  }
0x12c: {  	v44 =	vor.u32 v17, v22;
	v34 =	vor.u32 v17, v26;
	v22 =	vld.idx.msk [tilespmem:v55+s13+$0x0], $0xffff;
	v26 =	vor.u32 v51, v18  }
0x12d: {  	v31 =	vor.u32 s17, v13;
	v27 =	vor.u32 s10, v13;
	v35 =	vor.u32 v24, v18;
	[tilespmem:v47+s20+$0x0] =	vst.idx.msk $0xffff, v32;
	v47 =	vld.idx.msk [tilespmem:v20+s13+$0x0], $0xffff  }
0x12e: {  	v33 =	vor.u32 v31, v18;
	v36 =	vor.u32 v27, v18;
	v20 =	vshll.u32 v24, $0x7;
	v52 =	vld.idx.msk [tilespmem:v54+s13+$0x0], $0xffff  }
0x12f: {  	v24 =	vshll.u32 v27, $0x7;
	v27 =	vor.u32 v17, v20;
	v20 =	vshll.u32 v31, $0x7;
	[tilespmem:v30+s20+$0x0] =	vst.idx.msk $0xffff, v25  }
0x130: {  	v31 =	vor.u32 v17, v24;
	v25 =	vor.u32 s11, v14;
	v24 =	vor.u32 v17, v20;
	[tilespmem:v50+s20+$0x0] =	vst.idx.msk $0xffff, v21  }
0x131: {  	v20 =	vor.u32 s10, v14;
	v21 =	vor.u32 s17, v14;
	[tilespmem:v49+s20+$0x0] =	vst.idx.msk $0xffff, v28;
	v30 =	vld.idx.msk [tilespmem:v26+s13+$0x0], $0xffff;
	v26 =	vshll.u32 v51, $0x7  }
0x132: {  	v50 =	vld.idx.msk [tilespmem:v53+s13+$0x0], $0xffff;
	[tilespmem:v57+s20+$0x0] =	vst.idx.msk $0xffff, v22;
	v22 =	vshll.u32 v25, $0x7;
	v51 =	vor.u32 v17, v26;
	v53 =	vor.u32 s3, v11  }
0x133: {  	v32 =	vor.u32 v20, v18;
	v28 =	vor.u32 v25, v18;
	v54 =	vld.idx.msk [tilespmem:v59+s13+$0x0], $0xffff;
	v55 =	vor.u32 v53, v18  }
0x134: {  	v20 =	vshll.u32 v20, $0x7;
	[tilespmem:v29+s20+$0x0] =	vst.idx.msk $0xffff, v52;
	v29 =	vor.u32 v21, v18;
	v21 =	vshll.u32 v21, $0x7  }
0x135: {  	v25 =	vor.u32 v17, v20;
	v22 =	vor.u32 v17, v22;
	v49 =	vld.idx.msk [tilespmem:v60+s13+$0x0], $0xffff;
	v21 =	vor.u32 v17, v21  }
.Ltmp2:
0x136: {  	v56 =	vor.u32 s10, v15;
	v20 =	vor.u32 s11, v15;
	v52 =	vor.u32 s17, v15;
	[tilespmem:v19+s20+$0x0] =	vst.idx.msk $0xffff, v23;
	(pc) =	sbr.rel @p1 .LBB2_3-.Ltmp2, $4  }
0x137: {  	v26 =	vor.u32 v56, v18;
	v23 =	vor.u32 v20, v18;
	v19 =	vshll.u32 v20, $0x7;
	[tilespmem:v51+s20+$0x0] =	vst.idx.msk $0xffff, v30  }
0x138: {  	v57 =	vshll.u32 v52, $0x7;
	v20 =	vor.u32 v52, v18;
	v51 =	vshll.u32 v53, $0x7;
	[tilespmem:v61+s20+$0x0] =	vst.idx.msk $0xffff, v50;
	v52 =	vld.idx.msk [tilespmem:v55+s13+$0x0], $0xffff  }
0x139: {  	v30 =	vshll.u32 v56, $0x7;
	v53 =	vor.u32 s3, v12;
	v50 =	vld.idx.msk [tilespmem:v62+s13+$0x0], $0xffff;
	[tilespmem:v48+s20+$0x0] =	vst.idx.msk $0xffff, v54;
	v54 =	vor.u32 v17, v51  }
0x13a: {  	s2 =	sadd.s32 $0x40, s2;
	s6 =	sadd.s32 $0x8, s6;
	v19 =	vor.u32 v17, v19;
	v55 =	vor.u32 v53, v18;
	v48 =	vor.u32 v17, v57;
	v51 =	vld.idx.msk [tilespmem:v63+s13+$0x0], $0xffff  }
0x13b: {  	_ =	sdelay $0x3  }
0x13c: {  	[tilespmem:v40+s20+$0x0] =	vst.idx.msk $0xffff, v49  }
0x13d: {  	v40 =	vld.idx.msk [tilespmem:v45+s13+$0x0], $0xffff;
	_ =	sdelay $0x1  }
0x13e: {  	v61 =	vshll.u32 v53, $0x7;
	[tilespmem:v54+s20+$0x0] =	vst.idx.msk $0xffff, v52  }
0x13f: {  	v63 =	vor.u32 v17, v61;
	v62 =	vld.idx.msk [tilespmem:v55+s13+$0x0], $0xffff;
	[tilespmem:v43+s20+$0x0] =	vst.idx.msk $0xffff, v50;
	v50 =	vor.u32 s3, v13  }
0x140: {  	v46 =	vld.idx.msk [tilespmem:v46+s13+$0x0], $0xffff;
	[tilespmem:v41+s20+$0x0] =	vst.idx.msk $0xffff, v51;
	v51 =	vor.u32 v50, v18  }
0x141: {  	v42 =	vld.idx.msk [tilespmem:v42+s13+$0x0], $0xffff;
	[tilespmem:v39+s20+$0x0] =	vst.idx.msk $0xffff, v40  }
0x142: {  	v38 =	vld.idx.msk [tilespmem:v38+s13+$0x0], $0xffff;
	_ =	sdelay $0x1  }
0x143: {  	v52 =	vshll.u32 v50, $0x7;
	[tilespmem:v63+s20+$0x0] =	vst.idx.msk $0xffff, v62  }
0x144: {  	v54 =	vor.u32 s3, v14;
	v39 =	vor.u32 v17, v52;
	v53 =	vld.idx.msk [tilespmem:v51+s13+$0x0], $0xffff;
	[tilespmem:v44+s20+$0x0] =	vst.idx.msk $0xffff, v46  }
0x145: {  	v55 =	vor.u32 v54, v18;
	[tilespmem:v37+s20+$0x0] =	vst.idx.msk $0xffff, v42;
	v36 =	vld.idx.msk [tilespmem:v36+s13+$0x0], $0xffff  }
0x146: {  	v35 =	vld.idx.msk [tilespmem:v35+s13+$0x0], $0xffff;
	[tilespmem:v34+s20+$0x0] =	vst.idx.msk $0xffff, v38  }
0x147: {  	v33 =	vld.idx.msk [tilespmem:v33+s13+$0x0], $0xffff;
	_ =	sdelay $0x1  }
0x148: {  	v56 =	vshll.u32 v54, $0x7;
	[tilespmem:v39+s20+$0x0] =	vst.idx.msk $0xffff, v53  }
0x149: {  	v58 =	vor.u32 s3, v15;
	v34 =	vor.u32 v17, v56;
	v57 =	vld.idx.msk [tilespmem:v55+s13+$0x0], $0xffff;
	[tilespmem:v31+s20+$0x0] =	vst.idx.msk $0xffff, v36  }
0x14a: {  	v59 =	vor.u32 v58, v18;
	v31 =	vld.idx.msk [tilespmem:v32+s13+$0x0], $0xffff;
	[tilespmem:v27+s20+$0x0] =	vst.idx.msk $0xffff, v35  }
0x14b: {  	v60 =	vld.idx.msk [tilespmem:v28+s13+$0x0], $0xffff;
	[tilespmem:v24+s20+$0x0] =	vst.idx.msk $0xffff, v33  }
0x14c: {  	v61 =	vld.idx.msk [tilespmem:v29+s13+$0x0], $0xffff;
	_ =	sdelay $0x1  }
0x14d: {  	v62 =	vshll.u32 v58, $0x7;
	[tilespmem:v34+s20+$0x0] =	vst.idx.msk $0xffff, v57  }
0x14e: {  	v28 =	vor.u32 v17, v62;
	v18 =	vld.idx.msk [tilespmem:v59+s13+$0x0], $0xffff;
	[tilespmem:v25+s20+$0x0] =	vst.idx.msk $0xffff, v31  }
0x14f: {  	v17 =	vor.u32 v17, v30;
	v25 =	vld.idx.msk [tilespmem:v26+s13+$0x0], $0xffff;
	[tilespmem:v22+s20+$0x0] =	vst.idx.msk $0xffff, v60  }
0x150: {  	v63 =	vld.idx.msk [tilespmem:v23+s13+$0x0], $0xffff;
	[tilespmem:v21+s20+$0x0] =	vst.idx.msk $0xffff, v61  }
0x151: {  	v20 =	vld.idx.msk [tilespmem:v20+s13+$0x0], $0xffff  }
0x152: {  	[tilespmem:v16+s20+$0x0] =	vst.idx.msk $0xffff, v47;
	p1 =	sne.s32 s31, $0x7  }
.Ltmp3:
0x153: {  	s3 =	sshll.u32 s31, $0xC;
	[tilespmem:v28+s20+$0x0] =	vst.idx.msk $0xffff, v18;
	(pc) =	sbr.rel @p1 .LBB2_6-.Ltmp3, $4  }
0x154: {  	s2 =	sor.u32 s5, s3;
	[tilespmem:v17+s20+$0x0] =	vst.idx.msk $0xffff, v25  }
0x155: {  	s2 =	sshrl.u32 s2, $0x3;
	[tilespmem:v19+s20+$0x0] =	vst.idx.msk $0xffff, v63  }
0x156: {  	s2 =	sadd.s32 s4, s2;
	[tilespmem:v48+s20+$0x0] =	vst.idx.msk $0xffff, v20  }
0x157: {  	[hbm4b:s2+s21] =	stream.strided.scatter [tilespmem:s20], [sflag:$0x5], $0x4000, s22, s21, $0x38;
	[tilespmem:$0x19000] =	vst v63  }
.Ltmp4:
0x158: {  	(pc) =	sbr.rel .LBB2_7-.Ltmp4, $4  }
0x159: {  	_ = 	snop  }
0x15a: {  	_ =	swait.ge [sflag:s23], $0x4000  }
0x15b: {  	[sflag:s23] =	ssyncset.done $0x0  }
0x15c: {  	[sflag:s23] =	ssyncadd.s32 $0xFFFFC000  }
.LBB2_6:
0x15d: {  	s2 =	sshrl.u32 s1, $0x2  }
.Ltmp5:
0x15e: {  	s6 =	simm.s32 $0x80;
	s2 =	sadd.s32 $0x200, s2;
	(pc) =	sbr.rel @p0 .LBB2_8-.Ltmp5, $4  }
0x15f: {  	[tilespmem:s13], [sflag:$0x1] =	stream.indirect.gather [hbm4b:s0+s6], $0x80, s2, s6, $0xb8;
	[tilespmem:$0x19000] =	vst v63  }
0x160: {  	_ =	swait.ge [sflag:s23], $0x4000  }
0x161: {  	[sflag:s23] =	ssyncset.done $0x0  }
0x162: {  	[sflag:s23] =	ssyncadd.s32 $0xFFFFC000  }
.LBB2_7:
0x163: {  	_ =	swait.ge [sflag:s24], $0x4000  }
0x164: {  	[sflag:s24] =	ssyncset.done $0x0  }
0x165: {  	[sflag:s24] =	ssyncadd.s32 $0xFFFFC000  }
.LBB2_8:
0x166: {  	s2 =	simm.s32 $0x0  }
0x167: {  	s7 =	sand.u32 $0x70, s2;
	s6 =	sand.u32 $0x40, s2  }
0x168: {  	v19 =	vor.u32 s7, v0;
	v17 =	vor.u32 s6, v0  }
0x169: {  	s2 =	sor.u32 $0x30, s6;
	s10 =	sor.u32 $0x10, s6;
	v22 =	vor.u32 s6, v1;
	v55 =	vor.u32 s6, v7;
	v45 =	vor.u32 s6, v9  }
0x16a: {  	s11 =	sor.u32 $0x20, s6;
	v20 =	vshll.u32 v19, $0x7;
	v16 =	vor.u32 s2, v0;
	v23 =	vor.u32 s10, v0  }
0x16b: {  	v24 =	vor.u32 s11, v0;
	v27 =	vor.u32 s2, v1;
	v29 =	vor.u32 s10, v1  }
0x16c: {  	v30 =	vor.u32 s11, v1;
	v50 =	vor.u32 s11, v4;
	v38 =	vor.u32 s10, v5  }
0x16d: {  	v39 =	vor.u32 s11, v5;
	v53 =	vor.u32 s2, v5;
	v40 =	vor.u32 s11, v7  }
0x16e: {  	v58 =	vor.u32 s2, v7;
	v18 =	vor.u32 v16, v20;
	v21 =	vor.u32 v17, v20  }
0x16f: {  	v25 =	vor.u32 v23, v20;
	v26 =	vor.u32 v24, v20;
	v23 =	vshll.u32 v23, $0x7  }
0x170: {  	v17 =	vshll.u32 v17, $0x7;
	v24 =	vshll.u32 v24, $0x7;
	v16 =	vshll.u32 v16, $0x7  }
0x171: {  	v28 =	vor.u32 v27, v20;
	v31 =	vor.u32 v22, v20;
	v32 =	vor.u32 v29, v20  }
0x172: {  	v29 =	vshll.u32 v29, $0x7;
	v33 =	vor.u32 v30, v20;
	v30 =	vshll.u32 v30, $0x7  }
0x173: {  	v22 =	vshll.u32 v22, $0x7;
	v51 =	vshll.u32 v38, $0x7;
	v16 =	vor.u32 v19, v16;
	v18 =	vld.idx.msk [tilespmem:v18+s14+$0x0], $0xffff  }
0x174: {  	v52 =	vor.u32 v39, v20;
	v54 =	vor.u32 v53, v20;
	v17 =	vor.u32 v19, v17;
	v21 =	vld.idx.msk [tilespmem:v21+s14+$0x0], $0xffff  }
0x175: {  	v41 =	vor.u32 v55, v20;
	v43 =	vor.u32 v40, v20;
	v24 =	vor.u32 v19, v24;
	v26 =	vld.idx.msk [tilespmem:v26+s14+$0x0], $0xffff  }
0x176: {  	v57 =	vshll.u32 v53, $0x7;
	v60 =	vor.u32 v58, v20;
	v23 =	vor.u32 v19, v23;
	v25 =	vld.idx.msk [tilespmem:v25+s14+$0x0], $0xffff  }
0x177: {  	v53 =	vor.u32 s10, v9;
	v29 =	vor.u32 v19, v29;
	v22 =	vor.u32 v19, v22  }
0x178: {  	v30 =	vor.u32 v19, v30;
	[tilespmem:v16+s25+$0x0] =	vst.idx.msk $0xffff, v18;
	v16 =	vshll.u32 v27, $0x7;
	v18 =	vor.u32 s10, v2  }
0x179: {  	[tilespmem:v17+s25+$0x0] =	vst.idx.msk $0xffff, v21;
	v21 =	vor.u32 s2, v2;
	v27 =	vor.u32 s6, v2;
	v17 =	vld.idx.msk [tilespmem:v28+s14+$0x0], $0xffff;
	v16 =	vor.u32 v19, v16  }
0x17a: {  	[tilespmem:v24+s25+$0x0] =	vst.idx.msk $0xffff, v26;
	v26 =	vor.u32 s10, v3;
	v28 =	vor.u32 s11, v2;
	v31 =	vld.idx.msk [tilespmem:v31+s14+$0x0], $0xffff;
	v34 =	vor.u32 v21, v20  }
0x17b: {  	[tilespmem:v23+s25+$0x0] =	vst.idx.msk $0xffff, v25;
	v23 =	vshll.u32 v18, $0x7;
	v25 =	vor.u32 v27, v20;
	v18 =	vor.u32 v18, v20  }
0x17c: {  	v32 =	vld.idx.msk [tilespmem:v32+s14+$0x0], $0xffff;
	v27 =	vshll.u32 v27, $0x7;
	v47 =	vshll.u32 v26, $0x7;
	v26 =	vor.u32 v26, v20  }
0x17d: {  	v35 =	vshll.u32 v28, $0x7;
	v28 =	vor.u32 v28, v20;
	v24 =	vor.u32 v19, v27;
	v27 =	vld.idx.msk [tilespmem:v33+s14+$0x0], $0xffff  }
0x17e: {  	v23 =	vor.u32 v19, v23;
	v49 =	vor.u32 v19, v47;
	[tilespmem:v16+s25+$0x0] =	vst.idx.msk $0xffff, v17;
	v17 =	vshll.u32 v21, $0x7  }
0x17f: {  	v33 =	vor.u32 v19, v51;
	[tilespmem:v22+s25+$0x0] =	vst.idx.msk $0xffff, v31;
	v22 =	vld.idx.msk [tilespmem:v34+s14+$0x0], $0xffff;
	v17 =	vor.u32 v19, v17  }
0x180: {  	v47 =	vor.u32 s11, v9;
	v46 =	vor.u32 v19, v35;
	v31 =	vor.u32 s2, v3;
	v25 =	vld.idx.msk [tilespmem:v25+s14+$0x0], $0xffff  }
0x181: {  	v16 =	vor.u32 s6, v3;
	v21 =	vor.u32 s11, v3;
	[tilespmem:v29+s25+$0x0] =	vst.idx.msk $0xffff, v32;
	v36 =	vor.u32 v31, v20  }
0x182: {  	v48 =	vor.u32 v16, v20;
	v29 =	vshll.u32 v21, $0x7;
	v16 =	vshll.u32 v16, $0x7;
	[tilespmem:v30+s25+$0x0] =	vst.idx.msk $0xffff, v27;
	v18 =	vld.idx.msk [tilespmem:v18+s14+$0x0], $0xffff  }
0x183: {  	v21 =	vor.u32 v21, v20;
	v30 =	vor.u32 s10, v4;
	v34 =	vor.u32 v50, v20;
	v28 =	vld.idx.msk [tilespmem:v28+s14+$0x0], $0xffff  }
0x184: {  	v16 =	vor.u32 v19, v16;
	v27 =	vor.u32 v19, v29;
	v29 =	vor.u32 s6, v4;
	[tilespmem:v17+s25+$0x0] =	vst.idx.msk $0xffff, v22  }
0x185: {  	v17 =	vor.u32 v29, v20;
	v22 =	vshll.u32 v30, $0x7;
	[tilespmem:v24+s25+$0x0] =	vst.idx.msk $0xffff, v25;
	v24 =	vshll.u32 v31, $0x7  }
0x186: {  	v25 =	vshll.u32 v50, $0x7;
	v31 =	vor.u32 s2, v4;
	v36 =	vld.idx.msk [tilespmem:v36+s14+$0x0], $0xffff;
	v24 =	vor.u32 v19, v24  }
0x187: {  	v30 =	vor.u32 v30, v20;
	[tilespmem:v23+s25+$0x0] =	vst.idx.msk $0xffff, v18;
	v37 =	vor.u32 v31, v20;
	v35 =	vld.idx.msk [tilespmem:v48+s14+$0x0], $0xffff  }
0x188: {  	v29 =	vshll.u32 v29, $0x7;
	v18 =	vor.u32 s6, v5;
	v23 =	vor.u32 v38, v20;
	[tilespmem:v46+s25+$0x0] =	vst.idx.msk $0xffff, v28;
	v26 =	vld.idx.msk [tilespmem:v26+s14+$0x0], $0xffff  }
0x189: {  	v22 =	vor.u32 v19, v22;
	v29 =	vor.u32 v19, v29;
	v25 =	vor.u32 v19, v25;
	v21 =	vld.idx.msk [tilespmem:v21+s14+$0x0], $0xffff  }
0x18a: {  	v28 =	vor.u32 v18, v20;
	v31 =	vshll.u32 v31, $0x7;
	v46 =	vor.u32 v53, v20  }
0x18b: {  	v18 =	vshll.u32 v18, $0x7;
	v48 =	vor.u32 v47, v20;
	v31 =	vor.u32 v19, v31;
	[tilespmem:v24+s25+$0x0] =	vst.idx.msk $0xffff, v36  }
0x18c: {  	v56 =	vshll.u32 v40, $0x7;
	v18 =	vor.u32 v19, v18;
	v24 =	vshll.u32 v39, $0x7;
	[tilespmem:v16+s25+$0x0] =	vst.idx.msk $0xffff, v35;
	v36 =	vld.idx.msk [tilespmem:v37+s14+$0x0], $0xffff  }
0x18d: {  	v16 =	vor.u32 s10, v7;
	[tilespmem:v49+s25+$0x0] =	vst.idx.msk $0xffff, v26;
	v26 =	vshll.u32 v55, $0x7;
	v24 =	vor.u32 v19, v24;
	v17 =	vld.idx.msk [tilespmem:v17+s14+$0x0], $0xffff  }
0x18e: {  	v42 =	vor.u32 v16, v20;
	v16 =	vshll.u32 v16, $0x7;
	[tilespmem:v27+s25+$0x0] =	vst.idx.msk $0xffff, v21;
	v21 =	vor.u32 s10, v8;
	v30 =	vld.idx.msk [tilespmem:v30+s14+$0x0], $0xffff  }
0x18f: {  	v27 =	vor.u32 v19, v56;
	v26 =	vor.u32 v19, v26;
	v56 =	vshll.u32 v47, $0x7  }
0x190: {  	v16 =	vor.u32 v19, v16;
	v34 =	vld.idx.msk [tilespmem:v34+s14+$0x0], $0xffff;
	v37 =	vor.u32 v21, v20;
	v21 =	vshll.u32 v21, $0x7  }
0x191: {  	v32 =	vshll.u32 v58, $0x7;
	v47 =	vor.u32 v19, v56;
	v21 =	vor.u32 v19, v21;
	[tilespmem:v31+s25+$0x0] =	vst.idx.msk $0xffff, v36  }
0x192: {  	v58 =	vor.u32 s2, v6;
	[tilespmem:v29+s25+$0x0] =	vst.idx.msk $0xffff, v17;
	v17 =	vor.u32 s6, v8;
	v29 =	vor.u32 v19, v57;
	v59 =	vld.idx.msk [tilespmem:v54+s14+$0x0], $0xffff  }
0x193: {  	v31 =	vor.u32 s11, v8;
	[tilespmem:v22+s25+$0x0] =	vst.idx.msk $0xffff, v30;
	v22 =	vor.u32 s10, v6;
	v30 =	vor.u32 s11, v6;
	v28 =	vld.idx.msk [tilespmem:v28+s14+$0x0], $0xffff  }
0x194: {  	v36 =	vor.u32 v17, v20;
	v40 =	vor.u32 v31, v20;
	v31 =	vshll.u32 v31, $0x7;
	v23 =	vld.idx.msk [tilespmem:v23+s14+$0x0], $0xffff  }
0x195: {  	v17 =	vshll.u32 v17, $0x7;
	[tilespmem:v25+s25+$0x0] =	vst.idx.msk $0xffff, v34;
	v25 =	vor.u32 s6, v6;
	v34 =	vor.u32 v22, v20  }
0x196: {  	v44 =	vor.u32 v30, v20;
	v22 =	vshll.u32 v22, $0x7;
	v31 =	vor.u32 v19, v31;
	v61 =	vld.idx.msk [tilespmem:v52+s14+$0x0], $0xffff  }
0x197: {  	v54 =	vshll.u32 v53, $0x7;
	v17 =	vor.u32 v19, v17;
	v22 =	vor.u32 v19, v22;
	[tilespmem:v29+s25+$0x0] =	vst.idx.msk $0xffff, v59  }
0x198: {  	v29 =	vor.u32 v25, v20;
	[tilespmem:v18+s25+$0x0] =	vst.idx.msk $0xffff, v28;
	v28 =	vor.u32 v19, v32;
	v62 =	vld.idx.msk [tilespmem:v60+s14+$0x0], $0xffff  }
0x199: {  	v18 =	vshll.u32 v30, $0x7;
	v30 =	vor.u32 s2, v8;
	v25 =	vshll.u32 v25, $0x7;
	[tilespmem:v33+s25+$0x0] =	vst.idx.msk $0xffff, v23;
	v52 =	vld.idx.msk [tilespmem:v41+s14+$0x0], $0xffff  }
0x19a: {  	v23 =	vor.u32 v45, v20;
	v33 =	vshll.u32 v58, $0x7;
	v63 =	vor.u32 v30, v20;
	v55 =	vld.idx.msk [tilespmem:v42+s14+$0x0], $0xffff  }
0x19b: {  	v25 =	vor.u32 v19, v25;
	v18 =	vor.u32 v19, v18;
	[tilespmem:v24+s25+$0x0] =	vst.idx.msk $0xffff, v61;
	v24 =	vshll.u32 v45, $0x7  }
0x19c: {  	v45 =	vor.u32 v19, v54;
	v30 =	vshll.u32 v30, $0x7;
	v61 =	vor.u32 v58, v20;
	v57 =	vld.idx.msk [tilespmem:v43+s14+$0x0], $0xffff  }
0x19d: {  	v60 =	vor.u32 s6, v10;
	v33 =	vor.u32 v19, v33;
	v30 =	vor.u32 v19, v30;
	[tilespmem:v28+s25+$0x0] =	vst.idx.msk $0xffff, v62  }
0x19e: {  	v24 =	vor.u32 v19, v24;
	v49 =	vor.u32 v60, v20;
	v28 =	vor.u32 s10, v10;
	[tilespmem:v26+s25+$0x0] =	vst.idx.msk $0xffff, v52  }
0x19f: {  	v26 =	vor.u32 s11, v10;
	[tilespmem:v16+s25+$0x0] =	vst.idx.msk $0xffff, v55;
	v16 =	vshll.u32 v60, $0x7;
	v60 =	vor.u32 s2, v9  }
0x1a0: {  	v59 =	vld.idx.msk [tilespmem:v63+s14+$0x0], $0xffff;
	v50 =	vor.u32 v28, v20;
	v28 =	vshll.u32 v28, $0x7;
	v51 =	vor.u32 v26, v20  }
0x1a1: {  	v36 =	vld.idx.msk [tilespmem:v36+s14+$0x0], $0xffff;
	v26 =	vshll.u32 v26, $0x7;
	v16 =	vor.u32 v19, v16;
	[tilespmem:v27+s25+$0x0] =	vst.idx.msk $0xffff, v57;
	v27 =	vor.u32 s10, v11  }
0x1a2: {  	v62 =	vld.idx.msk [tilespmem:v37+s14+$0x0], $0xffff;
	v52 =	vor.u32 v19, v28;
	v53 =	vor.u32 v19, v26;
	v26 =	vor.u32 s6, v11  }
0x1a3: {  	v28 =	vor.u32 s11, v11;
	v54 =	vor.u32 v26, v20;
	v26 =	vshll.u32 v26, $0x7  }
0x1a4: {  	v63 =	vld.idx.msk [tilespmem:v40+s14+$0x0], $0xffff;
	v55 =	vor.u32 v27, v20;
	v58 =	vor.u32 v19, v26;
	v26 =	vor.u32 s11, v12  }
0x1a5: {  	v56 =	vor.u32 v28, v20;
	v41 =	vor.u32 v26, v20;
	v26 =	vshll.u32 v26, $0x7;
	[tilespmem:v30+s25+$0x0] =	vst.idx.msk $0xffff, v59  }
0x1a6: {  	v30 =	vshll.u32 v27, $0x7;
	[tilespmem:v17+s25+$0x0] =	vst.idx.msk $0xffff, v36;
	v17 =	vshll.u32 v28, $0x7;
	v27 =	vor.u32 v60, v20;
	v61 =	vld.idx.msk [tilespmem:v61+s14+$0x0], $0xffff  }
0x1a7: {  	[tilespmem:v21+s25+$0x0] =	vst.idx.msk $0xffff, v62;
	v21 =	vor.u32 s6, v12;
	v35 =	vor.u32 v19, v26;
	v26 =	vor.u32 s6, v13;
	v28 =	vld.idx.msk [tilespmem:v29+s14+$0x0], $0xffff  }
0x1a8: {  	v62 =	vor.u32 s11, v13;
	v57 =	vor.u32 v19, v30;
	v43 =	vor.u32 v19, v17  }
0x1a9: {  	v17 =	vor.u32 s10, v12;
	v29 =	vld.idx.msk [tilespmem:v34+s14+$0x0], $0xffff;
	v59 =	vor.u32 v21, v20;
	v39 =	vor.u32 v26, v20  }
0x1aa: {  	[tilespmem:v31+s25+$0x0] =	vst.idx.msk $0xffff, v63;
	v36 =	vor.u32 v62, v20;
	v42 =	vor.u32 v17, v20;
	v17 =	vshll.u32 v17, $0x7  }
0x1ab: {  	v21 =	vshll.u32 v21, $0x7;
	v30 =	vld.idx.msk [tilespmem:v44+s14+$0x0], $0xffff;
	v38 =	vor.u32 v19, v17;
	v17 =	vshll.u32 v60, $0x7;
	[tilespmem:v33+s25+$0x0] =	vst.idx.msk $0xffff, v61  }
0x1ac: {  	v26 =	vshll.u32 v26, $0x7;
	v17 =	vor.u32 v19, v17;
	[tilespmem:v25+s25+$0x0] =	vst.idx.msk $0xffff, v28;
	v28 =	vor.u32 s2, v10;
	v27 =	vld.idx.msk [tilespmem:v27+s14+$0x0], $0xffff  }
0x1ad: {  	v63 =	vor.u32 s2, v11;
	v40 =	vor.u32 v19, v21;
	v21 =	vor.u32 v28, v20;
	v23 =	vld.idx.msk [tilespmem:v23+s14+$0x0], $0xffff  }
0x1ae: {  	v34 =	vor.u32 v19, v26;
	v44 =	vshll.u32 v63, $0x7;
	v25 =	vor.u32 s10, v13  }
0x1af: {  	v44 =	vor.u32 v19, v44;
	[tilespmem:v22+s25+$0x0] =	vst.idx.msk $0xffff, v29;
	v37 =	vor.u32 v25, v20;
	v22 =	vshll.u32 v25, $0x7  }
0x1b0: {  	v25 =	vld.idx.msk [tilespmem:v46+s14+$0x0], $0xffff;
	[tilespmem:v18+s25+$0x0] =	vst.idx.msk $0xffff, v30;
	v31 =	vor.u32 v19, v22;
	v22 =	vshll.u32 v62, $0x7  }
0x1b1: {  	v26 =	vshll.u32 v28, $0x7;
	v32 =	vor.u32 v19, v22;
	[tilespmem:v17+s25+$0x0] =	vst.idx.msk $0xffff, v27;
	v27 =	vld.idx.msk [tilespmem:v48+s14+$0x0], $0xffff  }
0x1b2: {  	v61 =	vor.u32 s11, v15;
	v22 =	vor.u32 s11, v14;
	[tilespmem:v24+s25+$0x0] =	vst.idx.msk $0xffff, v23;
	v24 =	vor.u32 v19, v26;
	v21 =	vld.idx.msk [tilespmem:v21+s14+$0x0], $0xffff  }
0x1b3: {  	v18 =	vor.u32 s10, v14;
	v28 =	vor.u32 v22, v20;
	v22 =	vshll.u32 v22, $0x7  }
0x1b4: {  	v29 =	vor.u32 v18, v20;
	v22 =	vor.u32 v19, v22;
	v17 =	vor.u32 s6, v14  }
0x1b5: {  	v23 =	vshll.u32 v18, $0x7;
	v18 =	vor.u32 v63, v20;
	[tilespmem:v45+s25+$0x0] =	vst.idx.msk $0xffff, v25;
	v33 =	vor.u32 v17, v20  }
0x1b6: {  	v46 =	vor.u32 s2, v12;
	v60 =	vld.idx.msk [tilespmem:v49+s14+$0x0], $0xffff;
	v17 =	vshll.u32 v17, $0x7;
	v26 =	vor.u32 v19, v23;
	[tilespmem:v47+s25+$0x0] =	vst.idx.msk $0xffff, v27  }
0x1b7: {  	s12 =	simm.s32 $0x40;
	v23 =	vor.u32 s10, v15;
	v49 =	vor.u32 v46, v20;
	[tilespmem:v24+s25+$0x0] =	vst.idx.msk $0xffff, v21;
	v21 =	vor.u32 v61, v20  }
0x1b8: {  	v45 =	vld.idx.msk [tilespmem:v50+s14+$0x0], $0xffff;
	v46 =	vshll.u32 v46, $0x7;
	v30 =	vor.u32 v19, v17;
	v17 =	vor.u32 s6, v15;
	s6 =	sand.u32 $0x40, s12;
	[tilespmem:$0x1FFE0] =	vst v21  }
0x1b9: {  	v25 =	vor.u32 v23, v20;
	v23 =	vshll.u32 v23, $0x7;
	v46 =	vor.u32 v19, v46;
	s30 =	sor.u32 $0x20, s6;
	v47 =	vld.idx.msk [tilespmem:v51+s14+$0x0], $0xffff  }
0x1ba: {  	s15 =	simm.s32 $0x8;
	v23 =	vor.u32 v19, v23;
	v24 =	vshll.u32 v61, $0x7;
	v61 =	vor.u32 s30, v0;
	v48 =	vld.idx.msk [tilespmem:v18+s14+$0x0], $0xffff  }
0x1bb: {  	s7 =	sand.u32 $0x70, s15;
	v27 =	vor.u32 v17, v20;
	v17 =	vshll.u32 v17, $0x7;
	v63 =	vshll.u32 v61, $0x7;
	[tilespmem:v16+s25+$0x0] =	vst.idx.msk $0xffff, v60  }
0x1bc: {  	s17 =	sor.u32 $0x10, s6;
	v16 =	vor.u32 v19, v24;
	v24 =	vor.u32 v19, v17;
	v17 =	vor.u32 s7, v0;
	v50 =	vld.idx.msk [tilespmem:v54+s14+$0x0], $0xffff  }
0x1bd: {  	s15 =	sor.u32 $0x30, s6;
	v51 =	vor.u32 s6, v0;
	[tilespmem:v52+s25+$0x0] =	vst.idx.msk $0xffff, v45;
	v52 =	vor.u32 s17, v0;
	v18 =	vshll.u32 v17, $0x7  }
0x1be: {  	v54 =	vld.idx.msk [tilespmem:v55+s14+$0x0], $0xffff;
	v55 =	vor.u32 s15, v0;
	v60 =	vor.u32 v51, v18;
	v51 =	vshll.u32 v51, $0x7;
	[tilespmem:v53+s25+$0x0] =	vst.idx.msk $0xffff, v47  }
0x1bf: {  	v62 =	vshll.u32 v52, $0x7;
	v51 =	vor.u32 v17, v51;
	v47 =	vor.u32 v55, v18;
	[tilespmem:v44+s25+$0x0] =	vst.idx.msk $0xffff, v48  }
0x1c0: {  	v53 =	vor.u32 v52, v18;
	v44 =	vor.u32 v61, v18;
	v48 =	vor.u32 v17, v62;
	v49 =	vld.idx.msk [tilespmem:v49+s14+$0x0], $0xffff  }
0x1c1: {  	v45 =	vor.u32 s6, v1;
	v52 =	vor.u32 v17, v63;
	v61 =	vor.u32 s17, v1;
	[tilespmem:v58+s25+$0x0] =	vst.idx.msk $0xffff, v50;
	v56 =	vld.idx.msk [tilespmem:v56+s14+$0x0], $0xffff  }
0x1c2: {  	v55 =	vshll.u32 v55, $0x7;
	v62 =	vor.u32 v45, v18;
	v50 =	vor.u32 s2, v13;
	v59 =	vld.idx.msk [tilespmem:v59+s14+$0x0], $0xffff  }
0x1c3: {  	v45 =	vshll.u32 v45, $0x7;
	[tilespmem:v57+s25+$0x0] =	vst.idx.msk $0xffff, v54;
	v54 =	vor.u32 s30, v1;
	v58 =	vor.u32 v50, v20;
	v60 =	vld.idx.msk [tilespmem:v60+s14+$0x0], $0xffff  }
0x1c4: {  	v55 =	vor.u32 v17, v55;
	v57 =	vor.u32 s15, v1;
	v63 =	vor.u32 v61, v18;
	v42 =	vld.idx.msk [tilespmem:v42+s14+$0x0], $0xffff  }
0x1c5: {  	v61 =	vshll.u32 v61, $0x7;
	v45 =	vor.u32 v17, v45;
	v50 =	vshll.u32 v50, $0x7;
	v47 =	vld.idx.msk [tilespmem:v47+s14+$0x0], $0xffff  }
0x1c6: {  	v21 =	vor.u32 v57, v18;
	v50 =	vor.u32 v19, v50;
	v53 =	vld.idx.msk [tilespmem:v53+s14+$0x0], $0xffff;
	[tilespmem:v46+s25+$0x0] =	vst.idx.msk $0xffff, v49  }
0x1c7: {  	v44 =	vld.idx.msk [tilespmem:v44+s14+$0x0], $0xffff;
	v49 =	vor.u32 v54, v18;
	[tilespmem:v43+s25+$0x0] =	vst.idx.msk $0xffff, v56;
	v54 =	vshll.u32 v54, $0x7;
	v56 =	vor.u32 s2, v14  }
0x1c8: {  	v46 =	vor.u32 v17, v61;
	v43 =	vld.idx.msk [tilespmem:v58+s14+$0x0], $0xffff;
	v58 =	vor.u32 v56, v20;
	[tilespmem:v51+s25+$0x0] =	vst.idx.msk $0xffff, v60  }
0x1c9: {  	v61 =	vor.u32 s17, v2;
	v54 =	vor.u32 v17, v54;
	v41 =	vld.idx.msk [tilespmem:v41+s14+$0x0], $0xffff;
	[tilespmem:v38+s25+$0x0] =	vst.idx.msk $0xffff, v42;
	v42 =	vor.u32 s6, v5  }
0x1ca: {  	v60 =	vshll.u32 v57, $0x7;
	[tilespmem:v40+s25+$0x0] =	vst.idx.msk $0xffff, v59;
	v57 =	vld.idx.msk [tilespmem:v62+s14+$0x0], $0xffff;
	v59 =	vor.u32 v42, v18;
	v42 =	vshll.u32 v42, $0x7  }
0x1cb: {  	v51 =	vor.u32 s30, v2;
	v56 =	vshll.u32 v56, $0x7;
	v39 =	vld.idx.msk [tilespmem:v39+s14+$0x0], $0xffff;
	v42 =	vor.u32 v17, v42;
	[tilespmem:v55+s25+$0x0] =	vst.idx.msk $0xffff, v47  }
0x1cc: {  	v37 =	vld.idx.msk [tilespmem:v37+s14+$0x0], $0xffff;
	v47 =	vor.u32 s6, v2;
	[tilespmem:v48+s25+$0x0] =	vst.idx.msk $0xffff, v53;
	v48 =	vshll.u32 v61, $0x7;
	v53 =	vor.u32 v17, v60  }
0x1cd: {  	v61 =	vor.u32 v61, v18;
	[tilespmem:v52+s25+$0x0] =	vst.idx.msk $0xffff, v44;
	v52 =	vor.u32 v19, v56;
	v21 =	vld.idx.msk [tilespmem:v21+s14+$0x0], $0xffff  }
0x1ce: {  	v55 =	vor.u32 s15, v2;
	v56 =	vor.u32 s2, v15;
	v60 =	vor.u32 v47, v18;
	v49 =	vld.idx.msk [tilespmem:v49+s14+$0x0], $0xffff;
	[tilespmem:v50+s25+$0x0] =	vst.idx.msk $0xffff, v43  }
0x1cf: {  	v62 =	vor.u32 v55, v18;
	v48 =	vor.u32 v17, v48;
	v43 =	vld.idx.msk [tilespmem:v63+s14+$0x0], $0xffff;
	[tilespmem:v35+s25+$0x0] =	vst.idx.msk $0xffff, v41  }
0x1d0: {  	v47 =	vshll.u32 v47, $0x7;
	v20 =	vor.u32 v56, v20;
	v63 =	vshll.u32 v51, $0x7;
	v44 =	vld.idx.msk [tilespmem:v58+s14+$0x0], $0xffff;
	[tilespmem:v45+s25+$0x0] =	vst.idx.msk $0xffff, v57  }
0x1d1: {  	v51 =	vor.u32 v51, v18;
	v47 =	vor.u32 v17, v47;
	v36 =	vld.idx.msk [tilespmem:v36+s14+$0x0], $0xffff;
	[tilespmem:v34+s25+$0x0] =	vst.idx.msk $0xffff, v39  }
0x1d2: {  	v50 =	vor.u32 v17, v63;
	v58 =	vshll.u32 v55, $0x7;
	v57 =	vor.u32 s15, v3;
	[tilespmem:v31+s25+$0x0] =	vst.idx.msk $0xffff, v37;
	v33 =	vld.idx.msk [tilespmem:v33+s14+$0x0], $0xffff  }
0x1d3: {  	v45 =	vor.u32 s6, v3;
	v63 =	vor.u32 s30, v4;
	v31 =	vor.u32 s6, v9;
	[tilespmem:v53+s25+$0x0] =	vst.idx.msk $0xffff, v21;
	v60 =	vld.idx.msk [tilespmem:v60+s14+$0x0], $0xffff  }
0x1d4: {  	v21 =	vor.u32 s17, v3;
	v53 =	vor.u32 v17, v58;
	v58 =	vor.u32 s30, v3;
	[tilespmem:v54+s25+$0x0] =	vst.idx.msk $0xffff, v49;
	v55 =	vld.idx.msk [tilespmem:v62+s14+$0x0], $0xffff  }
0x1d5: {  	[tilespmem:v46+s25+$0x0] =	vst.idx.msk $0xffff, v43;
	v43 =	vshll.u32 v21, $0x7;
	v46 =	vor.u32 v57, v18;
	v21 =	vor.u32 v21, v18  }
0x1d6: {  	v62 =	vshll.u32 v56, $0x7;
	v54 =	vor.u32 v58, v18;
	v49 =	vld.idx.msk [tilespmem:v51+s14+$0x0], $0xffff;
	v56 =	vor.u32 s17, v4  }
0x1d7: {  	[tilespmem:v52+s25+$0x0] =	vst.idx.msk $0xffff, v44;
	v44 =	vor.u32 v45, v18;
	v52 =	vshll.u32 v58, $0x7;
	v61 =	vld.idx.msk [tilespmem:v61+s14+$0x0], $0xffff;
	v45 =	vshll.u32 v45, $0x7  }
0x1d8: {  	v19 =	vor.u32 v19, v62;
	v43 =	vor.u32 v17, v43;
	v58 =	vshll.u32 v57, $0x7;
	[tilespmem:v32+s25+$0x0] =	vst.idx.msk $0xffff, v36  }
0x1d9: {  	v57 =	vor.u32 s15, v4;
	v62 =	vshll.u32 v63, $0x7;
	v32 =	vor.u32 v31, v18;
	[tilespmem:v30+s25+$0x0] =	vst.idx.msk $0xffff, v33  }
0x1da: {  	v45 =	vor.u32 v17, v45;
	v51 =	vor.u32 v17, v52;
	v52 =	vor.u32 s6, v4;
	[tilespmem:v53+s25+$0x0] =	vst.idx.msk $0xffff, v55  }
0x1db: {  	[tilespmem:v47+s25+$0x0] =	vst.idx.msk $0xffff, v60;
	v47 =	vor.u32 v52, v18;
	v55 =	vor.u32 v17, v58;
	v46 =	vld.idx.msk [tilespmem:v46+s14+$0x0], $0xffff  }
0x1dc: {  	v31 =	vshll.u32 v31, $0x7;
	v60 =	vshll.u32 v56, $0x7;
	v56 =	vor.u32 v56, v18;
	v44 =	vld.idx.msk [tilespmem:v44+s14+$0x0], $0xffff;
	[tilespmem:v48+s25+$0x0] =	vst.idx.msk $0xffff, v61  }
0x1dd: {  	v33 =	vor.u32 s30, v11;
	v52 =	vshll.u32 v52, $0x7;
	v58 =	vor.u32 v57, v18;
	[tilespmem:v50+s25+$0x0] =	vst.idx.msk $0xffff, v49;
	v21 =	vld.idx.msk [tilespmem:v21+s14+$0x0], $0xffff  }
0x1de: {  	v40 =	vor.u32 v17, v60;
	v53 =	vor.u32 v63, v18;
	v63 =	vor.u32 s17, v5;
	v38 =	vld.idx.msk [tilespmem:v54+s14+$0x0], $0xffff  }
0x1df: {  	v49 =	vor.u32 v17, v52;
	v48 =	vor.u32 v17, v62;
	v52 =	vor.u32 v63, v18  }
0x1e0: {  	v20 =	vld.idx.msk [tilespmem:v20+s14+$0x0], $0xffff;
	v54 =	vor.u32 s30, v5;
	v50 =	vshll.u32 v63, $0x7;
	v61 =	vshll.u32 v57, $0x7;
	[tilespmem:v55+s25+$0x0] =	vst.idx.msk $0xffff, v46  }
0x1e1: {  	v62 =	vor.u32 s6, v7;
	v60 =	vor.u32 v54, v18;
	v50 =	vor.u32 v17, v50;
	[tilespmem:v45+s25+$0x0] =	vst.idx.msk $0xffff, v44  }
0x1e2: {  	v63 =	vor.u32 s30, v7;
	v55 =	vshll.u32 v54, $0x7;
	v46 =	vld.idx.msk [tilespmem:v58+s14+$0x0], $0xffff;
	[tilespmem:v43+s25+$0x0] =	vst.idx.msk $0xffff, v21;
	v43 =	vor.u32 v17, v61  }
0x1e3: {  	v45 =	vor.u32 s15, v5;
	[tilespmem:v51+s25+$0x0] =	vst.idx.msk $0xffff, v38;
	v51 =	vor.u32 v62, v18;
	v38 =	vshll.u32 v63, $0x7;
	v47 =	vld.idx.msk [tilespmem:v47+s14+$0x0], $0xffff  }
0x1e4: {  	v21 =	vor.u32 s17, v7;
	v44 =	vor.u32 v17, v55;
	v54 =	vor.u32 v45, v18;
	v55 =	vld.idx.msk [tilespmem:v56+s14+$0x0], $0xffff  }
0x1e5: {  	v58 =	vor.u32 v63, v18;
	v35 =	vld.idx.msk [tilespmem:v53+s14+$0x0], $0xffff;
	v61 =	vshll.u32 v62, $0x7;
	v62 =	vor.u32 s17, v8  }
0x1e6: {  	[tilespmem:v19+s25+$0x0] =	vst.idx.msk $0xffff, v20;
	v38 =	vor.u32 v17, v38;
	v63 =	vor.u32 s30, v8;
	v45 =	vshll.u32 v45, $0x7  }
0x1e7: {  	v57 =	vor.u32 v21, v18;
	v21 =	vshll.u32 v21, $0x7;
	v41 =	vor.u32 v17, v61;
	[tilespmem:v43+s25+$0x0] =	vst.idx.msk $0xffff, v46  }
0x1e8: {  	v61 =	vor.u32 s6, v8;
	v20 =	vshll.u32 v62, $0x7;
	v21 =	vor.u32 v17, v21;
	[tilespmem:v49+s25+$0x0] =	vst.idx.msk $0xffff, v47  }
0x1e9: {  	v20 =	vor.u32 v17, v20;
	v46 =	vld.idx.msk [tilespmem:v54+s14+$0x0], $0xffff;
	[tilespmem:v40+s25+$0x0] =	vst.idx.msk $0xffff, v55;
	v40 =	vor.u32 v17, v45  }
0x1ea: {  	v43 =	vshll.u32 v63, $0x7;
	[tilespmem:v48+s25+$0x0] =	vst.idx.msk $0xffff, v35;
	v47 =	vor.u32 s15, v8;
	v45 =	vor.u32 s15, v7;
	v49 =	vld.idx.msk [tilespmem:v59+s14+$0x0], $0xffff  }
0x1eb: {  	v54 =	vor.u32 v61, v18;
	v55 =	vor.u32 v62, v18;
	v34 =	vld.idx.msk [tilespmem:v60+s14+$0x0], $0xffff;
	v56 =	vor.u32 v45, v18  }
0x1ec: {  	v62 =	vshll.u32 v61, $0x7;
	v43 =	vor.u32 v17, v43;
	v60 =	vor.u32 s30, v6;
	v19 =	vld.idx.msk [tilespmem:v52+s14+$0x0], $0xffff  }
0x1ed: {  	v61 =	vor.u32 s6, v6;
	v52 =	vor.u32 v63, v18;
	v35 =	vor.u32 v17, v62  }
0x1ee: {  	v63 =	vor.u32 s17, v6;
	v59 =	vor.u32 v60, v18;
	v45 =	vshll.u32 v45, $0x7;
	[tilespmem:v40+s25+$0x0] =	vst.idx.msk $0xffff, v46  }
0x1ef: {  	v48 =	vshll.u32 v61, $0x7;
	v53 =	vor.u32 v63, v18;
	v39 =	vshll.u32 v63, $0x7;
	[tilespmem:v42+s25+$0x0] =	vst.idx.msk $0xffff, v49  }
0x1f0: {  	v45 =	vor.u32 v17, v45;
	v48 =	vor.u32 v17, v48;
	[tilespmem:v44+s25+$0x0] =	vst.idx.msk $0xffff, v34;
	v40 =	vld.idx.msk [tilespmem:v56+s14+$0x0], $0xffff  }
0x1f1: {  	v62 =	vld.idx.msk [tilespmem:v51+s14+$0x0], $0xffff;
	[tilespmem:v50+s25+$0x0] =	vst.idx.msk $0xffff, v19;
	v50 =	vor.u32 v17, v39;
	v39 =	vor.u32 v47, v18  }
0x1f2: {  	v63 =	vor.u32 s17, v9;
	v42 =	vor.u32 v61, v18;
	v44 =	vor.u32 s30, v9;
	v34 =	vld.idx.msk [tilespmem:v58+s14+$0x0], $0xffff  }
0x1f3: {  	v19 =	vshll.u32 v60, $0x7;
	v56 =	vor.u32 v63, v18;
	v60 =	vshll.u32 v63, $0x7;
	v49 =	vld.idx.msk [tilespmem:v57+s14+$0x0], $0xffff  }
0x1f4: {  	v29 =	vld.idx.msk [tilespmem:v29+s14+$0x0], $0xffff;
	v51 =	vor.u32 v44, v18;
	v61 =	vshll.u32 v44, $0x7;
	v63 =	vshll.u32 v47, $0x7  }
0x1f5: {  	v44 =	vor.u32 s15, v6;
	v19 =	vor.u32 v17, v19;
	v57 =	vor.u32 v17, v60;
	[tilespmem:v45+s25+$0x0] =	vst.idx.msk $0xffff, v40  }
0x1f6: {  	v58 =	vor.u32 v17, v61;
	[tilespmem:v41+s25+$0x0] =	vst.idx.msk $0xffff, v62;
	v36 =	vld.idx.msk [tilespmem:v39+s14+$0x0], $0xffff;
	v39 =	vor.u32 v17, v63  }
0x1f7: {  	v46 =	vor.u32 v44, v18;
	v47 =	vshll.u32 v44, $0x7;
	v44 =	vor.u32 s15, v9;
	[tilespmem:v38+s25+$0x0] =	vst.idx.msk $0xffff, v34;
	v41 =	vld.idx.msk [tilespmem:v54+s14+$0x0], $0xffff  }
0x1f8: {  	v62 =	vor.u32 s17, v10;
	[tilespmem:v21+s25+$0x0] =	vst.idx.msk $0xffff, v49;
	v49 =	vor.u32 v17, v31;
	v31 =	vor.u32 s6, v10;
	v30 =	vld.idx.msk [tilespmem:v52+s14+$0x0], $0xffff  }
0x1f9: {  	v21 =	vor.u32 s30, v10;
	v45 =	vld.idx.msk [tilespmem:v55+s14+$0x0], $0xffff;
	v54 =	vor.u32 v31, v18;
	v55 =	vor.u32 v62, v18  }
0x1fa: {  	[tilespmem:v26+s25+$0x0] =	vst.idx.msk $0xffff, v29;
	v31 =	vshll.u32 v31, $0x7;
	v60 =	vor.u32 v21, v18;
	v21 =	vshll.u32 v21, $0x7  }
0x1fb: {  	v37 =	vshll.u32 v62, $0x7;
	v52 =	vor.u32 v17, v31;
	v40 =	vor.u32 v17, v21;
	[tilespmem:v39+s25+$0x0] =	vst.idx.msk $0xffff, v36  }
0x1fc: {  	v21 =	vor.u32 s6, v11;
	v31 =	vor.u32 s17, v11;
	[tilespmem:v35+s25+$0x0] =	vst.idx.msk $0xffff, v41;
	v35 =	vor.u32 v17, v47;
	v36 =	vld.idx.msk [tilespmem:v46+s14+$0x0], $0xffff  }
0x1fd: {  	v61 =	vor.u32 v17, v37;
	v62 =	vor.u32 v21, v18;
	v63 =	vor.u32 v31, v18;
	v37 =	vld.idx.msk [tilespmem:v42+s14+$0x0], $0xffff  }
0x1fe: {  	v28 =	vld.idx.msk [tilespmem:v28+s14+$0x0], $0xffff;
	v21 =	vshll.u32 v21, $0x7;
	v41 =	vshll.u32 v31, $0x7;
	v31 =	vor.u32 v44, v18;
	[tilespmem:v43+s25+$0x0] =	vst.idx.msk $0xffff, v30  }
0x1ff: {  	v26 =	vor.u32 s6, v12;
	v43 =	vor.u32 v17, v21;
	v21 =	vor.u32 s17, v12;
	v30 =	vld.idx.msk [tilespmem:v25+s14+$0x0], $0xffff;
	[tilespmem:v20+s25+$0x0] =	vst.idx.msk $0xffff, v45  }
0x200: {  	v20 =	vshll.u32 v33, $0x7;
	v42 =	vor.u32 v21, v18;
	v29 =	vld.idx.msk [tilespmem:v59+s14+$0x0], $0xffff;
	v46 =	vor.u32 v26, v18  }
0x201: {  	v25 =	vshll.u32 v26, $0x7;
	v21 =	vshll.u32 v21, $0x7;
	v53 =	vld.idx.msk [tilespmem:v53+s14+$0x0], $0xffff;
	v39 =	vor.u32 v17, v20;
	[tilespmem:v35+s25+$0x0] =	vst.idx.msk $0xffff, v36  }
0x202: {  	v20 =	vld.idx.msk [tilespmem:v27+s14+$0x0], $0xffff;
	v27 =	vor.u32 s30, v12;
	[tilespmem:v48+s25+$0x0] =	vst.idx.msk $0xffff, v37;
	v37 =	vor.u32 v17, v21;
	v21 =	vshll.u32 v44, $0x7  }
0x203: {  	v38 =	vor.u32 v27, v18;
	v27 =	vshll.u32 v27, $0x7;
	v26 =	vld.idx.msk [tilespmem:v31+s14+$0x0], $0xffff;
	v21 =	vor.u32 v17, v21  }
0x204: {  	[tilespmem:v22+s25+$0x0] =	vst.idx.msk $0xffff, v28;
	v59 =	vor.u32 s15, v10;
	v34 =	vor.u32 v17, v27;
	v27 =	vor.u32 s6, v13  }
0x205: {  	v44 =	vor.u32 v17, v25;
	v25 =	vor.u32 v59, v18;
	[tilespmem:v19+s25+$0x0] =	vst.idx.msk $0xffff, v29;
	v32 =	vld.idx.msk [tilespmem:v32+s14+$0x0], $0xffff  }
0x206: {  	v45 =	vor.u32 v33, v18;
	v36 =	vor.u32 v27, v18;
	[tilespmem:v50+s25+$0x0] =	vst.idx.msk $0xffff, v53;
	v31 =	vor.u32 s17, v13  }
0x207: {  	v28 =	vor.u32 s30, v13;
	[tilespmem:v24+s25+$0x0] =	vst.idx.msk $0xffff, v20;
	v22 =	vld.idx.msk [tilespmem:v56+s14+$0x0], $0xffff;
	v35 =	vor.u32 v31, v18;
	v19 =	vshll.u32 v31, $0x7  }
0x208: {  	v29 =	vld.idx.msk [tilespmem:v51+s14+$0x0], $0xffff;
	v31 =	vshll.u32 v27, $0x7;
	v27 =	vor.u32 v17, v19;
	v19 =	vshll.u32 v28, $0x7;
	[tilespmem:v21+s25+$0x0] =	vst.idx.msk $0xffff, v26  }
0x209: {  	v41 =	vor.u32 v17, v41;
	v24 =	vor.u32 v17, v19;
	v26 =	vshll.u32 v59, $0x7;
	v19 =	vld [tilespmem:$0x1FFE0]  }
0x20a: {  	v51 =	vor.u32 s15, v11;
	[tilespmem:v49+s25+$0x0] =	vst.idx.msk $0xffff, v32;
	v48 =	vld.idx.msk [tilespmem:v25+s14+$0x0], $0xffff;
	v50 =	vor.u32 v17, v26  }
0x20b: {  	v33 =	vor.u32 v28, v18;
	v20 =	vor.u32 s17, v14;
	v53 =	vld.idx.msk [tilespmem:v54+s14+$0x0], $0xffff;
	v54 =	vor.u32 v51, v18  }
0x20c: {  	v31 =	vor.u32 v17, v31;
	v28 =	vor.u32 v20, v18;
	v21 =	vor.u32 s30, v14;
	[tilespmem:v57+s25+$0x0] =	vst.idx.msk $0xffff, v22  }
0x20d: {  	v22 =	vshll.u32 v20, $0x7;
	[tilespmem:v58+s25+$0x0] =	vst.idx.msk $0xffff, v29;
	v29 =	vor.u32 v21, v18;
	v20 =	vshll.u32 v21, $0x7;
	v55 =	vld.idx.msk [tilespmem:v55+s14+$0x0], $0xffff  }
0x20e: {  	[tilespmem:v23+s25+$0x0] =	vst.idx.msk $0xffff, v30;
	v22 =	vor.u32 v17, v22;
	v21 =	vor.u32 v17, v20;
	v20 =	vor.u32 s17, v15  }
0x20f: {  	v49 =	vld.idx.msk [tilespmem:v60+s14+$0x0], $0xffff;
	v60 =	vor.u32 s30, v15;
	v51 =	vshll.u32 v51, $0x7;
	v23 =	vor.u32 v20, v18;
	[tilespmem:v50+s25+$0x0] =	vst.idx.msk $0xffff, v48  }
0x210: {  	v57 =	vshll.u32 v20, $0x7;
	v20 =	vor.u32 v60, v18;
	v60 =	vshll.u32 v60, $0x7;
	[tilespmem:v52+s25+$0x0] =	vst.idx.msk $0xffff, v53;
	v52 =	vld.idx.msk [tilespmem:v54+s14+$0x0], $0xffff  }
0x211: {  	v48 =	vor.u32 v17, v60;
	v54 =	vor.u32 v17, v51;
	v47 =	vld.idx.msk [tilespmem:v19+s14+$0x0], $0xffff;
	v19 =	vor.u32 s6, v14  }
0x212: {  	[tilespmem:v61+s25+$0x0] =	vst.idx.msk $0xffff, v55;
	v53 =	vor.u32 s15, v12;
	v32 =	vor.u32 v19, v18;
	v19 =	vshll.u32 v19, $0x7  }
0x213: {  	v50 =	vld.idx.msk [tilespmem:v62+s14+$0x0], $0xffff;
	v55 =	vor.u32 v53, v18;
	v25 =	vor.u32 v17, v19;
	v19 =	vor.u32 s6, v15  }
0x214: {  	s2 =	simm.s32 $0x80;
	s17 =	simm.s32 $0x4;
	v51 =	vld.idx.msk [tilespmem:v63+s14+$0x0], $0xffff;
	s6 =	simm.s32 $0x10;
	v26 =	vor.u32 v19, v18;
	v30 =	vshll.u32 v19, $0x7;
	v19 =	vor.u32 v17, v57  }
.LBB2_9:
0x215: {  	s7 =	sand.u32 $0x70, s6;
	s10 =	sand.u32 $0x40, s2;
	s17 =	sadd.s32 $0x4, s17;
	v30 =	vor.u32 v17, v30;
	[tilespmem:v40+s25+$0x0] =	vst.idx.msk $0xffff, v49  }
0x216: {  	v40 =	vor.u32 s7, v0;
	v49 =	vor.u32 s10, v0;
	v56 =	vor.u32 s10, v1;
	s11 =	sor.u32 $0x10, s10;
	s12 =	sor.u32 $0x30, s10;
	p0 =	slt.u32 s17, $0x3C;
	v45 =	vld.idx.msk [tilespmem:v45+s14+$0x0], $0xffff;
	[tilespmem:v16+s25+$0x0] =	vst.idx.msk $0xffff, v47;
	v16 =	vmovc v48  }
0x217: {  	s30 =	sor.u32 $0x20, s10;
	v47 =	vshll.u32 v40, $0x7;
	v48 =	vor.u32 s11, v0;
	v57 =	vor.u32 s12, v0  }
0x218: {  	v59 =	vor.u32 s30, v0;
	v58 =	vor.u32 v49, v47;
	v60 =	vor.u32 v57, v47;
	[tilespmem:v54+s25+$0x0] =	vst.idx.msk $0xffff, v52  }
0x219: {  	v53 =	vshll.u32 v53, $0x7;
	v52 =	vor.u32 v48, v47;
	v54 =	vor.u32 v59, v47;
	v55 =	vld.idx.msk [tilespmem:v55+s14+$0x0], $0xffff  }
0x21a: {  	v48 =	vshll.u32 v48, $0x7;
	[tilespmem:v43+s25+$0x0] =	vst.idx.msk $0xffff, v50;
	v43 =	vor.u32 v17, v53;
	v50 =	vor.u32 s15, v13  }
0x21b: {  	v49 =	vshll.u32 v49, $0x7;
	v53 =	vshll.u32 v59, $0x7;
	v46 =	vld.idx.msk [tilespmem:v46+s14+$0x0], $0xffff;
	[tilespmem:v41+s25+$0x0] =	vst.idx.msk $0xffff, v51;
	v41 =	vor.u32 v50, v18  }
0x21c: {  	v49 =	vor.u32 v40, v49;
	v48 =	vor.u32 v40, v48;
	v51 =	vor.u32 v40, v53;
	v42 =	vld.idx.msk [tilespmem:v42+s14+$0x0], $0xffff  }
0x21d: {  	v57 =	vshll.u32 v57, $0x7;
	v59 =	vor.u32 s30, v1;
	v53 =	vor.u32 s11, v1;
	v60 =	vld.idx.msk [tilespmem:v60+s14+$0x0], $0xffff;
	[tilespmem:v39+s25+$0x0] =	vst.idx.msk $0xffff, v45  }
0x21e: {  	v57 =	vor.u32 v40, v57;
	v45 =	vor.u32 v56, v47;
	v39 =	vld.idx.msk [tilespmem:v58+s14+$0x0], $0xffff;
	v58 =	vor.u32 s12, v1  }
0x21f: {  	v61 =	vor.u32 v53, v47;
	v52 =	vld.idx.msk [tilespmem:v52+s14+$0x0], $0xffff;
	v62 =	vor.u32 v58, v47;
	[tilespmem:v43+s25+$0x0] =	vst.idx.msk $0xffff, v55  }
0x220: {  	v50 =	vshll.u32 v50, $0x7;
	v43 =	vshll.u32 v53, $0x7;
	v53 =	vor.u32 v59, v47;
	v41 =	vld.idx.msk [tilespmem:v41+s14+$0x0], $0xffff  }
0x221: {  	v55 =	vshll.u32 v59, $0x7;
	v54 =	vld.idx.msk [tilespmem:v54+s14+$0x0], $0xffff;
	[tilespmem:v44+s25+$0x0] =	vst.idx.msk $0xffff, v46;
	v44 =	vor.u32 v17, v50;
	v46 =	vor.u32 s15, v14  }
0x222: {  	v43 =	vor.u32 v40, v43;
	v50 =	vshll.u32 v56, $0x7;
	v38 =	vld.idx.msk [tilespmem:v38+s14+$0x0], $0xffff;
	v56 =	vor.u32 v46, v18  }
0x223: {  	v59 =	vor.u32 s11, v2;
	v55 =	vor.u32 v40, v55;
	v50 =	vor.u32 v40, v50;
	[tilespmem:v57+s25+$0x0] =	vst.idx.msk $0xffff, v60  }
0x224: {  	v58 =	vshll.u32 v58, $0x7;
	[tilespmem:v49+s25+$0x0] =	vst.idx.msk $0xffff, v39;
	v39 =	vor.u32 s10, v2;
	v49 =	vor.u32 s30, v2;
	v57 =	vld.idx.msk [tilespmem:v62+s14+$0x0], $0xffff  }
0x225: {  	v45 =	vld.idx.msk [tilespmem:v45+s14+$0x0], $0xffff;
	[tilespmem:v48+s25+$0x0] =	vst.idx.msk $0xffff, v52;
	v48 =	vshll.u32 v59, $0x7;
	v52 =	vor.u32 v40, v58;
	v58 =	vor.u32 s12, v2  }
0x226: {  	v60 =	vor.u32 v39, v47;
	v61 =	vld.idx.msk [tilespmem:v61+s14+$0x0], $0xffff;
	v62 =	vor.u32 v58, v47;
	[tilespmem:v44+s25+$0x0] =	vst.idx.msk $0xffff, v41  }
0x227: {  	v46 =	vshll.u32 v46, $0x7;
	v41 =	vor.u32 v59, v47;
	v44 =	vshll.u32 v49, $0x7;
	[tilespmem:v51+s25+$0x0] =	vst.idx.msk $0xffff, v54;
	v51 =	vld.idx.msk [tilespmem:v56+s14+$0x0], $0xffff  }
0x228: {  	v46 =	vor.u32 v17, v46;
	v49 =	vor.u32 v49, v47;
	v54 =	vor.u32 s15, v15;
	s15 =	smov.u32 s12;
	v53 =	vld.idx.msk [tilespmem:v53+s14+$0x0], $0xffff  }
0x229: {  	v39 =	vshll.u32 v39, $0x7;
	v48 =	vor.u32 v40, v48;
	[tilespmem:v37+s25+$0x0] =	vst.idx.msk $0xffff, v42;
	v37 =	vor.u32 v54, v18  }
0x22a: {  	v39 =	vor.u32 v40, v39;
	v44 =	vor.u32 v40, v44;
	v42 =	vor.u32 s11, v3;
	[tilespmem:v52+s25+$0x0] =	vst.idx.msk $0xffff, v57  }
0x22b: {  	v56 =	vshll.u32 v58, $0x7;
	v18 =	vmovc v47;
	[tilespmem:v50+s25+$0x0] =	vst.idx.msk $0xffff, v45;
	v45 =	vor.u32 s10, v3;
	v50 =	vor.u32 s30, v3;
	v52 =	vld.idx.msk [tilespmem:v62+s14+$0x0], $0xffff  }
0x22c: {  	v56 =	vor.u32 v40, v56;
	v57 =	vor.u32 s15, v3;
	v47 =	vld.idx.msk [tilespmem:v60+s14+$0x0], $0xffff;
	[tilespmem:v43+s25+$0x0] =	vst.idx.msk $0xffff, v61;
	v43 =	vshll.u32 v42, $0x7  }
0x22d: {  	v59 =	vor.u32 v57, v18;
	v58 =	vor.u32 v45, v18;
	v41 =	vld.idx.msk [tilespmem:v41+s14+$0x0], $0xffff;
	[tilespmem:v46+s25+$0x0] =	vst.idx.msk $0xffff, v51  }
0x22e: {  	v42 =	vor.u32 v42, v18;
	v46 =	vshll.u32 v50, $0x7;
	v51 =	vshll.u32 v54, $0x7;
	[tilespmem:v55+s25+$0x0] =	vst.idx.msk $0xffff, v53;
	v37 =	vld.idx.msk [tilespmem:v37+s14+$0x0], $0xffff  }
0x22f: {  	v45 =	vshll.u32 v45, $0x7;
	v50 =	vor.u32 v50, v18;
	v51 =	vor.u32 v17, v51;
	v17 =	vmovc v40;
	v49 =	vld.idx.msk [tilespmem:v49+s14+$0x0], $0xffff  }
0x230: {  	v40 =	vor.u32 v17, v45;
	v43 =	vor.u32 v17, v43;
	v45 =	vor.u32 v17, v46;
	v36 =	vld.idx.msk [tilespmem:v36+s14+$0x0], $0xffff  }
0x231: {  	v54 =	vor.u32 s30, v4;
	v53 =	vor.u32 s11, v4;
	v46 =	vor.u32 s10, v4;
	[tilespmem:v56+s25+$0x0] =	vst.idx.msk $0xffff, v52  }
0x232: {  	v55 =	vshll.u32 v57, $0x7;
	[tilespmem:v39+s25+$0x0] =	vst.idx.msk $0xffff, v47;
	v39 =	vor.u32 v46, v18;
	v47 =	vshll.u32 v53, $0x7;
	v52 =	vld.idx.msk [tilespmem:v59+s14+$0x0], $0xffff  }
0x233: {  	v56 =	vld.idx.msk [tilespmem:v58+s14+$0x0], $0xffff;
	[tilespmem:v48+s25+$0x0] =	vst.idx.msk $0xffff, v41;
	v41 =	vshll.u32 v54, $0x7;
	v48 =	vor.u32 v17, v55;
	v55 =	vor.u32 s15, v4  }
0x234: {  	v53 =	vor.u32 v53, v18;
	v42 =	vld.idx.msk [tilespmem:v42+s14+$0x0], $0xffff;
	v57 =	vor.u32 v55, v18;
	[tilespmem:v51+s25+$0x0] =	vst.idx.msk $0xffff, v37  }
0x235: {  	v37 =	vshll.u32 v46, $0x7;
	v46 =	vor.u32 v17, v47;
	[tilespmem:v44+s25+$0x0] =	vst.idx.msk $0xffff, v49;
	v44 =	vor.u32 v54, v18  }
0x236: {  	v47 =	vor.u32 s11, v5;
	v41 =	vor.u32 v17, v41;
	v37 =	vor.u32 v17, v37;
	v49 =	vld.idx.msk [tilespmem:v50+s14+$0x0], $0xffff  }
0x237: {  	v51 =	vor.u32 v47, v18;
	v54 =	vor.u32 s30, v5;
	v50 =	vor.u32 s10, v5;
	v35 =	vld.idx.msk [tilespmem:v35+s14+$0x0], $0xffff;
	[tilespmem:v34+s25+$0x0] =	vst.idx.msk $0xffff, v38  }
0x238: {  	v34 =	vor.u32 v50, v18;
	v38 =	vshll.u32 v47, $0x7;
	v47 =	vor.u32 v54, v18;
	[tilespmem:v48+s25+$0x0] =	vst.idx.msk $0xffff, v52  }
0x239: {  	v48 =	vshll.u32 v54, $0x7;
	v52 =	vshll.u32 v55, $0x7;
	[tilespmem:v40+s25+$0x0] =	vst.idx.msk $0xffff, v56;
	v40 =	vshll.u32 v50, $0x7;
	v50 =	vld.idx.msk [tilespmem:v57+s14+$0x0], $0xffff  }
0x23a: {  	v39 =	vld.idx.msk [tilespmem:v39+s14+$0x0], $0xffff;
	[tilespmem:v43+s25+$0x0] =	vst.idx.msk $0xffff, v42;
	v42 =	vor.u32 s11, v7;
	v43 =	vor.u32 v17, v52;
	v52 =	vor.u32 s15, v5  }
0x23b: {  	v38 =	vor.u32 v17, v38;
	v48 =	vor.u32 v17, v48;
	v53 =	vld.idx.msk [tilespmem:v53+s14+$0x0], $0xffff;
	v54 =	vor.u32 v52, v18  }
0x23c: {  	v55 =	vor.u32 s10, v7;
	v40 =	vor.u32 v17, v40;
	[tilespmem:v45+s25+$0x0] =	vst.idx.msk $0xffff, v49;
	v45 =	vor.u32 s30, v7;
	v33 =	vld.idx.msk [tilespmem:v33+s14+$0x0], $0xffff  }
0x23d: {  	v56 =	vor.u32 v42, v18;
	v49 =	vor.u32 v55, v18;
	v44 =	vld.idx.msk [tilespmem:v44+s14+$0x0], $0xffff;
	v57 =	vor.u32 v45, v18  }
0x23e: {  	v42 =	vshll.u32 v42, $0x7;
	v55 =	vshll.u32 v55, $0x7;
	v45 =	vshll.u32 v45, $0x7;
	[tilespmem:v31+s25+$0x0] =	vst.idx.msk $0xffff, v36  }
0x23f: {  	v31 =	vor.u32 v17, v42;
	v36 =	vor.u32 s11, v8;
	v42 =	vor.u32 v17, v45;
	[tilespmem:v43+s25+$0x0] =	vst.idx.msk $0xffff, v50  }
0x240: {  	v45 =	vshll.u32 v52, $0x7;
	[tilespmem:v37+s25+$0x0] =	vst.idx.msk $0xffff, v39;
	v37 =	vor.u32 v17, v55;
	v39 =	vor.u32 s30, v8;
	v43 =	vld.idx.msk [tilespmem:v54+s14+$0x0], $0xffff  }
0x241: {  	v50 =	vor.u32 s10, v8;
	v45 =	vor.u32 v17, v45;
	v34 =	vld.idx.msk [tilespmem:v34+s14+$0x0], $0xffff;
	[tilespmem:v46+s25+$0x0] =	vst.idx.msk $0xffff, v53;
	v46 =	vor.u32 s15, v7  }
0x242: {  	v52 =	vor.u32 v50, v18;
	v53 =	vor.u32 v36, v18;
	v51 =	vld.idx.msk [tilespmem:v51+s14+$0x0], $0xffff;
	v54 =	vor.u32 v46, v18  }
0x243: {  	v36 =	vshll.u32 v36, $0x7;
	[tilespmem:v41+s25+$0x0] =	vst.idx.msk $0xffff, v44;
	v41 =	vor.u32 v39, v18;
	v39 =	vshll.u32 v39, $0x7;
	v32 =	vld.idx.msk [tilespmem:v32+s14+$0x0], $0xffff  }
0x244: {  	v36 =	vor.u32 v17, v36;
	v44 =	vshll.u32 v50, $0x7;
	v47 =	vld.idx.msk [tilespmem:v47+s14+$0x0], $0xffff;
	v39 =	vor.u32 v17, v39  }
0x245: {  	v55 =	vor.u32 s30, v6;
	v50 =	vor.u32 s11, v6;
	v44 =	vor.u32 v17, v44;
	[tilespmem:v27+s25+$0x0] =	vst.idx.msk $0xffff, v35  }
0x246: {  	v58 =	vor.u32 v55, v18;
	v27 =	vor.u32 s10, v6;
	v35 =	vor.u32 v50, v18;
	[tilespmem:v45+s25+$0x0] =	vst.idx.msk $0xffff, v43  }
0x247: {  	v45 =	vshll.u32 v46, $0x7;
	[tilespmem:v40+s25+$0x0] =	vst.idx.msk $0xffff, v34;
	v34 =	vor.u32 v27, v18;
	v40 =	vshll.u32 v50, $0x7;
	v43 =	vld.idx.msk [tilespmem:v54+s14+$0x0], $0xffff  }
0x248: {  	v45 =	vor.u32 v17, v45;
	v46 =	vld.idx.msk [tilespmem:v49+s14+$0x0], $0xffff;
	[tilespmem:v38+s25+$0x0] =	vst.idx.msk $0xffff, v51;
	v38 =	vshll.u32 v55, $0x7;
	v49 =	vor.u32 s15, v8  }
0x249: {  	v27 =	vshll.u32 v27, $0x7;
	v51 =	vor.u32 v17, v40;
	v50 =	vld.idx.msk [tilespmem:v56+s14+$0x0], $0xffff;
	v40 =	vor.u32 v49, v18  }
0x24a: {  	v54 =	vor.u32 s11, v9;
	v27 =	vor.u32 v17, v27;
	[tilespmem:v48+s25+$0x0] =	vst.idx.msk $0xffff, v47;
	v47 =	vor.u32 v17, v38  }
0x24b: {  	v55 =	vor.u32 v54, v18;
	v56 =	vor.u32 s30, v9;
	v38 =	vor.u32 s10, v9;
	v48 =	vld.idx.msk [tilespmem:v57+s14+$0x0], $0xffff;
	[tilespmem:v24+s25+$0x0] =	vst.idx.msk $0xffff, v33  }
0x24c: {  	v24 =	vor.u32 v38, v18;
	v33 =	vshll.u32 v54, $0x7;
	v54 =	vor.u32 v56, v18;
	v28 =	vld.idx.msk [tilespmem:v28+s14+$0x0], $0xffff  }
0x24d: {  	v38 =	vshll.u32 v38, $0x7;
	v57 =	vor.u32 v17, v33;
	v33 =	vshll.u32 v56, $0x7;
	[tilespmem:v45+s25+$0x0] =	vst.idx.msk $0xffff, v43;
	v56 =	vld.idx.msk [tilespmem:v29+s14+$0x0], $0xffff  }
0x24e: {  	v29 =	vor.u32 v17, v33;
	[tilespmem:v37+s25+$0x0] =	vst.idx.msk $0xffff, v46;
	v37 =	vor.u32 s11, v10;
	v33 =	vld.idx.msk [tilespmem:v40+s14+$0x0], $0xffff;
	v40 =	vshll.u32 v49, $0x7  }
0x24f: {  	v46 =	vor.u32 s15, v6;
	v43 =	vld.idx.msk [tilespmem:v52+s14+$0x0], $0xffff;
	[tilespmem:v31+s25+$0x0] =	vst.idx.msk $0xffff, v50;
	v31 =	vor.u32 s30, v10;
	v45 =	vor.u32 v17, v40  }
0x250: {  	v49 =	vor.u32 v17, v38;
	v38 =	vor.u32 s10, v10;
	v52 =	vor.u32 v46, v18;
	v50 =	vld.idx.msk [tilespmem:v53+s14+$0x0], $0xffff  }
0x251: {  	v59 =	vor.u32 v37, v18;
	v37 =	vshll.u32 v37, $0x7;
	v53 =	vor.u32 v38, v18;
	[tilespmem:v42+s25+$0x0] =	vst.idx.msk $0xffff, v48  }
0x252: {  	v38 =	vshll.u32 v38, $0x7;
	v60 =	vor.u32 v31, v18;
	v31 =	vshll.u32 v31, $0x7;
	v42 =	vld.idx.msk [tilespmem:v41+s14+$0x0], $0xffff;
	[tilespmem:v25+s25+$0x0] =	vst.idx.msk $0xffff, v32  }
0x253: {  	v61 =	vor.u32 v17, v38;
	v48 =	vor.u32 v17, v37;
	v40 =	vor.u32 v17, v31;
	v25 =	vld.idx.msk [tilespmem:v26+s14+$0x0], $0xffff  }
0x254: {  	v31 =	vor.u32 s11, v11;
	v32 =	vor.u32 s30, v11;
	v26 =	vor.u32 s10, v11;
	[tilespmem:v45+s25+$0x0] =	vst.idx.msk $0xffff, v33  }
0x255: {  	v38 =	vshll.u32 v46, $0x7;
	v62 =	vor.u32 v26, v18;
	v33 =	vshll.u32 v31, $0x7;
	[tilespmem:v44+s25+$0x0] =	vst.idx.msk $0xffff, v43;
	v37 =	vld.idx.msk [tilespmem:v52+s14+$0x0], $0xffff  }
0x256: {  	v44 =	vor.u32 v17, v38;
	v34 =	vld.idx.msk [tilespmem:v34+s14+$0x0], $0xffff;
	[tilespmem:v36+s25+$0x0] =	vst.idx.msk $0xffff, v50;
	v36 =	vshll.u32 v32, $0x7;
	v50 =	vor.u32 s15, v9  }
0x257: {  	v63 =	vor.u32 v31, v18;
	v45 =	vor.u32 v32, v18;
	v35 =	vld.idx.msk [tilespmem:v35+s14+$0x0], $0xffff;
	v31 =	vor.u32 v50, v18  }
0x258: {  	v26 =	vshll.u32 v26, $0x7;
	v41 =	vor.u32 v17, v33;
	[tilespmem:v39+s25+$0x0] =	vst.idx.msk $0xffff, v42;
	v39 =	vor.u32 v17, v36  }
0x259: {  	v43 =	vor.u32 v17, v26;
	v26 =	vor.u32 s11, v12;
	v33 =	vor.u32 s30, v12;
	v32 =	vld.idx.msk [tilespmem:v58+s14+$0x0], $0xffff;
	[tilespmem:v22+s25+$0x0] =	vst.idx.msk $0xffff, v28  }
0x25a: {  	v38 =	vor.u32 v33, v18;
	v42 =	vor.u32 v26, v18;
	v22 =	vor.u32 s10, v12;
	[tilespmem:v21+s25+$0x0] =	vst.idx.msk $0xffff, v56  }
0x25b: {  	v46 =	vor.u32 v22, v18;
	v21 =	vshll.u32 v26, $0x7;
	v26 =	vshll.u32 v33, $0x7;
	[tilespmem:v44+s25+$0x0] =	vst.idx.msk $0xffff, v37;
	v23 =	vld.idx.msk [tilespmem:v23+s14+$0x0], $0xffff  }
0x25c: {  	v22 =	vshll.u32 v22, $0x7;
	v37 =	vor.u32 v17, v21;
	[tilespmem:v27+s25+$0x0] =	vst.idx.msk $0xffff, v34;
	v21 =	vld.idx.msk [tilespmem:v31+s14+$0x0], $0xffff;
	v27 =	vshll.u32 v50, $0x7  }
0x25d: {  	v28 =	vld.idx.msk [tilespmem:v24+s14+$0x0], $0xffff;
	[tilespmem:v51+s25+$0x0] =	vst.idx.msk $0xffff, v35;
	v24 =	vor.u32 s11, v13;
	v50 =	vor.u32 v17, v27;
	v51 =	vor.u32 s15, v10  }
0x25e: {  	v44 =	vor.u32 v17, v22;
	v34 =	vor.u32 v17, v26;
	v22 =	vld.idx.msk [tilespmem:v55+s14+$0x0], $0xffff;
	v26 =	vor.u32 v51, v18  }
0x25f: {  	v31 =	vor.u32 s30, v13;
	v27 =	vor.u32 s10, v13;
	v35 =	vor.u32 v24, v18;
	[tilespmem:v47+s25+$0x0] =	vst.idx.msk $0xffff, v32;
	v47 =	vld.idx.msk [tilespmem:v20+s14+$0x0], $0xffff  }
0x260: {  	v33 =	vor.u32 v31, v18;
	v36 =	vor.u32 v27, v18;
	v20 =	vshll.u32 v24, $0x7;
	v52 =	vld.idx.msk [tilespmem:v54+s14+$0x0], $0xffff  }
0x261: {  	v24 =	vshll.u32 v27, $0x7;
	v27 =	vor.u32 v17, v20;
	v20 =	vshll.u32 v31, $0x7;
	[tilespmem:v30+s25+$0x0] =	vst.idx.msk $0xffff, v25  }
0x262: {  	v31 =	vor.u32 v17, v24;
	v25 =	vor.u32 s11, v14;
	v24 =	vor.u32 v17, v20;
	[tilespmem:v50+s25+$0x0] =	vst.idx.msk $0xffff, v21  }
0x263: {  	v20 =	vor.u32 s10, v14;
	v21 =	vor.u32 s30, v14;
	[tilespmem:v49+s25+$0x0] =	vst.idx.msk $0xffff, v28;
	v30 =	vld.idx.msk [tilespmem:v26+s14+$0x0], $0xffff;
	v26 =	vshll.u32 v51, $0x7  }
0x264: {  	v50 =	vld.idx.msk [tilespmem:v53+s14+$0x0], $0xffff;
	[tilespmem:v57+s25+$0x0] =	vst.idx.msk $0xffff, v22;
	v22 =	vshll.u32 v25, $0x7;
	v51 =	vor.u32 v17, v26;
	v53 =	vor.u32 s15, v11  }
0x265: {  	v32 =	vor.u32 v20, v18;
	v28 =	vor.u32 v25, v18;
	v54 =	vld.idx.msk [tilespmem:v59+s14+$0x0], $0xffff;
	v55 =	vor.u32 v53, v18  }
0x266: {  	v20 =	vshll.u32 v20, $0x7;
	[tilespmem:v29+s25+$0x0] =	vst.idx.msk $0xffff, v52;
	v29 =	vor.u32 v21, v18;
	v21 =	vshll.u32 v21, $0x7  }
0x267: {  	v25 =	vor.u32 v17, v20;
	v22 =	vor.u32 v17, v22;
	v49 =	vld.idx.msk [tilespmem:v60+s14+$0x0], $0xffff;
	v21 =	vor.u32 v17, v21  }
.Ltmp6:
0x268: {  	v56 =	vor.u32 s10, v15;
	v20 =	vor.u32 s11, v15;
	v52 =	vor.u32 s30, v15;
	[tilespmem:v19+s25+$0x0] =	vst.idx.msk $0xffff, v23;
	(pc) =	sbr.rel @p0 .LBB2_9-.Ltmp6, $4  }
0x269: {  	v26 =	vor.u32 v56, v18;
	v23 =	vor.u32 v20, v18;
	v19 =	vshll.u32 v20, $0x7;
	[tilespmem:v51+s25+$0x0] =	vst.idx.msk $0xffff, v30  }
0x26a: {  	v57 =	vshll.u32 v52, $0x7;
	v20 =	vor.u32 v52, v18;
	v51 =	vshll.u32 v53, $0x7;
	[tilespmem:v61+s25+$0x0] =	vst.idx.msk $0xffff, v50;
	v52 =	vld.idx.msk [tilespmem:v55+s14+$0x0], $0xffff  }
0x26b: {  	v30 =	vshll.u32 v56, $0x7;
	v53 =	vor.u32 s15, v12;
	v50 =	vld.idx.msk [tilespmem:v62+s14+$0x0], $0xffff;
	[tilespmem:v48+s25+$0x0] =	vst.idx.msk $0xffff, v54;
	v54 =	vor.u32 v17, v51  }
0x26c: {  	s2 =	sadd.s32 $0x40, s2;
	s6 =	sadd.s32 $0x8, s6;
	v19 =	vor.u32 v17, v19;
	v55 =	vor.u32 v53, v18;
	v48 =	vor.u32 v17, v57;
	v51 =	vld.idx.msk [tilespmem:v63+s14+$0x0], $0xffff  }
0x26d: {  	_ =	sdelay $0x3  }
0x26e: {  	[tilespmem:v40+s25+$0x0] =	vst.idx.msk $0xffff, v49  }
0x26f: {  	v59 =	vshll.u32 v53, $0x7;
	v40 =	vld.idx.msk [tilespmem:v45+s14+$0x0], $0xffff;
	[tilespmem:v54+s25+$0x0] =	vst.idx.msk $0xffff, v52  }
0x270: {  	v62 =	vor.u32 s15, v13;
	v61 =	vor.u32 v17, v59;
	v60 =	vld.idx.msk [tilespmem:v55+s14+$0x0], $0xffff;
	[tilespmem:v43+s25+$0x0] =	vst.idx.msk $0xffff, v50  }
0x271: {  	v63 =	vor.u32 v62, v18;
	v46 =	vld.idx.msk [tilespmem:v46+s14+$0x0], $0xffff;
	_ =	sdelay $0x1  }
0x272: {  	[tilespmem:v41+s25+$0x0] =	vst.idx.msk $0xffff, v51  }
0x273: {  	v42 =	vld.idx.msk [tilespmem:v42+s14+$0x0], $0xffff;
	[tilespmem:v39+s25+$0x0] =	vst.idx.msk $0xffff, v40  }
0x274: {  	v45 =	vshll.u32 v62, $0x7;
	v38 =	vld.idx.msk [tilespmem:v38+s14+$0x0], $0xffff;
	[tilespmem:v61+s25+$0x0] =	vst.idx.msk $0xffff, v60  }
0x275: {  	v50 =	vor.u32 s15, v14;
	v39 =	vor.u32 v17, v45;
	v49 =	vld.idx.msk [tilespmem:v63+s14+$0x0], $0xffff;
	[tilespmem:v44+s25+$0x0] =	vst.idx.msk $0xffff, v46  }
0x276: {  	v51 =	vor.u32 v50, v18;
	v36 =	vld.idx.msk [tilespmem:v36+s14+$0x0], $0xffff;
	_ =	sdelay $0x1  }
0x277: {  	[tilespmem:v37+s25+$0x0] =	vst.idx.msk $0xffff, v42  }
0x278: {  	v35 =	vld.idx.msk [tilespmem:v35+s14+$0x0], $0xffff;
	[tilespmem:v34+s25+$0x0] =	vst.idx.msk $0xffff, v38  }
0x279: {  	v52 =	vshll.u32 v50, $0x7;
	v33 =	vld.idx.msk [tilespmem:v33+s14+$0x0], $0xffff;
	[tilespmem:v39+s25+$0x0] =	vst.idx.msk $0xffff, v49  }
0x27a: {  	v54 =	vor.u32 s15, v15;
	v34 =	vor.u32 v17, v52;
	v53 =	vld.idx.msk [tilespmem:v51+s14+$0x0], $0xffff;
	[tilespmem:v31+s25+$0x0] =	vst.idx.msk $0xffff, v36  }
0x27b: {  	v18 =	vor.u32 v54, v18;
	v31 =	vld.idx.msk [tilespmem:v32+s14+$0x0], $0xffff;
	_ =	sdelay $0x1  }
0x27c: {  	[tilespmem:v27+s25+$0x0] =	vst.idx.msk $0xffff, v35  }
0x27d: {  	[tilespmem:v24+s25+$0x0] =	vst.idx.msk $0xffff, v33;
	v24 =	vld.idx.msk [tilespmem:v28+s14+$0x0], $0xffff  }
0x27e: {  	v28 =	vshll.u32 v54, $0x7;
	v27 =	vld.idx.msk [tilespmem:v29+s14+$0x0], $0xffff;
	[tilespmem:v34+s25+$0x0] =	vst.idx.msk $0xffff, v53  }
0x27f: {  	v28 =	vor.u32 v17, v28;
	v18 =	vld.idx.msk [tilespmem:v18+s14+$0x0], $0xffff;
	[tilespmem:v25+s25+$0x0] =	vst.idx.msk $0xffff, v31  }
0x280: {  	v17 =	vor.u32 v17, v30;
	v25 =	vld.idx.msk [tilespmem:v26+s14+$0x0], $0xffff  }
0x281: {  	[tilespmem:v16+s25+$0x0] =	vst.idx.msk $0xffff, v47  }
0x282: {  	[tilespmem:v22+s25+$0x0] =	vst.idx.msk $0xffff, v24  }
0x283: {  	[tilespmem:v21+s25+$0x0] =	vst.idx.msk $0xffff, v27;
	v21 =	vld.idx.msk [tilespmem:v23+s14+$0x0], $0xffff  }
0x284: {  	v20 =	vld.idx.msk [tilespmem:v20+s14+$0x0], $0xffff;
	[tilespmem:v28+s25+$0x0] =	vst.idx.msk $0xffff, v18  }
0x285: {  	[tilespmem:v17+s25+$0x0] =	vst.idx.msk $0xffff, v25  }
0x286: {  	p0 =	seq.s32 s31, $0x7;
	s2 =	rddreg [dreg:$0x5]  }
0x287: {  	s12 =	simm.s32 $0x0;
	s6 =	simm.s32 @!p0 $0x80;
	s2 =	sor.u32 s2, s3  }
0x288: {  	s7 =	simm.s32 @!p0 $0x5000;
	s30 =	sand.u32 $0x40, s12;
	[tilespmem:v19+s25+$0x0] =	vst.idx.msk $0xffff, v21;
	s2 =	sshrl.u32 s2, $0x3  }
0x289: {  	s11 =	sor.u32 $0x20, s30;
	s15 =	sshrl.u32 @!p0 s1, $0x2;
	[tilespmem:v48+s25+$0x0] =	vst.idx.msk $0xffff, v20;
	s2 =	sadd.s32 s4, s2  }
0x28a: {  	[hbm4b:s2+s21] =	stream.strided.scatter [tilespmem:s25], [sflag:$0x6], $0x4000, s22, s21, $0x38;
	[tilespmem:$0x19000] =	vst v63  }
0x28b: {  	s17 =	sand.u32 $0x70, s12;
	s10 =	sor.u32 $0x10, s30;
	v47 =	vor.u32 s11, v5;
	v44 =	vor.u32 s11, v4;
	s2 =	sadd.s32 @!p0 $0x280, s15  }
0x28c: {  	v46 =	vor.u32 s10, v5;
	v52 =	vor.u32 s30, v7;
	v29 =	vor.u32 s10, v1;
	[tilespmem:s7], [sflag:$0x2] =	stream.indirect.gather @!p0 [hbm4b:s0+s6], $0x80, s2, s6, $0xb8;
	[tilespmem:$0x19000] =	vst v63  }
0x28d: {  	v30 =	vor.u32 s11, v1;
	v53 =	vor.u32 s11, v7;
	v19 =	vor.u32 s17, v0;
	s2 =	sor.u32 $0x30, s30  }
0x28e: {  	v22 =	vor.u32 s30, v1;
	v20 =	vshll.u32 v19, $0x7;
	_ =	swait.ge [sflag:s26], $0x4000;
	v16 =	vor.u32 s2, v0  }
0x28f: {  	v24 =	vor.u32 s11, v0;
	v17 =	vor.u32 s30, v0;
	[sflag:s26] =	ssyncset.done $0x0;
	v18 =	vor.u32 v16, v20  }
0x290: {  	v23 =	vor.u32 s10, v0;
	v48 =	vshll.u32 v46, $0x7;
	v21 =	vor.u32 v17, v20;
	[sflag:s26] =	ssyncadd.s32 $0xFFFFC000  }
0x291: {  	v25 =	vor.u32 v23, v20;
	v26 =	vor.u32 v24, v20;
	v23 =	vshll.u32 v23, $0x7;
	_ =	swait.ge [sflag:s28], $0x4000  }
0x292: {  	v17 =	vshll.u32 v17, $0x7;
	v24 =	vshll.u32 v24, $0x7;
	v31 =	vor.u32 v22, v20;
	[sflag:s28] =	ssyncset.done $0x0  }
0x293: {  	v55 =	vor.u32 v29, v20;
	v29 =	vshll.u32 v29, $0x7;
	v16 =	vshll.u32 v16, $0x7;
	[sflag:s28] =	ssyncadd.s32 $0xFFFFC000  }
0x294: {  	v56 =	vor.u32 v30, v20;
	v27 =	vor.u32 s2, v1;
	v16 =	vor.u32 v19, v16;
	v18 =	vld.idx.msk [tilespmem:v18+s16+$0x0], $0xffff  }
0x295: {  	v30 =	vshll.u32 v30, $0x7;
	v17 =	vor.u32 v19, v17;
	v28 =	vor.u32 v27, v20;
	v21 =	vld.idx.msk [tilespmem:v21+s16+$0x0], $0xffff  }
0x296: {  	v22 =	vshll.u32 v22, $0x7;
	v34 =	vor.u32 v44, v20;
	v49 =	vor.u32 v47, v20  }
0x297: {  	v33 =	vor.u32 v19, v48;
	v54 =	vor.u32 v52, v20;
	v23 =	vor.u32 v19, v23;
	v25 =	vld.idx.msk [tilespmem:v25+s16+$0x0], $0xffff  }
0x298: {  	v43 =	vor.u32 v53, v20;
	v24 =	vor.u32 v19, v24;
	v29 =	vor.u32 v19, v29;
	v26 =	vld.idx.msk [tilespmem:v26+s16+$0x0], $0xffff  }
0x299: {  	v22 =	vor.u32 v19, v22;
	v30 =	vor.u32 v19, v30;
	[tilespmem:v16+s20+$0x0] =	vst.idx.msk $0xffff, v18;
	v16 =	vshll.u32 v27, $0x7  }
0x29a: {  	[tilespmem:v17+s20+$0x0] =	vst.idx.msk $0xffff, v21;
	v21 =	vor.u32 s2, v2;
	v17 =	vld.idx.msk [tilespmem:v28+s16+$0x0], $0xffff;
	v16 =	vor.u32 v19, v16  }
0x29b: {  	v50 =	vor.u32 s2, v5;
	v27 =	vor.u32 s30, v2;
	v31 =	vld.idx.msk [tilespmem:v31+s16+$0x0], $0xffff;
	v57 =	vor.u32 v21, v20  }
0x29c: {  	v51 =	vor.u32 v50, v20;
	v18 =	vor.u32 s10, v2;
	[tilespmem:v23+s20+$0x0] =	vst.idx.msk $0xffff, v25;
	v25 =	vor.u32 v27, v20  }
0x29d: {  	[tilespmem:v24+s20+$0x0] =	vst.idx.msk $0xffff, v26;
	v26 =	vor.u32 s10, v3;
	v28 =	vor.u32 s11, v2;
	v23 =	vshll.u32 v18, $0x7;
	v32 =	vld.idx.msk [tilespmem:v55+s16+$0x0], $0xffff  }
0x29e: {  	v18 =	vor.u32 v18, v20;
	v27 =	vshll.u32 v27, $0x7;
	v60 =	vshll.u32 v26, $0x7  }
0x29f: {  	v58 =	vshll.u32 v28, $0x7;
	v24 =	vor.u32 v19, v27;
	v27 =	vld.idx.msk [tilespmem:v56+s16+$0x0], $0xffff;
	[tilespmem:v16+s20+$0x0] =	vst.idx.msk $0xffff, v17;
	v17 =	vshll.u32 v21, $0x7  }
0x2a0: {  	v28 =	vor.u32 v28, v20;
	[tilespmem:v22+s20+$0x0] =	vst.idx.msk $0xffff, v31;
	v22 =	vld.idx.msk [tilespmem:v57+s16+$0x0], $0xffff;
	v17 =	vor.u32 v19, v17  }
0x2a1: {  	v26 =	vor.u32 v26, v20;
	v55 =	vshll.u32 v53, $0x7;
	v31 =	vor.u32 s2, v3;
	v25 =	vld.idx.msk [tilespmem:v25+s16+$0x0], $0xffff  }
0x2a2: {  	v53 =	vor.u32 s11, v9;
	v16 =	vor.u32 s30, v3;
	[tilespmem:v29+s20+$0x0] =	vst.idx.msk $0xffff, v32;
	v62 =	vor.u32 v31, v20  }
0x2a3: {  	v23 =	vor.u32 v19, v23;
	v63 =	vor.u32 v19, v60;
	v61 =	vor.u32 v16, v20;
	v18 =	vld.idx.msk [tilespmem:v18+s16+$0x0], $0xffff  }
0x2a4: {  	v56 =	vshll.u32 v50, $0x7;
	v48 =	vor.u32 v53, v20;
	v21 =	vor.u32 s11, v3;
	[tilespmem:v30+s20+$0x0] =	vst.idx.msk $0xffff, v27  }
0x2a5: {  	v59 =	vor.u32 v19, v58;
	v29 =	vshll.u32 v21, $0x7;
	v16 =	vshll.u32 v16, $0x7;
	v28 =	vld.idx.msk [tilespmem:v28+s16+$0x0], $0xffff;
	[tilespmem:v17+s20+$0x0] =	vst.idx.msk $0xffff, v22  }
0x2a6: {  	v21 =	vor.u32 v21, v20;
	v16 =	vor.u32 v19, v16;
	[tilespmem:v24+s20+$0x0] =	vst.idx.msk $0xffff, v25;
	v24 =	vshll.u32 v31, $0x7  }
0x2a7: {  	v27 =	vor.u32 v19, v29;
	v31 =	vor.u32 s2, v4;
	v36 =	vld.idx.msk [tilespmem:v62+s16+$0x0], $0xffff;
	v24 =	vor.u32 v19, v24  }
0x2a8: {  	v30 =	vor.u32 s10, v4;
	v29 =	vor.u32 s30, v4;
	[tilespmem:v23+s20+$0x0] =	vst.idx.msk $0xffff, v18;
	v45 =	vor.u32 v31, v20;
	v35 =	vld.idx.msk [tilespmem:v61+s16+$0x0], $0xffff  }
0x2a9: {  	v57 =	vor.u32 s2, v7;
	v17 =	vor.u32 v29, v20;
	v22 =	vshll.u32 v30, $0x7;
	v26 =	vld.idx.msk [tilespmem:v26+s16+$0x0], $0xffff  }
0x2aa: {  	v25 =	vshll.u32 v44, $0x7;
	v30 =	vor.u32 v30, v20;
	v29 =	vshll.u32 v29, $0x7;
	[tilespmem:v59+s20+$0x0] =	vst.idx.msk $0xffff, v28  }
0x2ab: {  	v18 =	vor.u32 s30, v5;
	v23 =	vor.u32 v46, v20;
	v22 =	vor.u32 v19, v22;
	v21 =	vld.idx.msk [tilespmem:v21+s16+$0x0], $0xffff  }
0x2ac: {  	v29 =	vor.u32 v19, v29;
	v25 =	vor.u32 v19, v25;
	v31 =	vshll.u32 v31, $0x7;
	[tilespmem:v24+s20+$0x0] =	vst.idx.msk $0xffff, v36  }
0x2ad: {  	v28 =	vor.u32 v18, v20;
	v31 =	vor.u32 v19, v31;
	[tilespmem:v16+s20+$0x0] =	vst.idx.msk $0xffff, v35;
	v36 =	vld.idx.msk [tilespmem:v45+s16+$0x0], $0xffff  }
0x2ae: {  	v32 =	vshll.u32 v57, $0x7;
	v18 =	vshll.u32 v18, $0x7;
	v59 =	vor.u32 v57, v20;
	[tilespmem:v63+s20+$0x0] =	vst.idx.msk $0xffff, v26;
	v17 =	vld.idx.msk [tilespmem:v17+s16+$0x0], $0xffff  }
0x2af: {  	v18 =	vor.u32 v19, v18;
	v24 =	vshll.u32 v47, $0x7;
	v16 =	vor.u32 s10, v7;
	v30 =	vld.idx.msk [tilespmem:v30+s16+$0x0], $0xffff  }
0x2b0: {  	v26 =	vshll.u32 v52, $0x7;
	v24 =	vor.u32 v19, v24;
	v42 =	vor.u32 v16, v20;
	[tilespmem:v27+s20+$0x0] =	vst.idx.msk $0xffff, v21  }
0x2b1: {  	v16 =	vshll.u32 v16, $0x7;
	v21 =	vor.u32 s10, v8;
	v27 =	vor.u32 v19, v55;
	v34 =	vld.idx.msk [tilespmem:v34+s16+$0x0], $0xffff  }
0x2b2: {  	v26 =	vor.u32 v19, v26;
	v37 =	vor.u32 v21, v20;
	v21 =	vshll.u32 v21, $0x7;
	[tilespmem:v31+s20+$0x0] =	vst.idx.msk $0xffff, v36  }
0x2b3: {  	v16 =	vor.u32 v19, v16;
	v21 =	vor.u32 v19, v21;
	v31 =	vor.u32 s11, v8;
	[tilespmem:v29+s20+$0x0] =	vst.idx.msk $0xffff, v17  }
0x2b4: {  	v17 =	vor.u32 s30, v8;
	v29 =	vor.u32 v19, v56;
	[tilespmem:v22+s20+$0x0] =	vst.idx.msk $0xffff, v30;
	v22 =	vor.u32 s10, v6  }
0x2b5: {  	v30 =	vor.u32 s11, v6;
	v56 =	vshll.u32 v53, $0x7;
	v58 =	vld.idx.msk [tilespmem:v51+s16+$0x0], $0xffff;
	v36 =	vor.u32 v17, v20  }
0x2b6: {  	v28 =	vld.idx.msk [tilespmem:v28+s16+$0x0], $0xffff;
	v40 =	vor.u32 v31, v20;
	v31 =	vshll.u32 v31, $0x7;
	v17 =	vshll.u32 v17, $0x7;
	[tilespmem:v25+s20+$0x0] =	vst.idx.msk $0xffff, v34  }
0x2b7: {  	v25 =	vor.u32 s30, v6;
	v34 =	vor.u32 v22, v20;
	v44 =	vor.u32 v30, v20;
	v23 =	vld.idx.msk [tilespmem:v23+s16+$0x0], $0xffff  }
0x2b8: {  	v22 =	vshll.u32 v22, $0x7;
	v51 =	vor.u32 s10, v9;
	v47 =	vor.u32 v19, v56  }
0x2b9: {  	v31 =	vor.u32 v19, v31;
	v17 =	vor.u32 v19, v17;
	v60 =	vld.idx.msk [tilespmem:v49+s16+$0x0], $0xffff;
	v22 =	vor.u32 v19, v22  }
0x2ba: {  	v52 =	vor.u32 s30, v9;
	v46 =	vor.u32 v51, v20;
	[tilespmem:v29+s20+$0x0] =	vst.idx.msk $0xffff, v58;
	v29 =	vor.u32 v25, v20  }
0x2bb: {  	[tilespmem:v18+s20+$0x0] =	vst.idx.msk $0xffff, v28;
	v18 =	vshll.u32 v30, $0x7;
	v28 =	vor.u32 v19, v32;
	v30 =	vor.u32 s2, v8;
	v61 =	vld.idx.msk [tilespmem:v59+s16+$0x0], $0xffff  }
0x2bc: {  	v25 =	vshll.u32 v25, $0x7;
	[tilespmem:v33+s20+$0x0] =	vst.idx.msk $0xffff, v23;
	v23 =	vor.u32 v52, v20;
	v58 =	vor.u32 s2, v6;
	v63 =	vld.idx.msk [tilespmem:v54+s16+$0x0], $0xffff  }
0x2bd: {  	v62 =	vor.u32 v30, v20;
	v25 =	vor.u32 v19, v25;
	v18 =	vor.u32 v19, v18;
	v55 =	vld.idx.msk [tilespmem:v42+s16+$0x0], $0xffff  }
0x2be: {  	v54 =	vshll.u32 v51, $0x7;
	[tilespmem:v24+s20+$0x0] =	vst.idx.msk $0xffff, v60;
	v24 =	vshll.u32 v52, $0x7;
	v30 =	vshll.u32 v30, $0x7  }
0x2bf: {  	v60 =	vor.u32 s30, v10;
	v45 =	vor.u32 v19, v54;
	v57 =	vld.idx.msk [tilespmem:v43+s16+$0x0], $0xffff;
	v30 =	vor.u32 v19, v30  }
0x2c0: {  	v33 =	vshll.u32 v58, $0x7;
	v24 =	vor.u32 v19, v24;
	v49 =	vor.u32 v60, v20;
	[tilespmem:v28+s20+$0x0] =	vst.idx.msk $0xffff, v61  }
0x2c1: {  	v33 =	vor.u32 v19, v33;
	v28 =	vor.u32 s10, v10;
	[tilespmem:v26+s20+$0x0] =	vst.idx.msk $0xffff, v63;
	v26 =	vor.u32 s11, v10  }
0x2c2: {  	v61 =	vor.u32 v58, v20;
	[tilespmem:v16+s20+$0x0] =	vst.idx.msk $0xffff, v55;
	v16 =	vshll.u32 v60, $0x7;
	v60 =	vor.u32 s2, v9  }
0x2c3: {  	v59 =	vld.idx.msk [tilespmem:v62+s16+$0x0], $0xffff;
	v50 =	vor.u32 v28, v20;
	v28 =	vshll.u32 v28, $0x7;
	v51 =	vor.u32 v26, v20  }
0x2c4: {  	v36 =	vld.idx.msk [tilespmem:v36+s16+$0x0], $0xffff;
	v26 =	vshll.u32 v26, $0x7;
	v16 =	vor.u32 v19, v16;
	[tilespmem:v27+s20+$0x0] =	vst.idx.msk $0xffff, v57;
	v27 =	vor.u32 s10, v11  }
0x2c5: {  	v62 =	vld.idx.msk [tilespmem:v37+s16+$0x0], $0xffff;
	v52 =	vor.u32 v19, v28;
	v53 =	vor.u32 v19, v26;
	v26 =	vor.u32 s30, v11  }
0x2c6: {  	v28 =	vor.u32 s11, v11;
	v54 =	vor.u32 v26, v20;
	v26 =	vshll.u32 v26, $0x7  }
0x2c7: {  	v63 =	vld.idx.msk [tilespmem:v40+s16+$0x0], $0xffff;
	v55 =	vor.u32 v27, v20;
	v58 =	vor.u32 v19, v26;
	v26 =	vor.u32 s11, v12  }
0x2c8: {  	v56 =	vor.u32 v28, v20;
	v41 =	vor.u32 v26, v20;
	v26 =	vshll.u32 v26, $0x7;
	[tilespmem:v30+s20+$0x0] =	vst.idx.msk $0xffff, v59  }
0x2c9: {  	v30 =	vshll.u32 v27, $0x7;
	[tilespmem:v17+s20+$0x0] =	vst.idx.msk $0xffff, v36;
	v17 =	vshll.u32 v28, $0x7;
	v27 =	vor.u32 v60, v20;
	v61 =	vld.idx.msk [tilespmem:v61+s16+$0x0], $0xffff  }
0x2ca: {  	[tilespmem:v21+s20+$0x0] =	vst.idx.msk $0xffff, v62;
	v21 =	vor.u32 s30, v12;
	v35 =	vor.u32 v19, v26;
	v26 =	vor.u32 s30, v13;
	v28 =	vld.idx.msk [tilespmem:v29+s16+$0x0], $0xffff  }
0x2cb: {  	v62 =	vor.u32 s11, v13;
	v57 =	vor.u32 v19, v30;
	v43 =	vor.u32 v19, v17  }
0x2cc: {  	v17 =	vor.u32 s10, v12;
	v29 =	vld.idx.msk [tilespmem:v34+s16+$0x0], $0xffff;
	v59 =	vor.u32 v21, v20;
	v39 =	vor.u32 v26, v20  }
0x2cd: {  	[tilespmem:v31+s20+$0x0] =	vst.idx.msk $0xffff, v63;
	v36 =	vor.u32 v62, v20;
	v42 =	vor.u32 v17, v20;
	v17 =	vshll.u32 v17, $0x7  }
0x2ce: {  	v21 =	vshll.u32 v21, $0x7;
	v30 =	vld.idx.msk [tilespmem:v44+s16+$0x0], $0xffff;
	v38 =	vor.u32 v19, v17;
	v17 =	vshll.u32 v60, $0x7;
	[tilespmem:v33+s20+$0x0] =	vst.idx.msk $0xffff, v61  }
0x2cf: {  	v26 =	vshll.u32 v26, $0x7;
	v17 =	vor.u32 v19, v17;
	[tilespmem:v25+s20+$0x0] =	vst.idx.msk $0xffff, v28;
	v28 =	vor.u32 s2, v10;
	v27 =	vld.idx.msk [tilespmem:v27+s16+$0x0], $0xffff  }
0x2d0: {  	v63 =	vor.u32 s2, v11;
	v40 =	vor.u32 v19, v21;
	v21 =	vor.u32 v28, v20;
	v23 =	vld.idx.msk [tilespmem:v23+s16+$0x0], $0xffff  }
0x2d1: {  	v34 =	vor.u32 v19, v26;
	v44 =	vshll.u32 v63, $0x7;
	v25 =	vor.u32 s10, v13  }
0x2d2: {  	v44 =	vor.u32 v19, v44;
	[tilespmem:v22+s20+$0x0] =	vst.idx.msk $0xffff, v29;
	v37 =	vor.u32 v25, v20;
	v22 =	vshll.u32 v25, $0x7  }
0x2d3: {  	v25 =	vld.idx.msk [tilespmem:v46+s16+$0x0], $0xffff;
	[tilespmem:v18+s20+$0x0] =	vst.idx.msk $0xffff, v30;
	v31 =	vor.u32 v19, v22;
	v22 =	vshll.u32 v62, $0x7  }
0x2d4: {  	v26 =	vshll.u32 v28, $0x7;
	v32 =	vor.u32 v19, v22;
	[tilespmem:v17+s20+$0x0] =	vst.idx.msk $0xffff, v27;
	v27 =	vld.idx.msk [tilespmem:v48+s16+$0x0], $0xffff  }
0x2d5: {  	v61 =	vor.u32 s11, v15;
	v22 =	vor.u32 s11, v14;
	[tilespmem:v24+s20+$0x0] =	vst.idx.msk $0xffff, v23;
	v24 =	vor.u32 v19, v26;
	v21 =	vld.idx.msk [tilespmem:v21+s16+$0x0], $0xffff  }
0x2d6: {  	v18 =	vor.u32 s10, v14;
	v28 =	vor.u32 v22, v20;
	v22 =	vshll.u32 v22, $0x7  }
0x2d7: {  	v29 =	vor.u32 v18, v20;
	v22 =	vor.u32 v19, v22;
	v17 =	vor.u32 s30, v14  }
0x2d8: {  	v23 =	vshll.u32 v18, $0x7;
	v18 =	vor.u32 v63, v20;
	[tilespmem:v45+s20+$0x0] =	vst.idx.msk $0xffff, v25;
	v33 =	vor.u32 v17, v20  }
0x2d9: {  	v46 =	vor.u32 s2, v12;
	v60 =	vld.idx.msk [tilespmem:v49+s16+$0x0], $0xffff;
	v17 =	vshll.u32 v17, $0x7;
	v26 =	vor.u32 v19, v23;
	[tilespmem:v47+s20+$0x0] =	vst.idx.msk $0xffff, v27  }
0x2da: {  	v23 =	vor.u32 s10, v15;
	s10 =	simm.s32 $0x40;
	v49 =	vor.u32 v46, v20;
	[tilespmem:v24+s20+$0x0] =	vst.idx.msk $0xffff, v21;
	v21 =	vor.u32 v61, v20  }
0x2db: {  	v45 =	vld.idx.msk [tilespmem:v50+s16+$0x0], $0xffff;
	v46 =	vshll.u32 v46, $0x7;
	v30 =	vor.u32 v19, v17;
	v17 =	vor.u32 s30, v15;
	s6 =	sand.u32 $0x40, s10;
	[tilespmem:$0x1FFD0] =	vst v21  }
0x2dc: {  	v25 =	vor.u32 v23, v20;
	v23 =	vshll.u32 v23, $0x7;
	v46 =	vor.u32 v19, v46;
	s30 =	sor.u32 $0x20, s6;
	v47 =	vld.idx.msk [tilespmem:v51+s16+$0x0], $0xffff  }
0x2dd: {  	s11 =	simm.s32 $0x8;
	v23 =	vor.u32 v19, v23;
	v24 =	vshll.u32 v61, $0x7;
	v61 =	vor.u32 s30, v0;
	v48 =	vld.idx.msk [tilespmem:v18+s16+$0x0], $0xffff  }
0x2de: {  	s7 =	sand.u32 $0x70, s11;
	v27 =	vor.u32 v17, v20;
	v17 =	vshll.u32 v17, $0x7;
	v63 =	vshll.u32 v61, $0x7;
	[tilespmem:v16+s20+$0x0] =	vst.idx.msk $0xffff, v60  }
0x2df: {  	s12 =	sor.u32 $0x10, s6;
	v16 =	vor.u32 v19, v24;
	v24 =	vor.u32 v19, v17;
	v17 =	vor.u32 s7, v0;
	v50 =	vld.idx.msk [tilespmem:v54+s16+$0x0], $0xffff  }
0x2e0: {  	s17 =	sor.u32 $0x30, s6;
	v51 =	vor.u32 s6, v0;
	[tilespmem:v52+s20+$0x0] =	vst.idx.msk $0xffff, v45;
	v52 =	vor.u32 s12, v0;
	v18 =	vshll.u32 v17, $0x7  }
0x2e1: {  	v54 =	vld.idx.msk [tilespmem:v55+s16+$0x0], $0xffff;
	v55 =	vor.u32 s17, v0;
	v60 =	vor.u32 v51, v18;
	v51 =	vshll.u32 v51, $0x7;
	[tilespmem:v53+s20+$0x0] =	vst.idx.msk $0xffff, v47  }
0x2e2: {  	v62 =	vshll.u32 v52, $0x7;
	v51 =	vor.u32 v17, v51;
	v47 =	vor.u32 v55, v18;
	[tilespmem:v44+s20+$0x0] =	vst.idx.msk $0xffff, v48  }
0x2e3: {  	v53 =	vor.u32 v52, v18;
	v44 =	vor.u32 v61, v18;
	v48 =	vor.u32 v17, v62;
	v49 =	vld.idx.msk [tilespmem:v49+s16+$0x0], $0xffff  }
0x2e4: {  	v45 =	vor.u32 s6, v1;
	v52 =	vor.u32 v17, v63;
	v61 =	vor.u32 s12, v1;
	[tilespmem:v58+s20+$0x0] =	vst.idx.msk $0xffff, v50;
	v56 =	vld.idx.msk [tilespmem:v56+s16+$0x0], $0xffff  }
0x2e5: {  	v55 =	vshll.u32 v55, $0x7;
	v62 =	vor.u32 v45, v18;
	v50 =	vor.u32 s2, v13;
	v59 =	vld.idx.msk [tilespmem:v59+s16+$0x0], $0xffff  }
0x2e6: {  	v45 =	vshll.u32 v45, $0x7;
	[tilespmem:v57+s20+$0x0] =	vst.idx.msk $0xffff, v54;
	v54 =	vor.u32 s30, v1;
	v58 =	vor.u32 v50, v20;
	v60 =	vld.idx.msk [tilespmem:v60+s16+$0x0], $0xffff  }
0x2e7: {  	v55 =	vor.u32 v17, v55;
	v57 =	vor.u32 s17, v1;
	v63 =	vor.u32 v61, v18;
	v42 =	vld.idx.msk [tilespmem:v42+s16+$0x0], $0xffff  }
0x2e8: {  	v61 =	vshll.u32 v61, $0x7;
	v45 =	vor.u32 v17, v45;
	v50 =	vshll.u32 v50, $0x7;
	v47 =	vld.idx.msk [tilespmem:v47+s16+$0x0], $0xffff  }
0x2e9: {  	v21 =	vor.u32 v57, v18;
	v50 =	vor.u32 v19, v50;
	v53 =	vld.idx.msk [tilespmem:v53+s16+$0x0], $0xffff;
	[tilespmem:v46+s20+$0x0] =	vst.idx.msk $0xffff, v49  }
0x2ea: {  	v44 =	vld.idx.msk [tilespmem:v44+s16+$0x0], $0xffff;
	v49 =	vor.u32 v54, v18;
	[tilespmem:v43+s20+$0x0] =	vst.idx.msk $0xffff, v56;
	v54 =	vshll.u32 v54, $0x7;
	v56 =	vor.u32 s2, v14  }
0x2eb: {  	v46 =	vor.u32 v17, v61;
	v43 =	vld.idx.msk [tilespmem:v58+s16+$0x0], $0xffff;
	v58 =	vor.u32 v56, v20;
	[tilespmem:v51+s20+$0x0] =	vst.idx.msk $0xffff, v60  }
0x2ec: {  	v61 =	vor.u32 s12, v2;
	v54 =	vor.u32 v17, v54;
	v41 =	vld.idx.msk [tilespmem:v41+s16+$0x0], $0xffff;
	[tilespmem:v38+s20+$0x0] =	vst.idx.msk $0xffff, v42;
	v42 =	vor.u32 s6, v5  }
0x2ed: {  	v60 =	vshll.u32 v57, $0x7;
	[tilespmem:v40+s20+$0x0] =	vst.idx.msk $0xffff, v59;
	v57 =	vld.idx.msk [tilespmem:v62+s16+$0x0], $0xffff;
	v59 =	vor.u32 v42, v18;
	v42 =	vshll.u32 v42, $0x7  }
0x2ee: {  	v51 =	vor.u32 s30, v2;
	v56 =	vshll.u32 v56, $0x7;
	v39 =	vld.idx.msk [tilespmem:v39+s16+$0x0], $0xffff;
	v42 =	vor.u32 v17, v42;
	[tilespmem:v55+s20+$0x0] =	vst.idx.msk $0xffff, v47  }
0x2ef: {  	v37 =	vld.idx.msk [tilespmem:v37+s16+$0x0], $0xffff;
	v47 =	vor.u32 s6, v2;
	[tilespmem:v48+s20+$0x0] =	vst.idx.msk $0xffff, v53;
	v48 =	vshll.u32 v61, $0x7;
	v53 =	vor.u32 v17, v60  }
0x2f0: {  	v61 =	vor.u32 v61, v18;
	[tilespmem:v52+s20+$0x0] =	vst.idx.msk $0xffff, v44;
	v52 =	vor.u32 v19, v56;
	v21 =	vld.idx.msk [tilespmem:v21+s16+$0x0], $0xffff  }
0x2f1: {  	v55 =	vor.u32 s17, v2;
	v56 =	vor.u32 s2, v15;
	v60 =	vor.u32 v47, v18;
	v49 =	vld.idx.msk [tilespmem:v49+s16+$0x0], $0xffff;
	[tilespmem:v50+s20+$0x0] =	vst.idx.msk $0xffff, v43  }
0x2f2: {  	v62 =	vor.u32 v55, v18;
	v48 =	vor.u32 v17, v48;
	v43 =	vld.idx.msk [tilespmem:v63+s16+$0x0], $0xffff;
	[tilespmem:v35+s20+$0x0] =	vst.idx.msk $0xffff, v41  }
0x2f3: {  	v47 =	vshll.u32 v47, $0x7;
	v20 =	vor.u32 v56, v20;
	v63 =	vshll.u32 v51, $0x7;
	v44 =	vld.idx.msk [tilespmem:v58+s16+$0x0], $0xffff;
	[tilespmem:v45+s20+$0x0] =	vst.idx.msk $0xffff, v57  }
0x2f4: {  	v51 =	vor.u32 v51, v18;
	v47 =	vor.u32 v17, v47;
	v36 =	vld.idx.msk [tilespmem:v36+s16+$0x0], $0xffff;
	[tilespmem:v34+s20+$0x0] =	vst.idx.msk $0xffff, v39  }
0x2f5: {  	v50 =	vor.u32 v17, v63;
	v58 =	vshll.u32 v55, $0x7;
	v57 =	vor.u32 s17, v3;
	[tilespmem:v31+s20+$0x0] =	vst.idx.msk $0xffff, v37;
	v33 =	vld.idx.msk [tilespmem:v33+s16+$0x0], $0xffff  }
0x2f6: {  	v45 =	vor.u32 s6, v3;
	v63 =	vor.u32 s30, v4;
	v31 =	vor.u32 s6, v9;
	[tilespmem:v53+s20+$0x0] =	vst.idx.msk $0xffff, v21;
	v60 =	vld.idx.msk [tilespmem:v60+s16+$0x0], $0xffff  }
0x2f7: {  	v21 =	vor.u32 s12, v3;
	v53 =	vor.u32 v17, v58;
	v58 =	vor.u32 s30, v3;
	[tilespmem:v54+s20+$0x0] =	vst.idx.msk $0xffff, v49;
	v55 =	vld.idx.msk [tilespmem:v62+s16+$0x0], $0xffff  }
0x2f8: {  	[tilespmem:v46+s20+$0x0] =	vst.idx.msk $0xffff, v43;
	v43 =	vshll.u32 v21, $0x7;
	v46 =	vor.u32 v57, v18;
	v21 =	vor.u32 v21, v18  }
0x2f9: {  	v62 =	vshll.u32 v56, $0x7;
	v54 =	vor.u32 v58, v18;
	v49 =	vld.idx.msk [tilespmem:v51+s16+$0x0], $0xffff;
	v56 =	vor.u32 s12, v4  }
0x2fa: {  	[tilespmem:v52+s20+$0x0] =	vst.idx.msk $0xffff, v44;
	v44 =	vor.u32 v45, v18;
	v52 =	vshll.u32 v58, $0x7;
	v61 =	vld.idx.msk [tilespmem:v61+s16+$0x0], $0xffff;
	v45 =	vshll.u32 v45, $0x7  }
0x2fb: {  	v19 =	vor.u32 v19, v62;
	v43 =	vor.u32 v17, v43;
	v58 =	vshll.u32 v57, $0x7;
	[tilespmem:v32+s20+$0x0] =	vst.idx.msk $0xffff, v36  }
0x2fc: {  	v57 =	vor.u32 s17, v4;
	v62 =	vshll.u32 v63, $0x7;
	v32 =	vor.u32 v31, v18;
	[tilespmem:v30+s20+$0x0] =	vst.idx.msk $0xffff, v33  }
0x2fd: {  	v45 =	vor.u32 v17, v45;
	v51 =	vor.u32 v17, v52;
	v52 =	vor.u32 s6, v4;
	[tilespmem:v53+s20+$0x0] =	vst.idx.msk $0xffff, v55  }
0x2fe: {  	[tilespmem:v47+s20+$0x0] =	vst.idx.msk $0xffff, v60;
	v47 =	vor.u32 v52, v18;
	v55 =	vor.u32 v17, v58;
	v46 =	vld.idx.msk [tilespmem:v46+s16+$0x0], $0xffff  }
0x2ff: {  	v31 =	vshll.u32 v31, $0x7;
	v60 =	vshll.u32 v56, $0x7;
	v56 =	vor.u32 v56, v18;
	v44 =	vld.idx.msk [tilespmem:v44+s16+$0x0], $0xffff;
	[tilespmem:v48+s20+$0x0] =	vst.idx.msk $0xffff, v61  }
0x300: {  	v33 =	vor.u32 s30, v11;
	v52 =	vshll.u32 v52, $0x7;
	v58 =	vor.u32 v57, v18;
	[tilespmem:v50+s20+$0x0] =	vst.idx.msk $0xffff, v49;
	v21 =	vld.idx.msk [tilespmem:v21+s16+$0x0], $0xffff  }
0x301: {  	v40 =	vor.u32 v17, v60;
	v53 =	vor.u32 v63, v18;
	v63 =	vor.u32 s12, v5;
	v38 =	vld.idx.msk [tilespmem:v54+s16+$0x0], $0xffff  }
0x302: {  	v49 =	vor.u32 v17, v52;
	v48 =	vor.u32 v17, v62;
	v52 =	vor.u32 v63, v18  }
0x303: {  	v20 =	vld.idx.msk [tilespmem:v20+s16+$0x0], $0xffff;
	v54 =	vor.u32 s30, v5;
	v50 =	vshll.u32 v63, $0x7;
	v61 =	vshll.u32 v57, $0x7;
	[tilespmem:v55+s20+$0x0] =	vst.idx.msk $0xffff, v46  }
0x304: {  	v62 =	vor.u32 s6, v7;
	v60 =	vor.u32 v54, v18;
	v50 =	vor.u32 v17, v50;
	[tilespmem:v45+s20+$0x0] =	vst.idx.msk $0xffff, v44  }
0x305: {  	v63 =	vor.u32 s30, v7;
	v55 =	vshll.u32 v54, $0x7;
	v46 =	vld.idx.msk [tilespmem:v58+s16+$0x0], $0xffff;
	[tilespmem:v43+s20+$0x0] =	vst.idx.msk $0xffff, v21;
	v43 =	vor.u32 v17, v61  }
0x306: {  	v45 =	vor.u32 s17, v5;
	[tilespmem:v51+s20+$0x0] =	vst.idx.msk $0xffff, v38;
	v51 =	vor.u32 v62, v18;
	v38 =	vshll.u32 v63, $0x7;
	v47 =	vld.idx.msk [tilespmem:v47+s16+$0x0], $0xffff  }
0x307: {  	v21 =	vor.u32 s12, v7;
	v44 =	vor.u32 v17, v55;
	v54 =	vor.u32 v45, v18;
	v55 =	vld.idx.msk [tilespmem:v56+s16+$0x0], $0xffff  }
0x308: {  	v58 =	vor.u32 v63, v18;
	v35 =	vld.idx.msk [tilespmem:v53+s16+$0x0], $0xffff;
	v61 =	vshll.u32 v62, $0x7;
	v62 =	vor.u32 s12, v8  }
0x309: {  	[tilespmem:v19+s20+$0x0] =	vst.idx.msk $0xffff, v20;
	v38 =	vor.u32 v17, v38;
	v63 =	vor.u32 s30, v8;
	v45 =	vshll.u32 v45, $0x7  }
0x30a: {  	v57 =	vor.u32 v21, v18;
	v21 =	vshll.u32 v21, $0x7;
	v41 =	vor.u32 v17, v61;
	[tilespmem:v43+s20+$0x0] =	vst.idx.msk $0xffff, v46  }
0x30b: {  	v61 =	vor.u32 s6, v8;
	v20 =	vshll.u32 v62, $0x7;
	v21 =	vor.u32 v17, v21;
	[tilespmem:v49+s20+$0x0] =	vst.idx.msk $0xffff, v47  }
0x30c: {  	v20 =	vor.u32 v17, v20;
	v46 =	vld.idx.msk [tilespmem:v54+s16+$0x0], $0xffff;
	[tilespmem:v40+s20+$0x0] =	vst.idx.msk $0xffff, v55;
	v40 =	vor.u32 v17, v45  }
0x30d: {  	v43 =	vshll.u32 v63, $0x7;
	[tilespmem:v48+s20+$0x0] =	vst.idx.msk $0xffff, v35;
	v47 =	vor.u32 s17, v8;
	v45 =	vor.u32 s17, v7;
	v49 =	vld.idx.msk [tilespmem:v59+s16+$0x0], $0xffff  }
0x30e: {  	v54 =	vor.u32 v61, v18;
	v55 =	vor.u32 v62, v18;
	v34 =	vld.idx.msk [tilespmem:v60+s16+$0x0], $0xffff;
	v56 =	vor.u32 v45, v18  }
0x30f: {  	v62 =	vshll.u32 v61, $0x7;
	v43 =	vor.u32 v17, v43;
	v60 =	vor.u32 s30, v6;
	v19 =	vld.idx.msk [tilespmem:v52+s16+$0x0], $0xffff  }
0x310: {  	v61 =	vor.u32 s6, v6;
	v52 =	vor.u32 v63, v18;
	v35 =	vor.u32 v17, v62  }
0x311: {  	v63 =	vor.u32 s12, v6;
	v59 =	vor.u32 v60, v18;
	v45 =	vshll.u32 v45, $0x7;
	[tilespmem:v40+s20+$0x0] =	vst.idx.msk $0xffff, v46  }
0x312: {  	v48 =	vshll.u32 v61, $0x7;
	v53 =	vor.u32 v63, v18;
	v39 =	vshll.u32 v63, $0x7;
	[tilespmem:v42+s20+$0x0] =	vst.idx.msk $0xffff, v49  }
0x313: {  	v45 =	vor.u32 v17, v45;
	v48 =	vor.u32 v17, v48;
	[tilespmem:v44+s20+$0x0] =	vst.idx.msk $0xffff, v34;
	v40 =	vld.idx.msk [tilespmem:v56+s16+$0x0], $0xffff  }
0x314: {  	v62 =	vld.idx.msk [tilespmem:v51+s16+$0x0], $0xffff;
	[tilespmem:v50+s20+$0x0] =	vst.idx.msk $0xffff, v19;
	v50 =	vor.u32 v17, v39;
	v39 =	vor.u32 v47, v18  }
0x315: {  	v63 =	vor.u32 s12, v9;
	v42 =	vor.u32 v61, v18;
	v44 =	vor.u32 s30, v9;
	v34 =	vld.idx.msk [tilespmem:v58+s16+$0x0], $0xffff  }
0x316: {  	v19 =	vshll.u32 v60, $0x7;
	v56 =	vor.u32 v63, v18;
	v60 =	vshll.u32 v63, $0x7;
	v49 =	vld.idx.msk [tilespmem:v57+s16+$0x0], $0xffff  }
0x317: {  	v29 =	vld.idx.msk [tilespmem:v29+s16+$0x0], $0xffff;
	v51 =	vor.u32 v44, v18;
	v61 =	vshll.u32 v44, $0x7;
	v63 =	vshll.u32 v47, $0x7  }
0x318: {  	v44 =	vor.u32 s17, v6;
	v19 =	vor.u32 v17, v19;
	v57 =	vor.u32 v17, v60;
	[tilespmem:v45+s20+$0x0] =	vst.idx.msk $0xffff, v40  }
0x319: {  	v58 =	vor.u32 v17, v61;
	[tilespmem:v41+s20+$0x0] =	vst.idx.msk $0xffff, v62;
	v36 =	vld.idx.msk [tilespmem:v39+s16+$0x0], $0xffff;
	v39 =	vor.u32 v17, v63  }
0x31a: {  	v46 =	vor.u32 v44, v18;
	v47 =	vshll.u32 v44, $0x7;
	v44 =	vor.u32 s17, v9;
	[tilespmem:v38+s20+$0x0] =	vst.idx.msk $0xffff, v34;
	v41 =	vld.idx.msk [tilespmem:v54+s16+$0x0], $0xffff  }
0x31b: {  	v62 =	vor.u32 s12, v10;
	[tilespmem:v21+s20+$0x0] =	vst.idx.msk $0xffff, v49;
	v49 =	vor.u32 v17, v31;
	v31 =	vor.u32 s6, v10;
	v30 =	vld.idx.msk [tilespmem:v52+s16+$0x0], $0xffff  }
0x31c: {  	v21 =	vor.u32 s30, v10;
	v45 =	vld.idx.msk [tilespmem:v55+s16+$0x0], $0xffff;
	v54 =	vor.u32 v31, v18;
	v55 =	vor.u32 v62, v18  }
0x31d: {  	[tilespmem:v26+s20+$0x0] =	vst.idx.msk $0xffff, v29;
	v31 =	vshll.u32 v31, $0x7;
	v60 =	vor.u32 v21, v18;
	v21 =	vshll.u32 v21, $0x7  }
0x31e: {  	v37 =	vshll.u32 v62, $0x7;
	v52 =	vor.u32 v17, v31;
	v40 =	vor.u32 v17, v21;
	[tilespmem:v39+s20+$0x0] =	vst.idx.msk $0xffff, v36  }
0x31f: {  	v21 =	vor.u32 s6, v11;
	v31 =	vor.u32 s12, v11;
	[tilespmem:v35+s20+$0x0] =	vst.idx.msk $0xffff, v41;
	v35 =	vor.u32 v17, v47;
	v36 =	vld.idx.msk [tilespmem:v46+s16+$0x0], $0xffff  }
0x320: {  	v61 =	vor.u32 v17, v37;
	v62 =	vor.u32 v21, v18;
	v63 =	vor.u32 v31, v18;
	v37 =	vld.idx.msk [tilespmem:v42+s16+$0x0], $0xffff  }
0x321: {  	v28 =	vld.idx.msk [tilespmem:v28+s16+$0x0], $0xffff;
	v21 =	vshll.u32 v21, $0x7;
	v41 =	vshll.u32 v31, $0x7;
	v31 =	vor.u32 v44, v18;
	[tilespmem:v43+s20+$0x0] =	vst.idx.msk $0xffff, v30  }
0x322: {  	v26 =	vor.u32 s6, v12;
	v43 =	vor.u32 v17, v21;
	v21 =	vor.u32 s12, v12;
	v30 =	vld.idx.msk [tilespmem:v25+s16+$0x0], $0xffff;
	[tilespmem:v20+s20+$0x0] =	vst.idx.msk $0xffff, v45  }
0x323: {  	v20 =	vshll.u32 v33, $0x7;
	v42 =	vor.u32 v21, v18;
	v29 =	vld.idx.msk [tilespmem:v59+s16+$0x0], $0xffff;
	v46 =	vor.u32 v26, v18  }
0x324: {  	v25 =	vshll.u32 v26, $0x7;
	v21 =	vshll.u32 v21, $0x7;
	v53 =	vld.idx.msk [tilespmem:v53+s16+$0x0], $0xffff;
	v39 =	vor.u32 v17, v20;
	[tilespmem:v35+s20+$0x0] =	vst.idx.msk $0xffff, v36  }
0x325: {  	v20 =	vld.idx.msk [tilespmem:v27+s16+$0x0], $0xffff;
	v27 =	vor.u32 s30, v12;
	[tilespmem:v48+s20+$0x0] =	vst.idx.msk $0xffff, v37;
	v37 =	vor.u32 v17, v21;
	v21 =	vshll.u32 v44, $0x7  }
0x326: {  	v38 =	vor.u32 v27, v18;
	v27 =	vshll.u32 v27, $0x7;
	v26 =	vld.idx.msk [tilespmem:v31+s16+$0x0], $0xffff;
	v21 =	vor.u32 v17, v21  }
0x327: {  	[tilespmem:v22+s20+$0x0] =	vst.idx.msk $0xffff, v28;
	v59 =	vor.u32 s17, v10;
	v34 =	vor.u32 v17, v27;
	v27 =	vor.u32 s6, v13  }
0x328: {  	v44 =	vor.u32 v17, v25;
	v25 =	vor.u32 v59, v18;
	[tilespmem:v19+s20+$0x0] =	vst.idx.msk $0xffff, v29;
	v32 =	vld.idx.msk [tilespmem:v32+s16+$0x0], $0xffff  }
0x329: {  	v45 =	vor.u32 v33, v18;
	v36 =	vor.u32 v27, v18;
	[tilespmem:v50+s20+$0x0] =	vst.idx.msk $0xffff, v53;
	v31 =	vor.u32 s12, v13  }
0x32a: {  	v28 =	vor.u32 s30, v13;
	[tilespmem:v24+s20+$0x0] =	vst.idx.msk $0xffff, v20;
	v22 =	vld.idx.msk [tilespmem:v56+s16+$0x0], $0xffff;
	v35 =	vor.u32 v31, v18;
	v19 =	vshll.u32 v31, $0x7  }
0x32b: {  	v29 =	vld.idx.msk [tilespmem:v51+s16+$0x0], $0xffff;
	v31 =	vshll.u32 v27, $0x7;
	v27 =	vor.u32 v17, v19;
	v19 =	vshll.u32 v28, $0x7;
	[tilespmem:v21+s20+$0x0] =	vst.idx.msk $0xffff, v26  }
0x32c: {  	v41 =	vor.u32 v17, v41;
	v24 =	vor.u32 v17, v19;
	v26 =	vshll.u32 v59, $0x7;
	v19 =	vld [tilespmem:$0x1FFD0]  }
0x32d: {  	v51 =	vor.u32 s17, v11;
	[tilespmem:v49+s20+$0x0] =	vst.idx.msk $0xffff, v32;
	v48 =	vld.idx.msk [tilespmem:v25+s16+$0x0], $0xffff;
	v50 =	vor.u32 v17, v26  }
0x32e: {  	v33 =	vor.u32 v28, v18;
	v20 =	vor.u32 s12, v14;
	v53 =	vld.idx.msk [tilespmem:v54+s16+$0x0], $0xffff;
	v54 =	vor.u32 v51, v18  }
0x32f: {  	v31 =	vor.u32 v17, v31;
	v28 =	vor.u32 v20, v18;
	v21 =	vor.u32 s30, v14;
	[tilespmem:v57+s20+$0x0] =	vst.idx.msk $0xffff, v22  }
0x330: {  	v22 =	vshll.u32 v20, $0x7;
	[tilespmem:v58+s20+$0x0] =	vst.idx.msk $0xffff, v29;
	v29 =	vor.u32 v21, v18;
	v20 =	vshll.u32 v21, $0x7;
	v55 =	vld.idx.msk [tilespmem:v55+s16+$0x0], $0xffff  }
0x331: {  	[tilespmem:v23+s20+$0x0] =	vst.idx.msk $0xffff, v30;
	v22 =	vor.u32 v17, v22;
	v21 =	vor.u32 v17, v20;
	v20 =	vor.u32 s12, v15  }
0x332: {  	v49 =	vld.idx.msk [tilespmem:v60+s16+$0x0], $0xffff;
	v60 =	vor.u32 s30, v15;
	v51 =	vshll.u32 v51, $0x7;
	v23 =	vor.u32 v20, v18;
	[tilespmem:v50+s20+$0x0] =	vst.idx.msk $0xffff, v48  }
0x333: {  	v57 =	vshll.u32 v20, $0x7;
	v20 =	vor.u32 v60, v18;
	v60 =	vshll.u32 v60, $0x7;
	[tilespmem:v52+s20+$0x0] =	vst.idx.msk $0xffff, v53;
	v52 =	vld.idx.msk [tilespmem:v54+s16+$0x0], $0xffff  }
0x334: {  	v48 =	vor.u32 v17, v60;
	v54 =	vor.u32 v17, v51;
	v47 =	vld.idx.msk [tilespmem:v19+s16+$0x0], $0xffff;
	v19 =	vor.u32 s6, v14  }
0x335: {  	[tilespmem:v61+s20+$0x0] =	vst.idx.msk $0xffff, v55;
	v53 =	vor.u32 s17, v12;
	v32 =	vor.u32 v19, v18;
	v19 =	vshll.u32 v19, $0x7  }
0x336: {  	v50 =	vld.idx.msk [tilespmem:v62+s16+$0x0], $0xffff;
	v55 =	vor.u32 v53, v18;
	v25 =	vor.u32 v17, v19;
	v19 =	vor.u32 s6, v15  }
0x337: {  	s10 =	simm.s32 $0x10;
	s2 =	simm.s32 $0x4;
	v51 =	vld.idx.msk [tilespmem:v63+s16+$0x0], $0xffff;
	s6 =	simm.s32 $0x80;
	v26 =	vor.u32 v19, v18;
	v30 =	vshll.u32 v19, $0x7;
	v19 =	vor.u32 v17, v57  }
.LBB2_11:
0x338: {  	s7 =	sand.u32 $0x70, s10;
	s11 =	sand.u32 $0x40, s6;
	s2 =	sadd.s32 $0x4, s2;
	v30 =	vor.u32 v17, v30;
	[tilespmem:v40+s20+$0x0] =	vst.idx.msk $0xffff, v49  }
0x339: {  	v40 =	vor.u32 s7, v0;
	v49 =	vor.u32 s11, v0;
	v56 =	vor.u32 s11, v1;
	s30 =	sor.u32 $0x10, s11;
	s7 =	sor.u32 $0x30, s11;
	p1 =	slt.u32 s2, $0x3C;
	v45 =	vld.idx.msk [tilespmem:v45+s16+$0x0], $0xffff;
	[tilespmem:v16+s20+$0x0] =	vst.idx.msk $0xffff, v47;
	v16 =	vmovc v48  }
0x33a: {  	s12 =	sor.u32 $0x20, s11;
	v47 =	vshll.u32 v40, $0x7;
	v48 =	vor.u32 s30, v0;
	v57 =	vor.u32 s7, v0  }
0x33b: {  	v59 =	vor.u32 s12, v0;
	v58 =	vor.u32 v49, v47;
	v60 =	vor.u32 v57, v47;
	[tilespmem:v54+s20+$0x0] =	vst.idx.msk $0xffff, v52  }
0x33c: {  	v53 =	vshll.u32 v53, $0x7;
	v52 =	vor.u32 v48, v47;
	v54 =	vor.u32 v59, v47;
	v55 =	vld.idx.msk [tilespmem:v55+s16+$0x0], $0xffff  }
0x33d: {  	v48 =	vshll.u32 v48, $0x7;
	[tilespmem:v43+s20+$0x0] =	vst.idx.msk $0xffff, v50;
	v43 =	vor.u32 v17, v53;
	v50 =	vor.u32 s17, v13  }
0x33e: {  	v49 =	vshll.u32 v49, $0x7;
	v53 =	vshll.u32 v59, $0x7;
	v46 =	vld.idx.msk [tilespmem:v46+s16+$0x0], $0xffff;
	[tilespmem:v41+s20+$0x0] =	vst.idx.msk $0xffff, v51;
	v41 =	vor.u32 v50, v18  }
0x33f: {  	v49 =	vor.u32 v40, v49;
	v48 =	vor.u32 v40, v48;
	v51 =	vor.u32 v40, v53;
	v42 =	vld.idx.msk [tilespmem:v42+s16+$0x0], $0xffff  }
0x340: {  	v57 =	vshll.u32 v57, $0x7;
	v59 =	vor.u32 s12, v1;
	v53 =	vor.u32 s30, v1;
	v60 =	vld.idx.msk [tilespmem:v60+s16+$0x0], $0xffff;
	[tilespmem:v39+s20+$0x0] =	vst.idx.msk $0xffff, v45  }
0x341: {  	v57 =	vor.u32 v40, v57;
	v45 =	vor.u32 v56, v47;
	v39 =	vld.idx.msk [tilespmem:v58+s16+$0x0], $0xffff;
	v58 =	vor.u32 s7, v1  }
0x342: {  	v61 =	vor.u32 v53, v47;
	v52 =	vld.idx.msk [tilespmem:v52+s16+$0x0], $0xffff;
	v62 =	vor.u32 v58, v47;
	[tilespmem:v43+s20+$0x0] =	vst.idx.msk $0xffff, v55  }
0x343: {  	v50 =	vshll.u32 v50, $0x7;
	v43 =	vshll.u32 v53, $0x7;
	v53 =	vor.u32 v59, v47;
	v41 =	vld.idx.msk [tilespmem:v41+s16+$0x0], $0xffff  }
0x344: {  	v55 =	vshll.u32 v59, $0x7;
	v54 =	vld.idx.msk [tilespmem:v54+s16+$0x0], $0xffff;
	[tilespmem:v44+s20+$0x0] =	vst.idx.msk $0xffff, v46;
	v44 =	vor.u32 v17, v50;
	v46 =	vor.u32 s17, v14  }
0x345: {  	v43 =	vor.u32 v40, v43;
	v50 =	vshll.u32 v56, $0x7;
	v38 =	vld.idx.msk [tilespmem:v38+s16+$0x0], $0xffff;
	v56 =	vor.u32 v46, v18  }
0x346: {  	v59 =	vor.u32 s30, v2;
	v55 =	vor.u32 v40, v55;
	v50 =	vor.u32 v40, v50;
	[tilespmem:v57+s20+$0x0] =	vst.idx.msk $0xffff, v60  }
0x347: {  	v58 =	vshll.u32 v58, $0x7;
	[tilespmem:v49+s20+$0x0] =	vst.idx.msk $0xffff, v39;
	v39 =	vor.u32 s11, v2;
	v49 =	vor.u32 s12, v2;
	v57 =	vld.idx.msk [tilespmem:v62+s16+$0x0], $0xffff  }
0x348: {  	v45 =	vld.idx.msk [tilespmem:v45+s16+$0x0], $0xffff;
	[tilespmem:v48+s20+$0x0] =	vst.idx.msk $0xffff, v52;
	v48 =	vshll.u32 v59, $0x7;
	v52 =	vor.u32 v40, v58;
	v58 =	vor.u32 s7, v2  }
0x349: {  	v60 =	vor.u32 v39, v47;
	v61 =	vld.idx.msk [tilespmem:v61+s16+$0x0], $0xffff;
	v62 =	vor.u32 v58, v47;
	[tilespmem:v44+s20+$0x0] =	vst.idx.msk $0xffff, v41  }
0x34a: {  	v46 =	vshll.u32 v46, $0x7;
	v41 =	vor.u32 v59, v47;
	v44 =	vshll.u32 v49, $0x7;
	[tilespmem:v51+s20+$0x0] =	vst.idx.msk $0xffff, v54;
	v51 =	vld.idx.msk [tilespmem:v56+s16+$0x0], $0xffff  }
0x34b: {  	v46 =	vor.u32 v17, v46;
	v49 =	vor.u32 v49, v47;
	v54 =	vor.u32 s17, v15;
	s17 =	smov.u32 s7;
	v53 =	vld.idx.msk [tilespmem:v53+s16+$0x0], $0xffff  }
0x34c: {  	v39 =	vshll.u32 v39, $0x7;
	v48 =	vor.u32 v40, v48;
	[tilespmem:v37+s20+$0x0] =	vst.idx.msk $0xffff, v42;
	v37 =	vor.u32 v54, v18  }
0x34d: {  	v39 =	vor.u32 v40, v39;
	v44 =	vor.u32 v40, v44;
	v42 =	vor.u32 s30, v3;
	[tilespmem:v52+s20+$0x0] =	vst.idx.msk $0xffff, v57  }
0x34e: {  	v56 =	vshll.u32 v58, $0x7;
	v18 =	vmovc v47;
	[tilespmem:v50+s20+$0x0] =	vst.idx.msk $0xffff, v45;
	v45 =	vor.u32 s11, v3;
	v50 =	vor.u32 s12, v3;
	v52 =	vld.idx.msk [tilespmem:v62+s16+$0x0], $0xffff  }
0x34f: {  	v56 =	vor.u32 v40, v56;
	v57 =	vor.u32 s17, v3;
	v47 =	vld.idx.msk [tilespmem:v60+s16+$0x0], $0xffff;
	[tilespmem:v43+s20+$0x0] =	vst.idx.msk $0xffff, v61;
	v43 =	vshll.u32 v42, $0x7  }
0x350: {  	v59 =	vor.u32 v57, v18;
	v58 =	vor.u32 v45, v18;
	v41 =	vld.idx.msk [tilespmem:v41+s16+$0x0], $0xffff;
	[tilespmem:v46+s20+$0x0] =	vst.idx.msk $0xffff, v51  }
0x351: {  	v42 =	vor.u32 v42, v18;
	v46 =	vshll.u32 v50, $0x7;
	v51 =	vshll.u32 v54, $0x7;
	[tilespmem:v55+s20+$0x0] =	vst.idx.msk $0xffff, v53;
	v37 =	vld.idx.msk [tilespmem:v37+s16+$0x0], $0xffff  }
0x352: {  	v45 =	vshll.u32 v45, $0x7;
	v50 =	vor.u32 v50, v18;
	v51 =	vor.u32 v17, v51;
	v17 =	vmovc v40;
	v49 =	vld.idx.msk [tilespmem:v49+s16+$0x0], $0xffff  }
0x353: {  	v40 =	vor.u32 v17, v45;
	v43 =	vor.u32 v17, v43;
	v45 =	vor.u32 v17, v46;
	v36 =	vld.idx.msk [tilespmem:v36+s16+$0x0], $0xffff  }
0x354: {  	v54 =	vor.u32 s12, v4;
	v53 =	vor.u32 s30, v4;
	v46 =	vor.u32 s11, v4;
	[tilespmem:v56+s20+$0x0] =	vst.idx.msk $0xffff, v52  }
0x355: {  	v55 =	vshll.u32 v57, $0x7;
	[tilespmem:v39+s20+$0x0] =	vst.idx.msk $0xffff, v47;
	v39 =	vor.u32 v46, v18;
	v47 =	vshll.u32 v53, $0x7;
	v52 =	vld.idx.msk [tilespmem:v59+s16+$0x0], $0xffff  }
0x356: {  	v56 =	vld.idx.msk [tilespmem:v58+s16+$0x0], $0xffff;
	[tilespmem:v48+s20+$0x0] =	vst.idx.msk $0xffff, v41;
	v41 =	vshll.u32 v54, $0x7;
	v48 =	vor.u32 v17, v55;
	v55 =	vor.u32 s17, v4  }
0x357: {  	v53 =	vor.u32 v53, v18;
	v42 =	vld.idx.msk [tilespmem:v42+s16+$0x0], $0xffff;
	v57 =	vor.u32 v55, v18;
	[tilespmem:v51+s20+$0x0] =	vst.idx.msk $0xffff, v37  }
0x358: {  	v37 =	vshll.u32 v46, $0x7;
	v46 =	vor.u32 v17, v47;
	[tilespmem:v44+s20+$0x0] =	vst.idx.msk $0xffff, v49;
	v44 =	vor.u32 v54, v18  }
0x359: {  	v47 =	vor.u32 s30, v5;
	v41 =	vor.u32 v17, v41;
	v37 =	vor.u32 v17, v37;
	v49 =	vld.idx.msk [tilespmem:v50+s16+$0x0], $0xffff  }
0x35a: {  	v51 =	vor.u32 v47, v18;
	v54 =	vor.u32 s12, v5;
	v50 =	vor.u32 s11, v5;
	v35 =	vld.idx.msk [tilespmem:v35+s16+$0x0], $0xffff;
	[tilespmem:v34+s20+$0x0] =	vst.idx.msk $0xffff, v38  }
0x35b: {  	v34 =	vor.u32 v50, v18;
	v38 =	vshll.u32 v47, $0x7;
	v47 =	vor.u32 v54, v18;
	[tilespmem:v48+s20+$0x0] =	vst.idx.msk $0xffff, v52  }
0x35c: {  	v48 =	vshll.u32 v54, $0x7;
	v52 =	vshll.u32 v55, $0x7;
	[tilespmem:v40+s20+$0x0] =	vst.idx.msk $0xffff, v56;
	v40 =	vshll.u32 v50, $0x7;
	v50 =	vld.idx.msk [tilespmem:v57+s16+$0x0], $0xffff  }
0x35d: {  	v39 =	vld.idx.msk [tilespmem:v39+s16+$0x0], $0xffff;
	[tilespmem:v43+s20+$0x0] =	vst.idx.msk $0xffff, v42;
	v42 =	vor.u32 s30, v7;
	v43 =	vor.u32 v17, v52;
	v52 =	vor.u32 s17, v5  }
0x35e: {  	v38 =	vor.u32 v17, v38;
	v48 =	vor.u32 v17, v48;
	v53 =	vld.idx.msk [tilespmem:v53+s16+$0x0], $0xffff;
	v54 =	vor.u32 v52, v18  }
0x35f: {  	v55 =	vor.u32 s11, v7;
	v40 =	vor.u32 v17, v40;
	[tilespmem:v45+s20+$0x0] =	vst.idx.msk $0xffff, v49;
	v45 =	vor.u32 s12, v7;
	v33 =	vld.idx.msk [tilespmem:v33+s16+$0x0], $0xffff  }
0x360: {  	v56 =	vor.u32 v42, v18;
	v49 =	vor.u32 v55, v18;
	v44 =	vld.idx.msk [tilespmem:v44+s16+$0x0], $0xffff;
	v57 =	vor.u32 v45, v18  }
0x361: {  	v42 =	vshll.u32 v42, $0x7;
	v55 =	vshll.u32 v55, $0x7;
	v45 =	vshll.u32 v45, $0x7;
	[tilespmem:v31+s20+$0x0] =	vst.idx.msk $0xffff, v36  }
0x362: {  	v31 =	vor.u32 v17, v42;
	v36 =	vor.u32 s30, v8;
	v42 =	vor.u32 v17, v45;
	[tilespmem:v43+s20+$0x0] =	vst.idx.msk $0xffff, v50  }
0x363: {  	v45 =	vshll.u32 v52, $0x7;
	[tilespmem:v37+s20+$0x0] =	vst.idx.msk $0xffff, v39;
	v37 =	vor.u32 v17, v55;
	v39 =	vor.u32 s12, v8;
	v43 =	vld.idx.msk [tilespmem:v54+s16+$0x0], $0xffff  }
0x364: {  	v50 =	vor.u32 s11, v8;
	v45 =	vor.u32 v17, v45;
	v34 =	vld.idx.msk [tilespmem:v34+s16+$0x0], $0xffff;
	[tilespmem:v46+s20+$0x0] =	vst.idx.msk $0xffff, v53;
	v46 =	vor.u32 s17, v7  }
0x365: {  	v52 =	vor.u32 v50, v18;
	v53 =	vor.u32 v36, v18;
	v51 =	vld.idx.msk [tilespmem:v51+s16+$0x0], $0xffff;
	v54 =	vor.u32 v46, v18  }
0x366: {  	v36 =	vshll.u32 v36, $0x7;
	[tilespmem:v41+s20+$0x0] =	vst.idx.msk $0xffff, v44;
	v41 =	vor.u32 v39, v18;
	v39 =	vshll.u32 v39, $0x7;
	v32 =	vld.idx.msk [tilespmem:v32+s16+$0x0], $0xffff  }
0x367: {  	v36 =	vor.u32 v17, v36;
	v44 =	vshll.u32 v50, $0x7;
	v47 =	vld.idx.msk [tilespmem:v47+s16+$0x0], $0xffff;
	v39 =	vor.u32 v17, v39  }
0x368: {  	v55 =	vor.u32 s12, v6;
	v50 =	vor.u32 s30, v6;
	v44 =	vor.u32 v17, v44;
	[tilespmem:v27+s20+$0x0] =	vst.idx.msk $0xffff, v35  }
0x369: {  	v58 =	vor.u32 v55, v18;
	v27 =	vor.u32 s11, v6;
	v35 =	vor.u32 v50, v18;
	[tilespmem:v45+s20+$0x0] =	vst.idx.msk $0xffff, v43  }
0x36a: {  	v45 =	vshll.u32 v46, $0x7;
	[tilespmem:v40+s20+$0x0] =	vst.idx.msk $0xffff, v34;
	v34 =	vor.u32 v27, v18;
	v40 =	vshll.u32 v50, $0x7;
	v43 =	vld.idx.msk [tilespmem:v54+s16+$0x0], $0xffff  }
0x36b: {  	v45 =	vor.u32 v17, v45;
	v46 =	vld.idx.msk [tilespmem:v49+s16+$0x0], $0xffff;
	[tilespmem:v38+s20+$0x0] =	vst.idx.msk $0xffff, v51;
	v38 =	vshll.u32 v55, $0x7;
	v49 =	vor.u32 s17, v8  }
0x36c: {  	v27 =	vshll.u32 v27, $0x7;
	v51 =	vor.u32 v17, v40;
	v50 =	vld.idx.msk [tilespmem:v56+s16+$0x0], $0xffff;
	v40 =	vor.u32 v49, v18  }
0x36d: {  	v54 =	vor.u32 s30, v9;
	v27 =	vor.u32 v17, v27;
	[tilespmem:v48+s20+$0x0] =	vst.idx.msk $0xffff, v47;
	v47 =	vor.u32 v17, v38  }
0x36e: {  	v55 =	vor.u32 v54, v18;
	v56 =	vor.u32 s12, v9;
	v38 =	vor.u32 s11, v9;
	v48 =	vld.idx.msk [tilespmem:v57+s16+$0x0], $0xffff;
	[tilespmem:v24+s20+$0x0] =	vst.idx.msk $0xffff, v33  }
0x36f: {  	v24 =	vor.u32 v38, v18;
	v33 =	vshll.u32 v54, $0x7;
	v54 =	vor.u32 v56, v18;
	v28 =	vld.idx.msk [tilespmem:v28+s16+$0x0], $0xffff  }
0x370: {  	v38 =	vshll.u32 v38, $0x7;
	v57 =	vor.u32 v17, v33;
	v33 =	vshll.u32 v56, $0x7;
	[tilespmem:v45+s20+$0x0] =	vst.idx.msk $0xffff, v43;
	v56 =	vld.idx.msk [tilespmem:v29+s16+$0x0], $0xffff  }
0x371: {  	v29 =	vor.u32 v17, v33;
	[tilespmem:v37+s20+$0x0] =	vst.idx.msk $0xffff, v46;
	v37 =	vor.u32 s30, v10;
	v33 =	vld.idx.msk [tilespmem:v40+s16+$0x0], $0xffff;
	v40 =	vshll.u32 v49, $0x7  }
0x372: {  	v46 =	vor.u32 s17, v6;
	v43 =	vld.idx.msk [tilespmem:v52+s16+$0x0], $0xffff;
	[tilespmem:v31+s20+$0x0] =	vst.idx.msk $0xffff, v50;
	v31 =	vor.u32 s12, v10;
	v45 =	vor.u32 v17, v40  }
0x373: {  	v49 =	vor.u32 v17, v38;
	v38 =	vor.u32 s11, v10;
	v52 =	vor.u32 v46, v18;
	v50 =	vld.idx.msk [tilespmem:v53+s16+$0x0], $0xffff  }
0x374: {  	v59 =	vor.u32 v37, v18;
	v37 =	vshll.u32 v37, $0x7;
	v53 =	vor.u32 v38, v18;
	[tilespmem:v42+s20+$0x0] =	vst.idx.msk $0xffff, v48  }
0x375: {  	v38 =	vshll.u32 v38, $0x7;
	v60 =	vor.u32 v31, v18;
	v31 =	vshll.u32 v31, $0x7;
	v42 =	vld.idx.msk [tilespmem:v41+s16+$0x0], $0xffff;
	[tilespmem:v25+s20+$0x0] =	vst.idx.msk $0xffff, v32  }
0x376: {  	v61 =	vor.u32 v17, v38;
	v48 =	vor.u32 v17, v37;
	v40 =	vor.u32 v17, v31;
	v25 =	vld.idx.msk [tilespmem:v26+s16+$0x0], $0xffff  }
0x377: {  	v31 =	vor.u32 s30, v11;
	v32 =	vor.u32 s12, v11;
	v26 =	vor.u32 s11, v11;
	[tilespmem:v45+s20+$0x0] =	vst.idx.msk $0xffff, v33  }
0x378: {  	v38 =	vshll.u32 v46, $0x7;
	v62 =	vor.u32 v26, v18;
	v33 =	vshll.u32 v31, $0x7;
	[tilespmem:v44+s20+$0x0] =	vst.idx.msk $0xffff, v43;
	v37 =	vld.idx.msk [tilespmem:v52+s16+$0x0], $0xffff  }
0x379: {  	v44 =	vor.u32 v17, v38;
	v34 =	vld.idx.msk [tilespmem:v34+s16+$0x0], $0xffff;
	[tilespmem:v36+s20+$0x0] =	vst.idx.msk $0xffff, v50;
	v36 =	vshll.u32 v32, $0x7;
	v50 =	vor.u32 s17, v9  }
0x37a: {  	v63 =	vor.u32 v31, v18;
	v45 =	vor.u32 v32, v18;
	v35 =	vld.idx.msk [tilespmem:v35+s16+$0x0], $0xffff;
	v31 =	vor.u32 v50, v18  }
0x37b: {  	v26 =	vshll.u32 v26, $0x7;
	v41 =	vor.u32 v17, v33;
	[tilespmem:v39+s20+$0x0] =	vst.idx.msk $0xffff, v42;
	v39 =	vor.u32 v17, v36  }
0x37c: {  	v43 =	vor.u32 v17, v26;
	v26 =	vor.u32 s30, v12;
	v33 =	vor.u32 s12, v12;
	v32 =	vld.idx.msk [tilespmem:v58+s16+$0x0], $0xffff;
	[tilespmem:v22+s20+$0x0] =	vst.idx.msk $0xffff, v28  }
0x37d: {  	v38 =	vor.u32 v33, v18;
	v42 =	vor.u32 v26, v18;
	v22 =	vor.u32 s11, v12;
	[tilespmem:v21+s20+$0x0] =	vst.idx.msk $0xffff, v56  }
0x37e: {  	v46 =	vor.u32 v22, v18;
	v21 =	vshll.u32 v26, $0x7;
	v26 =	vshll.u32 v33, $0x7;
	[tilespmem:v44+s20+$0x0] =	vst.idx.msk $0xffff, v37;
	v23 =	vld.idx.msk [tilespmem:v23+s16+$0x0], $0xffff  }
0x37f: {  	v22 =	vshll.u32 v22, $0x7;
	v37 =	vor.u32 v17, v21;
	[tilespmem:v27+s20+$0x0] =	vst.idx.msk $0xffff, v34;
	v21 =	vld.idx.msk [tilespmem:v31+s16+$0x0], $0xffff;
	v27 =	vshll.u32 v50, $0x7  }
0x380: {  	v28 =	vld.idx.msk [tilespmem:v24+s16+$0x0], $0xffff;
	[tilespmem:v51+s20+$0x0] =	vst.idx.msk $0xffff, v35;
	v24 =	vor.u32 s30, v13;
	v50 =	vor.u32 v17, v27;
	v51 =	vor.u32 s17, v10  }
0x381: {  	v44 =	vor.u32 v17, v22;
	v34 =	vor.u32 v17, v26;
	v22 =	vld.idx.msk [tilespmem:v55+s16+$0x0], $0xffff;
	v26 =	vor.u32 v51, v18  }
0x382: {  	v31 =	vor.u32 s12, v13;
	v27 =	vor.u32 s11, v13;
	v35 =	vor.u32 v24, v18;
	[tilespmem:v47+s20+$0x0] =	vst.idx.msk $0xffff, v32;
	v47 =	vld.idx.msk [tilespmem:v20+s16+$0x0], $0xffff  }
0x383: {  	v33 =	vor.u32 v31, v18;
	v36 =	vor.u32 v27, v18;
	v20 =	vshll.u32 v24, $0x7;
	v52 =	vld.idx.msk [tilespmem:v54+s16+$0x0], $0xffff  }
0x384: {  	v24 =	vshll.u32 v27, $0x7;
	v27 =	vor.u32 v17, v20;
	v20 =	vshll.u32 v31, $0x7;
	[tilespmem:v30+s20+$0x0] =	vst.idx.msk $0xffff, v25  }
0x385: {  	v31 =	vor.u32 v17, v24;
	v25 =	vor.u32 s30, v14;
	v24 =	vor.u32 v17, v20;
	[tilespmem:v50+s20+$0x0] =	vst.idx.msk $0xffff, v21  }
0x386: {  	v20 =	vor.u32 s11, v14;
	v21 =	vor.u32 s12, v14;
	[tilespmem:v49+s20+$0x0] =	vst.idx.msk $0xffff, v28;
	v30 =	vld.idx.msk [tilespmem:v26+s16+$0x0], $0xffff;
	v26 =	vshll.u32 v51, $0x7  }
0x387: {  	v50 =	vld.idx.msk [tilespmem:v53+s16+$0x0], $0xffff;
	[tilespmem:v57+s20+$0x0] =	vst.idx.msk $0xffff, v22;
	v22 =	vshll.u32 v25, $0x7;
	v51 =	vor.u32 v17, v26;
	v53 =	vor.u32 s17, v11  }
0x388: {  	v32 =	vor.u32 v20, v18;
	v28 =	vor.u32 v25, v18;
	v54 =	vld.idx.msk [tilespmem:v59+s16+$0x0], $0xffff;
	v55 =	vor.u32 v53, v18  }
0x389: {  	v20 =	vshll.u32 v20, $0x7;
	[tilespmem:v29+s20+$0x0] =	vst.idx.msk $0xffff, v52;
	v29 =	vor.u32 v21, v18;
	v21 =	vshll.u32 v21, $0x7  }
0x38a: {  	v25 =	vor.u32 v17, v20;
	v22 =	vor.u32 v17, v22;
	v49 =	vld.idx.msk [tilespmem:v60+s16+$0x0], $0xffff;
	v21 =	vor.u32 v17, v21  }
.Ltmp7:
0x38b: {  	v56 =	vor.u32 s11, v15;
	v20 =	vor.u32 s30, v15;
	v52 =	vor.u32 s12, v15;
	[tilespmem:v19+s20+$0x0] =	vst.idx.msk $0xffff, v23;
	(pc) =	sbr.rel @p1 .LBB2_11-.Ltmp7, $4  }
0x38c: {  	v26 =	vor.u32 v56, v18;
	v23 =	vor.u32 v20, v18;
	v19 =	vshll.u32 v20, $0x7;
	[tilespmem:v51+s20+$0x0] =	vst.idx.msk $0xffff, v30  }
0x38d: {  	v57 =	vshll.u32 v52, $0x7;
	v20 =	vor.u32 v52, v18;
	v51 =	vshll.u32 v53, $0x7;
	[tilespmem:v61+s20+$0x0] =	vst.idx.msk $0xffff, v50;
	v52 =	vld.idx.msk [tilespmem:v55+s16+$0x0], $0xffff  }
0x38e: {  	v30 =	vshll.u32 v56, $0x7;
	v53 =	vor.u32 s17, v12;
	v50 =	vld.idx.msk [tilespmem:v62+s16+$0x0], $0xffff;
	[tilespmem:v48+s20+$0x0] =	vst.idx.msk $0xffff, v54;
	v54 =	vor.u32 v17, v51  }
0x38f: {  	s6 =	sadd.s32 $0x40, s6;
	s10 =	sadd.s32 $0x8, s10;
	v19 =	vor.u32 v17, v19;
	v55 =	vor.u32 v53, v18;
	v48 =	vor.u32 v17, v57;
	v51 =	vld.idx.msk [tilespmem:v63+s16+$0x0], $0xffff  }
0x390: {  	_ =	sdelay $0x3  }
0x391: {  	[tilespmem:v40+s20+$0x0] =	vst.idx.msk $0xffff, v49  }
0x392: {  	v40 =	vld.idx.msk [tilespmem:v45+s16+$0x0], $0xffff;
	_ =	sdelay $0x1  }
0x393: {  	v59 =	vshll.u32 v53, $0x7;
	[tilespmem:v54+s20+$0x0] =	vst.idx.msk $0xffff, v52  }
0x394: {  	v62 =	vor.u32 s17, v13;
	v61 =	vor.u32 v17, v59;
	v60 =	vld.idx.msk [tilespmem:v55+s16+$0x0], $0xffff;
	[tilespmem:v43+s20+$0x0] =	vst.idx.msk $0xffff, v50  }
0x395: {  	v63 =	vor.u32 v62, v18;
	v46 =	vld.idx.msk [tilespmem:v46+s16+$0x0], $0xffff;
	[tilespmem:v41+s20+$0x0] =	vst.idx.msk $0xffff, v51  }
0x396: {  	v42 =	vld.idx.msk [tilespmem:v42+s16+$0x0], $0xffff;
	[tilespmem:v39+s20+$0x0] =	vst.idx.msk $0xffff, v40  }
0x397: {  	v38 =	vld.idx.msk [tilespmem:v38+s16+$0x0], $0xffff;
	_ =	sdelay $0x1  }
0x398: {  	v45 =	vshll.u32 v62, $0x7;
	[tilespmem:v61+s20+$0x0] =	vst.idx.msk $0xffff, v60  }
0x399: {  	v50 =	vor.u32 s17, v14;
	v39 =	vor.u32 v17, v45;
	v49 =	vld.idx.msk [tilespmem:v63+s16+$0x0], $0xffff;
	[tilespmem:v44+s20+$0x0] =	vst.idx.msk $0xffff, v46  }
0x39a: {  	v51 =	vor.u32 v50, v18;
	[tilespmem:v37+s20+$0x0] =	vst.idx.msk $0xffff, v42;
	v36 =	vld.idx.msk [tilespmem:v36+s16+$0x0], $0xffff  }
0x39b: {  	v35 =	vld.idx.msk [tilespmem:v35+s16+$0x0], $0xffff;
	[tilespmem:v34+s20+$0x0] =	vst.idx.msk $0xffff, v38  }
0x39c: {  	v33 =	vld.idx.msk [tilespmem:v33+s16+$0x0], $0xffff;
	_ =	sdelay $0x1  }
0x39d: {  	v52 =	vshll.u32 v50, $0x7;
	[tilespmem:v39+s20+$0x0] =	vst.idx.msk $0xffff, v49  }
0x39e: {  	v54 =	vor.u32 s17, v15;
	v34 =	vor.u32 v17, v52;
	v53 =	vld.idx.msk [tilespmem:v51+s16+$0x0], $0xffff;
	[tilespmem:v31+s20+$0x0] =	vst.idx.msk $0xffff, v36  }
0x39f: {  	v18 =	vor.u32 v54, v18;
	v31 =	vld.idx.msk [tilespmem:v32+s16+$0x0], $0xffff;
	[tilespmem:v27+s20+$0x0] =	vst.idx.msk $0xffff, v35  }
0x3a0: {  	[tilespmem:v24+s20+$0x0] =	vst.idx.msk $0xffff, v33;
	v24 =	vld.idx.msk [tilespmem:v28+s16+$0x0], $0xffff  }
0x3a1: {  	v27 =	vld.idx.msk [tilespmem:v29+s16+$0x0], $0xffff;
	_ =	sdelay $0x1  }
0x3a2: {  	v28 =	vshll.u32 v54, $0x7;
	[tilespmem:v34+s20+$0x0] =	vst.idx.msk $0xffff, v53  }
0x3a3: {  	v28 =	vor.u32 v17, v28;
	v18 =	vld.idx.msk [tilespmem:v18+s16+$0x0], $0xffff;
	[tilespmem:v25+s20+$0x0] =	vst.idx.msk $0xffff, v31  }
0x3a4: {  	v17 =	vor.u32 v17, v30;
	v25 =	vld.idx.msk [tilespmem:v26+s16+$0x0], $0xffff;
	[tilespmem:v22+s20+$0x0] =	vst.idx.msk $0xffff, v24  }
0x3a5: {  	[tilespmem:v21+s20+$0x0] =	vst.idx.msk $0xffff, v27;
	v21 =	vld.idx.msk [tilespmem:v23+s16+$0x0], $0xffff  }
0x3a6: {  	v20 =	vld.idx.msk [tilespmem:v20+s16+$0x0], $0xffff  }
0x3a7: {  	[tilespmem:v16+s20+$0x0] =	vst.idx.msk $0xffff, v47  }
0x3a8: {  	[tilespmem:v28+s20+$0x0] =	vst.idx.msk $0xffff, v18  }
0x3a9: {  	s2 =	sor.u32 s8, s3;
	[tilespmem:v17+s20+$0x0] =	vst.idx.msk $0xffff, v25  }
0x3aa: {  	s2 =	sshrl.u32 s2, $0x3;
	[tilespmem:v19+s20+$0x0] =	vst.idx.msk $0xffff, v21  }
0x3ab: {  	s2 =	sadd.s32 s4, s2;
	[tilespmem:v48+s20+$0x0] =	vst.idx.msk $0xffff, v20  }
0x3ac: {  	[hbm4b:s2+s21] =	stream.strided.scatter [tilespmem:s20], [sflag:$0x5], $0x4000, s22, s21, $0x38;
	[tilespmem:$0x19000] =	vst v63  }
0x3ad: {  	s6 =	simm.s32 @!p0 $0x80;
	s2 =	sadd.s32 @!p0 $0x300, s15;
	s15 =	simm.s32 $0x0  }
0x3ae: {  	s7 =	simm.s32 @!p0 $0x9000;
	s17 =	sand.u32 $0x70, s15;
	s30 =	sand.u32 $0x40, s15  }
0x3af: {  	[tilespmem:s7], [sflag:$0x3] =	stream.indirect.gather @!p0 [hbm4b:s0+s6], $0x80, s2, s6, $0xb8;
	v19 =	vor.u32 s17, v0;
	[tilespmem:$0x19000] =	vst v63  }
0x3b0: {  	s2 =	sor.u32 $0x30, s30;
	v17 =	vor.u32 s30, v0;
	s10 =	sor.u32 $0x10, s30;
	v22 =	vor.u32 s30, v1;
	v52 =	vor.u32 s30, v7  }
0x3b1: {  	s11 =	sor.u32 $0x20, s30;
	v20 =	vshll.u32 v19, $0x7;
	v16 =	vor.u32 s2, v0;
	v23 =	vor.u32 s10, v0  }
0x3b2: {  	_ =	swait.ge [sflag:s29], $0x4000;
	v24 =	vor.u32 s11, v0;
	v27 =	vor.u32 s2, v1;
	v29 =	vor.u32 s10, v1  }
0x3b3: {  	v30 =	vor.u32 s11, v1;
	v44 =	vor.u32 s11, v4;
	[sflag:s29] =	ssyncset.done $0x0;
	v18 =	vor.u32 v16, v20  }
0x3b4: {  	v46 =	vor.u32 s10, v5;
	v47 =	vor.u32 s11, v5;
	v21 =	vor.u32 v17, v20;
	[sflag:s29] =	ssyncadd.s32 $0xFFFFC000  }
0x3b5: {  	v50 =	vor.u32 s2, v5;
	v53 =	vor.u32 s11, v7;
	v25 =	vor.u32 v23, v20;
	_ =	swait.ge [sflag:s24], $0x4000  }
0x3b6: {  	v26 =	vor.u32 v24, v20;
	v23 =	vshll.u32 v23, $0x7;
	v17 =	vshll.u32 v17, $0x7;
	[sflag:s24] =	ssyncset.done $0x0  }
0x3b7: {  	v24 =	vshll.u32 v24, $0x7;
	v16 =	vshll.u32 v16, $0x7;
	v28 =	vor.u32 v27, v20;
	[sflag:s24] =	ssyncadd.s32 $0xFFFFC000  }
0x3b8: {  	v31 =	vor.u32 v22, v20;
	v55 =	vor.u32 v29, v20;
	v16 =	vor.u32 v19, v16;
	v18 =	vld.idx.msk [tilespmem:v18+s18+$0x0], $0xffff  }
0x3b9: {  	v29 =	vshll.u32 v29, $0x7;
	v56 =	vor.u32 v30, v20;
	v17 =	vor.u32 v19, v17;
	v21 =	vld.idx.msk [tilespmem:v21+s18+$0x0], $0xffff  }
0x3ba: {  	v30 =	vshll.u32 v30, $0x7;
	v22 =	vshll.u32 v22, $0x7;
	v34 =	vor.u32 v44, v20  }
0x3bb: {  	v49 =	vor.u32 v47, v20;
	v51 =	vor.u32 v50, v20;
	v23 =	vor.u32 v19, v23;
	v25 =	vld.idx.msk [tilespmem:v25+s18+$0x0], $0xffff  }
0x3bc: {  	v54 =	vor.u32 v52, v20;
	v43 =	vor.u32 v53, v20;
	v24 =	vor.u32 v19, v24;
	v26 =	vld.idx.msk [tilespmem:v26+s18+$0x0], $0xffff  }
0x3bd: {  	v29 =	vor.u32 v19, v29;
	v22 =	vor.u32 v19, v22;
	[tilespmem:v16+s25+$0x0] =	vst.idx.msk $0xffff, v18;
	v16 =	vshll.u32 v27, $0x7  }
0x3be: {  	v48 =	vshll.u32 v46, $0x7;
	[tilespmem:v17+s25+$0x0] =	vst.idx.msk $0xffff, v21;
	v21 =	vor.u32 s2, v2;
	v17 =	vld.idx.msk [tilespmem:v28+s18+$0x0], $0xffff;
	v16 =	vor.u32 v19, v16  }
0x3bf: {  	v30 =	vor.u32 v19, v30;
	v27 =	vor.u32 s30, v2;
	v31 =	vld.idx.msk [tilespmem:v31+s18+$0x0], $0xffff;
	v57 =	vor.u32 v21, v20  }
0x3c0: {  	v33 =	vor.u32 v19, v48;
	v18 =	vor.u32 s10, v2;
	[tilespmem:v23+s25+$0x0] =	vst.idx.msk $0xffff, v25;
	v25 =	vor.u32 v27, v20  }
0x3c1: {  	[tilespmem:v24+s25+$0x0] =	vst.idx.msk $0xffff, v26;
	v26 =	vor.u32 s10, v3;
	v28 =	vor.u32 s11, v2;
	v23 =	vshll.u32 v18, $0x7;
	v32 =	vld.idx.msk [tilespmem:v55+s18+$0x0], $0xffff  }
0x3c2: {  	v18 =	vor.u32 v18, v20;
	v27 =	vshll.u32 v27, $0x7;
	v60 =	vshll.u32 v26, $0x7  }
0x3c3: {  	v58 =	vshll.u32 v28, $0x7;
	v24 =	vor.u32 v19, v27;
	v27 =	vld.idx.msk [tilespmem:v56+s18+$0x0], $0xffff;
	[tilespmem:v16+s25+$0x0] =	vst.idx.msk $0xffff, v17;
	v17 =	vshll.u32 v21, $0x7  }
0x3c4: {  	v28 =	vor.u32 v28, v20;
	[tilespmem:v22+s25+$0x0] =	vst.idx.msk $0xffff, v31;
	v22 =	vld.idx.msk [tilespmem:v57+s18+$0x0], $0xffff;
	v17 =	vor.u32 v19, v17  }
0x3c5: {  	v26 =	vor.u32 v26, v20;
	v55 =	vshll.u32 v53, $0x7;
	v31 =	vor.u32 s2, v3;
	v25 =	vld.idx.msk [tilespmem:v25+s18+$0x0], $0xffff  }
0x3c6: {  	v53 =	vor.u32 s11, v9;
	v16 =	vor.u32 s30, v3;
	[tilespmem:v29+s25+$0x0] =	vst.idx.msk $0xffff, v32;
	v62 =	vor.u32 v31, v20  }
0x3c7: {  	v23 =	vor.u32 v19, v23;
	v63 =	vor.u32 v19, v60;
	v61 =	vor.u32 v16, v20;
	v18 =	vld.idx.msk [tilespmem:v18+s18+$0x0], $0xffff  }
0x3c8: {  	v56 =	vshll.u32 v50, $0x7;
	v48 =	vor.u32 v53, v20;
	v21 =	vor.u32 s11, v3;
	[tilespmem:v30+s25+$0x0] =	vst.idx.msk $0xffff, v27  }
0x3c9: {  	v59 =	vor.u32 v19, v58;
	v29 =	vshll.u32 v21, $0x7;
	v16 =	vshll.u32 v16, $0x7;
	v28 =	vld.idx.msk [tilespmem:v28+s18+$0x0], $0xffff;
	[tilespmem:v17+s25+$0x0] =	vst.idx.msk $0xffff, v22  }
0x3ca: {  	v21 =	vor.u32 v21, v20;
	v16 =	vor.u32 v19, v16;
	[tilespmem:v24+s25+$0x0] =	vst.idx.msk $0xffff, v25;
	v24 =	vshll.u32 v31, $0x7  }
0x3cb: {  	v27 =	vor.u32 v19, v29;
	v31 =	vor.u32 s2, v4;
	v36 =	vld.idx.msk [tilespmem:v62+s18+$0x0], $0xffff;
	v24 =	vor.u32 v19, v24  }
0x3cc: {  	v30 =	vor.u32 s10, v4;
	v29 =	vor.u32 s30, v4;
	[tilespmem:v23+s25+$0x0] =	vst.idx.msk $0xffff, v18;
	v45 =	vor.u32 v31, v20;
	v35 =	vld.idx.msk [tilespmem:v61+s18+$0x0], $0xffff  }
0x3cd: {  	v57 =	vor.u32 s2, v7;
	v17 =	vor.u32 v29, v20;
	v22 =	vshll.u32 v30, $0x7;
	v26 =	vld.idx.msk [tilespmem:v26+s18+$0x0], $0xffff  }
0x3ce: {  	v25 =	vshll.u32 v44, $0x7;
	v30 =	vor.u32 v30, v20;
	v29 =	vshll.u32 v29, $0x7;
	[tilespmem:v59+s25+$0x0] =	vst.idx.msk $0xffff, v28  }
0x3cf: {  	v18 =	vor.u32 s30, v5;
	v23 =	vor.u32 v46, v20;
	v22 =	vor.u32 v19, v22;
	v21 =	vld.idx.msk [tilespmem:v21+s18+$0x0], $0xffff  }
0x3d0: {  	v29 =	vor.u32 v19, v29;
	v25 =	vor.u32 v19, v25;
	v31 =	vshll.u32 v31, $0x7;
	[tilespmem:v24+s25+$0x0] =	vst.idx.msk $0xffff, v36  }
0x3d1: {  	v28 =	vor.u32 v18, v20;
	v31 =	vor.u32 v19, v31;
	[tilespmem:v16+s25+$0x0] =	vst.idx.msk $0xffff, v35;
	v36 =	vld.idx.msk [tilespmem:v45+s18+$0x0], $0xffff  }
0x3d2: {  	v32 =	vshll.u32 v57, $0x7;
	v18 =	vshll.u32 v18, $0x7;
	v59 =	vor.u32 v57, v20;
	[tilespmem:v63+s25+$0x0] =	vst.idx.msk $0xffff, v26;
	v17 =	vld.idx.msk [tilespmem:v17+s18+$0x0], $0xffff  }
0x3d3: {  	v18 =	vor.u32 v19, v18;
	v24 =	vshll.u32 v47, $0x7;
	v16 =	vor.u32 s10, v7;
	v30 =	vld.idx.msk [tilespmem:v30+s18+$0x0], $0xffff  }
0x3d4: {  	v26 =	vshll.u32 v52, $0x7;
	v24 =	vor.u32 v19, v24;
	v42 =	vor.u32 v16, v20;
	[tilespmem:v27+s25+$0x0] =	vst.idx.msk $0xffff, v21  }
0x3d5: {  	v16 =	vshll.u32 v16, $0x7;
	v21 =	vor.u32 s10, v8;
	v27 =	vor.u32 v19, v55;
	v34 =	vld.idx.msk [tilespmem:v34+s18+$0x0], $0xffff  }
0x3d6: {  	v26 =	vor.u32 v19, v26;
	v37 =	vor.u32 v21, v20;
	v21 =	vshll.u32 v21, $0x7;
	[tilespmem:v31+s25+$0x0] =	vst.idx.msk $0xffff, v36  }
0x3d7: {  	v16 =	vor.u32 v19, v16;
	v21 =	vor.u32 v19, v21;
	v31 =	vor.u32 s11, v8;
	[tilespmem:v29+s25+$0x0] =	vst.idx.msk $0xffff, v17  }
0x3d8: {  	v17 =	vor.u32 s30, v8;
	v29 =	vor.u32 v19, v56;
	[tilespmem:v22+s25+$0x0] =	vst.idx.msk $0xffff, v30;
	v22 =	vor.u32 s10, v6  }
0x3d9: {  	v30 =	vor.u32 s11, v6;
	v56 =	vshll.u32 v53, $0x7;
	v58 =	vld.idx.msk [tilespmem:v51+s18+$0x0], $0xffff;
	v36 =	vor.u32 v17, v20  }
0x3da: {  	v28 =	vld.idx.msk [tilespmem:v28+s18+$0x0], $0xffff;
	v40 =	vor.u32 v31, v20;
	v31 =	vshll.u32 v31, $0x7;
	v17 =	vshll.u32 v17, $0x7;
	[tilespmem:v25+s25+$0x0] =	vst.idx.msk $0xffff, v34  }
0x3db: {  	v25 =	vor.u32 s30, v6;
	v34 =	vor.u32 v22, v20;
	v44 =	vor.u32 v30, v20;
	v23 =	vld.idx.msk [tilespmem:v23+s18+$0x0], $0xffff  }
0x3dc: {  	v22 =	vshll.u32 v22, $0x7;
	v51 =	vor.u32 s10, v9;
	v47 =	vor.u32 v19, v56  }
0x3dd: {  	v31 =	vor.u32 v19, v31;
	v17 =	vor.u32 v19, v17;
	v60 =	vld.idx.msk [tilespmem:v49+s18+$0x0], $0xffff;
	v22 =	vor.u32 v19, v22  }
0x3de: {  	v52 =	vor.u32 s30, v9;
	v46 =	vor.u32 v51, v20;
	[tilespmem:v29+s25+$0x0] =	vst.idx.msk $0xffff, v58;
	v29 =	vor.u32 v25, v20  }
0x3df: {  	[tilespmem:v18+s25+$0x0] =	vst.idx.msk $0xffff, v28;
	v18 =	vshll.u32 v30, $0x7;
	v28 =	vor.u32 v19, v32;
	v30 =	vor.u32 s2, v8;
	v61 =	vld.idx.msk [tilespmem:v59+s18+$0x0], $0xffff  }
0x3e0: {  	v25 =	vshll.u32 v25, $0x7;
	[tilespmem:v33+s25+$0x0] =	vst.idx.msk $0xffff, v23;
	v23 =	vor.u32 v52, v20;
	v58 =	vor.u32 s2, v6;
	v63 =	vld.idx.msk [tilespmem:v54+s18+$0x0], $0xffff  }
0x3e1: {  	v62 =	vor.u32 v30, v20;
	v25 =	vor.u32 v19, v25;
	v18 =	vor.u32 v19, v18;
	v55 =	vld.idx.msk [tilespmem:v42+s18+$0x0], $0xffff  }
0x3e2: {  	v54 =	vshll.u32 v51, $0x7;
	[tilespmem:v24+s25+$0x0] =	vst.idx.msk $0xffff, v60;
	v24 =	vshll.u32 v52, $0x7;
	v30 =	vshll.u32 v30, $0x7  }
0x3e3: {  	v60 =	vor.u32 s30, v10;
	v45 =	vor.u32 v19, v54;
	v57 =	vld.idx.msk [tilespmem:v43+s18+$0x0], $0xffff;
	v30 =	vor.u32 v19, v30  }
0x3e4: {  	v33 =	vshll.u32 v58, $0x7;
	v24 =	vor.u32 v19, v24;
	v49 =	vor.u32 v60, v20;
	[tilespmem:v28+s25+$0x0] =	vst.idx.msk $0xffff, v61  }
0x3e5: {  	v33 =	vor.u32 v19, v33;
	v28 =	vor.u32 s10, v10;
	[tilespmem:v26+s25+$0x0] =	vst.idx.msk $0xffff, v63;
	v26 =	vor.u32 s11, v10  }
0x3e6: {  	v61 =	vor.u32 v58, v20;
	[tilespmem:v16+s25+$0x0] =	vst.idx.msk $0xffff, v55;
	v16 =	vshll.u32 v60, $0x7;
	v60 =	vor.u32 s2, v9  }
0x3e7: {  	v59 =	vld.idx.msk [tilespmem:v62+s18+$0x0], $0xffff;
	v50 =	vor.u32 v28, v20;
	v28 =	vshll.u32 v28, $0x7;
	v51 =	vor.u32 v26, v20  }
0x3e8: {  	v36 =	vld.idx.msk [tilespmem:v36+s18+$0x0], $0xffff;
	v26 =	vshll.u32 v26, $0x7;
	v16 =	vor.u32 v19, v16;
	[tilespmem:v27+s25+$0x0] =	vst.idx.msk $0xffff, v57;
	v27 =	vor.u32 s10, v11  }
0x3e9: {  	v62 =	vld.idx.msk [tilespmem:v37+s18+$0x0], $0xffff;
	v52 =	vor.u32 v19, v28;
	v53 =	vor.u32 v19, v26;
	v26 =	vor.u32 s30, v11  }
0x3ea: {  	v28 =	vor.u32 s11, v11;
	v54 =	vor.u32 v26, v20;
	v26 =	vshll.u32 v26, $0x7  }
0x3eb: {  	v63 =	vld.idx.msk [tilespmem:v40+s18+$0x0], $0xffff;
	v55 =	vor.u32 v27, v20;
	v58 =	vor.u32 v19, v26;
	v26 =	vor.u32 s11, v12  }
0x3ec: {  	v56 =	vor.u32 v28, v20;
	v41 =	vor.u32 v26, v20;
	v26 =	vshll.u32 v26, $0x7;
	[tilespmem:v30+s25+$0x0] =	vst.idx.msk $0xffff, v59  }
0x3ed: {  	v30 =	vshll.u32 v27, $0x7;
	[tilespmem:v17+s25+$0x0] =	vst.idx.msk $0xffff, v36;
	v17 =	vshll.u32 v28, $0x7;
	v27 =	vor.u32 v60, v20;
	v61 =	vld.idx.msk [tilespmem:v61+s18+$0x0], $0xffff  }
0x3ee: {  	[tilespmem:v21+s25+$0x0] =	vst.idx.msk $0xffff, v62;
	v21 =	vor.u32 s30, v12;
	v35 =	vor.u32 v19, v26;
	v26 =	vor.u32 s30, v13;
	v28 =	vld.idx.msk [tilespmem:v29+s18+$0x0], $0xffff  }
0x3ef: {  	v62 =	vor.u32 s11, v13;
	v57 =	vor.u32 v19, v30;
	v43 =	vor.u32 v19, v17  }
0x3f0: {  	v17 =	vor.u32 s10, v12;
	v29 =	vld.idx.msk [tilespmem:v34+s18+$0x0], $0xffff;
	v59 =	vor.u32 v21, v20;
	v39 =	vor.u32 v26, v20  }
0x3f1: {  	[tilespmem:v31+s25+$0x0] =	vst.idx.msk $0xffff, v63;
	v36 =	vor.u32 v62, v20;
	v42 =	vor.u32 v17, v20;
	v17 =	vshll.u32 v17, $0x7  }
0x3f2: {  	v21 =	vshll.u32 v21, $0x7;
	v30 =	vld.idx.msk [tilespmem:v44+s18+$0x0], $0xffff;
	v38 =	vor.u32 v19, v17;
	v17 =	vshll.u32 v60, $0x7;
	[tilespmem:v33+s25+$0x0] =	vst.idx.msk $0xffff, v61  }
0x3f3: {  	v26 =	vshll.u32 v26, $0x7;
	v17 =	vor.u32 v19, v17;
	[tilespmem:v25+s25+$0x0] =	vst.idx.msk $0xffff, v28;
	v28 =	vor.u32 s2, v10;
	v27 =	vld.idx.msk [tilespmem:v27+s18+$0x0], $0xffff  }
0x3f4: {  	v63 =	vor.u32 s2, v11;
	v40 =	vor.u32 v19, v21;
	v21 =	vor.u32 v28, v20;
	v23 =	vld.idx.msk [tilespmem:v23+s18+$0x0], $0xffff  }
0x3f5: {  	v34 =	vor.u32 v19, v26;
	v44 =	vshll.u32 v63, $0x7;
	v25 =	vor.u32 s10, v13  }
0x3f6: {  	v44 =	vor.u32 v19, v44;
	[tilespmem:v22+s25+$0x0] =	vst.idx.msk $0xffff, v29;
	v37 =	vor.u32 v25, v20;
	v22 =	vshll.u32 v25, $0x7  }
0x3f7: {  	v25 =	vld.idx.msk [tilespmem:v46+s18+$0x0], $0xffff;
	[tilespmem:v18+s25+$0x0] =	vst.idx.msk $0xffff, v30;
	v31 =	vor.u32 v19, v22;
	v22 =	vshll.u32 v62, $0x7  }
0x3f8: {  	v26 =	vshll.u32 v28, $0x7;
	v32 =	vor.u32 v19, v22;
	[tilespmem:v17+s25+$0x0] =	vst.idx.msk $0xffff, v27;
	v27 =	vld.idx.msk [tilespmem:v48+s18+$0x0], $0xffff  }
0x3f9: {  	v61 =	vor.u32 s11, v15;
	v22 =	vor.u32 s11, v14;
	[tilespmem:v24+s25+$0x0] =	vst.idx.msk $0xffff, v23;
	v24 =	vor.u32 v19, v26;
	v21 =	vld.idx.msk [tilespmem:v21+s18+$0x0], $0xffff  }
0x3fa: {  	v18 =	vor.u32 s10, v14;
	v28 =	vor.u32 v22, v20;
	v22 =	vshll.u32 v22, $0x7  }
0x3fb: {  	v29 =	vor.u32 v18, v20;
	v22 =	vor.u32 v19, v22;
	v17 =	vor.u32 s30, v14  }
0x3fc: {  	v23 =	vshll.u32 v18, $0x7;
	v18 =	vor.u32 v63, v20;
	[tilespmem:v45+s25+$0x0] =	vst.idx.msk $0xffff, v25;
	v33 =	vor.u32 v17, v20  }
0x3fd: {  	v46 =	vor.u32 s2, v12;
	v60 =	vld.idx.msk [tilespmem:v49+s18+$0x0], $0xffff;
	v17 =	vshll.u32 v17, $0x7;
	v26 =	vor.u32 v19, v23;
	[tilespmem:v47+s25+$0x0] =	vst.idx.msk $0xffff, v27  }
0x3fe: {  	s12 =	simm.s32 $0x40;
	v23 =	vor.u32 s10, v15;
	v49 =	vor.u32 v46, v20;
	[tilespmem:v24+s25+$0x0] =	vst.idx.msk $0xffff, v21;
	v21 =	vor.u32 v61, v20  }
0x3ff: {  	s6 =	sand.u32 $0x40, s12;
	v45 =	vld.idx.msk [tilespmem:v50+s18+$0x0], $0xffff;
	v46 =	vshll.u32 v46, $0x7;
	v30 =	vor.u32 v19, v17;
	v17 =	vor.u32 s30, v15;
	[tilespmem:$0x1FFC0] =	vst v21  }
0x400: {  	v25 =	vor.u32 v23, v20;
	v23 =	vshll.u32 v23, $0x7;
	s30 =	sor.u32 $0x20, s6;
	v46 =	vor.u32 v19, v46;
	v47 =	vld.idx.msk [tilespmem:v51+s18+$0x0], $0xffff  }
0x401: {  	s15 =	simm.s32 $0x8;
	v23 =	vor.u32 v19, v23;
	v24 =	vshll.u32 v61, $0x7;
	v61 =	vor.u32 s30, v0;
	v48 =	vld.idx.msk [tilespmem:v18+s18+$0x0], $0xffff  }
0x402: {  	s7 =	sand.u32 $0x70, s15;
	v27 =	vor.u32 v17, v20;
	v17 =	vshll.u32 v17, $0x7;
	v63 =	vshll.u32 v61, $0x7;
	[tilespmem:v16+s25+$0x0] =	vst.idx.msk $0xffff, v60  }
0x403: {  	s17 =	sor.u32 $0x10, s6;
	v16 =	vor.u32 v19, v24;
	v24 =	vor.u32 v19, v17;
	v17 =	vor.u32 s7, v0;
	v50 =	vld.idx.msk [tilespmem:v54+s18+$0x0], $0xffff  }
0x404: {  	s15 =	sor.u32 $0x30, s6;
	v51 =	vor.u32 s6, v0;
	[tilespmem:v52+s25+$0x0] =	vst.idx.msk $0xffff, v45;
	v52 =	vor.u32 s17, v0;
	v18 =	vshll.u32 v17, $0x7  }
0x405: {  	v54 =	vld.idx.msk [tilespmem:v55+s18+$0x0], $0xffff;
	v55 =	vor.u32 s15, v0;
	v60 =	vor.u32 v51, v18;
	v51 =	vshll.u32 v51, $0x7;
	[tilespmem:v53+s25+$0x0] =	vst.idx.msk $0xffff, v47  }
0x406: {  	v62 =	vshll.u32 v52, $0x7;
	v51 =	vor.u32 v17, v51;
	v47 =	vor.u32 v55, v18;
	[tilespmem:v44+s25+$0x0] =	vst.idx.msk $0xffff, v48  }
0x407: {  	v53 =	vor.u32 v52, v18;
	v44 =	vor.u32 v61, v18;
	v48 =	vor.u32 v17, v62;
	v49 =	vld.idx.msk [tilespmem:v49+s18+$0x0], $0xffff  }
0x408: {  	v45 =	vor.u32 s6, v1;
	v52 =	vor.u32 v17, v63;
	v61 =	vor.u32 s17, v1;
	[tilespmem:v58+s25+$0x0] =	vst.idx.msk $0xffff, v50;
	v56 =	vld.idx.msk [tilespmem:v56+s18+$0x0], $0xffff  }
0x409: {  	v55 =	vshll.u32 v55, $0x7;
	v62 =	vor.u32 v45, v18;
	v50 =	vor.u32 s2, v13;
	v59 =	vld.idx.msk [tilespmem:v59+s18+$0x0], $0xffff  }
0x40a: {  	v45 =	vshll.u32 v45, $0x7;
	[tilespmem:v57+s25+$0x0] =	vst.idx.msk $0xffff, v54;
	v54 =	vor.u32 s30, v1;
	v58 =	vor.u32 v50, v20;
	v60 =	vld.idx.msk [tilespmem:v60+s18+$0x0], $0xffff  }
0x40b: {  	v55 =	vor.u32 v17, v55;
	v57 =	vor.u32 s15, v1;
	v63 =	vor.u32 v61, v18;
	v42 =	vld.idx.msk [tilespmem:v42+s18+$0x0], $0xffff  }
0x40c: {  	v61 =	vshll.u32 v61, $0x7;
	v45 =	vor.u32 v17, v45;
	v50 =	vshll.u32 v50, $0x7;
	v47 =	vld.idx.msk [tilespmem:v47+s18+$0x0], $0xffff  }
0x40d: {  	v21 =	vor.u32 v57, v18;
	v50 =	vor.u32 v19, v50;
	v53 =	vld.idx.msk [tilespmem:v53+s18+$0x0], $0xffff;
	[tilespmem:v46+s25+$0x0] =	vst.idx.msk $0xffff, v49  }
0x40e: {  	v44 =	vld.idx.msk [tilespmem:v44+s18+$0x0], $0xffff;
	v49 =	vor.u32 v54, v18;
	[tilespmem:v43+s25+$0x0] =	vst.idx.msk $0xffff, v56;
	v54 =	vshll.u32 v54, $0x7;
	v56 =	vor.u32 s2, v14  }
0x40f: {  	v46 =	vor.u32 v17, v61;
	v43 =	vld.idx.msk [tilespmem:v58+s18+$0x0], $0xffff;
	v58 =	vor.u32 v56, v20;
	[tilespmem:v51+s25+$0x0] =	vst.idx.msk $0xffff, v60  }
0x410: {  	v61 =	vor.u32 s17, v2;
	v54 =	vor.u32 v17, v54;
	v41 =	vld.idx.msk [tilespmem:v41+s18+$0x0], $0xffff;
	[tilespmem:v38+s25+$0x0] =	vst.idx.msk $0xffff, v42;
	v42 =	vor.u32 s6, v5  }
0x411: {  	v60 =	vshll.u32 v57, $0x7;
	[tilespmem:v40+s25+$0x0] =	vst.idx.msk $0xffff, v59;
	v57 =	vld.idx.msk [tilespmem:v62+s18+$0x0], $0xffff;
	v59 =	vor.u32 v42, v18;
	v42 =	vshll.u32 v42, $0x7  }
0x412: {  	v51 =	vor.u32 s30, v2;
	v56 =	vshll.u32 v56, $0x7;
	v39 =	vld.idx.msk [tilespmem:v39+s18+$0x0], $0xffff;
	v42 =	vor.u32 v17, v42;
	[tilespmem:v55+s25+$0x0] =	vst.idx.msk $0xffff, v47  }
0x413: {  	v37 =	vld.idx.msk [tilespmem:v37+s18+$0x0], $0xffff;
	v47 =	vor.u32 s6, v2;
	[tilespmem:v48+s25+$0x0] =	vst.idx.msk $0xffff, v53;
	v48 =	vshll.u32 v61, $0x7;
	v53 =	vor.u32 v17, v60  }
0x414: {  	v61 =	vor.u32 v61, v18;
	[tilespmem:v52+s25+$0x0] =	vst.idx.msk $0xffff, v44;
	v52 =	vor.u32 v19, v56;
	v21 =	vld.idx.msk [tilespmem:v21+s18+$0x0], $0xffff  }
0x415: {  	v55 =	vor.u32 s15, v2;
	v56 =	vor.u32 s2, v15;
	v60 =	vor.u32 v47, v18;
	v49 =	vld.idx.msk [tilespmem:v49+s18+$0x0], $0xffff;
	[tilespmem:v50+s25+$0x0] =	vst.idx.msk $0xffff, v43  }
0x416: {  	v62 =	vor.u32 v55, v18;
	v48 =	vor.u32 v17, v48;
	v43 =	vld.idx.msk [tilespmem:v63+s18+$0x0], $0xffff;
	[tilespmem:v35+s25+$0x0] =	vst.idx.msk $0xffff, v41  }
0x417: {  	v47 =	vshll.u32 v47, $0x7;
	v20 =	vor.u32 v56, v20;
	v63 =	vshll.u32 v51, $0x7;
	v44 =	vld.idx.msk [tilespmem:v58+s18+$0x0], $0xffff;
	[tilespmem:v45+s25+$0x0] =	vst.idx.msk $0xffff, v57  }
0x418: {  	v51 =	vor.u32 v51, v18;
	v47 =	vor.u32 v17, v47;
	v36 =	vld.idx.msk [tilespmem:v36+s18+$0x0], $0xffff;
	[tilespmem:v34+s25+$0x0] =	vst.idx.msk $0xffff, v39  }
0x419: {  	v50 =	vor.u32 v17, v63;
	v58 =	vshll.u32 v55, $0x7;
	v57 =	vor.u32 s15, v3;
	[tilespmem:v31+s25+$0x0] =	vst.idx.msk $0xffff, v37;
	v33 =	vld.idx.msk [tilespmem:v33+s18+$0x0], $0xffff  }
0x41a: {  	v45 =	vor.u32 s6, v3;
	v63 =	vor.u32 s30, v4;
	v31 =	vor.u32 s6, v9;
	[tilespmem:v53+s25+$0x0] =	vst.idx.msk $0xffff, v21;
	v60 =	vld.idx.msk [tilespmem:v60+s18+$0x0], $0xffff  }
0x41b: {  	v21 =	vor.u32 s17, v3;
	v53 =	vor.u32 v17, v58;
	v58 =	vor.u32 s30, v3;
	[tilespmem:v54+s25+$0x0] =	vst.idx.msk $0xffff, v49;
	v55 =	vld.idx.msk [tilespmem:v62+s18+$0x0], $0xffff  }
0x41c: {  	[tilespmem:v46+s25+$0x0] =	vst.idx.msk $0xffff, v43;
	v43 =	vshll.u32 v21, $0x7;
	v46 =	vor.u32 v57, v18;
	v21 =	vor.u32 v21, v18  }
0x41d: {  	v62 =	vshll.u32 v56, $0x7;
	v54 =	vor.u32 v58, v18;
	v49 =	vld.idx.msk [tilespmem:v51+s18+$0x0], $0xffff;
	v56 =	vor.u32 s17, v4  }
0x41e: {  	[tilespmem:v52+s25+$0x0] =	vst.idx.msk $0xffff, v44;
	v44 =	vor.u32 v45, v18;
	v52 =	vshll.u32 v58, $0x7;
	v61 =	vld.idx.msk [tilespmem:v61+s18+$0x0], $0xffff;
	v45 =	vshll.u32 v45, $0x7  }
0x41f: {  	v19 =	vor.u32 v19, v62;
	v43 =	vor.u32 v17, v43;
	v58 =	vshll.u32 v57, $0x7;
	[tilespmem:v32+s25+$0x0] =	vst.idx.msk $0xffff, v36  }
0x420: {  	v57 =	vor.u32 s15, v4;
	v62 =	vshll.u32 v63, $0x7;
	v32 =	vor.u32 v31, v18;
	[tilespmem:v30+s25+$0x0] =	vst.idx.msk $0xffff, v33  }
0x421: {  	v45 =	vor.u32 v17, v45;
	v51 =	vor.u32 v17, v52;
	v52 =	vor.u32 s6, v4;
	[tilespmem:v53+s25+$0x0] =	vst.idx.msk $0xffff, v55  }
0x422: {  	[tilespmem:v47+s25+$0x0] =	vst.idx.msk $0xffff, v60;
	v47 =	vor.u32 v52, v18;
	v55 =	vor.u32 v17, v58;
	v46 =	vld.idx.msk [tilespmem:v46+s18+$0x0], $0xffff  }
0x423: {  	v31 =	vshll.u32 v31, $0x7;
	v60 =	vshll.u32 v56, $0x7;
	v56 =	vor.u32 v56, v18;
	v44 =	vld.idx.msk [tilespmem:v44+s18+$0x0], $0xffff;
	[tilespmem:v48+s25+$0x0] =	vst.idx.msk $0xffff, v61  }
0x424: {  	v33 =	vor.u32 s30, v11;
	v52 =	vshll.u32 v52, $0x7;
	v58 =	vor.u32 v57, v18;
	[tilespmem:v50+s25+$0x0] =	vst.idx.msk $0xffff, v49;
	v21 =	vld.idx.msk [tilespmem:v21+s18+$0x0], $0xffff  }
0x425: {  	v40 =	vor.u32 v17, v60;
	v53 =	vor.u32 v63, v18;
	v63 =	vor.u32 s17, v5;
	v38 =	vld.idx.msk [tilespmem:v54+s18+$0x0], $0xffff  }
0x426: {  	v49 =	vor.u32 v17, v52;
	v48 =	vor.u32 v17, v62;
	v52 =	vor.u32 v63, v18  }
0x427: {  	v20 =	vld.idx.msk [tilespmem:v20+s18+$0x0], $0xffff;
	v54 =	vor.u32 s30, v5;
	v50 =	vshll.u32 v63, $0x7;
	v61 =	vshll.u32 v57, $0x7;
	[tilespmem:v55+s25+$0x0] =	vst.idx.msk $0xffff, v46  }
0x428: {  	v62 =	vor.u32 s6, v7;
	v60 =	vor.u32 v54, v18;
	v50 =	vor.u32 v17, v50;
	[tilespmem:v45+s25+$0x0] =	vst.idx.msk $0xffff, v44  }
0x429: {  	v63 =	vor.u32 s30, v7;
	v55 =	vshll.u32 v54, $0x7;
	v46 =	vld.idx.msk [tilespmem:v58+s18+$0x0], $0xffff;
	[tilespmem:v43+s25+$0x0] =	vst.idx.msk $0xffff, v21;
	v43 =	vor.u32 v17, v61  }
0x42a: {  	v45 =	vor.u32 s15, v5;
	[tilespmem:v51+s25+$0x0] =	vst.idx.msk $0xffff, v38;
	v51 =	vor.u32 v62, v18;
	v38 =	vshll.u32 v63, $0x7;
	v47 =	vld.idx.msk [tilespmem:v47+s18+$0x0], $0xffff  }
0x42b: {  	v21 =	vor.u32 s17, v7;
	v44 =	vor.u32 v17, v55;
	v54 =	vor.u32 v45, v18;
	v55 =	vld.idx.msk [tilespmem:v56+s18+$0x0], $0xffff  }
0x42c: {  	v58 =	vor.u32 v63, v18;
	v35 =	vld.idx.msk [tilespmem:v53+s18+$0x0], $0xffff;
	v61 =	vshll.u32 v62, $0x7;
	v62 =	vor.u32 s17, v8  }
0x42d: {  	[tilespmem:v19+s25+$0x0] =	vst.idx.msk $0xffff, v20;
	v38 =	vor.u32 v17, v38;
	v63 =	vor.u32 s30, v8;
	v45 =	vshll.u32 v45, $0x7  }
0x42e: {  	v57 =	vor.u32 v21, v18;
	v21 =	vshll.u32 v21, $0x7;
	v41 =	vor.u32 v17, v61;
	[tilespmem:v43+s25+$0x0] =	vst.idx.msk $0xffff, v46  }
0x42f: {  	v61 =	vor.u32 s6, v8;
	v20 =	vshll.u32 v62, $0x7;
	v21 =	vor.u32 v17, v21;
	[tilespmem:v49+s25+$0x0] =	vst.idx.msk $0xffff, v47  }
0x430: {  	v20 =	vor.u32 v17, v20;
	v46 =	vld.idx.msk [tilespmem:v54+s18+$0x0], $0xffff;
	[tilespmem:v40+s25+$0x0] =	vst.idx.msk $0xffff, v55;
	v40 =	vor.u32 v17, v45  }
0x431: {  	v43 =	vshll.u32 v63, $0x7;
	[tilespmem:v48+s25+$0x0] =	vst.idx.msk $0xffff, v35;
	v47 =	vor.u32 s15, v8;
	v45 =	vor.u32 s15, v7;
	v49 =	vld.idx.msk [tilespmem:v59+s18+$0x0], $0xffff  }
0x432: {  	v54 =	vor.u32 v61, v18;
	v55 =	vor.u32 v62, v18;
	v34 =	vld.idx.msk [tilespmem:v60+s18+$0x0], $0xffff;
	v56 =	vor.u32 v45, v18  }
0x433: {  	v62 =	vshll.u32 v61, $0x7;
	v43 =	vor.u32 v17, v43;
	v60 =	vor.u32 s30, v6;
	v19 =	vld.idx.msk [tilespmem:v52+s18+$0x0], $0xffff  }
0x434: {  	v61 =	vor.u32 s6, v6;
	v52 =	vor.u32 v63, v18;
	v35 =	vor.u32 v17, v62  }
0x435: {  	v63 =	vor.u32 s17, v6;
	v59 =	vor.u32 v60, v18;
	v45 =	vshll.u32 v45, $0x7;
	[tilespmem:v40+s25+$0x0] =	vst.idx.msk $0xffff, v46  }
0x436: {  	v48 =	vshll.u32 v61, $0x7;
	v53 =	vor.u32 v63, v18;
	v39 =	vshll.u32 v63, $0x7;
	[tilespmem:v42+s25+$0x0] =	vst.idx.msk $0xffff, v49  }
0x437: {  	v45 =	vor.u32 v17, v45;
	v48 =	vor.u32 v17, v48;
	[tilespmem:v44+s25+$0x0] =	vst.idx.msk $0xffff, v34;
	v40 =	vld.idx.msk [tilespmem:v56+s18+$0x0], $0xffff  }
0x438: {  	v62 =	vld.idx.msk [tilespmem:v51+s18+$0x0], $0xffff;
	[tilespmem:v50+s25+$0x0] =	vst.idx.msk $0xffff, v19;
	v50 =	vor.u32 v17, v39;
	v39 =	vor.u32 v47, v18  }
0x439: {  	v63 =	vor.u32 s17, v9;
	v42 =	vor.u32 v61, v18;
	v44 =	vor.u32 s30, v9;
	v34 =	vld.idx.msk [tilespmem:v58+s18+$0x0], $0xffff  }
0x43a: {  	v19 =	vshll.u32 v60, $0x7;
	v56 =	vor.u32 v63, v18;
	v60 =	vshll.u32 v63, $0x7;
	v49 =	vld.idx.msk [tilespmem:v57+s18+$0x0], $0xffff  }
0x43b: {  	v29 =	vld.idx.msk [tilespmem:v29+s18+$0x0], $0xffff;
	v51 =	vor.u32 v44, v18;
	v61 =	vshll.u32 v44, $0x7;
	v63 =	vshll.u32 v47, $0x7  }
0x43c: {  	v44 =	vor.u32 s15, v6;
	v19 =	vor.u32 v17, v19;
	v57 =	vor.u32 v17, v60;
	[tilespmem:v45+s25+$0x0] =	vst.idx.msk $0xffff, v40  }
0x43d: {  	v58 =	vor.u32 v17, v61;
	[tilespmem:v41+s25+$0x0] =	vst.idx.msk $0xffff, v62;
	v36 =	vld.idx.msk [tilespmem:v39+s18+$0x0], $0xffff;
	v39 =	vor.u32 v17, v63  }
0x43e: {  	v46 =	vor.u32 v44, v18;
	v47 =	vshll.u32 v44, $0x7;
	v44 =	vor.u32 s15, v9;
	[tilespmem:v38+s25+$0x0] =	vst.idx.msk $0xffff, v34;
	v41 =	vld.idx.msk [tilespmem:v54+s18+$0x0], $0xffff  }
0x43f: {  	v62 =	vor.u32 s17, v10;
	[tilespmem:v21+s25+$0x0] =	vst.idx.msk $0xffff, v49;
	v49 =	vor.u32 v17, v31;
	v31 =	vor.u32 s6, v10;
	v30 =	vld.idx.msk [tilespmem:v52+s18+$0x0], $0xffff  }
0x440: {  	v21 =	vor.u32 s30, v10;
	v45 =	vld.idx.msk [tilespmem:v55+s18+$0x0], $0xffff;
	v54 =	vor.u32 v31, v18;
	v55 =	vor.u32 v62, v18  }
0x441: {  	[tilespmem:v26+s25+$0x0] =	vst.idx.msk $0xffff, v29;
	v31 =	vshll.u32 v31, $0x7;
	v60 =	vor.u32 v21, v18;
	v21 =	vshll.u32 v21, $0x7  }
0x442: {  	v37 =	vshll.u32 v62, $0x7;
	v52 =	vor.u32 v17, v31;
	v40 =	vor.u32 v17, v21;
	[tilespmem:v39+s25+$0x0] =	vst.idx.msk $0xffff, v36  }
0x443: {  	v21 =	vor.u32 s6, v11;
	v31 =	vor.u32 s17, v11;
	[tilespmem:v35+s25+$0x0] =	vst.idx.msk $0xffff, v41;
	v35 =	vor.u32 v17, v47;
	v36 =	vld.idx.msk [tilespmem:v46+s18+$0x0], $0xffff  }
0x444: {  	v61 =	vor.u32 v17, v37;
	v62 =	vor.u32 v21, v18;
	v63 =	vor.u32 v31, v18;
	v37 =	vld.idx.msk [tilespmem:v42+s18+$0x0], $0xffff  }
0x445: {  	v28 =	vld.idx.msk [tilespmem:v28+s18+$0x0], $0xffff;
	v21 =	vshll.u32 v21, $0x7;
	v41 =	vshll.u32 v31, $0x7;
	v31 =	vor.u32 v44, v18;
	[tilespmem:v43+s25+$0x0] =	vst.idx.msk $0xffff, v30  }
0x446: {  	v26 =	vor.u32 s6, v12;
	v43 =	vor.u32 v17, v21;
	v21 =	vor.u32 s17, v12;
	v30 =	vld.idx.msk [tilespmem:v25+s18+$0x0], $0xffff;
	[tilespmem:v20+s25+$0x0] =	vst.idx.msk $0xffff, v45  }
0x447: {  	v20 =	vshll.u32 v33, $0x7;
	v42 =	vor.u32 v21, v18;
	v29 =	vld.idx.msk [tilespmem:v59+s18+$0x0], $0xffff;
	v46 =	vor.u32 v26, v18  }
0x448: {  	v25 =	vshll.u32 v26, $0x7;
	v21 =	vshll.u32 v21, $0x7;
	v53 =	vld.idx.msk [tilespmem:v53+s18+$0x0], $0xffff;
	v39 =	vor.u32 v17, v20;
	[tilespmem:v35+s25+$0x0] =	vst.idx.msk $0xffff, v36  }
0x449: {  	v20 =	vld.idx.msk [tilespmem:v27+s18+$0x0], $0xffff;
	v27 =	vor.u32 s30, v12;
	[tilespmem:v48+s25+$0x0] =	vst.idx.msk $0xffff, v37;
	v37 =	vor.u32 v17, v21;
	v21 =	vshll.u32 v44, $0x7  }
0x44a: {  	v38 =	vor.u32 v27, v18;
	v27 =	vshll.u32 v27, $0x7;
	v26 =	vld.idx.msk [tilespmem:v31+s18+$0x0], $0xffff;
	v21 =	vor.u32 v17, v21  }
0x44b: {  	[tilespmem:v22+s25+$0x0] =	vst.idx.msk $0xffff, v28;
	v59 =	vor.u32 s15, v10;
	v34 =	vor.u32 v17, v27;
	v27 =	vor.u32 s6, v13  }
0x44c: {  	v44 =	vor.u32 v17, v25;
	v25 =	vor.u32 v59, v18;
	[tilespmem:v19+s25+$0x0] =	vst.idx.msk $0xffff, v29;
	v32 =	vld.idx.msk [tilespmem:v32+s18+$0x0], $0xffff  }
0x44d: {  	v45 =	vor.u32 v33, v18;
	v36 =	vor.u32 v27, v18;
	[tilespmem:v50+s25+$0x0] =	vst.idx.msk $0xffff, v53;
	v31 =	vor.u32 s17, v13  }
0x44e: {  	v28 =	vor.u32 s30, v13;
	[tilespmem:v24+s25+$0x0] =	vst.idx.msk $0xffff, v20;
	v22 =	vld.idx.msk [tilespmem:v56+s18+$0x0], $0xffff;
	v35 =	vor.u32 v31, v18;
	v19 =	vshll.u32 v31, $0x7  }
0x44f: {  	v29 =	vld.idx.msk [tilespmem:v51+s18+$0x0], $0xffff;
	v31 =	vshll.u32 v27, $0x7;
	v27 =	vor.u32 v17, v19;
	v19 =	vshll.u32 v28, $0x7;
	[tilespmem:v21+s25+$0x0] =	vst.idx.msk $0xffff, v26  }
0x450: {  	v41 =	vor.u32 v17, v41;
	v24 =	vor.u32 v17, v19;
	v26 =	vshll.u32 v59, $0x7;
	v19 =	vld [tilespmem:$0x1FFC0]  }
0x451: {  	v51 =	vor.u32 s15, v11;
	[tilespmem:v49+s25+$0x0] =	vst.idx.msk $0xffff, v32;
	v48 =	vld.idx.msk [tilespmem:v25+s18+$0x0], $0xffff;
	v50 =	vor.u32 v17, v26  }
0x452: {  	v33 =	vor.u32 v28, v18;
	v20 =	vor.u32 s17, v14;
	v53 =	vld.idx.msk [tilespmem:v54+s18+$0x0], $0xffff;
	v54 =	vor.u32 v51, v18  }
0x453: {  	v31 =	vor.u32 v17, v31;
	v28 =	vor.u32 v20, v18;
	v21 =	vor.u32 s30, v14;
	[tilespmem:v57+s25+$0x0] =	vst.idx.msk $0xffff, v22  }
0x454: {  	v22 =	vshll.u32 v20, $0x7;
	[tilespmem:v58+s25+$0x0] =	vst.idx.msk $0xffff, v29;
	v29 =	vor.u32 v21, v18;
	v20 =	vshll.u32 v21, $0x7;
	v55 =	vld.idx.msk [tilespmem:v55+s18+$0x0], $0xffff  }
0x455: {  	[tilespmem:v23+s25+$0x0] =	vst.idx.msk $0xffff, v30;
	v22 =	vor.u32 v17, v22;
	v21 =	vor.u32 v17, v20;
	v20 =	vor.u32 s17, v15  }
0x456: {  	v49 =	vld.idx.msk [tilespmem:v60+s18+$0x0], $0xffff;
	v60 =	vor.u32 s30, v15;
	v51 =	vshll.u32 v51, $0x7;
	v23 =	vor.u32 v20, v18;
	[tilespmem:v50+s25+$0x0] =	vst.idx.msk $0xffff, v48  }
0x457: {  	v57 =	vshll.u32 v20, $0x7;
	v20 =	vor.u32 v60, v18;
	v60 =	vshll.u32 v60, $0x7;
	[tilespmem:v52+s25+$0x0] =	vst.idx.msk $0xffff, v53;
	v52 =	vld.idx.msk [tilespmem:v54+s18+$0x0], $0xffff  }
0x458: {  	v48 =	vor.u32 v17, v60;
	v54 =	vor.u32 v17, v51;
	v47 =	vld.idx.msk [tilespmem:v19+s18+$0x0], $0xffff;
	v19 =	vor.u32 s6, v14  }
0x459: {  	[tilespmem:v61+s25+$0x0] =	vst.idx.msk $0xffff, v55;
	v53 =	vor.u32 s15, v12;
	v32 =	vor.u32 v19, v18;
	v19 =	vshll.u32 v19, $0x7  }
0x45a: {  	v50 =	vld.idx.msk [tilespmem:v62+s18+$0x0], $0xffff;
	v55 =	vor.u32 v53, v18;
	v25 =	vor.u32 v17, v19;
	v19 =	vor.u32 s6, v15  }
0x45b: {  	s10 =	simm.s32 $0x10;
	s2 =	simm.s32 $0x4;
	v51 =	vld.idx.msk [tilespmem:v63+s18+$0x0], $0xffff;
	s6 =	simm.s32 $0x80;
	v26 =	vor.u32 v19, v18;
	v30 =	vshll.u32 v19, $0x7;
	v19 =	vor.u32 v17, v57  }
.LBB2_13:
0x45c: {  	s7 =	sand.u32 $0x70, s10;
	s11 =	sand.u32 $0x40, s6;
	s2 =	sadd.s32 $0x4, s2;
	v30 =	vor.u32 v17, v30;
	[tilespmem:v40+s25+$0x0] =	vst.idx.msk $0xffff, v49  }
0x45d: {  	v40 =	vor.u32 s7, v0;
	v49 =	vor.u32 s11, v0;
	v56 =	vor.u32 s11, v1;
	s17 =	sor.u32 $0x10, s11;
	s7 =	sor.u32 $0x30, s11;
	p1 =	slt.u32 s2, $0x3C;
	v45 =	vld.idx.msk [tilespmem:v45+s18+$0x0], $0xffff;
	[tilespmem:v16+s25+$0x0] =	vst.idx.msk $0xffff, v47;
	v16 =	vmovc v48  }
0x45e: {  	s12 =	sor.u32 $0x20, s11;
	v47 =	vshll.u32 v40, $0x7;
	v48 =	vor.u32 s17, v0;
	v57 =	vor.u32 s7, v0  }
0x45f: {  	v59 =	vor.u32 s12, v0;
	v58 =	vor.u32 v49, v47;
	v60 =	vor.u32 v57, v47;
	[tilespmem:v54+s25+$0x0] =	vst.idx.msk $0xffff, v52  }
0x460: {  	v53 =	vshll.u32 v53, $0x7;
	v52 =	vor.u32 v48, v47;
	v54 =	vor.u32 v59, v47;
	v55 =	vld.idx.msk [tilespmem:v55+s18+$0x0], $0xffff  }
0x461: {  	v48 =	vshll.u32 v48, $0x7;
	[tilespmem:v43+s25+$0x0] =	vst.idx.msk $0xffff, v50;
	v43 =	vor.u32 v17, v53;
	v50 =	vor.u32 s15, v13  }
0x462: {  	v49 =	vshll.u32 v49, $0x7;
	v53 =	vshll.u32 v59, $0x7;
	v46 =	vld.idx.msk [tilespmem:v46+s18+$0x0], $0xffff;
	[tilespmem:v41+s25+$0x0] =	vst.idx.msk $0xffff, v51;
	v41 =	vor.u32 v50, v18  }
0x463: {  	v49 =	vor.u32 v40, v49;
	v48 =	vor.u32 v40, v48;
	v51 =	vor.u32 v40, v53;
	v42 =	vld.idx.msk [tilespmem:v42+s18+$0x0], $0xffff  }
0x464: {  	v57 =	vshll.u32 v57, $0x7;
	v59 =	vor.u32 s12, v1;
	v53 =	vor.u32 s17, v1;
	v60 =	vld.idx.msk [tilespmem:v60+s18+$0x0], $0xffff;
	[tilespmem:v39+s25+$0x0] =	vst.idx.msk $0xffff, v45  }
0x465: {  	v57 =	vor.u32 v40, v57;
	v45 =	vor.u32 v56, v47;
	v39 =	vld.idx.msk [tilespmem:v58+s18+$0x0], $0xffff;
	v58 =	vor.u32 s7, v1  }
0x466: {  	v61 =	vor.u32 v53, v47;
	v52 =	vld.idx.msk [tilespmem:v52+s18+$0x0], $0xffff;
	v62 =	vor.u32 v58, v47;
	[tilespmem:v43+s25+$0x0] =	vst.idx.msk $0xffff, v55  }
0x467: {  	v50 =	vshll.u32 v50, $0x7;
	v43 =	vshll.u32 v53, $0x7;
	v53 =	vor.u32 v59, v47;
	v41 =	vld.idx.msk [tilespmem:v41+s18+$0x0], $0xffff  }
0x468: {  	v55 =	vshll.u32 v59, $0x7;
	v54 =	vld.idx.msk [tilespmem:v54+s18+$0x0], $0xffff;
	[tilespmem:v44+s25+$0x0] =	vst.idx.msk $0xffff, v46;
	v44 =	vor.u32 v17, v50;
	v46 =	vor.u32 s15, v14  }
0x469: {  	v43 =	vor.u32 v40, v43;
	v50 =	vshll.u32 v56, $0x7;
	v38 =	vld.idx.msk [tilespmem:v38+s18+$0x0], $0xffff;
	v56 =	vor.u32 v46, v18  }
0x46a: {  	v59 =	vor.u32 s17, v2;
	v55 =	vor.u32 v40, v55;
	v50 =	vor.u32 v40, v50;
	[tilespmem:v57+s25+$0x0] =	vst.idx.msk $0xffff, v60  }
0x46b: {  	v58 =	vshll.u32 v58, $0x7;
	[tilespmem:v49+s25+$0x0] =	vst.idx.msk $0xffff, v39;
	v39 =	vor.u32 s11, v2;
	v49 =	vor.u32 s12, v2;
	v57 =	vld.idx.msk [tilespmem:v62+s18+$0x0], $0xffff  }
0x46c: {  	v45 =	vld.idx.msk [tilespmem:v45+s18+$0x0], $0xffff;
	[tilespmem:v48+s25+$0x0] =	vst.idx.msk $0xffff, v52;
	v48 =	vshll.u32 v59, $0x7;
	v52 =	vor.u32 v40, v58;
	v58 =	vor.u32 s7, v2  }
0x46d: {  	v60 =	vor.u32 v39, v47;
	v61 =	vld.idx.msk [tilespmem:v61+s18+$0x0], $0xffff;
	v62 =	vor.u32 v58, v47;
	[tilespmem:v44+s25+$0x0] =	vst.idx.msk $0xffff, v41  }
0x46e: {  	v46 =	vshll.u32 v46, $0x7;
	v41 =	vor.u32 v59, v47;
	v44 =	vshll.u32 v49, $0x7;
	[tilespmem:v51+s25+$0x0] =	vst.idx.msk $0xffff, v54;
	v51 =	vld.idx.msk [tilespmem:v56+s18+$0x0], $0xffff  }
0x46f: {  	v46 =	vor.u32 v17, v46;
	v49 =	vor.u32 v49, v47;
	v54 =	vor.u32 s15, v15;
	s15 =	smov.u32 s7;
	v53 =	vld.idx.msk [tilespmem:v53+s18+$0x0], $0xffff  }
0x470: {  	v39 =	vshll.u32 v39, $0x7;
	v48 =	vor.u32 v40, v48;
	[tilespmem:v37+s25+$0x0] =	vst.idx.msk $0xffff, v42;
	v37 =	vor.u32 v54, v18  }
0x471: {  	v39 =	vor.u32 v40, v39;
	v44 =	vor.u32 v40, v44;
	v42 =	vor.u32 s17, v3;
	[tilespmem:v52+s25+$0x0] =	vst.idx.msk $0xffff, v57  }
0x472: {  	v56 =	vshll.u32 v58, $0x7;
	v18 =	vmovc v47;
	[tilespmem:v50+s25+$0x0] =	vst.idx.msk $0xffff, v45;
	v45 =	vor.u32 s11, v3;
	v50 =	vor.u32 s12, v3;
	v52 =	vld.idx.msk [tilespmem:v62+s18+$0x0], $0xffff  }
0x473: {  	v56 =	vor.u32 v40, v56;
	v57 =	vor.u32 s15, v3;
	v47 =	vld.idx.msk [tilespmem:v60+s18+$0x0], $0xffff;
	[tilespmem:v43+s25+$0x0] =	vst.idx.msk $0xffff, v61;
	v43 =	vshll.u32 v42, $0x7  }
0x474: {  	v59 =	vor.u32 v57, v18;
	v58 =	vor.u32 v45, v18;
	v41 =	vld.idx.msk [tilespmem:v41+s18+$0x0], $0xffff;
	[tilespmem:v46+s25+$0x0] =	vst.idx.msk $0xffff, v51  }
0x475: {  	v42 =	vor.u32 v42, v18;
	v46 =	vshll.u32 v50, $0x7;
	v51 =	vshll.u32 v54, $0x7;
	[tilespmem:v55+s25+$0x0] =	vst.idx.msk $0xffff, v53;
	v37 =	vld.idx.msk [tilespmem:v37+s18+$0x0], $0xffff  }
0x476: {  	v45 =	vshll.u32 v45, $0x7;
	v50 =	vor.u32 v50, v18;
	v51 =	vor.u32 v17, v51;
	v17 =	vmovc v40;
	v49 =	vld.idx.msk [tilespmem:v49+s18+$0x0], $0xffff  }
0x477: {  	v40 =	vor.u32 v17, v45;
	v43 =	vor.u32 v17, v43;
	v45 =	vor.u32 v17, v46;
	v36 =	vld.idx.msk [tilespmem:v36+s18+$0x0], $0xffff  }
0x478: {  	v54 =	vor.u32 s12, v4;
	v53 =	vor.u32 s17, v4;
	v46 =	vor.u32 s11, v4;
	[tilespmem:v56+s25+$0x0] =	vst.idx.msk $0xffff, v52  }
0x479: {  	v55 =	vshll.u32 v57, $0x7;
	[tilespmem:v39+s25+$0x0] =	vst.idx.msk $0xffff, v47;
	v39 =	vor.u32 v46, v18;
	v47 =	vshll.u32 v53, $0x7;
	v52 =	vld.idx.msk [tilespmem:v59+s18+$0x0], $0xffff  }
0x47a: {  	v56 =	vld.idx.msk [tilespmem:v58+s18+$0x0], $0xffff;
	[tilespmem:v48+s25+$0x0] =	vst.idx.msk $0xffff, v41;
	v41 =	vshll.u32 v54, $0x7;
	v48 =	vor.u32 v17, v55;
	v55 =	vor.u32 s15, v4  }
0x47b: {  	v53 =	vor.u32 v53, v18;
	v42 =	vld.idx.msk [tilespmem:v42+s18+$0x0], $0xffff;
	v57 =	vor.u32 v55, v18;
	[tilespmem:v51+s25+$0x0] =	vst.idx.msk $0xffff, v37  }
0x47c: {  	v37 =	vshll.u32 v46, $0x7;
	v46 =	vor.u32 v17, v47;
	[tilespmem:v44+s25+$0x0] =	vst.idx.msk $0xffff, v49;
	v44 =	vor.u32 v54, v18  }
0x47d: {  	v47 =	vor.u32 s17, v5;
	v41 =	vor.u32 v17, v41;
	v37 =	vor.u32 v17, v37;
	v49 =	vld.idx.msk [tilespmem:v50+s18+$0x0], $0xffff  }
0x47e: {  	v51 =	vor.u32 v47, v18;
	v54 =	vor.u32 s12, v5;
	v50 =	vor.u32 s11, v5;
	v35 =	vld.idx.msk [tilespmem:v35+s18+$0x0], $0xffff;
	[tilespmem:v34+s25+$0x0] =	vst.idx.msk $0xffff, v38  }
0x47f: {  	v34 =	vor.u32 v50, v18;
	v38 =	vshll.u32 v47, $0x7;
	v47 =	vor.u32 v54, v18;
	[tilespmem:v48+s25+$0x0] =	vst.idx.msk $0xffff, v52  }
0x480: {  	v48 =	vshll.u32 v54, $0x7;
	v52 =	vshll.u32 v55, $0x7;
	[tilespmem:v40+s25+$0x0] =	vst.idx.msk $0xffff, v56;
	v40 =	vshll.u32 v50, $0x7;
	v50 =	vld.idx.msk [tilespmem:v57+s18+$0x0], $0xffff  }
0x481: {  	v39 =	vld.idx.msk [tilespmem:v39+s18+$0x0], $0xffff;
	[tilespmem:v43+s25+$0x0] =	vst.idx.msk $0xffff, v42;
	v42 =	vor.u32 s17, v7;
	v43 =	vor.u32 v17, v52;
	v52 =	vor.u32 s15, v5  }
0x482: {  	v38 =	vor.u32 v17, v38;
	v48 =	vor.u32 v17, v48;
	v53 =	vld.idx.msk [tilespmem:v53+s18+$0x0], $0xffff;
	v54 =	vor.u32 v52, v18  }
0x483: {  	v55 =	vor.u32 s11, v7;
	v40 =	vor.u32 v17, v40;
	[tilespmem:v45+s25+$0x0] =	vst.idx.msk $0xffff, v49;
	v45 =	vor.u32 s12, v7;
	v33 =	vld.idx.msk [tilespmem:v33+s18+$0x0], $0xffff  }
0x484: {  	v56 =	vor.u32 v42, v18;
	v49 =	vor.u32 v55, v18;
	v44 =	vld.idx.msk [tilespmem:v44+s18+$0x0], $0xffff;
	v57 =	vor.u32 v45, v18  }
0x485: {  	v42 =	vshll.u32 v42, $0x7;
	v55 =	vshll.u32 v55, $0x7;
	v45 =	vshll.u32 v45, $0x7;
	[tilespmem:v31+s25+$0x0] =	vst.idx.msk $0xffff, v36  }
0x486: {  	v31 =	vor.u32 v17, v42;
	v36 =	vor.u32 s17, v8;
	v42 =	vor.u32 v17, v45;
	[tilespmem:v43+s25+$0x0] =	vst.idx.msk $0xffff, v50  }
0x487: {  	v45 =	vshll.u32 v52, $0x7;
	[tilespmem:v37+s25+$0x0] =	vst.idx.msk $0xffff, v39;
	v37 =	vor.u32 v17, v55;
	v39 =	vor.u32 s12, v8;
	v43 =	vld.idx.msk [tilespmem:v54+s18+$0x0], $0xffff  }
0x488: {  	v50 =	vor.u32 s11, v8;
	v45 =	vor.u32 v17, v45;
	v34 =	vld.idx.msk [tilespmem:v34+s18+$0x0], $0xffff;
	[tilespmem:v46+s25+$0x0] =	vst.idx.msk $0xffff, v53;
	v46 =	vor.u32 s15, v7  }
0x489: {  	v52 =	vor.u32 v50, v18;
	v53 =	vor.u32 v36, v18;
	v51 =	vld.idx.msk [tilespmem:v51+s18+$0x0], $0xffff;
	v54 =	vor.u32 v46, v18  }
0x48a: {  	v36 =	vshll.u32 v36, $0x7;
	[tilespmem:v41+s25+$0x0] =	vst.idx.msk $0xffff, v44;
	v41 =	vor.u32 v39, v18;
	v39 =	vshll.u32 v39, $0x7;
	v32 =	vld.idx.msk [tilespmem:v32+s18+$0x0], $0xffff  }
0x48b: {  	v36 =	vor.u32 v17, v36;
	v44 =	vshll.u32 v50, $0x7;
	v47 =	vld.idx.msk [tilespmem:v47+s18+$0x0], $0xffff;
	v39 =	vor.u32 v17, v39  }
0x48c: {  	v55 =	vor.u32 s12, v6;
	v50 =	vor.u32 s17, v6;
	v44 =	vor.u32 v17, v44;
	[tilespmem:v27+s25+$0x0] =	vst.idx.msk $0xffff, v35  }
0x48d: {  	v58 =	vor.u32 v55, v18;
	v27 =	vor.u32 s11, v6;
	v35 =	vor.u32 v50, v18;
	[tilespmem:v45+s25+$0x0] =	vst.idx.msk $0xffff, v43  }
0x48e: {  	v45 =	vshll.u32 v46, $0x7;
	[tilespmem:v40+s25+$0x0] =	vst.idx.msk $0xffff, v34;
	v34 =	vor.u32 v27, v18;
	v40 =	vshll.u32 v50, $0x7;
	v43 =	vld.idx.msk [tilespmem:v54+s18+$0x0], $0xffff  }
0x48f: {  	v45 =	vor.u32 v17, v45;
	v46 =	vld.idx.msk [tilespmem:v49+s18+$0x0], $0xffff;
	[tilespmem:v38+s25+$0x0] =	vst.idx.msk $0xffff, v51;
	v38 =	vshll.u32 v55, $0x7;
	v49 =	vor.u32 s15, v8  }
0x490: {  	v27 =	vshll.u32 v27, $0x7;
	v51 =	vor.u32 v17, v40;
	v50 =	vld.idx.msk [tilespmem:v56+s18+$0x0], $0xffff;
	v40 =	vor.u32 v49, v18  }
0x491: {  	v54 =	vor.u32 s17, v9;
	v27 =	vor.u32 v17, v27;
	[tilespmem:v48+s25+$0x0] =	vst.idx.msk $0xffff, v47;
	v47 =	vor.u32 v17, v38  }
0x492: {  	v55 =	vor.u32 v54, v18;
	v56 =	vor.u32 s12, v9;
	v38 =	vor.u32 s11, v9;
	v48 =	vld.idx.msk [tilespmem:v57+s18+$0x0], $0xffff;
	[tilespmem:v24+s25+$0x0] =	vst.idx.msk $0xffff, v33  }
0x493: {  	v24 =	vor.u32 v38, v18;
	v33 =	vshll.u32 v54, $0x7;
	v54 =	vor.u32 v56, v18;
	v28 =	vld.idx.msk [tilespmem:v28+s18+$0x0], $0xffff  }
0x494: {  	v38 =	vshll.u32 v38, $0x7;
	v57 =	vor.u32 v17, v33;
	v33 =	vshll.u32 v56, $0x7;
	[tilespmem:v45+s25+$0x0] =	vst.idx.msk $0xffff, v43;
	v56 =	vld.idx.msk [tilespmem:v29+s18+$0x0], $0xffff  }
0x495: {  	v29 =	vor.u32 v17, v33;
	[tilespmem:v37+s25+$0x0] =	vst.idx.msk $0xffff, v46;
	v37 =	vor.u32 s17, v10;
	v33 =	vld.idx.msk [tilespmem:v40+s18+$0x0], $0xffff;
	v40 =	vshll.u32 v49, $0x7  }
0x496: {  	v46 =	vor.u32 s15, v6;
	v43 =	vld.idx.msk [tilespmem:v52+s18+$0x0], $0xffff;
	[tilespmem:v31+s25+$0x0] =	vst.idx.msk $0xffff, v50;
	v31 =	vor.u32 s12, v10;
	v45 =	vor.u32 v17, v40  }
0x497: {  	v49 =	vor.u32 v17, v38;
	v38 =	vor.u32 s11, v10;
	v52 =	vor.u32 v46, v18;
	v50 =	vld.idx.msk [tilespmem:v53+s18+$0x0], $0xffff  }
0x498: {  	v59 =	vor.u32 v37, v18;
	v37 =	vshll.u32 v37, $0x7;
	v53 =	vor.u32 v38, v18;
	[tilespmem:v42+s25+$0x0] =	vst.idx.msk $0xffff, v48  }
0x499: {  	v38 =	vshll.u32 v38, $0x7;
	v60 =	vor.u32 v31, v18;
	v31 =	vshll.u32 v31, $0x7;
	v42 =	vld.idx.msk [tilespmem:v41+s18+$0x0], $0xffff;
	[tilespmem:v25+s25+$0x0] =	vst.idx.msk $0xffff, v32  }
0x49a: {  	v61 =	vor.u32 v17, v38;
	v48 =	vor.u32 v17, v37;
	v40 =	vor.u32 v17, v31;
	v25 =	vld.idx.msk [tilespmem:v26+s18+$0x0], $0xffff  }
0x49b: {  	v31 =	vor.u32 s17, v11;
	v32 =	vor.u32 s12, v11;
	v26 =	vor.u32 s11, v11;
	[tilespmem:v45+s25+$0x0] =	vst.idx.msk $0xffff, v33  }
0x49c: {  	v38 =	vshll.u32 v46, $0x7;
	v62 =	vor.u32 v26, v18;
	v33 =	vshll.u32 v31, $0x7;
	[tilespmem:v44+s25+$0x0] =	vst.idx.msk $0xffff, v43;
	v37 =	vld.idx.msk [tilespmem:v52+s18+$0x0], $0xffff  }
0x49d: {  	v44 =	vor.u32 v17, v38;
	v34 =	vld.idx.msk [tilespmem:v34+s18+$0x0], $0xffff;
	[tilespmem:v36+s25+$0x0] =	vst.idx.msk $0xffff, v50;
	v36 =	vshll.u32 v32, $0x7;
	v50 =	vor.u32 s15, v9  }
0x49e: {  	v63 =	vor.u32 v31, v18;
	v45 =	vor.u32 v32, v18;
	v35 =	vld.idx.msk [tilespmem:v35+s18+$0x0], $0xffff;
	v31 =	vor.u32 v50, v18  }
0x49f: {  	v26 =	vshll.u32 v26, $0x7;
	v41 =	vor.u32 v17, v33;
	[tilespmem:v39+s25+$0x0] =	vst.idx.msk $0xffff, v42;
	v39 =	vor.u32 v17, v36  }
0x4a0: {  	v43 =	vor.u32 v17, v26;
	v26 =	vor.u32 s17, v12;
	v33 =	vor.u32 s12, v12;
	v32 =	vld.idx.msk [tilespmem:v58+s18+$0x0], $0xffff;
	[tilespmem:v22+s25+$0x0] =	vst.idx.msk $0xffff, v28  }
0x4a1: {  	v38 =	vor.u32 v33, v18;
	v42 =	vor.u32 v26, v18;
	v22 =	vor.u32 s11, v12;
	[tilespmem:v21+s25+$0x0] =	vst.idx.msk $0xffff, v56  }
0x4a2: {  	v46 =	vor.u32 v22, v18;
	v21 =	vshll.u32 v26, $0x7;
	v26 =	vshll.u32 v33, $0x7;
	[tilespmem:v44+s25+$0x0] =	vst.idx.msk $0xffff, v37;
	v23 =	vld.idx.msk [tilespmem:v23+s18+$0x0], $0xffff  }
0x4a3: {  	v22 =	vshll.u32 v22, $0x7;
	v37 =	vor.u32 v17, v21;
	[tilespmem:v27+s25+$0x0] =	vst.idx.msk $0xffff, v34;
	v21 =	vld.idx.msk [tilespmem:v31+s18+$0x0], $0xffff;
	v27 =	vshll.u32 v50, $0x7  }
0x4a4: {  	v28 =	vld.idx.msk [tilespmem:v24+s18+$0x0], $0xffff;
	[tilespmem:v51+s25+$0x0] =	vst.idx.msk $0xffff, v35;
	v24 =	vor.u32 s17, v13;
	v50 =	vor.u32 v17, v27;
	v51 =	vor.u32 s15, v10  }
0x4a5: {  	v44 =	vor.u32 v17, v22;
	v34 =	vor.u32 v17, v26;
	v22 =	vld.idx.msk [tilespmem:v55+s18+$0x0], $0xffff;
	v26 =	vor.u32 v51, v18  }
0x4a6: {  	v31 =	vor.u32 s12, v13;
	v27 =	vor.u32 s11, v13;
	v35 =	vor.u32 v24, v18;
	[tilespmem:v47+s25+$0x0] =	vst.idx.msk $0xffff, v32;
	v47 =	vld.idx.msk [tilespmem:v20+s18+$0x0], $0xffff  }
0x4a7: {  	v33 =	vor.u32 v31, v18;
	v36 =	vor.u32 v27, v18;
	v20 =	vshll.u32 v24, $0x7;
	v52 =	vld.idx.msk [tilespmem:v54+s18+$0x0], $0xffff  }
0x4a8: {  	v24 =	vshll.u32 v27, $0x7;
	v27 =	vor.u32 v17, v20;
	v20 =	vshll.u32 v31, $0x7;
	[tilespmem:v30+s25+$0x0] =	vst.idx.msk $0xffff, v25  }
0x4a9: {  	v31 =	vor.u32 v17, v24;
	v25 =	vor.u32 s17, v14;
	v24 =	vor.u32 v17, v20;
	[tilespmem:v50+s25+$0x0] =	vst.idx.msk $0xffff, v21  }
0x4aa: {  	v20 =	vor.u32 s11, v14;
	v21 =	vor.u32 s12, v14;
	[tilespmem:v49+s25+$0x0] =	vst.idx.msk $0xffff, v28;
	v30 =	vld.idx.msk [tilespmem:v26+s18+$0x0], $0xffff;
	v26 =	vshll.u32 v51, $0x7  }
0x4ab: {  	v50 =	vld.idx.msk [tilespmem:v53+s18+$0x0], $0xffff;
	[tilespmem:v57+s25+$0x0] =	vst.idx.msk $0xffff, v22;
	v22 =	vshll.u32 v25, $0x7;
	v51 =	vor.u32 v17, v26;
	v53 =	vor.u32 s15, v11  }
0x4ac: {  	v32 =	vor.u32 v20, v18;
	v28 =	vor.u32 v25, v18;
	v54 =	vld.idx.msk [tilespmem:v59+s18+$0x0], $0xffff;
	v55 =	vor.u32 v53, v18  }
0x4ad: {  	v20 =	vshll.u32 v20, $0x7;
	[tilespmem:v29+s25+$0x0] =	vst.idx.msk $0xffff, v52;
	v29 =	vor.u32 v21, v18;
	v21 =	vshll.u32 v21, $0x7  }
0x4ae: {  	v25 =	vor.u32 v17, v20;
	v22 =	vor.u32 v17, v22;
	v49 =	vld.idx.msk [tilespmem:v60+s18+$0x0], $0xffff;
	v21 =	vor.u32 v17, v21  }
.Ltmp8:
0x4af: {  	v56 =	vor.u32 s11, v15;
	v20 =	vor.u32 s17, v15;
	v52 =	vor.u32 s12, v15;
	[tilespmem:v19+s25+$0x0] =	vst.idx.msk $0xffff, v23;
	(pc) =	sbr.rel @p1 .LBB2_13-.Ltmp8, $4  }
0x4b0: {  	v26 =	vor.u32 v56, v18;
	v23 =	vor.u32 v20, v18;
	v19 =	vshll.u32 v20, $0x7;
	[tilespmem:v51+s25+$0x0] =	vst.idx.msk $0xffff, v30  }
0x4b1: {  	v57 =	vshll.u32 v52, $0x7;
	v20 =	vor.u32 v52, v18;
	v51 =	vshll.u32 v53, $0x7;
	[tilespmem:v61+s25+$0x0] =	vst.idx.msk $0xffff, v50;
	v52 =	vld.idx.msk [tilespmem:v55+s18+$0x0], $0xffff  }
0x4b2: {  	v30 =	vshll.u32 v56, $0x7;
	v53 =	vor.u32 s15, v12;
	v50 =	vld.idx.msk [tilespmem:v62+s18+$0x0], $0xffff;
	[tilespmem:v48+s25+$0x0] =	vst.idx.msk $0xffff, v54;
	v54 =	vor.u32 v17, v51  }
0x4b3: {  	s6 =	sadd.s32 $0x40, s6;
	s10 =	sadd.s32 $0x8, s10;
	v19 =	vor.u32 v17, v19;
	v55 =	vor.u32 v53, v18;
	v48 =	vor.u32 v17, v57;
	v51 =	vld.idx.msk [tilespmem:v63+s18+$0x0], $0xffff  }
0x4b4: {  	_ =	sdelay $0x3  }
0x4b5: {  	[tilespmem:v40+s25+$0x0] =	vst.idx.msk $0xffff, v49  }
0x4b6: {  	v40 =	vld.idx.msk [tilespmem:v45+s18+$0x0], $0xffff;
	_ =	sdelay $0x1  }
0x4b7: {  	v61 =	vshll.u32 v53, $0x7;
	[tilespmem:v54+s25+$0x0] =	vst.idx.msk $0xffff, v52  }
0x4b8: {  	v63 =	vor.u32 v17, v61;
	v62 =	vld.idx.msk [tilespmem:v55+s18+$0x0], $0xffff;
	[tilespmem:v43+s25+$0x0] =	vst.idx.msk $0xffff, v50;
	v50 =	vor.u32 s15, v13  }
0x4b9: {  	v46 =	vld.idx.msk [tilespmem:v46+s18+$0x0], $0xffff;
	[tilespmem:v41+s25+$0x0] =	vst.idx.msk $0xffff, v51;
	v51 =	vor.u32 v50, v18  }
0x4ba: {  	v42 =	vld.idx.msk [tilespmem:v42+s18+$0x0], $0xffff;
	[tilespmem:v39+s25+$0x0] =	vst.idx.msk $0xffff, v40  }
0x4bb: {  	v38 =	vld.idx.msk [tilespmem:v38+s18+$0x0], $0xffff;
	_ =	sdelay $0x1  }
0x4bc: {  	v52 =	vshll.u32 v50, $0x7;
	[tilespmem:v63+s25+$0x0] =	vst.idx.msk $0xffff, v62  }
0x4bd: {  	v54 =	vor.u32 s15, v14;
	v39 =	vor.u32 v17, v52;
	v53 =	vld.idx.msk [tilespmem:v51+s18+$0x0], $0xffff;
	[tilespmem:v44+s25+$0x0] =	vst.idx.msk $0xffff, v46  }
0x4be: {  	v55 =	vor.u32 v54, v18;
	[tilespmem:v37+s25+$0x0] =	vst.idx.msk $0xffff, v42;
	v36 =	vld.idx.msk [tilespmem:v36+s18+$0x0], $0xffff  }
0x4bf: {  	v35 =	vld.idx.msk [tilespmem:v35+s18+$0x0], $0xffff;
	[tilespmem:v34+s25+$0x0] =	vst.idx.msk $0xffff, v38  }
0x4c0: {  	v33 =	vld.idx.msk [tilespmem:v33+s18+$0x0], $0xffff;
	_ =	sdelay $0x1  }
0x4c1: {  	v56 =	vshll.u32 v54, $0x7;
	[tilespmem:v39+s25+$0x0] =	vst.idx.msk $0xffff, v53  }
0x4c2: {  	v58 =	vor.u32 s15, v15;
	v34 =	vor.u32 v17, v56;
	v57 =	vld.idx.msk [tilespmem:v55+s18+$0x0], $0xffff;
	[tilespmem:v31+s25+$0x0] =	vst.idx.msk $0xffff, v36  }
0x4c3: {  	v59 =	vor.u32 v58, v18;
	v31 =	vld.idx.msk [tilespmem:v32+s18+$0x0], $0xffff;
	[tilespmem:v27+s25+$0x0] =	vst.idx.msk $0xffff, v35  }
0x4c4: {  	v60 =	vld.idx.msk [tilespmem:v28+s18+$0x0], $0xffff;
	[tilespmem:v24+s25+$0x0] =	vst.idx.msk $0xffff, v33  }
0x4c5: {  	v61 =	vld.idx.msk [tilespmem:v29+s18+$0x0], $0xffff;
	_ =	sdelay $0x1  }
0x4c6: {  	v62 =	vshll.u32 v58, $0x7;
	[tilespmem:v34+s25+$0x0] =	vst.idx.msk $0xffff, v57  }
0x4c7: {  	v28 =	vor.u32 v17, v62;
	v18 =	vld.idx.msk [tilespmem:v59+s18+$0x0], $0xffff;
	[tilespmem:v25+s25+$0x0] =	vst.idx.msk $0xffff, v31  }
0x4c8: {  	v17 =	vor.u32 v17, v30;
	v25 =	vld.idx.msk [tilespmem:v26+s18+$0x0], $0xffff;
	[tilespmem:v22+s25+$0x0] =	vst.idx.msk $0xffff, v60  }
0x4c9: {  	v63 =	vld.idx.msk [tilespmem:v23+s18+$0x0], $0xffff;
	[tilespmem:v21+s25+$0x0] =	vst.idx.msk $0xffff, v61  }
0x4ca: {  	v20 =	vld.idx.msk [tilespmem:v20+s18+$0x0], $0xffff  }
0x4cb: {  	[tilespmem:v16+s25+$0x0] =	vst.idx.msk $0xffff, v47  }
.Ltmp9:
0x4cc: {  	[tilespmem:v28+s25+$0x0] =	vst.idx.msk $0xffff, v18;
	(pc) =	sbr.rel @p0 .LBB2_16-.Ltmp9, $4  }
0x4cd: {  	s2 =	sor.u32 s9, s3;
	[tilespmem:v17+s25+$0x0] =	vst.idx.msk $0xffff, v25  }
0x4ce: {  	s2 =	sshrl.u32 s2, $0x3;
	[tilespmem:v19+s25+$0x0] =	vst.idx.msk $0xffff, v63  }
0x4cf: {  	s2 =	sadd.s32 s4, s2;
	[tilespmem:v48+s25+$0x0] =	vst.idx.msk $0xffff, v20  }
0x4d0: {  	[hbm4b:s2+s21] =	stream.strided.scatter [tilespmem:s25], [sflag:$0x6], $0x4000, s22, s21, $0x38;
	[tilespmem:$0x19000] =	vst v63  }
.Ltmp10:
0x4d1: {  	(pc) =	sbr.rel .LBB2_2-.Ltmp10, $4  }
0x4d2: {  	_ = 	snop  }
0x4d3: {  	s1 =	sshrl.u32 s1, $0x2  }
0x4d4: {  	s2 =	simm.s32 $0x80;
	s31 =	sadd.s32 $0x1, s31;
	s1 =	sadd.s32 $0x380, s1  }
0x4d5: {  	[tilespmem:s18], [sflag:$0x4] =	stream.indirect.gather [hbm4b:s0+s2], $0x80, s1, s2, $0xb8;
	[tilespmem:$0x19000] =	vst v63  }
.LBB2_17:
0x4d6: {  	_ =	sfence.sel $0x180000  }
0x4d7: {  	[bflag:$0x0] =	sbarrier.arrive $0xFFFF  }
0x4d8: {  	_ =	strace $0x90000047  }
0x4d9: {  	s0 =	stileid.u32;
	[bflag:$0x2] =	sbarrier.arrive $0xFFFF  }
0x4da: {  	p0 =	sne.s32 s0, $0x0;
	s0 =	rddreg [dreg:$0x3]  }
0x4db: {  	s0 =	sadd.s32 @!p0 $0x100000, s0  }
0x4dc: {  	[sflag:s0] =	ssyncadd.tile.s32 @!p0 $0x1;
	_ =	shalt  }
.Lfunc_end2:
_tile_overlayer_lowered:
.L_overlay_start_2:
0x4dd: {  	(tag) =	ssettag $0x2  }
0x4de: {  	s0 =	rddreg [dreg:$0x0];
	s2 =	stileid.u32  }
0x4df: {  	s1 =	rddreg [dreg:$0x1];
	p0 =	sne.s32 s2, $0x0  }
0x4e0: {  	s3 =	rddreg [dreg:$0x2];
	[bflag:$0x3] =	sbarrier.arrive $0xFFFF;
	s2 =	simm.s32 @!p0 $0x1C07  }
0x4e1: {  	[timem:s3], [sflag:s2] =	dma.local @!p0 [hbm:s0], s1  }
0x4e2: {  	s0 =	simm.s32 @!p0 $0x7  }
0x4e3: {  	_ =	swait.ge @!p0 [sflag:s0], s1  }
0x4e4: {  	s1 =	ssub.s32 @!p0 $0x0, s1;
	[sflag:s0] =	ssyncset.done @!p0 $0x0  }
0x4e5: {  	[sflag:s0] =	ssyncadd.s32 @!p0 s1  }
0x4e6: {  	[bflag:$0x3] =	sbarrier.arrive $0xFFFF  }
0x4e7: {  	_ =	shalt  }

</sc_bundles>
